<compile_context>
chip_gen: v7x
topology: tpu7x:2x2x1
jax: 0.10.2.dev20260603
libtpu: 0.0.44.dev20260713+nightly
codegen_flags: <defaults>
</compile_context>

<pallas_src>
import functools
import math

import jax
import jax.numpy as jnp
from jax import lax
from jax.experimental import pallas as pl
from jax.experimental.pallas import tpu as pltpu
from jax.experimental.pallas import tpu_sc as plsc

_N = 32768
_B = 16
_D = 128
_DP = 64
_H = 4
_BN = 4096
_G = _N // _BN
_SCALE = 1.0 / math.sqrt(float(_DP))

_NW = 32
_TPW = _N // _NW


def _tc_body(x_ref, seg_ref, wk_ref, wqbd_ref, e_ref, stats_ref, u_ref):
    g = pl.program_id(0)

    @pl.when(g == 0)
    def _fold_u():
        u_ref[...] = lax.dot_general(wk_ref[...], wqbd_ref[...],
                                     (((1,), (0,)), ((), ())),
                                     precision=lax.Precision.HIGHEST)

    t = lax.dot_general(x_ref[...], u_ref[...], (((1,), (0,)), ((), ())))
    t = t * _SCALE
    e0 = jnp.exp(jnp.minimum(t, 50.0))
    e_ref[...] = jnp.transpose(e0)
    ohT = (lax.broadcasted_iota(jnp.int32, (_B, _BN), 0)
           == seg_ref[...]).astype(jnp.float32)
    part = jnp.transpose(
        lax.dot_general(ohT, e0, (((1,), (0,)), ((), ()))))

    @pl.when(g == 0)
    def _init():
        stats_ref[...] = part

    @pl.when(g != 0)
    def _acc():
        stats_ref[...] = stats_ref[...] + part


def _make_tc_call(interpret=False):
    return pl.pallas_call(
        _tc_body,
        grid=(_G,),
        in_specs=[
            pl.BlockSpec((_BN, _D), lambda g: (g, 0)),
            pl.BlockSpec((1, _BN), lambda g: (0, g)),
            pl.BlockSpec((_D, _H * _DP), lambda g: (0, 0)),
            pl.BlockSpec((_H * _DP, _H), lambda g: (0, 0)),
        ],
        out_specs=[
            pl.BlockSpec((_H, _BN), lambda g: (0, g)),
            pl.BlockSpec((_H, _B), lambda g: (0, 0)),
        ],
        out_shape=[
            jax.ShapeDtypeStruct((_H, _N), jnp.float32),
            jax.ShapeDtypeStruct((_H, _B), jnp.float32),
        ],
        scratch_shapes=[
            pltpu.VMEM((_D, _H), jnp.float32),
        ],
        interpret=interpret,
    )


@functools.partial(
    pl.kernel,
    mesh=plsc.VectorSubcoreMesh(core_axis_name="c", subcore_axis_name="s"),
    out_type=jax.ShapeDtypeStruct((_H * _N,), jnp.float32),
    scratch_types=[
        pltpu.VMEM((_H * _TPW,), jnp.float32),
        pltpu.VMEM((_TPW,), jnp.int32),
        pltpu.VMEM((_H * _B,), jnp.float32),
        pltpu.VMEM((_H * _TPW,), jnp.float32),
    ],
)
def _sc_normalize(e_hbm, seg_hbm, stats_hbm, out_hbm,
                  e_v, seg_v, stats_v, out_v):
    wid = lax.axis_index("s") * 2 + lax.axis_index("c")
    tok0 = wid * _TPW
    pltpu.sync_copy(seg_hbm.at[pl.ds(tok0, _TPW)], seg_v)
    for h in range(_H):
        pltpu.sync_copy(e_hbm.at[pl.ds(h * _N + tok0, _TPW)],
                        e_v.at[pl.ds(h * _TPW, _TPW)])
    pltpu.sync_copy(stats_hbm, stats_v)
    recip = [1.0 / jnp.maximum(stats_v[pl.ds(h * _B, _B)], 1e-30)
             for h in range(_H)]
    dnums = lax.GatherDimensionNumbers(offset_dims=(), collapsed_slice_dims=(0,),
                                       start_index_map=(0,))
    inb = lax.GatherScatterMode.PROMISE_IN_BOUNDS
    for j in range(_TPW // 16):
        seg_vec = seg_v[pl.ds(j * 16, 16)]
        for h in range(_H):
            rc = lax.gather(recip[h], seg_vec[:, None], dnums,
                            slice_sizes=(1,), mode=inb)
            base = h * _TPW + j * 16
            out_v[pl.ds(base, 16)] = e_v[pl.ds(base, 16)] * rc
    for h in range(_H):
        pltpu.sync_copy(out_v.at[pl.ds(h * _TPW, _TPW)],
                        out_hbm.at[pl.ds(h * _N + tok0, _TPW)])


def kernel(inputs, segment_ids, lengths, W1, b1, W2, b2, W3, b3, Wr, br, W_k, W_q):
    seg_i = segment_ids.astype(jnp.int32)
    seg_row = seg_i.reshape(1, _N)
    wk_top = W_k[:_D, :]
    eye = jnp.eye(_H, dtype=jnp.float32)
    wqbd = (W_q[:, :, None] * eye[:, None, :]).reshape(_H * _DP, _H)

    e2d, stats = _make_tc_call()(inputs, seg_row, wk_top, wqbd)
    out_flat = _sc_normalize(e2d.reshape(_H * _N), seg_i, stats.reshape(_H * _B))
    return out_flat.reshape(_H, _N, 1)

# --- scband reference (transcript-rebuilt; emitter-appended) ---
"""Pipeline reference for scband-set-attention-layer-34978213659074 (READ-ONLY COPY).

The authoritative reference and input builder live on the scoring server;
editing this copy changes nothing except your own understanding.
"""

import jax, jax.numpy as jnp
import numpy as np

N = 32768   # total tokens
B = 16      # number of segments (batch)
D = 128     # input feature dim
WID = 128   # psi hidden width
LAT = 128   # latent width
DP = 64     # dot_prod_dim
H = 4       # n_heads


def _he_uniform(key, shape):
    fan_in = shape[0]
    limit = np.sqrt(6.0 / fan_in)
    return jax.random.uniform(key, shape, jnp.float32, -limit, limit)


def setup_inputs(seed: int = 0):
    key = jax.random.key(seed)
    ks = jax.random.split(key, 16)
    inputs = jax.random.normal(ks[0], (N, D), dtype=jnp.float32)
    segment_ids = jnp.sort(jax.random.randint(ks[1], (N,), 0, B, dtype=jnp.int32)).astype(jnp.int64)
    lengths = jax.random.randint(ks[2], (B,), 0, 4096, dtype=jnp.int32).astype(jnp.int64)
    W1 = _he_uniform(ks[3], (D, WID));   b1 = jnp.zeros((WID,), jnp.float32)
    W2 = _he_uniform(ks[4], (WID, WID)); b2 = jnp.zeros((WID,), jnp.float32)
    W3 = _he_uniform(ks[5], (WID, LAT)); b3 = jnp.zeros((LAT,), jnp.float32)
    Wr = _he_uniform(ks[6], (LAT, LAT)); br = jnp.zeros((LAT,), jnp.float32)
    W_k = _he_uniform(ks[7], (LAT + D, DP * H))
    # original init is zeros; use small random values for a nontrivial test signal
    W_q = 0.05 * jax.random.normal(ks[8], (H, DP), dtype=jnp.float32)
    return {"inputs": inputs, "segment_ids": segment_ids, "lengths": lengths,
            "W1": W1, "b1": b1, "W2": W2, "b2": b2, "W3": W3, "b3": b3,
            "Wr": Wr, "br": br, "W_k": W_k, "W_q": W_q}


def _segment_softmax(x, segment_ids, num_segments):
    seg_max = jax.ops.segment_max(x, segment_ids, num_segments=num_segments)
    x_shift = x - seg_max[segment_ids]
    ex = jnp.exp(x_shift)
    denom = jax.ops.segment_sum(ex, segment_ids, num_segments=num_segments)
    return ex / denom[segment_ids]


def reference(inputs, segment_ids, lengths, W1, b1, W2, b2, W3, b3, Wr, br, W_k, W_q):
    relu = jax.nn.relu
    # psi: Dense(width, relu) x n_layers, then Dense(latent_width, relu)
    h = relu(inputs @ W1 + b1)
    h = relu(h @ W2 + b2)
    encoded = relu(h @ W3 + b3)
    # segment mean aggregation
    seg_sum = jax.ops.segment_sum(encoded, segment_ids, num_segments=B)
    counts = jax.ops.segment_sum(jnp.ones((N, 1), jnp.float32), segment_ids, num_segments=B)
    agg = seg_sum / jnp.maximum(counts, 1.0)
    # rho
    agg = relu(agg @ Wr + br)
    # scatter back per token (gather_nd with segment ids)
    agg_scattered = agg[segment_ids]
    combined = jnp.concatenate([inputs, agg_scattered], axis=-1)  # [N, D+LAT]
    keys = combined @ W_k                                          # [N, H*DP]
    keys = jnp.stack(jnp.split(keys, H, axis=-1), axis=1)          # [N, H, DP]
    keys = keys[:, :, None, :]                                     # [N, H, 1, DP]
    queries = W_q[None, :, :, None]                                # [1, H, DP, 1]
    preattn = jnp.matmul(keys, queries) / jnp.sqrt(float(DP))      # [N, H, 1, 1]
    preattn = jnp.squeeze(preattn, -1)                             # [N, H, 1]
    # training=False path: no attention dropout
    attns = []
    for hi in range(H):
        attns.append(_segment_softmax(preattn[:, hi], segment_ids, B))  # [N, 1]
    return jnp.stack(attns, axis=0)  # [H, N, 1] (stacked list of per-head attentions)

if __name__ == "__main__":
    import jax
    _d = setup_inputs()
    print(jax.jit(kernel)(*tuple(_d.values())))

</pallas_src>

<mosaic_0001>
#map = affine_map<(d0, d1) -> (0)>
module attributes {stable_mosaic.version = 14 : i64} {
  func.func @_sc_normalize(%arg0: i32, %arg1: i32, %arg2: memref<131072xf32, #tpu.memory_space<hbm>>, %arg3: memref<32768xi32, #tpu.memory_space<hbm>>, %arg4: memref<64xf32, #tpu.memory_space<hbm>>, %arg5: memref<131072xf32, #tpu.memory_space<hbm>>, %arg6: memref<4096xf32, #tpu.memory_space<vmem>>, %arg7: memref<1024xi32, #tpu.memory_space<vmem>>, %arg8: memref<64xf32, #tpu.memory_space<vmem>>, %arg9: memref<4096xf32, #tpu.memory_space<vmem>>) attributes {dimension_semantics = [#tpu.dimension_semantics<core_parallel>, #tpu.dimension_semantics<subcore_parallel>], iteration_bounds = array<i64: 2, 16>, scalar_prefetch = 0 : i64, scratch_operands = 4 : i64, tpu.core_type = #tpu.core_type<sc_vector_subcore>, window_params = [{transform_indices = #map}, {transform_indices = #map}, {transform_indices = #map}, {transform_indices = #map}]} {
    %mul3A = arith.constant 2 : i32
    %mul3A_0 = arith.muli %arg1, %mul3A : i32
    %add3A = arith.addi %mul3A_0, %arg0 : i32
    %mul3A_1 = arith.constant 1024 : i32
    %mul3A_2 = arith.muli %add3A, %mul3A_1 : i32
    "tpu.region"() ({
      %run_scoped3A = tpu.sem_alloc : memref<!tpu.dma_semaphore, #tpu.memory_space<semaphore_mem>>
      %dma_start3A = tpu.memref_slice %arg3[%mul3A_2] : memref<32768xi32, #tpu.memory_space<hbm>> -> memref<1024xi32, #tpu.memory_space<hbm>>
      %dma_start3A_3057 = tpu.memref_slice %arg3[%mul3A_2] : memref<32768xi32, #tpu.memory_space<hbm>> -> memref<1024xi32, #tpu.memory_space<hbm>>
      tpu.enqueue_dma source(%dma_start3A_3057 : memref<1024xi32, #tpu.memory_space<hbm>>) target(%arg7 : memref<1024xi32, #tpu.memory_space<vmem>>) target_semaphore(%run_scoped3A : memref<!tpu.dma_semaphore, #tpu.memory_space<semaphore_mem>>)
      %dma_wait3A = tpu.memref_slice %arg3[%mul3A_2] : memref<32768xi32, #tpu.memory_space<hbm>> -> memref<1024xi32, #tpu.memory_space<hbm>>
      %dma_wait3A_3058 = tpu.memref_slice %arg3[%mul3A_2] : memref<32768xi32, #tpu.memory_space<hbm>> -> memref<1024xi32, #tpu.memory_space<hbm>>
      tpu.wait_dma2 semaphore(%run_scoped3A : memref<!tpu.dma_semaphore, #tpu.memory_space<semaphore_mem>>) src(%dma_wait3A_3058 : memref<1024xi32, #tpu.memory_space<hbm>>) dst(%arg7 : memref<1024xi32, #tpu.memory_space<vmem>>)
      tpu.yield
    }) : () -> ()
    %add3A_3 = arith.constant 0 : i32
    %add3A_4 = arith.addi %add3A_3, %mul3A_2 : i32
    "tpu.region"() ({
      %run_scoped3A = tpu.sem_alloc : memref<!tpu.dma_semaphore, #tpu.memory_space<semaphore_mem>>
      %dma_start3A = arith.constant 0 : i32
      %dma_start3A_3057 = tpu.memref_slice %arg6[%dma_start3A] : memref<4096xf32, #tpu.memory_space<vmem>> -> memref<1024xf32, #tpu.memory_space<vmem>>
      %dma_start3A_3058 = tpu.memref_slice %arg2[%add3A_4] : memref<131072xf32, #tpu.memory_space<hbm>> -> memref<1024xf32, #tpu.memory_space<hbm>>
      %dma_start3A_3059 = arith.constant 0 : i32
      %dma_start3A_3060 = tpu.memref_slice %arg6[%dma_start3A_3059] : memref<4096xf32, #tpu.memory_space<vmem>> -> memref<1024xf32, #tpu.memory_space<vmem>>
      %dma_start3A_3061 = tpu.memref_slice %arg2[%add3A_4] : memref<131072xf32, #tpu.memory_space<hbm>> -> memref<1024xf32, #tpu.memory_space<hbm>>
      tpu.enqueue_dma source(%dma_start3A_3061 : memref<1024xf32, #tpu.memory_space<hbm>>) target(%dma_start3A_3060 : memref<1024xf32, #tpu.memory_space<vmem>>) target_semaphore(%run_scoped3A : memref<!tpu.dma_semaphore, #tpu.memory_space<semaphore_mem>>)
      %dma_wait3A = arith.constant 0 : i32
      %dma_wait3A_3062 = tpu.memref_slice %arg6[%dma_wait3A] : memref<4096xf32, #tpu.memory_space<vmem>> -> memref<1024xf32, #tpu.memory_space<vmem>>
      %dma_wait3A_3063 = tpu.memref_slice %arg2[%add3A_4] : memref<131072xf32, #tpu.memory_space<hbm>> -> memref<1024xf32, #tpu.memory_space<hbm>>
      %dma_wait3A_3064 = arith.constant 0 : i32
      %dma_wait3A_3065 = tpu.memref_slice %arg6[%dma_wait3A_3064] : memref<4096xf32, #tpu.memory_space<vmem>> -> memref<1024xf32, #tpu.memory_space<vmem>>
      %dma_wait3A_3066 = tpu.memref_slice %arg2[%add3A_4] : memref<131072xf32, #tpu.memory_space<hbm>> -> memref<1024xf32, #tpu.memory_space<hbm>>
      tpu.wait_dma2 semaphore(%run_scoped3A : memref<!tpu.dma_semaphore, #tpu.memory_space<semaphore_mem>>) src(%dma_wait3A_3066 : memref<1024xf32, #tpu.memory_space<hbm>>) dst(%dma_wait3A_3065 : memref<1024xf32, #tpu.memory_space<vmem>>)
      tpu.yield
    }) : () -> ()
    %add3A_5 = arith.constant 32768 : i32
    %add3A_6 = arith.addi %add3A_5, %mul3A_2 : i32
    "tpu.region"() ({
      %run_scoped3A = tpu.sem_alloc : memref<!tpu.dma_semaphore, #tpu.memory_space<semaphore_mem>>
      %dma_start3A = arith.constant 1024 : i32
      %dma_start3A_3057 = tpu.memref_slice %arg6[%dma_start3A] : memref<4096xf32, #tpu.memory_space<vmem>> -> memref<1024xf32, #tpu.memory_space<vmem>>
      %dma_start3A_3058 = tpu.memref_slice %arg2[%add3A_6] : memref<131072xf32, #tpu.memory_space<hbm>> -> memref<1024xf32, #tpu.memory_space<hbm>>
      %dma_start3A_3059 = arith.constant 1024 : i32
      %dma_start3A_3060 = tpu.memref_slice %arg6[%dma_start3A_3059] : memref<4096xf32, #tpu.memory_space<vmem>> -> memref<1024xf32, #tpu.memory_space<vmem>>
      %dma_start3A_3061 = tpu.memref_slice %arg2[%add3A_6] : memref<131072xf32, #tpu.memory_space<hbm>> -> memref<1024xf32, #tpu.memory_space<hbm>>
      tpu.enqueue_dma source(%dma_start3A_3061 : memref<1024xf32, #tpu.memory_space<hbm>>) target(%dma_start3A_3060 : memref<1024xf32, #tpu.memory_space<vmem>>) target_semaphore(%run_scoped3A : memref<!tpu.dma_semaphore, #tpu.memory_space<semaphore_mem>>)
      %dma_wait3A = arith.constant 1024 : i32
      %dma_wait3A_3062 = tpu.memref_slice %arg6[%dma_wait3A] : memref<4096xf32, #tpu.memory_space<vmem>> -> memref<1024xf32, #tpu.memory_space<vmem>>
      %dma_wait3A_3063 = tpu.memref_slice %arg2[%add3A_6] : memref<131072xf32, #tpu.memory_space<hbm>> -> memref<1024xf32, #tpu.memory_space<hbm>>
      %dma_wait3A_3064 = arith.constant 1024 : i32
      %dma_wait3A_3065 = tpu.memref_slice %arg6[%dma_wait3A_3064] : memref<4096xf32, #tpu.memory_space<vmem>> -> memref<1024xf32, #tpu.memory_space<vmem>>
      %dma_wait3A_3066 = tpu.memref_slice %arg2[%add3A_6] : memref<131072xf32, #tpu.memory_space<hbm>> -> memref<1024xf32, #tpu.memory_space<hbm>>
      tpu.wait_dma2 semaphore(%run_scoped3A : memref<!tpu.dma_semaphore, #tpu.memory_space<semaphore_mem>>) src(%dma_wait3A_3066 : memref<1024xf32, #tpu.memory_space<hbm>>) dst(%dma_wait3A_3065 : memref<1024xf32, #tpu.memory_space<vmem>>)
      tpu.yield
    }) : () -> ()
    %add3A_7 = arith.constant 65536 : i32
    %add3A_8 = arith.addi %add3A_7, %mul3A_2 : i32
    "tpu.region"() ({
      %run_scoped3A = tpu.sem_alloc : memref<!tpu.dma_semaphore, #tpu.memory_space<semaphore_mem>>
      %dma_start3A = arith.constant 2048 : i32
      %dma_start3A_3057 = tpu.memref_slice %arg6[%dma_start3A] : memref<4096xf32, #tpu.memory_space<vmem>> -> memref<1024xf32, #tpu.memory_space<vmem>>
      %dma_start3A_3058 = tpu.memref_slice %arg2[%add3A_8] : memref<131072xf32, #tpu.memory_space<hbm>> -> memref<1024xf32, #tpu.memory_space<hbm>>
      %dma_start3A_3059 = arith.constant 2048 : i32
      %dma_start3A_3060 = tpu.memref_slice %arg6[%dma_start3A_3059] : memref<4096xf32, #tpu.memory_space<vmem>> -> memref<1024xf32, #tpu.memory_space<vmem>>
      %dma_start3A_3061 = tpu.memref_slice %arg2[%add3A_8] : memref<131072xf32, #tpu.memory_space<hbm>> -> memref<1024xf32, #tpu.memory_space<hbm>>
      tpu.enqueue_dma source(%dma_start3A_3061 : memref<1024xf32, #tpu.memory_space<hbm>>) target(%dma_start3A_3060 : memref<1024xf32, #tpu.memory_space<vmem>>) target_semaphore(%run_scoped3A : memref<!tpu.dma_semaphore, #tpu.memory_space<semaphore_mem>>)
      %dma_wait3A = arith.constant 2048 : i32
      %dma_wait3A_3062 = tpu.memref_slice %arg6[%dma_wait3A] : memref<4096xf32, #tpu.memory_space<vmem>> -> memref<1024xf32, #tpu.memory_space<vmem>>
      %dma_wait3A_3063 = tpu.memref_slice %arg2[%add3A_8] : memref<131072xf32, #tpu.memory_space<hbm>> -> memref<1024xf32, #tpu.memory_space<hbm>>
      %dma_wait3A_3064 = arith.constant 2048 : i32
      %dma_wait3A_3065 = tpu.memref_slice %arg6[%dma_wait3A_3064] : memref<4096xf32, #tpu.memory_space<vmem>> -> memref<1024xf32, #tpu.memory_space<vmem>>
      %dma_wait3A_3066 = tpu.memref_slice %arg2[%add3A_8] : memref<131072xf32, #tpu.memory_space<hbm>> -> memref<1024xf32, #tpu.memory_space<hbm>>
      tpu.wait_dma2 semaphore(%run_scoped3A : memref<!tpu.dma_semaphore, #tpu.memory_space<semaphore_mem>>) src(%dma_wait3A_3066 : memref<1024xf32, #tpu.memory_space<hbm>>) dst(%dma_wait3A_3065 : memref<1024xf32, #tpu.memory_space<vmem>>)
      tpu.yield
    }) : () -> ()
    %add3A_9 = arith.constant 98304 : i32
    %add3A_10 = arith.addi %add3A_9, %mul3A_2 : i32
    "tpu.region"() ({
      %run_scoped3A = tpu.sem_alloc : memref<!tpu.dma_semaphore, #tpu.memory_space<semaphore_mem>>
      %dma_start3A = arith.constant 3072 : i32
      %dma_start3A_3057 = tpu.memref_slice %arg6[%dma_start3A] : memref<4096xf32, #tpu.memory_space<vmem>> -> memref<1024xf32, #tpu.memory_space<vmem>>
      %dma_start3A_3058 = tpu.memref_slice %arg2[%add3A_10] : memref<131072xf32, #tpu.memory_space<hbm>> -> memref<1024xf32, #tpu.memory_space<hbm>>
      %dma_start3A_3059 = arith.constant 3072 : i32
      %dma_start3A_3060 = tpu.memref_slice %arg6[%dma_start3A_3059] : memref<4096xf32, #tpu.memory_space<vmem>> -> memref<1024xf32, #tpu.memory_space<vmem>>
      %dma_start3A_3061 = tpu.memref_slice %arg2[%add3A_10] : memref<131072xf32, #tpu.memory_space<hbm>> -> memref<1024xf32, #tpu.memory_space<hbm>>
      tpu.enqueue_dma source(%dma_start3A_3061 : memref<1024xf32, #tpu.memory_space<hbm>>) target(%dma_start3A_3060 : memref<1024xf32, #tpu.memory_space<vmem>>) target_semaphore(%run_scoped3A : memref<!tpu.dma_semaphore, #tpu.memory_space<semaphore_mem>>)
      %dma_wait3A = arith.constant 3072 : i32
      %dma_wait3A_3062 = tpu.memref_slice %arg6[%dma_wait3A] : memref<4096xf32, #tpu.memory_space<vmem>> -> memref<1024xf32, #tpu.memory_space<vmem>>
      %dma_wait3A_3063 = tpu.memref_slice %arg2[%add3A_10] : memref<131072xf32, #tpu.memory_space<hbm>> -> memref<1024xf32, #tpu.memory_space<hbm>>
      %dma_wait3A_3064 = arith.constant 3072 : i32
      %dma_wait3A_3065 = tpu.memref_slice %arg6[%dma_wait3A_3064] : memref<4096xf32, #tpu.memory_space<vmem>> -> memref<1024xf32, #tpu.memory_space<vmem>>
      %dma_wait3A_3066 = tpu.memref_slice %arg2[%add3A_10] : memref<131072xf32, #tpu.memory_space<hbm>> -> memref<1024xf32, #tpu.memory_space<hbm>>
      tpu.wait_dma2 semaphore(%run_scoped3A : memref<!tpu.dma_semaphore, #tpu.memory_space<semaphore_mem>>) src(%dma_wait3A_3066 : memref<1024xf32, #tpu.memory_space<hbm>>) dst(%dma_wait3A_3065 : memref<1024xf32, #tpu.memory_space<vmem>>)
      tpu.yield
    }) : () -> ()
    "tpu.region"() ({
      %run_scoped3A = tpu.sem_alloc : memref<!tpu.dma_semaphore, #tpu.memory_space<semaphore_mem>>
      tpu.enqueue_dma source(%arg4 : memref<64xf32, #tpu.memory_space<hbm>>) target(%arg8 : memref<64xf32, #tpu.memory_space<vmem>>) target_semaphore(%run_scoped3A : memref<!tpu.dma_semaphore, #tpu.memory_space<semaphore_mem>>)
      tpu.wait_dma2 semaphore(%run_scoped3A : memref<!tpu.dma_semaphore, #tpu.memory_space<semaphore_mem>>) src(%arg4 : memref<64xf32, #tpu.memory_space<hbm>>) dst(%arg8 : memref<64xf32, #tpu.memory_space<vmem>>)
      tpu.yield
    }) : () -> ()
    %get3A = arith.constant 0 : index
    %get3A_11 = tpu.vector_load %arg8[%get3A] {strides = array<i32>} : memref<64xf32, #tpu.memory_space<vmem>>, vector<16xf32>,
    %get3A_12 = vector.shape_cast %get3A_11 : vector<16xf32> to vector<16xf32>
    %max3A = arith.constant 1.000000e-30 : f32
    %max3A_13 = vector.broadcast %max3A : f32 to vector<16xf32>
    %max3A_14 = arith.maximumf %get3A_12, %max3A_13 : vector<16xf32>
    %div3A = arith.constant 1.000000e+00 : f32
    %div3A_15 = vector.broadcast %div3A : f32 to vector<16xf32>
    %div3A_16 = arith.divf %div3A_15, %max3A_14 : vector<16xf32>
    %get3A_17 = arith.constant 16 : index
    %get3A_18 = tpu.vector_load %arg8[%get3A_17] {strides = array<i32>} : memref<64xf32, #tpu.memory_space<vmem>>, vector<16xf32>,
    %get3A_19 = vector.shape_cast %get3A_18 : vector<16xf32> to vector<16xf32>
    %max3A_20 = arith.constant 1.000000e-30 : f32
    %max3A_21 = vector.broadcast %max3A_20 : f32 to vector<16xf32>
    %max3A_22 = arith.maximumf %get3A_19, %max3A_21 : vector<16xf32>
    %div3A_23 = arith.constant 1.000000e+00 : f32
    %div3A_24 = vector.broadcast %div3A_23 : f32 to vector<16xf32>
    %div3A_25 = arith.divf %div3A_24, %max3A_22 : vector<16xf32>
    %get3A_26 = arith.constant 32 : index
    %get3A_27 = tpu.vector_load %arg8[%get3A_26] {strides = array<i32>} : memref<64xf32, #tpu.memory_space<vmem>>, vector<16xf32>,
    %get3A_28 = vector.shape_cast %get3A_27 : vector<16xf32> to vector<16xf32>
    %max3A_29 = arith.constant 1.000000e-30 : f32
    %max3A_30 = vector.broadcast %max3A_29 : f32 to vector<16xf32>
    %max3A_31 = arith.maximumf %get3A_28, %max3A_30 : vector<16xf32>
    %div3A_32 = arith.constant 1.000000e+00 : f32
    %div3A_33 = vector.broadcast %div3A_32 : f32 to vector<16xf32>
    %div3A_34 = arith.divf %div3A_33, %max3A_31 : vector<16xf32>
    %get3A_35 = arith.constant 48 : index
    %get3A_36 = tpu.vector_load %arg8[%get3A_35] {strides = array<i32>} : memref<64xf32, #tpu.memory_space<vmem>>, vector<16xf32>,
    %get3A_37 = vector.shape_cast %get3A_36 : vector<16xf32> to vector<16xf32>
    %max3A_38 = arith.constant 1.000000e-30 : f32
    %max3A_39 = vector.broadcast %max3A_38 : f32 to vector<16xf32>
    %max3A_40 = arith.maximumf %get3A_37, %max3A_39 : vector<16xf32>
    %div3A_41 = arith.constant 1.000000e+00 : f32
    %div3A_42 = vector.broadcast %div3A_41 : f32 to vector<16xf32>
    %div3A_43 = arith.divf %div3A_42, %max3A_40 : vector<16xf32>
    %get3A_44 = arith.constant 0 : index
    %get3A_45 = tpu.vector_load %arg7[%get3A_44] {strides = array<i32>} : memref<1024xi32, #tpu.memory_space<vmem>>, vector<16xi32>,
    %get3A_46 = vector.shape_cast %get3A_45 : vector<16xi32> to vector<16xi32>
    %broadcast_in_dim3A = vector.shape_cast %get3A_46 : vector<16xi32> to vector<16x1xi32>
    %gather3A = vector.shape_cast %broadcast_in_dim3A : vector<16x1xi32> to vector<16xi32>
    %gather3A_47 = tpu.dynamic_gather %div3A_16[%gather3A] in [0] : vector<16xf32>, vector<16xi32> -> vector<16xf32>
    %get3A_48 = arith.constant 0 : index
    %get3A_49 = tpu.vector_load %arg6[%get3A_48] {strides = array<i32>} : memref<4096xf32, #tpu.memory_space<vmem>>, vector<16xf32>,
    %get3A_50 = vector.shape_cast %get3A_49 : vector<16xf32> to vector<16xf32>
    %mul3A_51 = arith.mulf %get3A_50, %gather3A_47 : vector<16xf32>
    %swap3A = arith.constant 0 : index
    %swap3A_52 = tpu.vector_load %arg9[%swap3A] {strides = array<i32>} : memref<4096xf32, #tpu.memory_space<vmem>>, vector<16xf32>,
    %swap3A_53 = vector.shape_cast %swap3A_52 : vector<16xf32> to vector<16xf32>
    %swap3A_54 = vector.shape_cast %mul3A_51 : vector<16xf32> to vector<16xf32>
    tpu.vector_store %arg9[%swap3A], %swap3A_54 {strides = array<i32>} : memref<4096xf32, #tpu.memory_space<vmem>>, vector<16xf32>,
    %broadcast_in_dim3A_55 = vector.shape_cast %get3A_46 : vector<16xi32> to vector<16x1xi32>
    %gather3A_56 = vector.shape_cast %broadcast_in_dim3A_55 : vector<16x1xi32> to vector<16xi32>
    %gather3A_57 = tpu.dynamic_gather %div3A_25[%gather3A_56] in [0] : vector<16xf32>, vector<16xi32> -> vector<16xf32>
    %get3A_58 = arith.constant 1024 : index
    %get3A_59 = tpu.vector_load %arg6[%get3A_58] {strides = array<i32>} : memref<4096xf32, #tpu.memory_space<vmem>>, vector<16xf32>,
    %get3A_60 = vector.shape_cast %get3A_59 : vector<16xf32> to vector<16xf32>
    %mul3A_61 = arith.mulf %get3A_60, %gather3A_57 : vector<16xf32>
    %swap3A_62 = arith.constant 1024 : index
    %swap3A_63 = tpu.vector_load %arg9[%swap3A_62] {strides = array<i32>} : memref<4096xf32, #tpu.memory_space<vmem>>, vector<16xf32>,
    %swap3A_64 = vector.shape_cast %swap3A_63 : vector<16xf32> to vector<16xf32>
    %swap3A_65 = vector.shape_cast %mul3A_61 : vector<16xf32> to vector<16xf32>
    tpu.vector_store %arg9[%swap3A_62], %swap3A_65 {strides = array<i32>} : memref<4096xf32, #tpu.memory_space<vmem>>, vector<16xf32>,
    %broadcast_in_dim3A_66 = vector.shape_cast %get3A_46 : vector<16xi32> to vector<16x1xi32>
    %gather3A_67 = vector.shape_cast %broadcast_in_dim3A_66 : vector<16x1xi32> to vector<16xi32>
    %gather3A_68 = tpu.dynamic_gather %div3A_34[%gather3A_67] in [0] : vector<16xf32>, vector<16xi32> -> vector<16xf32>
    %get3A_69 = arith.constant 2048 : index
    %get3A_70 = tpu.vector_load %arg6[%get3A_69] {strides = array<i32>} : memref<4096xf32, #tpu.memory_space<vmem>>, vector<16xf32>,
    %get3A_71 = vector.shape_cast %get3A_70 : vector<16xf32> to vector<16xf32>
    %mul3A_72 = arith.mulf %get3A_71, %gather3A_68 : vector<16xf32>
    %swap3A_73 = arith.constant 2048 : index
    %swap3A_74 = tpu.vector_load %arg9[%swap3A_73] {strides = array<i32>} : memref<4096xf32, #tpu.memory_space<vmem>>, vector<16xf32>,
    %swap3A_75 = vector.shape_cast %swap3A_74 : vector<16xf32> to vector<16xf32>
    %swap3A_76 = vector.shape_cast %mul3A_72 : vector<16xf32> to vector<16xf32>
    tpu.vector_store %arg9[%swap3A_73], %swap3A_76 {strides = array<i32>} : memref<4096xf32, #tpu.memory_space<vmem>>, vector<16xf32>,
    %broadcast_in_dim3A_77 = vector.shape_cast %get3A_46 : vector<16xi32> to vector<16x1xi32>
    %gather3A_78 = vector.shape_cast %broadcast_in_dim3A_77 : vector<16x1xi32> to vector<16xi32>
    %gather3A_79 = tpu.dynamic_gather %div3A_43[%gather3A_78] in [0] : vector<16xf32>, vector<16xi32> -> vector<16xf32>
    %get3A_80 = arith.constant 3072 : index
    %get3A_81 = tpu.vector_load %arg6[%get3A_80] {strides = array<i32>} : memref<4096xf32, #tpu.memory_space<vmem>>, vector<16xf32>,
    %get3A_82 = vector.shape_cast %get3A_81 : vector<16xf32> to vector<16xf32>
    %mul3A_83 = arith.mulf %get3A_82, %gather3A_79 : vector<16xf32>
    %swap3A_84 = arith.constant 3072 : index
    %swap3A_85 = tpu.vector_load %arg9[%swap3A_84] {strides = array<i32>} : memref<4096xf32, #tpu.memory_space<vmem>>, vector<16xf32>,
    %swap3A_86 = vector.shape_cast %swap3A_85 : vector<16xf32> to vector<16xf32>
    %swap3A_87 = vector.shape_cast %mul3A_83 : vector<16xf32> to vector<16xf32>
    tpu.vector_store %arg9[%swap3A_84], %swap3A_87 {strides = array<i32>} : memref<4096xf32, #tpu.memory_space<vmem>>, vector<16xf32>,
    %get3A_88 = arith.constant 16 : index
    %get3A_89 = tpu.vector_load %arg7[%get3A_88] {strides = array<i32>} : memref<1024xi32, #tpu.memory_space<vmem>>, vector<16xi32>,
    %get3A_90 = vector.shape_cast %get3A_89 : vector<16xi32> to vector<16xi32>
    %broadcast_in_dim3A_91 = vector.shape_cast %get3A_90 : vector<16xi32> to vector<16x1xi32>
    %gather3A_92 = vector.shape_cast %broadcast_in_dim3A_91 : vector<16x1xi32> to vector<16xi32>
    %gather3A_93 = tpu.dynamic_gather %div3A_16[%gather3A_92] in [0] : vector<16xf32>, vector<16xi32> -> vector<16xf32>
    %get3A_94 = arith.constant 16 : index
    %get3A_95 = tpu.vector_load %arg6[%get3A_94] {strides = array<i32>} : memref<4096xf32, #tpu.memory_space<vmem>>, vector<16xf32>,
    %get3A_96 = vector.shape_cast %get3A_95 : vector<16xf32> to vector<16xf32>
    %mul3A_97 = arith.mulf %get3A_96, %gather3A_93 : vector<16xf32>
    %swap3A_98 = arith.constant 16 : index
    %swap3A_99 = tpu.vector_load %arg9[%swap3A_98] {strides = array<i32>} : memref<4096xf32, #tpu.memory_space<vmem>>, vector<16xf32>,
    %swap3A_100 = vector.shape_cast %swap3A_99 : vector<16xf32> to vector<16xf32>
    %swap3A_101 = vector.shape_cast %mul3A_97 : vector<16xf32> to vector<16xf32>
    tpu.vector_store %arg9[%swap3A_98], %swap3A_101 {strides = array<i32>} : memref<4096xf32, #tpu.memory_space<vmem>>, vector<16xf32>,
    %broadcast_in_dim3A_102 = vector.shape_cast %get3A_90 : vector<16xi32> to vector<16x1xi32>
    %gather3A_103 = vector.shape_cast %broadcast_in_dim3A_102 : vector<16x1xi32> to vector<16xi32>
    %gather3A_104 = tpu.dynamic_gather %div3A_25[%gather3A_103] in [0] : vector<16xf32>, vector<16xi32> -> vector<16xf32>
    %get3A_105 = arith.constant 1040 : index
    %get3A_106 = tpu.vector_load %arg6[%get3A_105] {strides = array<i32>} : memref<4096xf32, #tpu.memory_space<vmem>>, vector<16xf32>,
    %get3A_107 = vector.shape_cast %get3A_106 : vector<16xf32> to vector<16xf32>
    %mul3A_108 = arith.mulf %get3A_107, %gather3A_104 : vector<16xf32>
    %swap3A_109 = arith.constant 1040 : index
    %swap3A_110 = tpu.vector_load %arg9[%swap3A_109] {strides = array<i32>} : memref<4096xf32, #tpu.memory_space<vmem>>, vector<16xf32>,
    %swap3A_111 = vector.shape_cast %swap3A_110 : vector<16xf32> to vector<16xf32>
    %swap3A_112 = vector.shape_cast %mul3A_108 : vector<16xf32> to vector<16xf32>
    tpu.vector_store %arg9[%swap3A_109], %swap3A_112 {strides = array<i32>} : memref<4096xf32, #tpu.memory_space<vmem>>, vector<16xf32>,
    %broadcast_in_dim3A_113 = vector.shape_cast %get3A_90 : vector<16xi32> to vector<16x1xi32>
    %gather3A_114 = vector.shape_cast %broadcast_in_dim3A_113 : vector<16x1xi32> to vector<16xi32>
    %gather3A_115 = tpu.dynamic_gather %div3A_34[%gather3A_114] in [0] : vector<16xf32>, vector<16xi32> -> vector<16xf32>
    %get3A_116 = arith.constant 2064 : index
    %get3A_117 = tpu.vector_load %arg6[%get3A_116] {strides = array<i32>} : memref<4096xf32, #tpu.memory_space<vmem>>, vector<16xf32>,
    %get3A_118 = vector.shape_cast %get3A_117 : vector<16xf32> to vector<16xf32>
    %mul3A_119 = arith.mulf %get3A_118, %gather3A_115 : vector<16xf32>
    %swap3A_120 = arith.constant 2064 : index
    %swap3A_121 = tpu.vector_load %arg9[%swap3A_120] {strides = array<i32>} : memref<4096xf32, #tpu.memory_space<vmem>>, vector<16xf32>,
    %swap3A_122 = vector.shape_cast %swap3A_121 : vector<16xf32> to vector<16xf32>
    %swap3A_123 = vector.shape_cast %mul3A_119 : vector<16xf32> to vector<16xf32>
    tpu.vector_store %arg9[%swap3A_120], %swap3A_123 {strides = array<i32>} : memref<4096xf32, #tpu.memory_space<vmem>>, vector<16xf32>,
    %broadcast_in_dim3A_124 = vector.shape_cast %get3A_90 : vector<16xi32> to vector<16x1xi32>
    %gather3A_125 = vector.shape_cast %broadcast_in_dim3A_124 : vector<16x1xi32> to vector<16xi32>
    %gather3A_126 = tpu.dynamic_gather %div3A_43[%gather3A_125] in [0] : vector<16xf32>, vector<16xi32> -> vector<16xf32>
    %get3A_127 = arith.constant 3088 : index
    %get3A_128 = tpu.vector_load %arg6[%get3A_127] {strides = array<i32>} : memref<4096xf32, #tpu.memory_space<vmem>>, vector<16xf32>,
    %get3A_129 = vector.shape_cast %get3A_128 : vector<16xf32> to vector<16xf32>
    %mul3A_130 = arith.mulf %get3A_129, %gather3A_126 : vector<16xf32>
    %swap3A_131 = arith.constant 3088 : index
    %swap3A_132 = tpu.vector_load %arg9[%swap3A_131] {strides = array<i32>} : memref<4096xf32, #tpu.memory_space<vmem>>, vector<16xf32>,
    %swap3A_133 = vector.shape_cast %swap3A_132 : vector<16xf32> to vector<16xf32>
    %swap3A_134 = vector.shape_cast %mul3A_130 : vector<16xf32> to vector<16xf32>
    tpu.vector_store %arg9[%swap3A_131], %swap3A_134 {strides = array<i32>} : memref<4096xf32, #tpu.memory_space<vmem>>, vector<16xf32>,
    %get3A_135 = arith.constant 32 : index
    %get3A_136 = tpu.vector_load %arg7[%get3A_135] {strides = array<i32>} : memref<1024xi32, #tpu.memory_space<vmem>>, vector<16xi32>,
    %get3A_137 = vector.shape_cast %get3A_136 : vector<16xi32> to vector<16xi32>
    %broadcast_in_dim3A_138 = vector.shape_cast %get3A_137 : vector<16xi32> to vector<16x1xi32>
    %gather3A_139 = vector.shape_cast %broadcast_in_dim3A_138 : vector<16x1xi32> to vector<16xi32>
    %gather3A_140 = tpu.dynamic_gather %div3A_16[%gather3A_139] in [0] : vector<16xf32>, vector<16xi32> -> vector<16xf32>
    %get3A_141 = arith.constant 32 : index
    %get3A_142 = tpu.vector_load %arg6[%get3A_141] {strides = array<i32>} : memref<4096xf32, #tpu.memory_space<vmem>>, vector<16xf32>,
    %get3A_143 = vector.shape_cast %get3A_142 : vector<16xf32> to vector<16xf32>
    %mul3A_144 = arith.mulf %get3A_143, %gather3A_140 : vector<16xf32>
    %swap3A_145 = arith.constant 32 : index
    %swap3A_146 = tpu.vector_load %arg9[%swap3A_145] {strides = array<i32>} : memref<4096xf32, #tpu.memory_space<vmem>>, vector<16xf32>,
    %swap3A_147 = vector.shape_cast %swap3A_146 : vector<16xf32> to vector<16xf32>
    %swap3A_148 = vector.shape_cast %mul3A_144 : vector<16xf32> to vector<16xf32>
    tpu.vector_store %arg9[%swap3A_145], %swap3A_148 {strides = array<i32>} : memref<4096xf32, #tpu.memory_space<vmem>>, vector<16xf32>,
    %broadcast_in_dim3A_149 = vector.shape_cast %get3A_137 : vector<16xi32> to vector<16x1xi32>
    %gather3A_150 = vector.shape_cast %broadcast_in_dim3A_149 : vector<16x1xi32> to vector<16xi32>
    %gather3A_151 = tpu.dynamic_gather %div3A_25[%gather3A_150] in [0] : vector<16xf32>, vector<16xi32> -> vector<16xf32>
    %get3A_152 = arith.constant 1056 : index
    %get3A_153 = tpu.vector_load %arg6[%get3A_152] {strides = array<i32>} : memref<4096xf32, #tpu.memory_space<vmem>>, vector<16xf32>,
    %get3A_154 = vector.shape_cast %get3A_153 : vector<16xf32> to vector<16xf32>
    %mul3A_155 = arith.mulf %get3A_154, %gather3A_151 : vector<16xf32>
    %swap3A_156 = arith.constant 1056 : index
    %swap3A_157 = tpu.vector_load %arg9[%swap3A_156] {strides = array<i32>} : memref<4096xf32, #tpu.memory_space<vmem>>, vector<16xf32>,
    %swap3A_158 = vector.shape_cast %swap3A_157 : vector<16xf32> to vector<16xf32>
    %swap3A_159 = vector.shape_cast %mul3A_155 : vector<16xf32> to vector<16xf32>
    tpu.vector_store %arg9[%swap3A_156], %swap3A_159 {strides = array<i32>} : memref<4096xf32, #tpu.memory_space<vmem>>, vector<16xf32>,
    %broadcast_in_dim3A_160 = vector.shape_cast %get3A_137 : vector<16xi32> to vector<16x1xi32>
    %gather3A_161 = vector.shape_cast %broadcast_in_dim3A_160 : vector<16x1xi32> to vector<16xi32>
    %gather3A_162 = tpu.dynamic_gather %div3A_34[%gather3A_161] in [0] : vector<16xf32>, vector<16xi32> -> vector<16xf32>
    %get3A_163 = arith.constant 2080 : index
    %get3A_164 = tpu.vector_load %arg6[%get3A_163] {strides = array<i32>} : memref<4096xf32, #tpu.memory_space<vmem>>, vector<16xf32>,
    %get3A_165 = vector.shape_cast %get3A_164 : vector<16xf32> to vector<16xf32>
    %mul3A_166 = arith.mulf %get3A_165, %gather3A_162 : vector<16xf32>
    %swap3A_167 = arith.constant 2080 : index
    %swap3A_168 = tpu.vector_load %arg9[%swap3A_167] {strides = array<i32>} : memref<4096xf32, #tpu.memory_space<vmem>>, vector<16xf32>,
    %swap3A_169 = vector.shape_cast %swap3A_168 : vector<16xf32> to vector<16xf32>
    %swap3A_170 = vector.shape_cast %mul3A_166 : vector<16xf32> to vector<16xf32>
    tpu.vector_store %arg9[%swap3A_167], %swap3A_170 {strides = array<i32>} : memref<4096xf32, #tpu.memory_space<vmem>>, vector<16xf32>,
    %broadcast_in_dim3A_171 = vector.shape_cast %get3A_137 : vector<16xi32> to vector<16x1xi32>
    %gather3A_172 = vector.shape_cast %broadcast_in_dim3A_171 : vector<16x1xi32> to vector<16xi32>
    %gather3A_173 = tpu.dynamic_gather %div3A_43[%gather3A_172] in [0] : vector<16xf32>, vector<16xi32> -> vector<16xf32>
    %get3A_174 = arith.constant 3104 : index
    %get3A_175 = tpu.vector_load %arg6[%get3A_174] {strides = array<i32>} : memref<4096xf32, #tpu.memory_space<vmem>>, vector<16xf32>,
    %get3A_176 = vector.shape_cast %get3A_175 : vector<16xf32> to vector<16xf32>
    %mul3A_177 = arith.mulf %get3A_176, %gather3A_173 : vector<16xf32>
    %swap3A_178 = arith.constant 3104 : index
    %swap3A_179 = tpu.vector_load %arg9[%swap3A_178] {strides = array<i32>} : memref<4096xf32, #tpu.memory_space<vmem>>, vector<16xf32>,
    %swap3A_180 = vector.shape_cast %swap3A_179 : vector<16xf32> to vector<16xf32>
    %swap3A_181 = vector.shape_cast %mul3A_177 : vector<16xf32> to vector<16xf32>
    tpu.vector_store %arg9[%swap3A_178], %swap3A_181 {strides = array<i32>} : memref<4096xf32, #tpu.memory_space<vmem>>, vector<16xf32>,
    %get3A_182 = arith.constant 48 : index
    %get3A_183 = tpu.vector_load %arg7[%get3A_182] {strides = array<i32>} : memref<1024xi32, #tpu.memory_space<vmem>>, vector<16xi32>,
    %get3A_184 = vector.shape_cast %get3A_183 : vector<16xi32> to vector<16xi32>
    %broadcast_in_dim3A_185 = vector.shape_cast %get3A_184 : vector<16xi32> to vector<16x1xi32>
    %gather3A_186 = vector.shape_cast %broadcast_in_dim3A_185 : vector<16x1xi32> to vector<16xi32>
    %gather3A_187 = tpu.dynamic_gather %div3A_16[%gather3A_186] in [0] : vector<16xf32>, vector<16xi32> -> vector<16xf32>
    %get3A_188 = arith.constant 48 : index
    %get3A_189 = tpu.vector_load %arg6[%get3A_188] {strides = array<i32>} : memref<4096xf32, #tpu.memory_space<vmem>>, vector<16xf32>,
    %get3A_190 = vector.shape_cast %get3A_189 : vector<16xf32> to vector<16xf32>
    %mul3A_191 = arith.mulf %get3A_190, %gather3A_187 : vector<16xf32>
    %swap3A_192 = arith.constant 48 : index
    %swap3A_193 = tpu.vector_load %arg9[%swap3A_192] {strides = array<i32>} : memref<4096xf32, #tpu.memory_space<vmem>>, vector<16xf32>,
    %swap3A_194 = vector.shape_cast %swap3A_193 : vector<16xf32> to vector<16xf32>
    %swap3A_195 = vector.shape_cast %mul3A_191 : vector<16xf32> to vector<16xf32>
    tpu.vector_store %arg9[%swap3A_192], %swap3A_195 {strides = array<i32>} : memref<4096xf32, #tpu.memory_space<vmem>>, vector<16xf32>,
    %broadcast_in_dim3A_196 = vector.shape_cast %get3A_184 : vector<16xi32> to vector<16x1xi32>
    %gather3A_197 = vector.shape_cast %broadcast_in_dim3A_196 : vector<16x1xi32> to vector<16xi32>
    %gather3A_198 = tpu.dynamic_gather %div3A_25[%gather3A_197] in [0] : vector<16xf32>, vector<16xi32> -> vector<16xf32>
    %get3A_199 = arith.constant 1072 : index
    %get3A_200 = tpu.vector_load %arg6[%get3A_199] {strides = array<i32>} : memref<4096xf32, #tpu.memory_space<vmem>>, vector<16xf32>,
    %get3A_201 = vector.shape_cast %get3A_200 : vector<16xf32> to vector<16xf32>
    %mul3A_202 = arith.mulf %get3A_201, %gather3A_198 : vector<16xf32>
    %swap3A_203 = arith.constant 1072 : index
    %swap3A_204 = tpu.vector_load %arg9[%swap3A_203] {strides = array<i32>} : memref<4096xf32, #tpu.memory_space<vmem>>, vector<16xf32>,
    %swap3A_205 = vector.shape_cast %swap3A_204 : vector<16xf32> to vector<16xf32>
    %swap3A_206 = vector.shape_cast %mul3A_202 : vector<16xf32> to vector<16xf32>
    tpu.vector_store %arg9[%swap3A_203], %swap3A_206 {strides = array<i32>} : memref<4096xf32, #tpu.memory_space<vmem>>, vector<16xf32>,
    %broadcast_in_dim3A_207 = vector.shape_cast %get3A_184 : vector<16xi32> to vector<16x1xi32>
    %gather3A_208 = vector.shape_cast %broadcast_in_dim3A_207 : vector<16x1xi32> to vector<16xi32>
    %gather3A_209 = tpu.dynamic_gather %div3A_34[%gather3A_208] in [0] : vector<16xf32>, vector<16xi32> -> vector<16xf32>
    %get3A_210 = arith.constant 2096 : index
    %get3A_211 = tpu.vector_load %arg6[%get3A_210] {strides = array<i32>} : memref<4096xf32, #tpu.memory_space<vmem>>, vector<16xf32>,
    %get3A_212 = vector.shape_cast %get3A_211 : vector<16xf32> to vector<16xf32>
    %mul3A_213 = arith.mulf %get3A_212, %gather3A_209 : vector<16xf32>
    %swap3A_214 = arith.constant 2096 : index
    %swap3A_215 = tpu.vector_load %arg9[%swap3A_214] {strides = array<i32>} : memref<4096xf32, #tpu.memory_space<vmem>>, vector<16xf32>,
    %swap3A_216 = vector.shape_cast %swap3A_215 : vector<16xf32> to vector<16xf32>
    %swap3A_217 = vector.shape_cast %mul3A_213 : vector<16xf32> to vector<16xf32>
    tpu.vector_store %arg9[%swap3A_214], %swap3A_217 {strides = array<i32>} : memref<4096xf32, #tpu.memory_space<vmem>>, vector<16xf32>,
    %broadcast_in_dim3A_218 = vector.shape_cast %get3A_184 : vector<16xi32> to vector<16x1xi32>
    %gather3A_219 = vector.shape_cast %broadcast_in_dim3A_218 : vector<16x1xi32> to vector<16xi32>
    %gather3A_220 = tpu.dynamic_gather %div3A_43[%gather3A_219] in [0] : vector<16xf32>, vector<16xi32> -> vector<16xf32>
    %get3A_221 = arith.constant 3120 : index
    %get3A_222 = tpu.vector_load %arg6[%get3A_221] {strides = array<i32>} : memref<4096xf32, #tpu.memory_space<vmem>>, vector<16xf32>,
    %get3A_223 = vector.shape_cast %get3A_222 : vector<16xf32> to vector<16xf32>
    %mul3A_224 = arith.mulf %get3A_223, %gather3A_220 : vector<16xf32>
    %swap3A_225 = arith.constant 3120 : index
    %swap3A_226 = tpu.vector_load %arg9[%swap3A_225] {strides = array<i32>} : memref<4096xf32, #tpu.memory_space<vmem>>, vector<16xf32>,
    %swap3A_227 = vector.shape_cast %swap3A_226 : vector<16xf32> to vector<16xf32>
    %swap3A_228 = vector.shape_cast %mul3A_224 : vector<16xf32> to vector<16xf32>
    tpu.vector_store %arg9[%swap3A_225], %swap3A_228 {strides = array<i32>} : memref<4096xf32, #tpu.memory_space<vmem>>, vector<16xf32>,
    %get3A_229 = arith.constant 64 : index
    %get3A_230 = tpu.vector_load %arg7[%get3A_229] {strides = array<i32>} : memref<1024xi32, #tpu.memory_space<vmem>>, vector<16xi32>,
    %get3A_231 = vector.shape_cast %get3A_230 : vector<16xi32> to vector<16xi32>
    %broadcast_in_dim3A_232 = vector.shape_cast %get3A_231 : vector<16xi32> to vector<16x1xi32>
    %gather3A_233 = vector.shape_cast %broadcast_in_dim3A_232 : vector<16x1xi32> to vector<16xi32>
    %gather3A_234 = tpu.dynamic_gather %div3A_16[%gather3A_233] in [0] : vector<16xf32>, vector<16xi32> -> vector<16xf32>
    %get3A_235 = arith.constant 64 : index
    %get3A_236 = tpu.vector_load %arg6[%get3A_235] {strides = array<i32>} : memref<4096xf32, #tpu.memory_space<vmem>>, vector<16xf32>,
    %get3A_237 = vector.shape_cast %get3A_236 : vector<16xf32> to vector<16xf32>
    %mul3A_238 = arith.mulf %get3A_237, %gather3A_234 : vector<16xf32>
    %swap3A_239 = arith.constant 64 : index
    %swap3A_240 = tpu.vector_load %arg9[%swap3A_239] {strides = array<i32>} : memref<4096xf32, #tpu.memory_space<vmem>>, vector<16xf32>,
    %swap3A_241 = vector.shape_cast %swap3A_240 : vector<16xf32> to vector<16xf32>
    %swap3A_242 = vector.shape_cast %mul3A_238 : vector<16xf32> to vector<16xf32>
    tpu.vector_store %arg9[%swap3A_239], %swap3A_242 {strides = array<i32>} : memref<4096xf32, #tpu.memory_space<vmem>>, vector<16xf32>,
    %broadcast_in_dim3A_243 = vector.shape_cast %get3A_231 : vector<16xi32> to vector<16x1xi32>
    %gather3A_244 = vector.shape_cast %broadcast_in_dim3A_243 : vector<16x1xi32> to vector<16xi32>
    %gather3A_245 = tpu.dynamic_gather %div3A_25[%gather3A_244] in [0] : vector<16xf32>, vector<16xi32> -> vector<16xf32>
    %get3A_246 = arith.constant 1088 : index
    %get3A_247 = tpu.vector_load %arg6[%get3A_246] {strides = array<i32>} : memref<4096xf32, #tpu.memory_space<vmem>>, vector<16xf32>,
    %get3A_248 = vector.shape_cast %get3A_247 : vector<16xf32> to vector<16xf32>
    %mul3A_249 = arith.mulf %get3A_248, %gather3A_245 : vector<16xf32>
    %swap3A_250 = arith.constant 1088 : index
    %swap3A_251 = tpu.vector_load %arg9[%swap3A_250] {strides = array<i32>} : memref<4096xf32, #tpu.memory_space<vmem>>, vector<16xf32>,
    %swap3A_252 = vector.shape_cast %swap3A_251 : vector<16xf32> to vector<16xf32>
    %swap3A_253 = vector.shape_cast %mul3A_249 : vector<16xf32> to vector<16xf32>
    tpu.vector_store %arg9[%swap3A_250], %swap3A_253 {strides = array<i32>} : memref<4096xf32, #tpu.memory_space<vmem>>, vector<16xf32>,
    %broadcast_in_dim3A_254 = vector.shape_cast %get3A_231 : vector<16xi32> to vector<16x1xi32>
    %gather3A_255 = vector.shape_cast %broadcast_in_dim3A_254 : vector<16x1xi32> to vector<16xi32>
    %gather3A_256 = tpu.dynamic_gather %div3A_34[%gather3A_255] in [0] : vector<16xf32>, vector<16xi32> -> vector<16xf32>
    %get3A_257 = arith.constant 2112 : index
    %get3A_258 = tpu.vector_load %arg6[%get3A_257] {strides = array<i32>} : memref<4096xf32, #tpu.memory_space<vmem>>, vector<16xf32>,
    %get3A_259 = vector.shape_cast %get3A_258 : vector<16xf32> to vector<16xf32>
    %mul3A_260 = arith.mulf %get3A_259, %gather3A_256 : vector<16xf32>
    %swap3A_261 = arith.constant 2112 : index
    %swap3A_262 = tpu.vector_load %arg9[%swap3A_261] {strides = array<i32>} : memref<4096xf32, #tpu.memory_space<vmem>>, vector<16xf32>,
    %swap3A_263 = vector.shape_cast %swap3A_262 : vector<16xf32> to vector<16xf32>
    %swap3A_264 = vector.shape_cast %mul3A_260 : vector<16xf32> to vector<16xf32>
    tpu.vector_store %arg9[%swap3A_261], %swap3A_264 {strides = array<i32>} : memref<4096xf32, #tpu.memory_space<vmem>>, vector<16xf32>,
    %broadcast_in_dim3A_265 = vector.shape_cast %get3A_231 : vector<16xi32> to vector<16x1xi32>
    %gather3A_266 = vector.shape_cast %broadcast_in_dim3A_265 : vector<16x1xi32> to vector<16xi32>
    %gather3A_267 = tpu.dynamic_gather %div3A_43[%gather3A_266] in [0] : vector<16xf32>, vector<16xi32> -> vector<16xf32>
    %get3A_268 = arith.constant 3136 : index
    %get3A_269 = tpu.vector_load %arg6[%get3A_268] {strides = array<i32>} : memref<4096xf32, #tpu.memory_space<vmem>>, vector<16xf32>,
    %get3A_270 = vector.shape_cast %get3A_269 : vector<16xf32> to vector<16xf32>
    %mul3A_271 = arith.mulf %get3A_270, %gather3A_267 : vector<16xf32>
    %swap3A_272 = arith.constant 3136 : index
    %swap3A_273 = tpu.vector_load %arg9[%swap3A_272] {strides = array<i32>} : memref<4096xf32, #tpu.memory_space<vmem>>, vector<16xf32>,
    %swap3A_274 = vector.shape_cast %swap3A_273 : vector<16xf32> to vector<16xf32>
    %swap3A_275 = vector.shape_cast %mul3A_271 : vector<16xf32> to vector<16xf32>
    tpu.vector_store %arg9[%swap3A_272], %swap3A_275 {strides = array<i32>} : memref<4096xf32, #tpu.memory_space<vmem>>, vector<16xf32>,
    %get3A_276 = arith.constant 80 : index
    %get3A_277 = tpu.vector_load %arg7[%get3A_276] {strides = array<i32>} : memref<1024xi32, #tpu.memory_space<vmem>>, vector<16xi32>,
    %get3A_278 = vector.shape_cast %get3A_277 : vector<16xi32> to vector<16xi32>
    %broadcast_in_dim3A_279 = vector.shape_cast %get3A_278 : vector<16xi32> to vector<16x1xi32>
    %gather3A_280 = vector.shape_cast %broadcast_in_dim3A_279 : vector<16x1xi32> to vector<16xi32>
    %gather3A_281 = tpu.dynamic_gather %div3A_16[%gather3A_280] in [0] : vector<16xf32>, vector<16xi32> -> vector<16xf32>
    %get3A_282 = arith.constant 80 : index
    %get3A_283 = tpu.vector_load %arg6[%get3A_282] {strides = array<i32>} : memref<4096xf32, #tpu.memory_space<vmem>>, vector<16xf32>,
    %get3A_284 = vector.shape_cast %get3A_283 : vector<16xf32> to vector<16xf32>
    %mul3A_285 = arith.mulf %get3A_284, %gather3A_281 : vector<16xf32>
    %swap3A_286 = arith.constant 80 : index
    %swap3A_287 = tpu.vector_load %arg9[%swap3A_286] {strides = array<i32>} : memref<4096xf32, #tpu.memory_space<vmem>>, vector<16xf32>,
    %swap3A_288 = vector.shape_cast %swap3A_287 : vector<16xf32> to vector<16xf32>
    %swap3A_289 = vector.shape_cast %mul3A_285 : vector<16xf32> to vector<16xf32>
    tpu.vector_store %arg9[%swap3A_286], %swap3A_289 {strides = array<i32>} : memref<4096xf32, #tpu.memory_space<vmem>>, vector<16xf32>,
    %broadcast_in_dim3A_290 = vector.shape_cast %get3A_278 : vector<16xi32> to vector<16x1xi32>
    %gather3A_291 = vector.shape_cast %broadcast_in_dim3A_290 : vector<16x1xi32> to vector<16xi32>
    %gather3A_292 = tpu.dynamic_gather %div3A_25[%gather3A_291] in [0] : vector<16xf32>, vector<16xi32> -> vector<16xf32>
    %get3A_293 = arith.constant 1104 : index
    %get3A_294 = tpu.vector_load %arg6[%get3A_293] {strides = array<i32>} : memref<4096xf32, #tpu.memory_space<vmem>>, vector<16xf32>,
    %get3A_295 = vector.shape_cast %get3A_294 : vector<16xf32> to vector<16xf32>
    %mul3A_296 = arith.mulf %get3A_295, %gather3A_292 : vector<16xf32>
    %swap3A_297 = arith.constant 1104 : index
    %swap3A_298 = tpu.vector_load %arg9[%swap3A_297] {strides = array<i32>} : memref<4096xf32, #tpu.memory_space<vmem>>, vector<16xf32>,
    %swap3A_299 = vector.shape_cast %swap3A_298 : vector<16xf32> to vector<16xf32>
    %swap3A_300 = vector.shape_cast %mul3A_296 : vector<16xf32> to vector<16xf32>
    tpu.vector_store %arg9[%swap3A_297], %swap3A_300 {strides = array<i32>} : memref<4096xf32, #tpu.memory_space<vmem>>, vector<16xf32>,
    %broadcast_in_dim3A_301 = vector.shape_cast %get3A_278 : vector<16xi32> to vector<16x1xi32>
    %gather3A_302 = vector.shape_cast %broadcast_in_dim3A_301 : vector<16x1xi32> to vector<16xi32>
    %gather3A_303 = tpu.dynamic_gather %div3A_34[%gather3A_302] in [0] : vector<16xf32>, vector<16xi32> -> vector<16xf32>
    %get3A_304 = arith.constant 2128 : index
    %get3A_305 = tpu.vector_load %arg6[%get3A_304] {strides = array<i32>} : memref<4096xf32, #tpu.memory_space<vmem>>, vector<16xf32>,
    %get3A_306 = vector.shape_cast %get3A_305 : vector<16xf32> to vector<16xf32>
    %mul3A_307 = arith.mulf %get3A_306, %gather3A_303 : vector<16xf32>
    %swap3A_308 = arith.constant 2128 : index
    %swap3A_309 = tpu.vector_load %arg9[%swap3A_308] {strides = array<i32>} : memref<4096xf32, #tpu.memory_space<vmem>>, vector<16xf32>,
    %swap3A_310 = vector.shape_cast %swap3A_309 : vector<16xf32> to vector<16xf32>
    %swap3A_311 = vector.shape_cast %mul3A_307 : vector<16xf32> to vector<16xf32>
    tpu.vector_store %arg9[%swap3A_308], %swap3A_311 {strides = array<i32>} : memref<4096xf32, #tpu.memory_space<vmem>>, vector<16xf32>,
    %broadcast_in_dim3A_312 = vector.shape_cast %get3A_278 : vector<16xi32> to vector<16x1xi32>
    %gather3A_313 = vector.shape_cast %broadcast_in_dim3A_312 : vector<16x1xi32> to vector<16xi32>
    %gather3A_314 = tpu.dynamic_gather %div3A_43[%gather3A_313] in [0] : vector<16xf32>, vector<16xi32> -> vector<16xf32>
    %get3A_315 = arith.constant 3152 : index
    %get3A_316 = tpu.vector_load %arg6[%get3A_315] {strides = array<i32>} : memref<4096xf32, #tpu.memory_space<vmem>>, vector<16xf32>,
    %get3A_317 = vector.shape_cast %get3A_316 : vector<16xf32> to vector<16xf32>
    %mul3A_318 = arith.mulf %get3A_317, %gather3A_314 : vector<16xf32>
    %swap3A_319 = arith.constant 3152 : index
    %swap3A_320 = tpu.vector_load %arg9[%swap3A_319] {strides = array<i32>} : memref<4096xf32, #tpu.memory_space<vmem>>, vector<16xf32>,
    %swap3A_321 = vector.shape_cast %swap3A_320 : vector<16xf32> to vector<16xf32>
    %swap3A_322 = vector.shape_cast %mul3A_318 : vector<16xf32> to vector<16xf32>
    tpu.vector_store %arg9[%swap3A_319], %swap3A_322 {strides = array<i32>} : memref<4096xf32, #tpu.memory_space<vmem>>, vector<16xf32>,
    %get3A_323 = arith.constant 96 : index
    %get3A_324 = tpu.vector_load %arg7[%get3A_323] {strides = array<i32>} : memref<1024xi32, #tpu.memory_space<vmem>>, vector<16xi32>,
    %get3A_325 = vector.shape_cast %get3A_324 : vector<16xi32> to vector<16xi32>
    %broadcast_in_dim3A_326 = vector.shape_cast %get3A_325 : vector<16xi32> to vector<16x1xi32>
    %gather3A_327 = vector.shape_cast %broadcast_in_dim3A_326 : vector<16x1xi32> to vector<16xi32>
    %gather3A_328 = tpu.dynamic_gather %div3A_16[%gather3A_327] in [0] : vector<16xf32>, vector<16xi32> -> vector<16xf32>
    %get3A_329 = arith.constant 96 : index
    %get3A_330 = tpu.vector_load %arg6[%get3A_329] {strides = array<i32>} : memref<4096xf32, #tpu.memory_space<vmem>>, vector<16xf32>,
    %get3A_331 = vector.shape_cast %get3A_330 : vector<16xf32> to vector<16xf32>
    %mul3A_332 = arith.mulf %get3A_331, %gather3A_328 : vector<16xf32>
    %swap3A_333 = arith.constant 96 : index
    %swap3A_334 = tpu.vector_load %arg9[%swap3A_333] {strides = array<i32>} : memref<4096xf32, #tpu.memory_space<vmem>>, vector<16xf32>,
    %swap3A_335 = vector.shape_cast %swap3A_334 : vector<16xf32> to vector<16xf32>
    %swap3A_336 = vector.shape_cast %mul3A_332 : vector<16xf32> to vector<16xf32>
    tpu.vector_store %arg9[%swap3A_333], %swap3A_336 {strides = array<i32>} : memref<4096xf32, #tpu.memory_space<vmem>>, vector<16xf32>,
    %broadcast_in_dim3A_337 = vector.shape_cast %get3A_325 : vector<16xi32> to vector<16x1xi32>
    %gather3A_338 = vector.shape_cast %broadcast_in_dim3A_337 : vector<16x1xi32> to vector<16xi32>
    %gather3A_339 = tpu.dynamic_gather %div3A_25[%gather3A_338] in [0] : vector<16xf32>, vector<16xi32> -> vector<16xf32>
    %get3A_340 = arith.constant 1120 : index
    %get3A_341 = tpu.vector_load %arg6[%get3A_340] {strides = array<i32>} : memref<4096xf32, #tpu.memory_space<vmem>>, vector<16xf32>,
    %get3A_342 = vector.shape_cast %get3A_341 : vector<16xf32> to vector<16xf32>
    %mul3A_343 = arith.mulf %get3A_342, %gather3A_339 : vector<16xf32>
    %swap3A_344 = arith.constant 1120 : index
    %swap3A_345 = tpu.vector_load %arg9[%swap3A_344] {strides = array<i32>} : memref<4096xf32, #tpu.memory_space<vmem>>, vector<16xf32>,
    %swap3A_346 = vector.shape_cast %swap3A_345 : vector<16xf32> to vector<16xf32>
    %swap3A_347 = vector.shape_cast %mul3A_343 : vector<16xf32> to vector<16xf32>
    tpu.vector_store %arg9[%swap3A_344], %swap3A_347 {strides = array<i32>} : memref<4096xf32, #tpu.memory_space<vmem>>, vector<16xf32>,
    %broadcast_in_dim3A_348 = vector.shape_cast %get3A_325 : vector<16xi32> to vector<16x1xi32>
    %gather3A_349 = vector.shape_cast %broadcast_in_dim3A_348 : vector<16x1xi32> to vector<16xi32>
    %gather3A_350 = tpu.dynamic_gather %div3A_34[%gather3A_349] in [0] : vector<16xf32>, vector<16xi32> -> vector<16xf32>
    %get3A_351 = arith.constant 2144 : index
    %get3A_352 = tpu.vector_load %arg6[%get3A_351] {strides = array<i32>} : memref<4096xf32, #tpu.memory_space<vmem>>, vector<16xf32>,
    %get3A_353 = vector.shape_cast %get3A_352 : vector<16xf32> to vector<16xf32>
    %mul3A_354 = arith.mulf %get3A_353, %gather3A_350 : vector<16xf32>
    %swap3A_355 = arith.constant 2144 : index
    %swap3A_356 = tpu.vector_load %arg9[%swap3A_355] {strides = array<i32>} : memref<4096xf32, #tpu.memory_space<vmem>>, vector<16xf32>,
    %swap3A_357 = vector.shape_cast %swap3A_356 : vector<16xf32> to vector<16xf32>
    %swap3A_358 = vector.shape_cast %mul3A_354 : vector<16xf32> to vector<16xf32>
    tpu.vector_store %arg9[%swap3A_355], %swap3A_358 {strides = array<i32>} : memref<4096xf32, #tpu.memory_space<vmem>>, vector<16xf32>,
    %broadcast_in_dim3A_359 = vector.shape_cast %get3A_325 : vector<16xi32> to vector<16x1xi32>
    %gather3A_360 = vector.shape_cast %broadcast_in_dim3A_359 : vector<16x1xi32> to vector<16xi32>
    %gather3A_361 = tpu.dynamic_gather %div3A_43[%gather3A_360] in [0] : vector<16xf32>, vector<16xi32> -> vector<16xf32>
    %get3A_362 = arith.constant 3168 : index
    %get3A_363 = tpu.vector_load %arg6[%get3A_362] {strides = array<i32>} : memref<4096xf32, #tpu.memory_space<vmem>>, vector<16xf32>,
    %get3A_364 = vector.shape_cast %get3A_363 : vector<16xf32> to vector<16xf32>
    %mul3A_365 = arith.mulf %get3A_364, %gather3A_361 : vector<16xf32>
    %swap3A_366 = arith.constant 3168 : index
    %swap3A_367 = tpu.vector_load %arg9[%swap3A_366] {strides = array<i32>} : memref<4096xf32, #tpu.memory_space<vmem>>, vector<16xf32>,
    %swap3A_368 = vector.shape_cast %swap3A_367 : vector<16xf32> to vector<16xf32>
    %swap3A_369 = vector.shape_cast %mul3A_365 : vector<16xf32> to vector<16xf32>
    tpu.vector_store %arg9[%swap3A_366], %swap3A_369 {strides = array<i32>} : memref<4096xf32, #tpu.memory_space<vmem>>, vector<16xf32>,
    %get3A_370 = arith.constant 112 : index
    %get3A_371 = tpu.vector_load %arg7[%get3A_370] {strides = array<i32>} : memref<1024xi32, #tpu.memory_space<vmem>>, vector<16xi32>,
    %get3A_372 = vector.shape_cast %get3A_371 : vector<16xi32> to vector<16xi32>
    %broadcast_in_dim3A_373 = vector.shape_cast %get3A_372 : vector<16xi32> to vector<16x1xi32>
    %gather3A_374 = vector.shape_cast %broadcast_in_dim3A_373 : vector<16x1xi32> to vector<16xi32>
    %gather3A_375 = tpu.dynamic_gather %div3A_16[%gather3A_374] in [0] : vector<16xf32>, vector<16xi32> -> vector<16xf32>
    %get3A_376 = arith.constant 112 : index
    %get3A_377 = tpu.vector_load %arg6[%get3A_376] {strides = array<i32>} : memref<4096xf32, #tpu.memory_space<vmem>>, vector<16xf32>,
    %get3A_378 = vector.shape_cast %get3A_377 : vector<16xf32> to vector<16xf32>
    %mul3A_379 = arith.mulf %get3A_378, %gather3A_375 : vector<16xf32>
    %swap3A_380 = arith.constant 112 : index
    %swap3A_381 = tpu.vector_load %arg9[%swap3A_380] {strides = array<i32>} : memref<4096xf32, #tpu.memory_space<vmem>>, vector<16xf32>,
    %swap3A_382 = vector.shape_cast %swap3A_381 : vector<16xf32> to vector<16xf32>
    %swap3A_383 = vector.shape_cast %mul3A_379 : vector<16xf32> to vector<16xf32>
    tpu.vector_store %arg9[%swap3A_380], %swap3A_383 {strides = array<i32>} : memref<4096xf32, #tpu.memory_space<vmem>>, vector<16xf32>,
    %broadcast_in_dim3A_384 = vector.shape_cast %get3A_372 : vector<16xi32> to vector<16x1xi32>
    %gather3A_385 = vector.shape_cast %broadcast_in_dim3A_384 : vector<16x1xi32> to vector<16xi32>
    %gather3A_386 = tpu.dynamic_gather %div3A_25[%gather3A_385] in [0] : vector<16xf32>, vector<16xi32> -> vector<16xf32>
    %get3A_387 = arith.constant 1136 : index
    %get3A_388 = tpu.vector_load %arg6[%get3A_387] {strides = array<i32>} : memref<4096xf32, #tpu.memory_space<vmem>>, vector<16xf32>,
    %get3A_389 = vector.shape_cast %get3A_388 : vector<16xf32> to vector<16xf32>
    %mul3A_390 = arith.mulf %get3A_389, %gather3A_386 : vector<16xf32>
    %swap3A_391 = arith.constant 1136 : index
    %swap3A_392 = tpu.vector_load %arg9[%swap3A_391] {strides = array<i32>} : memref<4096xf32, #tpu.memory_space<vmem>>, vector<16xf32>,
    %swap3A_393 = vector.shape_cast %swap3A_392 : vector<16xf32> to vector<16xf32>
    %swap3A_394 = vector.shape_cast %mul3A_390 : vector<16xf32> to vector<16xf32>
    tpu.vector_store %arg9[%swap3A_391], %swap3A_394 {strides = array<i32>} : memref<4096xf32, #tpu.memory_space<vmem>>, vector<16xf32>,
    %broadcast_in_dim3A_395 = vector.shape_cast %get3A_372 : vector<16xi32> to vector<16x1xi32>
    %gather3A_396 = vector.shape_cast %broadcast_in_dim3A_395 : vector<16x1xi32> to vector<16xi32>
    %gather3A_397 = tpu.dynamic_gather %div3A_34[%gather3A_396] in [0] : vector<16xf32>, vector<16xi32> -> vector<16xf32>
    %get3A_398 = arith.constant 2160 : index
    %get3A_399 = tpu.vector_load %arg6[%get3A_398] {strides = array<i32>} : memref<4096xf32, #tpu.memory_space<vmem>>, vector<16xf32>,
    %get3A_400 = vector.shape_cast %get3A_399 : vector<16xf32> to vector<16xf32>
    %mul3A_401 = arith.mulf %get3A_400, %gather3A_397 : vector<16xf32>
    %swap3A_402 = arith.constant 2160 : index
    %swap3A_403 = tpu.vector_load %arg9[%swap3A_402] {strides = array<i32>} : memref<4096xf32, #tpu.memory_space<vmem>>, vector<16xf32>,
    %swap3A_404 = vector.shape_cast %swap3A_403 : vector<16xf32> to vector<16xf32>
    %swap3A_405 = vector.shape_cast %mul3A_401 : vector<16xf32> to vector<16xf32>
    tpu.vector_store %arg9[%swap3A_402], %swap3A_405 {strides = array<i32>} : memref<4096xf32, #tpu.memory_space<vmem>>, vector<16xf32>,
    %broadcast_in_dim3A_406 = vector.shape_cast %get3A_372 : vector<16xi32> to vector<16x1xi32>
    %gather3A_407 = vector.shape_cast %broadcast_in_dim3A_406 : vector<16x1xi32> to vector<16xi32>
    %gather3A_408 = tpu.dynamic_gather %div3A_43[%gather3A_407] in [0] : vector<16xf32>, vector<16xi32> -> vector<16xf32>
    %get3A_409 = arith.constant 3184 : index
    %get3A_410 = tpu.vector_load %arg6[%get3A_409] {strides = array<i32>} : memref<4096xf32, #tpu.memory_space<vmem>>, vector<16xf32>,
    %get3A_411 = vector.shape_cast %get3A_410 : vector<16xf32> to vector<16xf32>
    %mul3A_412 = arith.mulf %get3A_411, %gather3A_408 : vector<16xf32>
    %swap3A_413 = arith.constant 3184 : index
    %swap3A_414 = tpu.vector_load %arg9[%swap3A_413] {strides = array<i32>} : memref<4096xf32, #tpu.memory_space<vmem>>, vector<16xf32>,
    %swap3A_415 = vector.shape_cast %swap3A_414 : vector<16xf32> to vector<16xf32>
    %swap3A_416 = vector.shape_cast %mul3A_412 : vector<16xf32> to vector<16xf32>
    tpu.vector_store %arg9[%swap3A_413], %swap3A_416 {strides = array<i32>} : memref<4096xf32, #tpu.memory_space<vmem>>, vector<16xf32>,
    %get3A_417 = arith.constant 128 : index
    %get3A_418 = tpu.vector_load %arg7[%get3A_417] {strides = array<i32>} : memref<1024xi32, #tpu.memory_space<vmem>>, vector<16xi32>,
    %get3A_419 = vector.shape_cast %get3A_418 : vector<16xi32> to vector<16xi32>
    %broadcast_in_dim3A_420 = vector.shape_cast %get3A_419 : vector<16xi32> to vector<16x1xi32>
    %gather3A_421 = vector.shape_cast %broadcast_in_dim3A_420 : vector<16x1xi32> to vector<16xi32>
    %gather3A_422 = tpu.dynamic_gather %div3A_16[%gather3A_421] in [0] : vector<16xf32>, vector<16xi32> -> vector<16xf32>
    %get3A_423 = arith.constant 128 : index
    %get3A_424 = tpu.vector_load %arg6[%get3A_423] {strides = array<i32>} : memref<4096xf32, #tpu.memory_space<vmem>>, vector<16xf32>,
    %get3A_425 = vector.shape_cast %get3A_424 : vector<16xf32> to vector<16xf32>
    %mul3A_426 = arith.mulf %get3A_425, %gather3A_422 : vector<16xf32>
    %swap3A_427 = arith.constant 128 : index
    %swap3A_428 = tpu.vector_load %arg9[%swap3A_427] {strides = array<i32>} : memref<4096xf32, #tpu.memory_space<vmem>>, vector<16xf32>,
    %swap3A_429 = vector.shape_cast %swap3A_428 : vector<16xf32> to vector<16xf32>
    %swap3A_430 = vector.shape_cast %mul3A_426 : vector<16xf32> to vector<16xf32>
    tpu.vector_store %arg9[%swap3A_427], %swap3A_430 {strides = array<i32>} : memref<4096xf32, #tpu.memory_space<vmem>>, vector<16xf32>,
    %broadcast_in_dim3A_431 = vector.shape_cast %get3A_419 : vector<16xi32> to vector<16x1xi32>
    %gather3A_432 = vector.shape_cast %broadcast_in_dim3A_431 : vector<16x1xi32> to vector<16xi32>
    %gather3A_433 = tpu.dynamic_gather %div3A_25[%gather3A_432] in [0] : vector<16xf32>, vector<16xi32> -> vector<16xf32>
    %get3A_434 = arith.constant 1152 : index
    %get3A_435 = tpu.vector_load %arg6[%get3A_434] {strides = array<i32>} : memref<4096xf32, #tpu.memory_space<vmem>>, vector<16xf32>,
    %get3A_436 = vector.shape_cast %get3A_435 : vector<16xf32> to vector<16xf32>
    %mul3A_437 = arith.mulf %get3A_436, %gather3A_433 : vector<16xf32>
    %swap3A_438 = arith.constant 1152 : index
    %swap3A_439 = tpu.vector_load %arg9[%swap3A_438] {strides = array<i32>} : memref<4096xf32, #tpu.memory_space<vmem>>, vector<16xf32>,
    %swap3A_440 = vector.shape_cast %swap3A_439 : vector<16xf32> to vector<16xf32>
    %swap3A_441 = vector.shape_cast %mul3A_437 : vector<16xf32> to vector<16xf32>
    tpu.vector_store %arg9[%swap3A_438], %swap3A_441 {strides = array<i32>} : memref<4096xf32, #tpu.memory_space<vmem>>, vector<16xf32>,
    %broadcast_in_dim3A_442 = vector.shape_cast %get3A_419 : vector<16xi32> to vector<16x1xi32>
    %gather3A_443 = vector.shape_cast %broadcast_in_dim3A_442 : vector<16x1xi32> to vector<16xi32>
    %gather3A_444 = tpu.dynamic_gather %div3A_34[%gather3A_443] in [0] : vector<16xf32>, vector<16xi32> -> vector<16xf32>
    %get3A_445 = arith.constant 2176 : index
    %get3A_446 = tpu.vector_load %arg6[%get3A_445] {strides = array<i32>} : memref<4096xf32, #tpu.memory_space<vmem>>, vector<16xf32>,
    %get3A_447 = vector.shape_cast %get3A_446 : vector<16xf32> to vector<16xf32>
    %mul3A_448 = arith.mulf %get3A_447, %gather3A_444 : vector<16xf32>
    %swap3A_449 = arith.constant 2176 : index
    %swap3A_450 = tpu.vector_load %arg9[%swap3A_449] {strides = array<i32>} : memref<4096xf32, #tpu.memory_space<vmem>>, vector<16xf32>,
    %swap3A_451 = vector.shape_cast %swap3A_450 : vector<16xf32> to vector<16xf32>
    %swap3A_452 = vector.shape_cast %mul3A_448 : vector<16xf32> to vector<16xf32>
    tpu.vector_store %arg9[%swap3A_449], %swap3A_452 {strides = array<i32>} : memref<4096xf32, #tpu.memory_space<vmem>>, vector<16xf32>,
    %broadcast_in_dim3A_453 = vector.shape_cast %get3A_419 : vector<16xi32> to vector<16x1xi32>
    %gather3A_454 = vector.shape_cast %broadcast_in_dim3A_453 : vector<16x1xi32> to vector<16xi32>
    %gather3A_455 = tpu.dynamic_gather %div3A_43[%gather3A_454] in [0] : vector<16xf32>, vector<16xi32> -> vector<16xf32>
    %get3A_456 = arith.constant 3200 : index
    %get3A_457 = tpu.vector_load %arg6[%get3A_456] {strides = array<i32>} : memref<4096xf32, #tpu.memory_space<vmem>>, vector<16xf32>,
    %get3A_458 = vector.shape_cast %get3A_457 : vector<16xf32> to vector<16xf32>
    %mul3A_459 = arith.mulf %get3A_458, %gather3A_455 : vector<16xf32>
    %swap3A_460 = arith.constant 3200 : index
    %swap3A_461 = tpu.vector_load %arg9[%swap3A_460] {strides = array<i32>} : memref<4096xf32, #tpu.memory_space<vmem>>, vector<16xf32>,
    %swap3A_462 = vector.shape_cast %swap3A_461 : vector<16xf32> to vector<16xf32>
    %swap3A_463 = vector.shape_cast %mul3A_459 : vector<16xf32> to vector<16xf32>
    tpu.vector_store %arg9[%swap3A_460], %swap3A_463 {strides = array<i32>} : memref<4096xf32, #tpu.memory_space<vmem>>, vector<16xf32>,
    %get3A_464 = arith.constant 144 : index
    %get3A_465 = tpu.vector_load %arg7[%get3A_464] {strides = array<i32>} : memref<1024xi32, #tpu.memory_space<vmem>>, vector<16xi32>,
    %get3A_466 = vector.shape_cast %get3A_465 : vector<16xi32> to vector<16xi32>
    %broadcast_in_dim3A_467 = vector.shape_cast %get3A_466 : vector<16xi32> to vector<16x1xi32>
    %gather3A_468 = vector.shape_cast %broadcast_in_dim3A_467 : vector<16x1xi32> to vector<16xi32>
    %gather3A_469 = tpu.dynamic_gather %div3A_16[%gather3A_468] in [0] : vector<16xf32>, vector<16xi32> -> vector<16xf32>
    %get3A_470 = arith.constant 144 : index
    %get3A_471 = tpu.vector_load %arg6[%get3A_470] {strides = array<i32>} : memref<4096xf32, #tpu.memory_space<vmem>>, vector<16xf32>,
    %get3A_472 = vector.shape_cast %get3A_471 : vector<16xf32> to vector<16xf32>
    %mul3A_473 = arith.mulf %get3A_472, %gather3A_469 : vector<16xf32>
    %swap3A_474 = arith.constant 144 : index
    %swap3A_475 = tpu.vector_load %arg9[%swap3A_474] {strides = array<i32>} : memref<4096xf32, #tpu.memory_space<vmem>>, vector<16xf32>,
    %swap3A_476 = vector.shape_cast %swap3A_475 : vector<16xf32> to vector<16xf32>
    %swap3A_477 = vector.shape_cast %mul3A_473 : vector<16xf32> to vector<16xf32>
    tpu.vector_store %arg9[%swap3A_474], %swap3A_477 {strides = array<i32>} : memref<4096xf32, #tpu.memory_space<vmem>>, vector<16xf32>,
    %broadcast_in_dim3A_478 = vector.shape_cast %get3A_466 : vector<16xi32> to vector<16x1xi32>
    %gather3A_479 = vector.shape_cast %broadcast_in_dim3A_478 : vector<16x1xi32> to vector<16xi32>
    %gather3A_480 = tpu.dynamic_gather %div3A_25[%gather3A_479] in [0] : vector<16xf32>, vector<16xi32> -> vector<16xf32>
    %get3A_481 = arith.constant 1168 : index
    %get3A_482 = tpu.vector_load %arg6[%get3A_481] {strides = array<i32>} : memref<4096xf32, #tpu.memory_space<vmem>>, vector<16xf32>,
    %get3A_483 = vector.shape_cast %get3A_482 : vector<16xf32> to vector<16xf32>
    %mul3A_484 = arith.mulf %get3A_483, %gather3A_480 : vector<16xf32>
    %swap3A_485 = arith.constant 1168 : index
    %swap3A_486 = tpu.vector_load %arg9[%swap3A_485] {strides = array<i32>} : memref<4096xf32, #tpu.memory_space<vmem>>, vector<16xf32>,
    %swap3A_487 = vector.shape_cast %swap3A_486 : vector<16xf32> to vector<16xf32>
    %swap3A_488 = vector.shape_cast %mul3A_484 : vector<16xf32> to vector<16xf32>
    tpu.vector_store %arg9[%swap3A_485], %swap3A_488 {strides = array<i32>} : memref<4096xf32, #tpu.memory_space<vmem>>, vector<16xf32>,
    %broadcast_in_dim3A_489 = vector.shape_cast %get3A_466 : vector<16xi32> to vector<16x1xi32>
    %gather3A_490 = vector.shape_cast %broadcast_in_dim3A_489 : vector<16x1xi32> to vector<16xi32>
    %gather3A_491 = tpu.dynamic_gather %div3A_34[%gather3A_490] in [0] : vector<16xf32>, vector<16xi32> -> vector<16xf32>
    %get3A_492 = arith.constant 2192 : index
    %get3A_493 = tpu.vector_load %arg6[%get3A_492] {strides = array<i32>} : memref<4096xf32, #tpu.memory_space<vmem>>, vector<16xf32>,
    %get3A_494 = vector.shape_cast %get3A_493 : vector<16xf32> to vector<16xf32>
    %mul3A_495 = arith.mulf %get3A_494, %gather3A_491 : vector<16xf32>
    %swap3A_496 = arith.constant 2192 : index
    %swap3A_497 = tpu.vector_load %arg9[%swap3A_496] {strides = array<i32>} : memref<4096xf32, #tpu.memory_space<vmem>>, vector<16xf32>,
    %swap3A_498 = vector.shape_cast %swap3A_497 : vector<16xf32> to vector<16xf32>
    %swap3A_499 = vector.shape_cast %mul3A_495 : vector<16xf32> to vector<16xf32>
    tpu.vector_store %arg9[%swap3A_496], %swap3A_499 {strides = array<i32>} : memref<4096xf32, #tpu.memory_space<vmem>>, vector<16xf32>,
    %broadcast_in_dim3A_500 = vector.shape_cast %get3A_466 : vector<16xi32> to vector<16x1xi32>
    %gather3A_501 = vector.shape_cast %broadcast_in_dim3A_500 : vector<16x1xi32> to vector<16xi32>
    %gather3A_502 = tpu.dynamic_gather %div3A_43[%gather3A_501] in [0] : vector<16xf32>, vector<16xi32> -> vector<16xf32>
    %get3A_503 = arith.constant 3216 : index
    %get3A_504 = tpu.vector_load %arg6[%get3A_503] {strides = array<i32>} : memref<4096xf32, #tpu.memory_space<vmem>>, vector<16xf32>,
    %get3A_505 = vector.shape_cast %get3A_504 : vector<16xf32> to vector<16xf32>
    %mul3A_506 = arith.mulf %get3A_505, %gather3A_502 : vector<16xf32>
    %swap3A_507 = arith.constant 3216 : index
    %swap3A_508 = tpu.vector_load %arg9[%swap3A_507] {strides = array<i32>} : memref<4096xf32, #tpu.memory_space<vmem>>, vector<16xf32>,
    %swap3A_509 = vector.shape_cast %swap3A_508 : vector<16xf32> to vector<16xf32>
    %swap3A_510 = vector.shape_cast %mul3A_506 : vector<16xf32> to vector<16xf32>
    tpu.vector_store %arg9[%swap3A_507], %swap3A_510 {strides = array<i32>} : memref<4096xf32, #tpu.memory_space<vmem>>, vector<16xf32>,
    %get3A_511 = arith.constant 160 : index
    %get3A_512 = tpu.vector_load %arg7[%get3A_511] {strides = array<i32>} : memref<1024xi32, #tpu.memory_space<vmem>>, vector<16xi32>,
    %get3A_513 = vector.shape_cast %get3A_512 : vector<16xi32> to vector<16xi32>
    %broadcast_in_dim3A_514 = vector.shape_cast %get3A_513 : vector<16xi32> to vector<16x1xi32>
    %gather3A_515 = vector.shape_cast %broadcast_in_dim3A_514 : vector<16x1xi32> to vector<16xi32>
    %gather3A_516 = tpu.dynamic_gather %div3A_16[%gather3A_515] in [0] : vector<16xf32>, vector<16xi32> -> vector<16xf32>
    %get3A_517 = arith.constant 160 : index
    %get3A_518 = tpu.vector_load %arg6[%get3A_517] {strides = array<i32>} : memref<4096xf32, #tpu.memory_space<vmem>>, vector<16xf32>,
    %get3A_519 = vector.shape_cast %get3A_518 : vector<16xf32> to vector<16xf32>
    %mul3A_520 = arith.mulf %get3A_519, %gather3A_516 : vector<16xf32>
    %swap3A_521 = arith.constant 160 : index
    %swap3A_522 = tpu.vector_load %arg9[%swap3A_521] {strides = array<i32>} : memref<4096xf32, #tpu.memory_space<vmem>>, vector<16xf32>,
    %swap3A_523 = vector.shape_cast %swap3A_522 : vector<16xf32> to vector<16xf32>
    %swap3A_524 = vector.shape_cast %mul3A_520 : vector<16xf32> to vector<16xf32>
    tpu.vector_store %arg9[%swap3A_521], %swap3A_524 {strides = array<i32>} : memref<4096xf32, #tpu.memory_space<vmem>>, vector<16xf32>,
    %broadcast_in_dim3A_525 = vector.shape_cast %get3A_513 : vector<16xi32> to vector<16x1xi32>
    %gather3A_526 = vector.shape_cast %broadcast_in_dim3A_525 : vector<16x1xi32> to vector<16xi32>
    %gather3A_527 = tpu.dynamic_gather %div3A_25[%gather3A_526] in [0] : vector<16xf32>, vector<16xi32> -> vector<16xf32>
    %get3A_528 = arith.constant 1184 : index
    %get3A_529 = tpu.vector_load %arg6[%get3A_528] {strides = array<i32>} : memref<4096xf32, #tpu.memory_space<vmem>>, vector<16xf32>,
    %get3A_530 = vector.shape_cast %get3A_529 : vector<16xf32> to vector<16xf32>
    %mul3A_531 = arith.mulf %get3A_530, %gather3A_527 : vector<16xf32>
    %swap3A_532 = arith.constant 1184 : index
    %swap3A_533 = tpu.vector_load %arg9[%swap3A_532] {strides = array<i32>} : memref<4096xf32, #tpu.memory_space<vmem>>, vector<16xf32>,
    %swap3A_534 = vector.shape_cast %swap3A_533 : vector<16xf32> to vector<16xf32>
    %swap3A_535 = vector.shape_cast %mul3A_531 : vector<16xf32> to vector<16xf32>
    tpu.vector_store %arg9[%swap3A_532], %swap3A_535 {strides = array<i32>} : memref<4096xf32, #tpu.memory_space<vmem>>, vector<16xf32>,
    %broadcast_in_dim3A_536 = vector.shape_cast %get3A_513 : vector<16xi32> to vector<16x1xi32>
    %gather3A_537 = vector.shape_cast %broadcast_in_dim3A_536 : vector<16x1xi32> to vector<16xi32>
    %gather3A_538 = tpu.dynamic_gather %div3A_34[%gather3A_537] in [0] : vector<16xf32>, vector<16xi32> -> vector<16xf32>
    %get3A_539 = arith.constant 2208 : index
    %get3A_540 = tpu.vector_load %arg6[%get3A_539] {strides = array<i32>} : memref<4096xf32, #tpu.memory_space<vmem>>, vector<16xf32>,
    %get3A_541 = vector.shape_cast %get3A_540 : vector<16xf32> to vector<16xf32>
    %mul3A_542 = arith.mulf %get3A_541, %gather3A_538 : vector<16xf32>
    %swap3A_543 = arith.constant 2208 : index
    %swap3A_544 = tpu.vector_load %arg9[%swap3A_543] {strides = array<i32>} : memref<4096xf32, #tpu.memory_space<vmem>>, vector<16xf32>,
    %swap3A_545 = vector.shape_cast %swap3A_544 : vector<16xf32> to vector<16xf32>
    %swap3A_546 = vector.shape_cast %mul3A_542 : vector<16xf32> to vector<16xf32>
    tpu.vector_store %arg9[%swap3A_543], %swap3A_546 {strides = array<i32>} : memref<4096xf32, #tpu.memory_space<vmem>>, vector<16xf32>,
    %broadcast_in_dim3A_547 = vector.shape_cast %get3A_513 : vector<16xi32> to vector<16x1xi32>
    %gather3A_548 = vector.shape_cast %broadcast_in_dim3A_547 : vector<16x1xi32> to vector<16xi32>
    %gather3A_549 = tpu.dynamic_gather %div3A_43[%gather3A_548] in [0] : vector<16xf32>, vector<16xi32> -> vector<16xf32>
    %get3A_550 = arith.constant 3232 : index
    %get3A_551 = tpu.vector_load %arg6[%get3A_550] {strides = array<i32>} : memref<4096xf32, #tpu.memory_space<vmem>>, vector<16xf32>,
    %get3A_552 = vector.shape_cast %get3A_551 : vector<16xf32> to vector<16xf32>
    %mul3A_553 = arith.mulf %get3A_552, %gather3A_549 : vector<16xf32>
    %swap3A_554 = arith.constant 3232 : index
    %swap3A_555 = tpu.vector_load %arg9[%swap3A_554] {strides = array<i32>} : memref<4096xf32, #tpu.memory_space<vmem>>, vector<16xf32>,
    %swap3A_556 = vector.shape_cast %swap3A_555 : vector<16xf32> to vector<16xf32>
    %swap3A_557 = vector.shape_cast %mul3A_553 : vector<16xf32> to vector<16xf32>
    tpu.vector_store %arg9[%swap3A_554], %swap3A_557 {strides = array<i32>} : memref<4096xf32, #tpu.memory_space<vmem>>, vector<16xf32>,
    %get3A_558 = arith.constant 176 : index
    %get3A_559 = tpu.vector_load %arg7[%get3A_558] {strides = array<i32>} : memref<1024xi32, #tpu.memory_space<vmem>>, vector<16xi32>,
    %get3A_560 = vector.shape_cast %get3A_559 : vector<16xi32> to vector<16xi32>
    %broadcast_in_dim3A_561 = vector.shape_cast %get3A_560 : vector<16xi32> to vector<16x1xi32>
    %gather3A_562 = vector.shape_cast %broadcast_in_dim3A_561 : vector<16x1xi32> to vector<16xi32>
    %gather3A_563 = tpu.dynamic_gather %div3A_16[%gather3A_562] in [0] : vector<16xf32>, vector<16xi32> -> vector<16xf32>
    %get3A_564 = arith.constant 176 : index
    %get3A_565 = tpu.vector_load %arg6[%get3A_564] {strides = array<i32>} : memref<4096xf32, #tpu.memory_space<vmem>>, vector<16xf32>,
    %get3A_566 = vector.shape_cast %get3A_565 : vector<16xf32> to vector<16xf32>
    %mul3A_567 = arith.mulf %get3A_566, %gather3A_563 : vector<16xf32>
    %swap3A_568 = arith.constant 176 : index
    %swap3A_569 = tpu.vector_load %arg9[%swap3A_568] {strides = array<i32>} : memref<4096xf32, #tpu.memory_space<vmem>>, vector<16xf32>,
    %swap3A_570 = vector.shape_cast %swap3A_569 : vector<16xf32> to vector<16xf32>
    %swap3A_571 = vector.shape_cast %mul3A_567 : vector<16xf32> to vector<16xf32>
    tpu.vector_store %arg9[%swap3A_568], %swap3A_571 {strides = array<i32>} : memref<4096xf32, #tpu.memory_space<vmem>>, vector<16xf32>,
    %broadcast_in_dim3A_572 = vector.shape_cast %get3A_560 : vector<16xi32> to vector<16x1xi32>
    %gather3A_573 = vector.shape_cast %broadcast_in_dim3A_572 : vector<16x1xi32> to vector<16xi32>
    %gather3A_574 = tpu.dynamic_gather %div3A_25[%gather3A_573] in [0] : vector<16xf32>, vector<16xi32> -> vector<16xf32>
    %get3A_575 = arith.constant 1200 : index
    %get3A_576 = tpu.vector_load %arg6[%get3A_575] {strides = array<i32>} : memref<4096xf32, #tpu.memory_space<vmem>>, vector<16xf32>,
    %get3A_577 = vector.shape_cast %get3A_576 : vector<16xf32> to vector<16xf32>
    %mul3A_578 = arith.mulf %get3A_577, %gather3A_574 : vector<16xf32>
    %swap3A_579 = arith.constant 1200 : index
    %swap3A_580 = tpu.vector_load %arg9[%swap3A_579] {strides = array<i32>} : memref<4096xf32, #tpu.memory_space<vmem>>, vector<16xf32>,
    %swap3A_581 = vector.shape_cast %swap3A_580 : vector<16xf32> to vector<16xf32>
    %swap3A_582 = vector.shape_cast %mul3A_578 : vector<16xf32> to vector<16xf32>
    tpu.vector_store %arg9[%swap3A_579], %swap3A_582 {strides = array<i32>} : memref<4096xf32, #tpu.memory_space<vmem>>, vector<16xf32>,
    %broadcast_in_dim3A_583 = vector.shape_cast %get3A_560 : vector<16xi32> to vector<16x1xi32>
    %gather3A_584 = vector.shape_cast %broadcast_in_dim3A_583 : vector<16x1xi32> to vector<16xi32>
    %gather3A_585 = tpu.dynamic_gather %div3A_34[%gather3A_584] in [0] : vector<16xf32>, vector<16xi32> -> vector<16xf32>
    %get3A_586 = arith.constant 2224 : index
    %get3A_587 = tpu.vector_load %arg6[%get3A_586] {strides = array<i32>} : memref<4096xf32, #tpu.memory_space<vmem>>, vector<16xf32>,
    %get3A_588 = vector.shape_cast %get3A_587 : vector<16xf32> to vector<16xf32>
    %mul3A_589 = arith.mulf %get3A_588, %gather3A_585 : vector<16xf32>
    %swap3A_590 = arith.constant 2224 : index
    %swap3A_591 = tpu.vector_load %arg9[%swap3A_590] {strides = array<i32>} : memref<4096xf32, #tpu.memory_space<vmem>>, vector<16xf32>,
    %swap3A_592 = vector.shape_cast %swap3A_591 : vector<16xf32> to vector<16xf32>
    %swap3A_593 = vector.shape_cast %mul3A_589 : vector<16xf32> to vector<16xf32>
    tpu.vector_store %arg9[%swap3A_590], %swap3A_593 {strides = array<i32>} : memref<4096xf32, #tpu.memory_space<vmem>>, vector<16xf32>,
    %broadcast_in_dim3A_594 = vector.shape_cast %get3A_560 : vector<16xi32> to vector<16x1xi32>
    %gather3A_595 = vector.shape_cast %broadcast_in_dim3A_594 : vector<16x1xi32> to vector<16xi32>
    %gather3A_596 = tpu.dynamic_gather %div3A_43[%gather3A_595] in [0] : vector<16xf32>, vector<16xi32> -> vector<16xf32>
    %get3A_597 = arith.constant 3248 : index
    %get3A_598 = tpu.vector_load %arg6[%get3A_597] {strides = array<i32>} : memref<4096xf32, #tpu.memory_space<vmem>>, vector<16xf32>,
    %get3A_599 = vector.shape_cast %get3A_598 : vector<16xf32> to vector<16xf32>
    %mul3A_600 = arith.mulf %get3A_599, %gather3A_596 : vector<16xf32>
    %swap3A_601 = arith.constant 3248 : index
    %swap3A_602 = tpu.vector_load %arg9[%swap3A_601] {strides = array<i32>} : memref<4096xf32, #tpu.memory_space<vmem>>, vector<16xf32>,
    %swap3A_603 = vector.shape_cast %swap3A_602 : vector<16xf32> to vector<16xf32>
    %swap3A_604 = vector.shape_cast %mul3A_600 : vector<16xf32> to vector<16xf32>
    tpu.vector_store %arg9[%swap3A_601], %swap3A_604 {strides = array<i32>} : memref<4096xf32, #tpu.memory_space<vmem>>, vector<16xf32>,
    %get3A_605 = arith.constant 192 : index
    %get3A_606 = tpu.vector_load %arg7[%get3A_605] {strides = array<i32>} : memref<1024xi32, #tpu.memory_space<vmem>>, vector<16xi32>,
    %get3A_607 = vector.shape_cast %get3A_606 : vector<16xi32> to vector<16xi32>
    %broadcast_in_dim3A_608 = vector.shape_cast %get3A_607 : vector<16xi32> to vector<16x1xi32>
    %gather3A_609 = vector.shape_cast %broadcast_in_dim3A_608 : vector<16x1xi32> to vector<16xi32>
    %gather3A_610 = tpu.dynamic_gather %div3A_16[%gather3A_609] in [0] : vector<16xf32>, vector<16xi32> -> vector<16xf32>
    %get3A_611 = arith.constant 192 : index
    %get3A_612 = tpu.vector_load %arg6[%get3A_611] {strides = array<i32>} : memref<4096xf32, #tpu.memory_space<vmem>>, vector<16xf32>,
    %get3A_613 = vector.shape_cast %get3A_612 : vector<16xf32> to vector<16xf32>
    %mul3A_614 = arith.mulf %get3A_613, %gather3A_610 : vector<16xf32>
    %swap3A_615 = arith.constant 192 : index
    %swap3A_616 = tpu.vector_load %arg9[%swap3A_615] {strides = array<i32>} : memref<4096xf32, #tpu.memory_space<vmem>>, vector<16xf32>,
    %swap3A_617 = vector.shape_cast %swap3A_616 : vector<16xf32> to vector<16xf32>
    %swap3A_618 = vector.shape_cast %mul3A_614 : vector<16xf32> to vector<16xf32>
    tpu.vector_store %arg9[%swap3A_615], %swap3A_618 {strides = array<i32>} : memref<4096xf32, #tpu.memory_space<vmem>>, vector<16xf32>,
    %broadcast_in_dim3A_619 = vector.shape_cast %get3A_607 : vector<16xi32> to vector<16x1xi32>
    %gather3A_620 = vector.shape_cast %broadcast_in_dim3A_619 : vector<16x1xi32> to vector<16xi32>
    %gather3A_621 = tpu.dynamic_gather %div3A_25[%gather3A_620] in [0] : vector<16xf32>, vector<16xi32> -> vector<16xf32>
    %get3A_622 = arith.constant 1216 : index
    %get3A_623 = tpu.vector_load %arg6[%get3A_622] {strides = array<i32>} : memref<4096xf32, #tpu.memory_space<vmem>>, vector<16xf32>,
    %get3A_624 = vector.shape_cast %get3A_623 : vector<16xf32> to vector<16xf32>
    %mul3A_625 = arith.mulf %get3A_624, %gather3A_621 : vector<16xf32>
    %swap3A_626 = arith.constant 1216 : index
    %swap3A_627 = tpu.vector_load %arg9[%swap3A_626] {strides = array<i32>} : memref<4096xf32, #tpu.memory_space<vmem>>, vector<16xf32>,
    %swap3A_628 = vector.shape_cast %swap3A_627 : vector<16xf32> to vector<16xf32>
    %swap3A_629 = vector.shape_cast %mul3A_625 : vector<16xf32> to vector<16xf32>
    tpu.vector_store %arg9[%swap3A_626], %swap3A_629 {strides = array<i32>} : memref<4096xf32, #tpu.memory_space<vmem>>, vector<16xf32>,
    %broadcast_in_dim3A_630 = vector.shape_cast %get3A_607 : vector<16xi32> to vector<16x1xi32>
    %gather3A_631 = vector.shape_cast %broadcast_in_dim3A_630 : vector<16x1xi32> to vector<16xi32>
    %gather3A_632 = tpu.dynamic_gather %div3A_34[%gather3A_631] in [0] : vector<16xf32>, vector<16xi32> -> vector<16xf32>
    %get3A_633 = arith.constant 2240 : index
    %get3A_634 = tpu.vector_load %arg6[%get3A_633] {strides = array<i32>} : memref<4096xf32, #tpu.memory_space<vmem>>, vector<16xf32>,
    %get3A_635 = vector.shape_cast %get3A_634 : vector<16xf32> to vector<16xf32>
    %mul3A_636 = arith.mulf %get3A_635, %gather3A_632 : vector<16xf32>
    %swap3A_637 = arith.constant 2240 : index
    %swap3A_638 = tpu.vector_load %arg9[%swap3A_637] {strides = array<i32>} : memref<4096xf32, #tpu.memory_space<vmem>>, vector<16xf32>,
    %swap3A_639 = vector.shape_cast %swap3A_638 : vector<16xf32> to vector<16xf32>
    %swap3A_640 = vector.shape_cast %mul3A_636 : vector<16xf32> to vector<16xf32>
    tpu.vector_store %arg9[%swap3A_637], %swap3A_640 {strides = array<i32>} : memref<4096xf32, #tpu.memory_space<vmem>>, vector<16xf32>,
    %broadcast_in_dim3A_641 = vector.shape_cast %get3A_607 : vector<16xi32> to vector<16x1xi32>
    %gather3A_642 = vector.shape_cast %broadcast_in_dim3A_641 : vector<16x1xi32> to vector<16xi32>
    %gather3A_643 = tpu.dynamic_gather %div3A_43[%gather3A_642] in [0] : vector<16xf32>, vector<16xi32> -> vector<16xf32>
    %get3A_644 = arith.constant 3264 : index
    %get3A_645 = tpu.vector_load %arg6[%get3A_644] {strides = array<i32>} : memref<4096xf32, #tpu.memory_space<vmem>>, vector<16xf32>,
    %get3A_646 = vector.shape_cast %get3A_645 : vector<16xf32> to vector<16xf32>
    %mul3A_647 = arith.mulf %get3A_646, %gather3A_643 : vector<16xf32>
    %swap3A_648 = arith.constant 3264 : index
    %swap3A_649 = tpu.vector_load %arg9[%swap3A_648] {strides = array<i32>} : memref<4096xf32, #tpu.memory_space<vmem>>, vector<16xf32>,
    %swap3A_650 = vector.shape_cast %swap3A_649 : vector<16xf32> to vector<16xf32>
    %swap3A_651 = vector.shape_cast %mul3A_647 : vector<16xf32> to vector<16xf32>
    tpu.vector_store %arg9[%swap3A_648], %swap3A_651 {strides = array<i32>} : memref<4096xf32, #tpu.memory_space<vmem>>, vector<16xf32>,
    %get3A_652 = arith.constant 208 : index
    %get3A_653 = tpu.vector_load %arg7[%get3A_652] {strides = array<i32>} : memref<1024xi32, #tpu.memory_space<vmem>>, vector<16xi32>,
    %get3A_654 = vector.shape_cast %get3A_653 : vector<16xi32> to vector<16xi32>
    %broadcast_in_dim3A_655 = vector.shape_cast %get3A_654 : vector<16xi32> to vector<16x1xi32>
    %gather3A_656 = vector.shape_cast %broadcast_in_dim3A_655 : vector<16x1xi32> to vector<16xi32>
    %gather3A_657 = tpu.dynamic_gather %div3A_16[%gather3A_656] in [0] : vector<16xf32>, vector<16xi32> -> vector<16xf32>
    %get3A_658 = arith.constant 208 : index
    %get3A_659 = tpu.vector_load %arg6[%get3A_658] {strides = array<i32>} : memref<4096xf32, #tpu.memory_space<vmem>>, vector<16xf32>,
    %get3A_660 = vector.shape_cast %get3A_659 : vector<16xf32> to vector<16xf32>
    %mul3A_661 = arith.mulf %get3A_660, %gather3A_657 : vector<16xf32>
    %swap3A_662 = arith.constant 208 : index
    %swap3A_663 = tpu.vector_load %arg9[%swap3A_662] {strides = array<i32>} : memref<4096xf32, #tpu.memory_space<vmem>>, vector<16xf32>,
    %swap3A_664 = vector.shape_cast %swap3A_663 : vector<16xf32> to vector<16xf32>
    %swap3A_665 = vector.shape_cast %mul3A_661 : vector<16xf32> to vector<16xf32>
    tpu.vector_store %arg9[%swap3A_662], %swap3A_665 {strides = array<i32>} : memref<4096xf32, #tpu.memory_space<vmem>>, vector<16xf32>,
    %broadcast_in_dim3A_666 = vector.shape_cast %get3A_654 : vector<16xi32> to vector<16x1xi32>
    %gather3A_667 = vector.shape_cast %broadcast_in_dim3A_666 : vector<16x1xi32> to vector<16xi32>
    %gather3A_668 = tpu.dynamic_gather %div3A_25[%gather3A_667] in [0] : vector<16xf32>, vector<16xi32> -> vector<16xf32>
    %get3A_669 = arith.constant 1232 : index
    %get3A_670 = tpu.vector_load %arg6[%get3A_669] {strides = array<i32>} : memref<4096xf32, #tpu.memory_space<vmem>>, vector<16xf32>,
    %get3A_671 = vector.shape_cast %get3A_670 : vector<16xf32> to vector<16xf32>
    %mul3A_672 = arith.mulf %get3A_671, %gather3A_668 : vector<16xf32>
    %swap3A_673 = arith.constant 1232 : index
    %swap3A_674 = tpu.vector_load %arg9[%swap3A_673] {strides = array<i32>} : memref<4096xf32, #tpu.memory_space<vmem>>, vector<16xf32>,
    %swap3A_675 = vector.shape_cast %swap3A_674 : vector<16xf32> to vector<16xf32>
    %swap3A_676 = vector.shape_cast %mul3A_672 : vector<16xf32> to vector<16xf32>
    tpu.vector_store %arg9[%swap3A_673], %swap3A_676 {strides = array<i32>} : memref<4096xf32, #tpu.memory_space<vmem>>, vector<16xf32>,
    %broadcast_in_dim3A_677 = vector.shape_cast %get3A_654 : vector<16xi32> to vector<16x1xi32>
    %gather3A_678 = vector.shape_cast %broadcast_in_dim3A_677 : vector<16x1xi32> to vector<16xi32>
    %gather3A_679 = tpu.dynamic_gather %div3A_34[%gather3A_678] in [0] : vector<16xf32>, vector<16xi32> -> vector<16xf32>
    %get3A_680 = arith.constant 2256 : index
    %get3A_681 = tpu.vector_load %arg6[%get3A_680] {strides = array<i32>} : memref<4096xf32, #tpu.memory_space<vmem>>, vector<16xf32>,
    %get3A_682 = vector.shape_cast %get3A_681 : vector<16xf32> to vector<16xf32>
    %mul3A_683 = arith.mulf %get3A_682, %gather3A_679 : vector<16xf32>
    %swap3A_684 = arith.constant 2256 : index
    %swap3A_685 = tpu.vector_load %arg9[%swap3A_684] {strides = array<i32>} : memref<4096xf32, #tpu.memory_space<vmem>>, vector<16xf32>,
    %swap3A_686 = vector.shape_cast %swap3A_685 : vector<16xf32> to vector<16xf32>
    %swap3A_687 = vector.shape_cast %mul3A_683 : vector<16xf32> to vector<16xf32>
    tpu.vector_store %arg9[%swap3A_684], %swap3A_687 {strides = array<i32>} : memref<4096xf32, #tpu.memory_space<vmem>>, vector<16xf32>,
    %broadcast_in_dim3A_688 = vector.shape_cast %get3A_654 : vector<16xi32> to vector<16x1xi32>
    %gather3A_689 = vector.shape_cast %broadcast_in_dim3A_688 : vector<16x1xi32> to vector<16xi32>
    %gather3A_690 = tpu.dynamic_gather %div3A_43[%gather3A_689] in [0] : vector<16xf32>, vector<16xi32> -> vector<16xf32>
    %get3A_691 = arith.constant 3280 : index
    %get3A_692 = tpu.vector_load %arg6[%get3A_691] {strides = array<i32>} : memref<4096xf32, #tpu.memory_space<vmem>>, vector<16xf32>,
    %get3A_693 = vector.shape_cast %get3A_692 : vector<16xf32> to vector<16xf32>
    %mul3A_694 = arith.mulf %get3A_693, %gather3A_690 : vector<16xf32>
    %swap3A_695 = arith.constant 3280 : index
    %swap3A_696 = tpu.vector_load %arg9[%swap3A_695] {strides = array<i32>} : memref<4096xf32, #tpu.memory_space<vmem>>, vector<16xf32>,
    %swap3A_697 = vector.shape_cast %swap3A_696 : vector<16xf32> to vector<16xf32>
    %swap3A_698 = vector.shape_cast %mul3A_694 : vector<16xf32> to vector<16xf32>
    tpu.vector_store %arg9[%swap3A_695], %swap3A_698 {strides = array<i32>} : memref<4096xf32, #tpu.memory_space<vmem>>, vector<16xf32>,
    %get3A_699 = arith.constant 224 : index
    %get3A_700 = tpu.vector_load %arg7[%get3A_699] {strides = array<i32>} : memref<1024xi32, #tpu.memory_space<vmem>>, vector<16xi32>,
    %get3A_701 = vector.shape_cast %get3A_700 : vector<16xi32> to vector<16xi32>
    %broadcast_in_dim3A_702 = vector.shape_cast %get3A_701 : vector<16xi32> to vector<16x1xi32>
    %gather3A_703 = vector.shape_cast %broadcast_in_dim3A_702 : vector<16x1xi32> to vector<16xi32>
    %gather3A_704 = tpu.dynamic_gather %div3A_16[%gather3A_703] in [0] : vector<16xf32>, vector<16xi32> -> vector<16xf32>
    %get3A_705 = arith.constant 224 : index
    %get3A_706 = tpu.vector_load %arg6[%get3A_705] {strides = array<i32>} : memref<4096xf32, #tpu.memory_space<vmem>>, vector<16xf32>,
    %get3A_707 = vector.shape_cast %get3A_706 : vector<16xf32> to vector<16xf32>
    %mul3A_708 = arith.mulf %get3A_707, %gather3A_704 : vector<16xf32>
    %swap3A_709 = arith.constant 224 : index
    %swap3A_710 = tpu.vector_load %arg9[%swap3A_709] {strides = array<i32>} : memref<4096xf32, #tpu.memory_space<vmem>>, vector<16xf32>,
    %swap3A_711 = vector.shape_cast %swap3A_710 : vector<16xf32> to vector<16xf32>
    %swap3A_712 = vector.shape_cast %mul3A_708 : vector<16xf32> to vector<16xf32>
    tpu.vector_store %arg9[%swap3A_709], %swap3A_712 {strides = array<i32>} : memref<4096xf32, #tpu.memory_space<vmem>>, vector<16xf32>,
    %broadcast_in_dim3A_713 = vector.shape_cast %get3A_701 : vector<16xi32> to vector<16x1xi32>
    %gather3A_714 = vector.shape_cast %broadcast_in_dim3A_713 : vector<16x1xi32> to vector<16xi32>
    %gather3A_715 = tpu.dynamic_gather %div3A_25[%gather3A_714] in [0] : vector<16xf32>, vector<16xi32> -> vector<16xf32>
    %get3A_716 = arith.constant 1248 : index
    %get3A_717 = tpu.vector_load %arg6[%get3A_716] {strides = array<i32>} : memref<4096xf32, #tpu.memory_space<vmem>>, vector<16xf32>,
    %get3A_718 = vector.shape_cast %get3A_717 : vector<16xf32> to vector<16xf32>
    %mul3A_719 = arith.mulf %get3A_718, %gather3A_715 : vector<16xf32>
    %swap3A_720 = arith.constant 1248 : index
    %swap3A_721 = tpu.vector_load %arg9[%swap3A_720] {strides = array<i32>} : memref<4096xf32, #tpu.memory_space<vmem>>, vector<16xf32>,
    %swap3A_722 = vector.shape_cast %swap3A_721 : vector<16xf32> to vector<16xf32>
    %swap3A_723 = vector.shape_cast %mul3A_719 : vector<16xf32> to vector<16xf32>
    tpu.vector_store %arg9[%swap3A_720], %swap3A_723 {strides = array<i32>} : memref<4096xf32, #tpu.memory_space<vmem>>, vector<16xf32>,
    %broadcast_in_dim3A_724 = vector.shape_cast %get3A_701 : vector<16xi32> to vector<16x1xi32>
    %gather3A_725 = vector.shape_cast %broadcast_in_dim3A_724 : vector<16x1xi32> to vector<16xi32>
    %gather3A_726 = tpu.dynamic_gather %div3A_34[%gather3A_725] in [0] : vector<16xf32>, vector<16xi32> -> vector<16xf32>
    %get3A_727 = arith.constant 2272 : index
    %get3A_728 = tpu.vector_load %arg6[%get3A_727] {strides = array<i32>} : memref<4096xf32, #tpu.memory_space<vmem>>, vector<16xf32>,
    %get3A_729 = vector.shape_cast %get3A_728 : vector<16xf32> to vector<16xf32>
    %mul3A_730 = arith.mulf %get3A_729, %gather3A_726 : vector<16xf32>
    %swap3A_731 = arith.constant 2272 : index
    %swap3A_732 = tpu.vector_load %arg9[%swap3A_731] {strides = array<i32>} : memref<4096xf32, #tpu.memory_space<vmem>>, vector<16xf32>,
    %swap3A_733 = vector.shape_cast %swap3A_732 : vector<16xf32> to vector<16xf32>
    %swap3A_734 = vector.shape_cast %mul3A_730 : vector<16xf32> to vector<16xf32>
    tpu.vector_store %arg9[%swap3A_731], %swap3A_734 {strides = array<i32>} : memref<4096xf32, #tpu.memory_space<vmem>>, vector<16xf32>,
    %broadcast_in_dim3A_735 = vector.shape_cast %get3A_701 : vector<16xi32> to vector<16x1xi32>
    %gather3A_736 = vector.shape_cast %broadcast_in_dim3A_735 : vector<16x1xi32> to vector<16xi32>
    %gather3A_737 = tpu.dynamic_gather %div3A_43[%gather3A_736] in [0] : vector<16xf32>, vector<16xi32> -> vector<16xf32>
    %get3A_738 = arith.constant 3296 : index
    %get3A_739 = tpu.vector_load %arg6[%get3A_738] {strides = array<i32>} : memref<4096xf32, #tpu.memory_space<vmem>>, vector<16xf32>,
    %get3A_740 = vector.shape_cast %get3A_739 : vector<16xf32> to vector<16xf32>
    %mul3A_741 = arith.mulf %get3A_740, %gather3A_737 : vector<16xf32>
    %swap3A_742 = arith.constant 3296 : index
    %swap3A_743 = tpu.vector_load %arg9[%swap3A_742] {strides = array<i32>} : memref<4096xf32, #tpu.memory_space<vmem>>, vector<16xf32>,
    %swap3A_744 = vector.shape_cast %swap3A_743 : vector<16xf32> to vector<16xf32>
    %swap3A_745 = vector.shape_cast %mul3A_741 : vector<16xf32> to vector<16xf32>
    tpu.vector_store %arg9[%swap3A_742], %swap3A_745 {strides = array<i32>} : memref<4096xf32, #tpu.memory_space<vmem>>, vector<16xf32>,
    %get3A_746 = arith.constant 240 : index
    %get3A_747 = tpu.vector_load %arg7[%get3A_746] {strides = array<i32>} : memref<1024xi32, #tpu.memory_space<vmem>>, vector<16xi32>,
    %get3A_748 = vector.shape_cast %get3A_747 : vector<16xi32> to vector<16xi32>
    %broadcast_in_dim3A_749 = vector.shape_cast %get3A_748 : vector<16xi32> to vector<16x1xi32>
    %gather3A_750 = vector.shape_cast %broadcast_in_dim3A_749 : vector<16x1xi32> to vector<16xi32>
    %gather3A_751 = tpu.dynamic_gather %div3A_16[%gather3A_750] in [0] : vector<16xf32>, vector<16xi32> -> vector<16xf32>
    %get3A_752 = arith.constant 240 : index
    %get3A_753 = tpu.vector_load %arg6[%get3A_752] {strides = array<i32>} : memref<4096xf32, #tpu.memory_space<vmem>>, vector<16xf32>,
    %get3A_754 = vector.shape_cast %get3A_753 : vector<16xf32> to vector<16xf32>
    %mul3A_755 = arith.mulf %get3A_754, %gather3A_751 : vector<16xf32>
    %swap3A_756 = arith.constant 240 : index
    %swap3A_757 = tpu.vector_load %arg9[%swap3A_756] {strides = array<i32>} : memref<4096xf32, #tpu.memory_space<vmem>>, vector<16xf32>,
    %swap3A_758 = vector.shape_cast %swap3A_757 : vector<16xf32> to vector<16xf32>
    %swap3A_759 = vector.shape_cast %mul3A_755 : vector<16xf32> to vector<16xf32>
    tpu.vector_store %arg9[%swap3A_756], %swap3A_759 {strides = array<i32>} : memref<4096xf32, #tpu.memory_space<vmem>>, vector<16xf32>,
    %broadcast_in_dim3A_760 = vector.shape_cast %get3A_748 : vector<16xi32> to vector<16x1xi32>
    %gather3A_761 = vector.shape_cast %broadcast_in_dim3A_760 : vector<16x1xi32> to vector<16xi32>
    %gather3A_762 = tpu.dynamic_gather %div3A_25[%gather3A_761] in [0] : vector<16xf32>, vector<16xi32> -> vector<16xf32>
    %get3A_763 = arith.constant 1264 : index
    %get3A_764 = tpu.vector_load %arg6[%get3A_763] {strides = array<i32>} : memref<4096xf32, #tpu.memory_space<vmem>>, vector<16xf32>,
    %get3A_765 = vector.shape_cast %get3A_764 : vector<16xf32> to vector<16xf32>
    %mul3A_766 = arith.mulf %get3A_765, %gather3A_762 : vector<16xf32>
    %swap3A_767 = arith.constant 1264 : index
    %swap3A_768 = tpu.vector_load %arg9[%swap3A_767] {strides = array<i32>} : memref<4096xf32, #tpu.memory_space<vmem>>, vector<16xf32>,
    %swap3A_769 = vector.shape_cast %swap3A_768 : vector<16xf32> to vector<16xf32>
    %swap3A_770 = vector.shape_cast %mul3A_766 : vector<16xf32> to vector<16xf32>
    tpu.vector_store %arg9[%swap3A_767], %swap3A_770 {strides = array<i32>} : memref<4096xf32, #tpu.memory_space<vmem>>, vector<16xf32>,
    %broadcast_in_dim3A_771 = vector.shape_cast %get3A_748 : vector<16xi32> to vector<16x1xi32>
    %gather3A_772 = vector.shape_cast %broadcast_in_dim3A_771 : vector<16x1xi32> to vector<16xi32>
    %gather3A_773 = tpu.dynamic_gather %div3A_34[%gather3A_772] in [0] : vector<16xf32>, vector<16xi32> -> vector<16xf32>
    %get3A_774 = arith.constant 2288 : index
    %get3A_775 = tpu.vector_load %arg6[%get3A_774] {strides = array<i32>} : memref<4096xf32, #tpu.memory_space<vmem>>, vector<16xf32>,
    %get3A_776 = vector.shape_cast %get3A_775 : vector<16xf32> to vector<16xf32>
    %mul3A_777 = arith.mulf %get3A_776, %gather3A_773 : vector<16xf32>
    %swap3A_778 = arith.constant 2288 : index
    %swap3A_779 = tpu.vector_load %arg9[%swap3A_778] {strides = array<i32>} : memref<4096xf32, #tpu.memory_space<vmem>>, vector<16xf32>,
    %swap3A_780 = vector.shape_cast %swap3A_779 : vector<16xf32> to vector<16xf32>
    %swap3A_781 = vector.shape_cast %mul3A_777 : vector<16xf32> to vector<16xf32>
    tpu.vector_store %arg9[%swap3A_778], %swap3A_781 {strides = array<i32>} : memref<4096xf32, #tpu.memory_space<vmem>>, vector<16xf32>,
    %broadcast_in_dim3A_782 = vector.shape_cast %get3A_748 : vector<16xi32> to vector<16x1xi32>
    %gather3A_783 = vector.shape_cast %broadcast_in_dim3A_782 : vector<16x1xi32> to vector<16xi32>
    %gather3A_784 = tpu.dynamic_gather %div3A_43[%gather3A_783] in [0] : vector<16xf32>, vector<16xi32> -> vector<16xf32>
    %get3A_785 = arith.constant 3312 : index
    %get3A_786 = tpu.vector_load %arg6[%get3A_785] {strides = array<i32>} : memref<4096xf32, #tpu.memory_space<vmem>>, vector<16xf32>,
    %get3A_787 = vector.shape_cast %get3A_786 : vector<16xf32> to vector<16xf32>
    %mul3A_788 = arith.mulf %get3A_787, %gather3A_784 : vector<16xf32>
    %swap3A_789 = arith.constant 3312 : index
    %swap3A_790 = tpu.vector_load %arg9[%swap3A_789] {strides = array<i32>} : memref<4096xf32, #tpu.memory_space<vmem>>, vector<16xf32>,
    %swap3A_791 = vector.shape_cast %swap3A_790 : vector<16xf32> to vector<16xf32>
    %swap3A_792 = vector.shape_cast %mul3A_788 : vector<16xf32> to vector<16xf32>
    tpu.vector_store %arg9[%swap3A_789], %swap3A_792 {strides = array<i32>} : memref<4096xf32, #tpu.memory_space<vmem>>, vector<16xf32>,
    %get3A_793 = arith.constant 256 : index
    %get3A_794 = tpu.vector_load %arg7[%get3A_793] {strides = array<i32>} : memref<1024xi32, #tpu.memory_space<vmem>>, vector<16xi32>,
    %get3A_795 = vector.shape_cast %get3A_794 : vector<16xi32> to vector<16xi32>
    %broadcast_in_dim3A_796 = vector.shape_cast %get3A_795 : vector<16xi32> to vector<16x1xi32>
    %gather3A_797 = vector.shape_cast %broadcast_in_dim3A_796 : vector<16x1xi32> to vector<16xi32>
    %gather3A_798 = tpu.dynamic_gather %div3A_16[%gather3A_797] in [0] : vector<16xf32>, vector<16xi32> -> vector<16xf32>
    %get3A_799 = arith.constant 256 : index
    %get3A_800 = tpu.vector_load %arg6[%get3A_799] {strides = array<i32>} : memref<4096xf32, #tpu.memory_space<vmem>>, vector<16xf32>,
    %get3A_801 = vector.shape_cast %get3A_800 : vector<16xf32> to vector<16xf32>
    %mul3A_802 = arith.mulf %get3A_801, %gather3A_798 : vector<16xf32>
    %swap3A_803 = arith.constant 256 : index
    %swap3A_804 = tpu.vector_load %arg9[%swap3A_803] {strides = array<i32>} : memref<4096xf32, #tpu.memory_space<vmem>>, vector<16xf32>,
    %swap3A_805 = vector.shape_cast %swap3A_804 : vector<16xf32> to vector<16xf32>
    %swap3A_806 = vector.shape_cast %mul3A_802 : vector<16xf32> to vector<16xf32>
    tpu.vector_store %arg9[%swap3A_803], %swap3A_806 {strides = array<i32>} : memref<4096xf32, #tpu.memory_space<vmem>>, vector<16xf32>,
    %broadcast_in_dim3A_807 = vector.shape_cast %get3A_795 : vector<16xi32> to vector<16x1xi32>
    %gather3A_808 = vector.shape_cast %broadcast_in_dim3A_807 : vector<16x1xi32> to vector<16xi32>
    %gather3A_809 = tpu.dynamic_gather %div3A_25[%gather3A_808] in [0] : vector<16xf32>, vector<16xi32> -> vector<16xf32>
    %get3A_810 = arith.constant 1280 : index
    %get3A_811 = tpu.vector_load %arg6[%get3A_810] {strides = array<i32>} : memref<4096xf32, #tpu.memory_space<vmem>>, vector<16xf32>,
    %get3A_812 = vector.shape_cast %get3A_811 : vector<16xf32> to vector<16xf32>
    %mul3A_813 = arith.mulf %get3A_812, %gather3A_809 : vector<16xf32>
    %swap3A_814 = arith.constant 1280 : index
    %swap3A_815 = tpu.vector_load %arg9[%swap3A_814] {strides = array<i32>} : memref<4096xf32, #tpu.memory_space<vmem>>, vector<16xf32>,
    %swap3A_816 = vector.shape_cast %swap3A_815 : vector<16xf32> to vector<16xf32>
    %swap3A_817 = vector.shape_cast %mul3A_813 : vector<16xf32> to vector<16xf32>
    tpu.vector_store %arg9[%swap3A_814], %swap3A_817 {strides = array<i32>} : memref<4096xf32, #tpu.memory_space<vmem>>, vector<16xf32>,
    %broadcast_in_dim3A_818 = vector.shape_cast %get3A_795 : vector<16xi32> to vector<16x1xi32>
    %gather3A_819 = vector.shape_cast %broadcast_in_dim3A_818 : vector<16x1xi32> to vector<16xi32>
    %gather3A_820 = tpu.dynamic_gather %div3A_34[%gather3A_819] in [0] : vector<16xf32>, vector<16xi32> -> vector<16xf32>
    %get3A_821 = arith.constant 2304 : index
    %get3A_822 = tpu.vector_load %arg6[%get3A_821] {strides = array<i32>} : memref<4096xf32, #tpu.memory_space<vmem>>, vector<16xf32>,
    %get3A_823 = vector.shape_cast %get3A_822 : vector<16xf32> to vector<16xf32>
    %mul3A_824 = arith.mulf %get3A_823, %gather3A_820 : vector<16xf32>
    %swap3A_825 = arith.constant 2304 : index
    %swap3A_826 = tpu.vector_load %arg9[%swap3A_825] {strides = array<i32>} : memref<4096xf32, #tpu.memory_space<vmem>>, vector<16xf32>,
    %swap3A_827 = vector.shape_cast %swap3A_826 : vector<16xf32> to vector<16xf32>
    %swap3A_828 = vector.shape_cast %mul3A_824 : vector<16xf32> to vector<16xf32>
    tpu.vector_store %arg9[%swap3A_825], %swap3A_828 {strides = array<i32>} : memref<4096xf32, #tpu.memory_space<vmem>>, vector<16xf32>,
    %broadcast_in_dim3A_829 = vector.shape_cast %get3A_795 : vector<16xi32> to vector<16x1xi32>
    %gather3A_830 = vector.shape_cast %broadcast_in_dim3A_829 : vector<16x1xi32> to vector<16xi32>
    %gather3A_831 = tpu.dynamic_gather %div3A_43[%gather3A_830] in [0] : vector<16xf32>, vector<16xi32> -> vector<16xf32>
    %get3A_832 = arith.constant 3328 : index
    %get3A_833 = tpu.vector_load %arg6[%get3A_832] {strides = array<i32>} : memref<4096xf32, #tpu.memory_space<vmem>>, vector<16xf32>,
    %get3A_834 = vector.shape_cast %get3A_833 : vector<16xf32> to vector<16xf32>
    %mul3A_835 = arith.mulf %get3A_834, %gather3A_831 : vector<16xf32>
    %swap3A_836 = arith.constant 3328 : index
    %swap3A_837 = tpu.vector_load %arg9[%swap3A_836] {strides = array<i32>} : memref<4096xf32, #tpu.memory_space<vmem>>, vector<16xf32>,
    %swap3A_838 = vector.shape_cast %swap3A_837 : vector<16xf32> to vector<16xf32>
    %swap3A_839 = vector.shape_cast %mul3A_835 : vector<16xf32> to vector<16xf32>
    tpu.vector_store %arg9[%swap3A_836], %swap3A_839 {strides = array<i32>} : memref<4096xf32, #tpu.memory_space<vmem>>, vector<16xf32>,
    %get3A_840 = arith.constant 272 : index
    %get3A_841 = tpu.vector_load %arg7[%get3A_840] {strides = array<i32>} : memref<1024xi32, #tpu.memory_space<vmem>>, vector<16xi32>,
    %get3A_842 = vector.shape_cast %get3A_841 : vector<16xi32> to vector<16xi32>
    %broadcast_in_dim3A_843 = vector.shape_cast %get3A_842 : vector<16xi32> to vector<16x1xi32>
    %gather3A_844 = vector.shape_cast %broadcast_in_dim3A_843 : vector<16x1xi32> to vector<16xi32>
    %gather3A_845 = tpu.dynamic_gather %div3A_16[%gather3A_844] in [0] : vector<16xf32>, vector<16xi32> -> vector<16xf32>
    %get3A_846 = arith.constant 272 : index
    %get3A_847 = tpu.vector_load %arg6[%get3A_846] {strides = array<i32>} : memref<4096xf32, #tpu.memory_space<vmem>>, vector<16xf32>,
    %get3A_848 = vector.shape_cast %get3A_847 : vector<16xf32> to vector<16xf32>
    %mul3A_849 = arith.mulf %get3A_848, %gather3A_845 : vector<16xf32>
    %swap3A_850 = arith.constant 272 : index
    %swap3A_851 = tpu.vector_load %arg9[%swap3A_850] {strides = array<i32>} : memref<4096xf32, #tpu.memory_space<vmem>>, vector<16xf32>,
    %swap3A_852 = vector.shape_cast %swap3A_851 : vector<16xf32> to vector<16xf32>
    %swap3A_853 = vector.shape_cast %mul3A_849 : vector<16xf32> to vector<16xf32>
    tpu.vector_store %arg9[%swap3A_850], %swap3A_853 {strides = array<i32>} : memref<4096xf32, #tpu.memory_space<vmem>>, vector<16xf32>,
    %broadcast_in_dim3A_854 = vector.shape_cast %get3A_842 : vector<16xi32> to vector<16x1xi32>
    %gather3A_855 = vector.shape_cast %broadcast_in_dim3A_854 : vector<16x1xi32> to vector<16xi32>
    %gather3A_856 = tpu.dynamic_gather %div3A_25[%gather3A_855] in [0] : vector<16xf32>, vector<16xi32> -> vector<16xf32>
    %get3A_857 = arith.constant 1296 : index
    %get3A_858 = tpu.vector_load %arg6[%get3A_857] {strides = array<i32>} : memref<4096xf32, #tpu.memory_space<vmem>>, vector<16xf32>,
    %get3A_859 = vector.shape_cast %get3A_858 : vector<16xf32> to vector<16xf32>
    %mul3A_860 = arith.mulf %get3A_859, %gather3A_856 : vector<16xf32>
    %swap3A_861 = arith.constant 1296 : index
    %swap3A_862 = tpu.vector_load %arg9[%swap3A_861] {strides = array<i32>} : memref<4096xf32, #tpu.memory_space<vmem>>, vector<16xf32>,
    %swap3A_863 = vector.shape_cast %swap3A_862 : vector<16xf32> to vector<16xf32>
    %swap3A_864 = vector.shape_cast %mul3A_860 : vector<16xf32> to vector<16xf32>
    tpu.vector_store %arg9[%swap3A_861], %swap3A_864 {strides = array<i32>} : memref<4096xf32, #tpu.memory_space<vmem>>, vector<16xf32>,
    %broadcast_in_dim3A_865 = vector.shape_cast %get3A_842 : vector<16xi32> to vector<16x1xi32>
    %gather3A_866 = vector.shape_cast %broadcast_in_dim3A_865 : vector<16x1xi32> to vector<16xi32>
    %gather3A_867 = tpu.dynamic_gather %div3A_34[%gather3A_866] in [0] : vector<16xf32>, vector<16xi32> -> vector<16xf32>
    %get3A_868 = arith.constant 2320 : index
    %get3A_869 = tpu.vector_load %arg6[%get3A_868] {strides = array<i32>} : memref<4096xf32, #tpu.memory_space<vmem>>, vector<16xf32>,
    %get3A_870 = vector.shape_cast %get3A_869 : vector<16xf32> to vector<16xf32>
    %mul3A_871 = arith.mulf %get3A_870, %gather3A_867 : vector<16xf32>
    %swap3A_872 = arith.constant 2320 : index
    %swap3A_873 = tpu.vector_load %arg9[%swap3A_872] {strides = array<i32>} : memref<4096xf32, #tpu.memory_space<vmem>>, vector<16xf32>,
    %swap3A_874 = vector.shape_cast %swap3A_873 : vector<16xf32> to vector<16xf32>
    %swap3A_875 = vector.shape_cast %mul3A_871 : vector<16xf32> to vector<16xf32>
    tpu.vector_store %arg9[%swap3A_872], %swap3A_875 {strides = array<i32>} : memref<4096xf32, #tpu.memory_space<vmem>>, vector<16xf32>,
    %broadcast_in_dim3A_876 = vector.shape_cast %get3A_842 : vector<16xi32> to vector<16x1xi32>
    %gather3A_877 = vector.shape_cast %broadcast_in_dim3A_876 : vector<16x1xi32> to vector<16xi32>
    %gather3A_878 = tpu.dynamic_gather %div3A_43[%gather3A_877] in [0] : vector<16xf32>, vector<16xi32> -> vector<16xf32>
    %get3A_879 = arith.constant 3344 : index
    %get3A_880 = tpu.vector_load %arg6[%get3A_879] {strides = array<i32>} : memref<4096xf32, #tpu.memory_space<vmem>>, vector<16xf32>,
    %get3A_881 = vector.shape_cast %get3A_880 : vector<16xf32> to vector<16xf32>
    %mul3A_882 = arith.mulf %get3A_881, %gather3A_878 : vector<16xf32>
    %swap3A_883 = arith.constant 3344 : index
    %swap3A_884 = tpu.vector_load %arg9[%swap3A_883] {strides = array<i32>} : memref<4096xf32, #tpu.memory_space<vmem>>, vector<16xf32>,
    %swap3A_885 = vector.shape_cast %swap3A_884 : vector<16xf32> to vector<16xf32>
    %swap3A_886 = vector.shape_cast %mul3A_882 : vector<16xf32> to vector<16xf32>
    tpu.vector_store %arg9[%swap3A_883], %swap3A_886 {strides = array<i32>} : memref<4096xf32, #tpu.memory_space<vmem>>, vector<16xf32>,
    %get3A_887 = arith.constant 288 : index
    %get3A_888 = tpu.vector_load %arg7[%get3A_887] {strides = array<i32>} : memref<1024xi32, #tpu.memory_space<vmem>>, vector<16xi32>,
    %get3A_889 = vector.shape_cast %get3A_888 : vector<16xi32> to vector<16xi32>
    %broadcast_in_dim3A_890 = vector.shape_cast %get3A_889 : vector<16xi32> to vector<16x1xi32>
    %gather3A_891 = vector.shape_cast %broadcast_in_dim3A_890 : vector<16x1xi32> to vector<16xi32>
    %gather3A_892 = tpu.dynamic_gather %div3A_16[%gather3A_891] in [0] : vector<16xf32>, vector<16xi32> -> vector<16xf32>
    %get3A_893 = arith.constant 288 : index
    %get3A_894 = tpu.vector_load %arg6[%get3A_893] {strides = array<i32>} : memref<4096xf32, #tpu.memory_space<vmem>>, vector<16xf32>,
    %get3A_895 = vector.shape_cast %get3A_894 : vector<16xf32> to vector<16xf32>
    %mul3A_896 = arith.mulf %get3A_895, %gather3A_892 : vector<16xf32>
    %swap3A_897 = arith.constant 288 : index
    %swap3A_898 = tpu.vector_load %arg9[%swap3A_897] {strides = array<i32>} : memref<4096xf32, #tpu.memory_space<vmem>>, vector<16xf32>,
    %swap3A_899 = vector.shape_cast %swap3A_898 : vector<16xf32> to vector<16xf32>
    %swap3A_900 = vector.shape_cast %mul3A_896 : vector<16xf32> to vector<16xf32>
    tpu.vector_store %arg9[%swap3A_897], %swap3A_900 {strides = array<i32>} : memref<4096xf32, #tpu.memory_space<vmem>>, vector<16xf32>,
    %broadcast_in_dim3A_901 = vector.shape_cast %get3A_889 : vector<16xi32> to vector<16x1xi32>
    %gather3A_902 = vector.shape_cast %broadcast_in_dim3A_901 : vector<16x1xi32> to vector<16xi32>
    %gather3A_903 = tpu.dynamic_gather %div3A_25[%gather3A_902] in [0] : vector<16xf32>, vector<16xi32> -> vector<16xf32>
    %get3A_904 = arith.constant 1312 : index
    %get3A_905 = tpu.vector_load %arg6[%get3A_904] {strides = array<i32>} : memref<4096xf32, #tpu.memory_space<vmem>>, vector<16xf32>,
    %get3A_906 = vector.shape_cast %get3A_905 : vector<16xf32> to vector<16xf32>
    %mul3A_907 = arith.mulf %get3A_906, %gather3A_903 : vector<16xf32>
    %swap3A_908 = arith.constant 1312 : index
    %swap3A_909 = tpu.vector_load %arg9[%swap3A_908] {strides = array<i32>} : memref<4096xf32, #tpu.memory_space<vmem>>, vector<16xf32>,
    %swap3A_910 = vector.shape_cast %swap3A_909 : vector<16xf32> to vector<16xf32>
    %swap3A_911 = vector.shape_cast %mul3A_907 : vector<16xf32> to vector<16xf32>
    tpu.vector_store %arg9[%swap3A_908], %swap3A_911 {strides = array<i32>} : memref<4096xf32, #tpu.memory_space<vmem>>, vector<16xf32>,
    %broadcast_in_dim3A_912 = vector.shape_cast %get3A_889 : vector<16xi32> to vector<16x1xi32>
    %gather3A_913 = vector.shape_cast %broadcast_in_dim3A_912 : vector<16x1xi32> to vector<16xi32>
    %gather3A_914 = tpu.dynamic_gather %div3A_34[%gather3A_913] in [0] : vector<16xf32>, vector<16xi32> -> vector<16xf32>
    %get3A_915 = arith.constant 2336 : index
    %get3A_916 = tpu.vector_load %arg6[%get3A_915] {strides = array<i32>} : memref<4096xf32, #tpu.memory_space<vmem>>, vector<16xf32>,
    %get3A_917 = vector.shape_cast %get3A_916 : vector<16xf32> to vector<16xf32>
    %mul3A_918 = arith.mulf %get3A_917, %gather3A_914 : vector<16xf32>
    %swap3A_919 = arith.constant 2336 : index
    %swap3A_920 = tpu.vector_load %arg9[%swap3A_919] {strides = array<i32>} : memref<4096xf32, #tpu.memory_space<vmem>>, vector<16xf32>,
    %swap3A_921 = vector.shape_cast %swap3A_920 : vector<16xf32> to vector<16xf32>
    %swap3A_922 = vector.shape_cast %mul3A_918 : vector<16xf32> to vector<16xf32>
    tpu.vector_store %arg9[%swap3A_919], %swap3A_922 {strides = array<i32>} : memref<4096xf32, #tpu.memory_space<vmem>>, vector<16xf32>,
    %broadcast_in_dim3A_923 = vector.shape_cast %get3A_889 : vector<16xi32> to vector<16x1xi32>
    %gather3A_924 = vector.shape_cast %broadcast_in_dim3A_923 : vector<16x1xi32> to vector<16xi32>
    %gather3A_925 = tpu.dynamic_gather %div3A_43[%gather3A_924] in [0] : vector<16xf32>, vector<16xi32> -> vector<16xf32>
    %get3A_926 = arith.constant 3360 : index
    %get3A_927 = tpu.vector_load %arg6[%get3A_926] {strides = array<i32>} : memref<4096xf32, #tpu.memory_space<vmem>>, vector<16xf32>,
    %get3A_928 = vector.shape_cast %get3A_927 : vector<16xf32> to vector<16xf32>
    %mul3A_929 = arith.mulf %get3A_928, %gather3A_925 : vector<16xf32>
    %swap3A_930 = arith.constant 3360 : index
    %swap3A_931 = tpu.vector_load %arg9[%swap3A_930] {strides = array<i32>} : memref<4096xf32, #tpu.memory_space<vmem>>, vector<16xf32>,
    %swap3A_932 = vector.shape_cast %swap3A_931 : vector<16xf32> to vector<16xf32>
    %swap3A_933 = vector.shape_cast %mul3A_929 : vector<16xf32> to vector<16xf32>
    tpu.vector_store %arg9[%swap3A_930], %swap3A_933 {strides = array<i32>} : memref<4096xf32, #tpu.memory_space<vmem>>, vector<16xf32>,
    %get3A_934 = arith.constant 304 : index
    %get3A_935 = tpu.vector_load %arg7[%get3A_934] {strides = array<i32>} : memref<1024xi32, #tpu.memory_space<vmem>>, vector<16xi32>,
    %get3A_936 = vector.shape_cast %get3A_935 : vector<16xi32> to vector<16xi32>
    %broadcast_in_dim3A_937 = vector.shape_cast %get3A_936 : vector<16xi32> to vector<16x1xi32>
    %gather3A_938 = vector.shape_cast %broadcast_in_dim3A_937 : vector<16x1xi32> to vector<16xi32>
    %gather3A_939 = tpu.dynamic_gather %div3A_16[%gather3A_938] in [0] : vector<16xf32>, vector<16xi32> -> vector<16xf32>
    %get3A_940 = arith.constant 304 : index
    %get3A_941 = tpu.vector_load %arg6[%get3A_940] {strides = array<i32>} : memref<4096xf32, #tpu.memory_space<vmem>>, vector<16xf32>,
    %get3A_942 = vector.shape_cast %get3A_941 : vector<16xf32> to vector<16xf32>
    %mul3A_943 = arith.mulf %get3A_942, %gather3A_939 : vector<16xf32>
    %swap3A_944 = arith.constant 304 : index
    %swap3A_945 = tpu.vector_load %arg9[%swap3A_944] {strides = array<i32>} : memref<4096xf32, #tpu.memory_space<vmem>>, vector<16xf32>,
    %swap3A_946 = vector.shape_cast %swap3A_945 : vector<16xf32> to vector<16xf32>
    %swap3A_947 = vector.shape_cast %mul3A_943 : vector<16xf32> to vector<16xf32>
    tpu.vector_store %arg9[%swap3A_944], %swap3A_947 {strides = array<i32>} : memref<4096xf32, #tpu.memory_space<vmem>>, vector<16xf32>,
    %broadcast_in_dim3A_948 = vector.shape_cast %get3A_936 : vector<16xi32> to vector<16x1xi32>
    %gather3A_949 = vector.shape_cast %broadcast_in_dim3A_948 : vector<16x1xi32> to vector<16xi32>
    %gather3A_950 = tpu.dynamic_gather %div3A_25[%gather3A_949] in [0] : vector<16xf32>, vector<16xi32> -> vector<16xf32>
    %get3A_951 = arith.constant 1328 : index
    %get3A_952 = tpu.vector_load %arg6[%get3A_951] {strides = array<i32>} : memref<4096xf32, #tpu.memory_space<vmem>>, vector<16xf32>,
    %get3A_953 = vector.shape_cast %get3A_952 : vector<16xf32> to vector<16xf32>
    %mul3A_954 = arith.mulf %get3A_953, %gather3A_950 : vector<16xf32>
    %swap3A_955 = arith.constant 1328 : index
    %swap3A_956 = tpu.vector_load %arg9[%swap3A_955] {strides = array<i32>} : memref<4096xf32, #tpu.memory_space<vmem>>, vector<16xf32>,
    %swap3A_957 = vector.shape_cast %swap3A_956 : vector<16xf32> to vector<16xf32>
    %swap3A_958 = vector.shape_cast %mul3A_954 : vector<16xf32> to vector<16xf32>
    tpu.vector_store %arg9[%swap3A_955], %swap3A_958 {strides = array<i32>} : memref<4096xf32, #tpu.memory_space<vmem>>, vector<16xf32>,
    %broadcast_in_dim3A_959 = vector.shape_cast %get3A_936 : vector<16xi32> to vector<16x1xi32>
    %gather3A_960 = vector.shape_cast %broadcast_in_dim3A_959 : vector<16x1xi32> to vector<16xi32>
    %gather3A_961 = tpu.dynamic_gather %div3A_34[%gather3A_960] in [0] : vector<16xf32>, vector<16xi32> -> vector<16xf32>
    %get3A_962 = arith.constant 2352 : index
    %get3A_963 = tpu.vector_load %arg6[%get3A_962] {strides = array<i32>} : memref<4096xf32, #tpu.memory_space<vmem>>, vector<16xf32>,
    %get3A_964 = vector.shape_cast %get3A_963 : vector<16xf32> to vector<16xf32>
    %mul3A_965 = arith.mulf %get3A_964, %gather3A_961 : vector<16xf32>
    %swap3A_966 = arith.constant 2352 : index
    %swap3A_967 = tpu.vector_load %arg9[%swap3A_966] {strides = array<i32>} : memref<4096xf32, #tpu.memory_space<vmem>>, vector<16xf32>,
    %swap3A_968 = vector.shape_cast %swap3A_967 : vector<16xf32> to vector<16xf32>
    %swap3A_969 = vector.shape_cast %mul3A_965 : vector<16xf32> to vector<16xf32>
    tpu.vector_store %arg9[%swap3A_966], %swap3A_969 {strides = array<i32>} : memref<4096xf32, #tpu.memory_space<vmem>>, vector<16xf32>,
    %broadcast_in_dim3A_970 = vector.shape_cast %get3A_936 : vector<16xi32> to vector<16x1xi32>
    %gather3A_971 = vector.shape_cast %broadcast_in_dim3A_970 : vector<16x1xi32> to vector<16xi32>
    %gather3A_972 = tpu.dynamic_gather %div3A_43[%gather3A_971] in [0] : vector<16xf32>, vector<16xi32> -> vector<16xf32>
    %get3A_973 = arith.constant 3376 : index
    %get3A_974 = tpu.vector_load %arg6[%get3A_973] {strides = array<i32>} : memref<4096xf32, #tpu.memory_space<vmem>>, vector<16xf32>,
    %get3A_975 = vector.shape_cast %get3A_974 : vector<16xf32> to vector<16xf32>
    %mul3A_976 = arith.mulf %get3A_975, %gather3A_972 : vector<16xf32>
    %swap3A_977 = arith.constant 3376 : index
    %swap3A_978 = tpu.vector_load %arg9[%swap3A_977] {strides = array<i32>} : memref<4096xf32, #tpu.memory_space<vmem>>, vector<16xf32>,
    %swap3A_979 = vector.shape_cast %swap3A_978 : vector<16xf32> to vector<16xf32>
    %swap3A_980 = vector.shape_cast %mul3A_976 : vector<16xf32> to vector<16xf32>
    tpu.vector_store %arg9[%swap3A_977], %swap3A_980 {strides = array<i32>} : memref<4096xf32, #tpu.memory_space<vmem>>, vector<16xf32>,
    %get3A_981 = arith.constant 320 : index
    %get3A_982 = tpu.vector_load %arg7[%get3A_981] {strides = array<i32>} : memref<1024xi32, #tpu.memory_space<vmem>>, vector<16xi32>,
    %get3A_983 = vector.shape_cast %get3A_982 : vector<16xi32> to vector<16xi32>
    %broadcast_in_dim3A_984 = vector.shape_cast %get3A_983 : vector<16xi32> to vector<16x1xi32>
    %gather3A_985 = vector.shape_cast %broadcast_in_dim3A_984 : vector<16x1xi32> to vector<16xi32>
    %gather3A_986 = tpu.dynamic_gather %div3A_16[%gather3A_985] in [0] : vector<16xf32>, vector<16xi32> -> vector<16xf32>
    %get3A_987 = arith.constant 320 : index
    %get3A_988 = tpu.vector_load %arg6[%get3A_987] {strides = array<i32>} : memref<4096xf32, #tpu.memory_space<vmem>>, vector<16xf32>,
    %get3A_989 = vector.shape_cast %get3A_988 : vector<16xf32> to vector<16xf32>
    %mul3A_990 = arith.mulf %get3A_989, %gather3A_986 : vector<16xf32>
    %swap3A_991 = arith.constant 320 : index
    %swap3A_992 = tpu.vector_load %arg9[%swap3A_991] {strides = array<i32>} : memref<4096xf32, #tpu.memory_space<vmem>>, vector<16xf32>,
    %swap3A_993 = vector.shape_cast %swap3A_992 : vector<16xf32> to vector<16xf32>
    %swap3A_994 = vector.shape_cast %mul3A_990 : vector<16xf32> to vector<16xf32>
    tpu.vector_store %arg9[%swap3A_991], %swap3A_994 {strides = array<i32>} : memref<4096xf32, #tpu.memory_space<vmem>>, vector<16xf32>,
    %broadcast_in_dim3A_995 = vector.shape_cast %get3A_983 : vector<16xi32> to vector<16x1xi32>
    %gather3A_996 = vector.shape_cast %broadcast_in_dim3A_995 : vector<16x1xi32> to vector<16xi32>
    %gather3A_997 = tpu.dynamic_gather %div3A_25[%gather3A_996] in [0] : vector<16xf32>, vector<16xi32> -> vector<16xf32>
    %get3A_998 = arith.constant 1344 : index
    %get3A_999 = tpu.vector_load %arg6[%get3A_998] {strides = array<i32>} : memref<4096xf32, #tpu.memory_space<vmem>>, vector<16xf32>,
    %get3A_1000 = vector.shape_cast %get3A_999 : vector<16xf32> to vector<16xf32>
    %mul3A_1001 = arith.mulf %get3A_1000, %gather3A_997 : vector<16xf32>
    %swap3A_1002 = arith.constant 1344 : index
    %swap3A_1003 = tpu.vector_load %arg9[%swap3A_1002] {strides = array<i32>} : memref<4096xf32, #tpu.memory_space<vmem>>, vector<16xf32>,
    %swap3A_1004 = vector.shape_cast %swap3A_1003 : vector<16xf32> to vector<16xf32>
    %swap3A_1005 = vector.shape_cast %mul3A_1001 : vector<16xf32> to vector<16xf32>
    tpu.vector_store %arg9[%swap3A_1002], %swap3A_1005 {strides = array<i32>} : memref<4096xf32, #tpu.memory_space<vmem>>, vector<16xf32>,
    %broadcast_in_dim3A_1006 = vector.shape_cast %get3A_983 : vector<16xi32> to vector<16x1xi32>
    %gather3A_1007 = vector.shape_cast %broadcast_in_dim3A_1006 : vector<16x1xi32> to vector<16xi32>
    %gather3A_1008 = tpu.dynamic_gather %div3A_34[%gather3A_1007] in [0] : vector<16xf32>, vector<16xi32> -> vector<16xf32>
    %get3A_1009 = arith.constant 2368 : index
    %get3A_1010 = tpu.vector_load %arg6[%get3A_1009] {strides = array<i32>} : memref<4096xf32, #tpu.memory_space<vmem>>, vector<16xf32>,
    %get3A_1011 = vector.shape_cast %get3A_1010 : vector<16xf32> to vector<16xf32>
    %mul3A_1012 = arith.mulf %get3A_1011, %gather3A_1008 : vector<16xf32>
    %swap3A_1013 = arith.constant 2368 : index
    %swap3A_1014 = tpu.vector_load %arg9[%swap3A_1013] {strides = array<i32>} : memref<4096xf32, #tpu.memory_space<vmem>>, vector<16xf32>,
    %swap3A_1015 = vector.shape_cast %swap3A_1014 : vector<16xf32> to vector<16xf32>
    %swap3A_1016 = vector.shape_cast %mul3A_1012 : vector<16xf32> to vector<16xf32>
    tpu.vector_store %arg9[%swap3A_1013], %swap3A_1016 {strides = array<i32>} : memref<4096xf32, #tpu.memory_space<vmem>>, vector<16xf32>,
    %broadcast_in_dim3A_1017 = vector.shape_cast %get3A_983 : vector<16xi32> to vector<16x1xi32>
    %gather3A_1018 = vector.shape_cast %broadcast_in_dim3A_1017 : vector<16x1xi32> to vector<16xi32>
    %gather3A_1019 = tpu.dynamic_gather %div3A_43[%gather3A_1018] in [0] : vector<16xf32>, vector<16xi32> -> vector<16xf32>
    %get3A_1020 = arith.constant 3392 : index
    %get3A_1021 = tpu.vector_load %arg6[%get3A_1020] {strides = array<i32>} : memref<4096xf32, #tpu.memory_space<vmem>>, vector<16xf32>,
    %get3A_1022 = vector.shape_cast %get3A_1021 : vector<16xf32> to vector<16xf32>
    %mul3A_1023 = arith.mulf %get3A_1022, %gather3A_1019 : vector<16xf32>
    %swap3A_1024 = arith.constant 3392 : index
    %swap3A_1025 = tpu.vector_load %arg9[%swap3A_1024] {strides = array<i32>} : memref<4096xf32, #tpu.memory_space<vmem>>, vector<16xf32>,
    %swap3A_1026 = vector.shape_cast %swap3A_1025 : vector<16xf32> to vector<16xf32>
    %swap3A_1027 = vector.shape_cast %mul3A_1023 : vector<16xf32> to vector<16xf32>
    tpu.vector_store %arg9[%swap3A_1024], %swap3A_1027 {strides = array<i32>} : memref<4096xf32, #tpu.memory_space<vmem>>, vector<16xf32>,
    %get3A_1028 = arith.constant 336 : index
    %get3A_1029 = tpu.vector_load %arg7[%get3A_1028] {strides = array<i32>} : memref<1024xi32, #tpu.memory_space<vmem>>, vector<16xi32>,
    %get3A_1030 = vector.shape_cast %get3A_1029 : vector<16xi32> to vector<16xi32>
    %broadcast_in_dim3A_1031 = vector.shape_cast %get3A_1030 : vector<16xi32> to vector<16x1xi32>
    %gather3A_1032 = vector.shape_cast %broadcast_in_dim3A_1031 : vector<16x1xi32> to vector<16xi32>
    %gather3A_1033 = tpu.dynamic_gather %div3A_16[%gather3A_1032] in [0] : vector<16xf32>, vector<16xi32> -> vector<16xf32>
    %get3A_1034 = arith.constant 336 : index
    %get3A_1035 = tpu.vector_load %arg6[%get3A_1034] {strides = array<i32>} : memref<4096xf32, #tpu.memory_space<vmem>>, vector<16xf32>,
    %get3A_1036 = vector.shape_cast %get3A_1035 : vector<16xf32> to vector<16xf32>
    %mul3A_1037 = arith.mulf %get3A_1036, %gather3A_1033 : vector<16xf32>
    %swap3A_1038 = arith.constant 336 : index
    %swap3A_1039 = tpu.vector_load %arg9[%swap3A_1038] {strides = array<i32>} : memref<4096xf32, #tpu.memory_space<vmem>>, vector<16xf32>,
    %swap3A_1040 = vector.shape_cast %swap3A_1039 : vector<16xf32> to vector<16xf32>
    %swap3A_1041 = vector.shape_cast %mul3A_1037 : vector<16xf32> to vector<16xf32>
    tpu.vector_store %arg9[%swap3A_1038], %swap3A_1041 {strides = array<i32>} : memref<4096xf32, #tpu.memory_space<vmem>>, vector<16xf32>,
    %broadcast_in_dim3A_1042 = vector.shape_cast %get3A_1030 : vector<16xi32> to vector<16x1xi32>
    %gather3A_1043 = vector.shape_cast %broadcast_in_dim3A_1042 : vector<16x1xi32> to vector<16xi32>
    %gather3A_1044 = tpu.dynamic_gather %div3A_25[%gather3A_1043] in [0] : vector<16xf32>, vector<16xi32> -> vector<16xf32>
    %get3A_1045 = arith.constant 1360 : index
    %get3A_1046 = tpu.vector_load %arg6[%get3A_1045] {strides = array<i32>} : memref<4096xf32, #tpu.memory_space<vmem>>, vector<16xf32>,
    %get3A_1047 = vector.shape_cast %get3A_1046 : vector<16xf32> to vector<16xf32>
    %mul3A_1048 = arith.mulf %get3A_1047, %gather3A_1044 : vector<16xf32>
    %swap3A_1049 = arith.constant 1360 : index
    %swap3A_1050 = tpu.vector_load %arg9[%swap3A_1049] {strides = array<i32>} : memref<4096xf32, #tpu.memory_space<vmem>>, vector<16xf32>,
    %swap3A_1051 = vector.shape_cast %swap3A_1050 : vector<16xf32> to vector<16xf32>
    %swap3A_1052 = vector.shape_cast %mul3A_1048 : vector<16xf32> to vector<16xf32>
    tpu.vector_store %arg9[%swap3A_1049], %swap3A_1052 {strides = array<i32>} : memref<4096xf32, #tpu.memory_space<vmem>>, vector<16xf32>,
    %broadcast_in_dim3A_1053 = vector.shape_cast %get3A_1030 : vector<16xi32> to vector<16x1xi32>
    %gather3A_1054 = vector.shape_cast %broadcast_in_dim3A_1053 : vector<16x1xi32> to vector<16xi32>
    %gather3A_1055 = tpu.dynamic_gather %div3A_34[%gather3A_1054] in [0] : vector<16xf32>, vector<16xi32> -> vector<16xf32>
    %get3A_1056 = arith.constant 2384 : index
    %get3A_1057 = tpu.vector_load %arg6[%get3A_1056] {strides = array<i32>} : memref<4096xf32, #tpu.memory_space<vmem>>, vector<16xf32>,
    %get3A_1058 = vector.shape_cast %get3A_1057 : vector<16xf32> to vector<16xf32>
    %mul3A_1059 = arith.mulf %get3A_1058, %gather3A_1055 : vector<16xf32>
    %swap3A_1060 = arith.constant 2384 : index
    %swap3A_1061 = tpu.vector_load %arg9[%swap3A_1060] {strides = array<i32>} : memref<4096xf32, #tpu.memory_space<vmem>>, vector<16xf32>,
    %swap3A_1062 = vector.shape_cast %swap3A_1061 : vector<16xf32> to vector<16xf32>
    %swap3A_1063 = vector.shape_cast %mul3A_1059 : vector<16xf32> to vector<16xf32>
    tpu.vector_store %arg9[%swap3A_1060], %swap3A_1063 {strides = array<i32>} : memref<4096xf32, #tpu.memory_space<vmem>>, vector<16xf32>,
    %broadcast_in_dim3A_1064 = vector.shape_cast %get3A_1030 : vector<16xi32> to vector<16x1xi32>
    %gather3A_1065 = vector.shape_cast %broadcast_in_dim3A_1064 : vector<16x1xi32> to vector<16xi32>
    %gather3A_1066 = tpu.dynamic_gather %div3A_43[%gather3A_1065] in [0] : vector<16xf32>, vector<16xi32> -> vector<16xf32>
    %get3A_1067 = arith.constant 3408 : index
    %get3A_1068 = tpu.vector_load %arg6[%get3A_1067] {strides = array<i32>} : memref<4096xf32, #tpu.memory_space<vmem>>, vector<16xf32>,
    %get3A_1069 = vector.shape_cast %get3A_1068 : vector<16xf32> to vector<16xf32>
    %mul3A_1070 = arith.mulf %get3A_1069, %gather3A_1066 : vector<16xf32>
    %swap3A_1071 = arith.constant 3408 : index
    %swap3A_1072 = tpu.vector_load %arg9[%swap3A_1071] {strides = array<i32>} : memref<4096xf32, #tpu.memory_space<vmem>>, vector<16xf32>,
    %swap3A_1073 = vector.shape_cast %swap3A_1072 : vector<16xf32> to vector<16xf32>
    %swap3A_1074 = vector.shape_cast %mul3A_1070 : vector<16xf32> to vector<16xf32>
    tpu.vector_store %arg9[%swap3A_1071], %swap3A_1074 {strides = array<i32>} : memref<4096xf32, #tpu.memory_space<vmem>>, vector<16xf32>,
    %get3A_1075 = arith.constant 352 : index
    %get3A_1076 = tpu.vector_load %arg7[%get3A_1075] {strides = array<i32>} : memref<1024xi32, #tpu.memory_space<vmem>>, vector<16xi32>,
    %get3A_1077 = vector.shape_cast %get3A_1076 : vector<16xi32> to vector<16xi32>
    %broadcast_in_dim3A_1078 = vector.shape_cast %get3A_1077 : vector<16xi32> to vector<16x1xi32>
    %gather3A_1079 = vector.shape_cast %broadcast_in_dim3A_1078 : vector<16x1xi32> to vector<16xi32>
    %gather3A_1080 = tpu.dynamic_gather %div3A_16[%gather3A_1079] in [0] : vector<16xf32>, vector<16xi32> -> vector<16xf32>
    %get3A_1081 = arith.constant 352 : index
    %get3A_1082 = tpu.vector_load %arg6[%get3A_1081] {strides = array<i32>} : memref<4096xf32, #tpu.memory_space<vmem>>, vector<16xf32>,
    %get3A_1083 = vector.shape_cast %get3A_1082 : vector<16xf32> to vector<16xf32>
    %mul3A_1084 = arith.mulf %get3A_1083, %gather3A_1080 : vector<16xf32>
    %swap3A_1085 = arith.constant 352 : index
    %swap3A_1086 = tpu.vector_load %arg9[%swap3A_1085] {strides = array<i32>} : memref<4096xf32, #tpu.memory_space<vmem>>, vector<16xf32>,
    %swap3A_1087 = vector.shape_cast %swap3A_1086 : vector<16xf32> to vector<16xf32>
    %swap3A_1088 = vector.shape_cast %mul3A_1084 : vector<16xf32> to vector<16xf32>
    tpu.vector_store %arg9[%swap3A_1085], %swap3A_1088 {strides = array<i32>} : memref<4096xf32, #tpu.memory_space<vmem>>, vector<16xf32>,
    %broadcast_in_dim3A_1089 = vector.shape_cast %get3A_1077 : vector<16xi32> to vector<16x1xi32>
    %gather3A_1090 = vector.shape_cast %broadcast_in_dim3A_1089 : vector<16x1xi32> to vector<16xi32>
    %gather3A_1091 = tpu.dynamic_gather %div3A_25[%gather3A_1090] in [0] : vector<16xf32>, vector<16xi32> -> vector<16xf32>
    %get3A_1092 = arith.constant 1376 : index
    %get3A_1093 = tpu.vector_load %arg6[%get3A_1092] {strides = array<i32>} : memref<4096xf32, #tpu.memory_space<vmem>>, vector<16xf32>,
    %get3A_1094 = vector.shape_cast %get3A_1093 : vector<16xf32> to vector<16xf32>
    %mul3A_1095 = arith.mulf %get3A_1094, %gather3A_1091 : vector<16xf32>
    %swap3A_1096 = arith.constant 1376 : index
    %swap3A_1097 = tpu.vector_load %arg9[%swap3A_1096] {strides = array<i32>} : memref<4096xf32, #tpu.memory_space<vmem>>, vector<16xf32>,
    %swap3A_1098 = vector.shape_cast %swap3A_1097 : vector<16xf32> to vector<16xf32>
    %swap3A_1099 = vector.shape_cast %mul3A_1095 : vector<16xf32> to vector<16xf32>
    tpu.vector_store %arg9[%swap3A_1096], %swap3A_1099 {strides = array<i32>} : memref<4096xf32, #tpu.memory_space<vmem>>, vector<16xf32>,
    %broadcast_in_dim3A_1100 = vector.shape_cast %get3A_1077 : vector<16xi32> to vector<16x1xi32>
    %gather3A_1101 = vector.shape_cast %broadcast_in_dim3A_1100 : vector<16x1xi32> to vector<16xi32>
    %gather3A_1102 = tpu.dynamic_gather %div3A_34[%gather3A_1101] in [0] : vector<16xf32>, vector<16xi32> -> vector<16xf32>
    %get3A_1103 = arith.constant 2400 : index
    %get3A_1104 = tpu.vector_load %arg6[%get3A_1103] {strides = array<i32>} : memref<4096xf32, #tpu.memory_space<vmem>>, vector<16xf32>,
    %get3A_1105 = vector.shape_cast %get3A_1104 : vector<16xf32> to vector<16xf32>
    %mul3A_1106 = arith.mulf %get3A_1105, %gather3A_1102 : vector<16xf32>
    %swap3A_1107 = arith.constant 2400 : index
    %swap3A_1108 = tpu.vector_load %arg9[%swap3A_1107] {strides = array<i32>} : memref<4096xf32, #tpu.memory_space<vmem>>, vector<16xf32>,
    %swap3A_1109 = vector.shape_cast %swap3A_1108 : vector<16xf32> to vector<16xf32>
    %swap3A_1110 = vector.shape_cast %mul3A_1106 : vector<16xf32> to vector<16xf32>
    tpu.vector_store %arg9[%swap3A_1107], %swap3A_1110 {strides = array<i32>} : memref<4096xf32, #tpu.memory_space<vmem>>, vector<16xf32>,
    %broadcast_in_dim3A_1111 = vector.shape_cast %get3A_1077 : vector<16xi32> to vector<16x1xi32>
    %gather3A_1112 = vector.shape_cast %broadcast_in_dim3A_1111 : vector<16x1xi32> to vector<16xi32>
    %gather3A_1113 = tpu.dynamic_gather %div3A_43[%gather3A_1112] in [0] : vector<16xf32>, vector<16xi32> -> vector<16xf32>
    %get3A_1114 = arith.constant 3424 : index
    %get3A_1115 = tpu.vector_load %arg6[%get3A_1114] {strides = array<i32>} : memref<4096xf32, #tpu.memory_space<vmem>>, vector<16xf32>,
    %get3A_1116 = vector.shape_cast %get3A_1115 : vector<16xf32> to vector<16xf32>
    %mul3A_1117 = arith.mulf %get3A_1116, %gather3A_1113 : vector<16xf32>
    %swap3A_1118 = arith.constant 3424 : index
    %swap3A_1119 = tpu.vector_load %arg9[%swap3A_1118] {strides = array<i32>} : memref<4096xf32, #tpu.memory_space<vmem>>, vector<16xf32>,
    %swap3A_1120 = vector.shape_cast %swap3A_1119 : vector<16xf32> to vector<16xf32>
    %swap3A_1121 = vector.shape_cast %mul3A_1117 : vector<16xf32> to vector<16xf32>
    tpu.vector_store %arg9[%swap3A_1118], %swap3A_1121 {strides = array<i32>} : memref<4096xf32, #tpu.memory_space<vmem>>, vector<16xf32>,
    %get3A_1122 = arith.constant 368 : index
    %get3A_1123 = tpu.vector_load %arg7[%get3A_1122] {strides = array<i32>} : memref<1024xi32, #tpu.memory_space<vmem>>, vector<16xi32>,
    %get3A_1124 = vector.shape_cast %get3A_1123 : vector<16xi32> to vector<16xi32>
    %broadcast_in_dim3A_1125 = vector.shape_cast %get3A_1124 : vector<16xi32> to vector<16x1xi32>
    %gather3A_1126 = vector.shape_cast %broadcast_in_dim3A_1125 : vector<16x1xi32> to vector<16xi32>
    %gather3A_1127 = tpu.dynamic_gather %div3A_16[%gather3A_1126] in [0] : vector<16xf32>, vector<16xi32> -> vector<16xf32>
    %get3A_1128 = arith.constant 368 : index
    %get3A_1129 = tpu.vector_load %arg6[%get3A_1128] {strides = array<i32>} : memref<4096xf32, #tpu.memory_space<vmem>>, vector<16xf32>,
    %get3A_1130 = vector.shape_cast %get3A_1129 : vector<16xf32> to vector<16xf32>
    %mul3A_1131 = arith.mulf %get3A_1130, %gather3A_1127 : vector<16xf32>
    %swap3A_1132 = arith.constant 368 : index
    %swap3A_1133 = tpu.vector_load %arg9[%swap3A_1132] {strides = array<i32>} : memref<4096xf32, #tpu.memory_space<vmem>>, vector<16xf32>,
    %swap3A_1134 = vector.shape_cast %swap3A_1133 : vector<16xf32> to vector<16xf32>
    %swap3A_1135 = vector.shape_cast %mul3A_1131 : vector<16xf32> to vector<16xf32>
    tpu.vector_store %arg9[%swap3A_1132], %swap3A_1135 {strides = array<i32>} : memref<4096xf32, #tpu.memory_space<vmem>>, vector<16xf32>,
    %broadcast_in_dim3A_1136 = vector.shape_cast %get3A_1124 : vector<16xi32> to vector<16x1xi32>
    %gather3A_1137 = vector.shape_cast %broadcast_in_dim3A_1136 : vector<16x1xi32> to vector<16xi32>
    %gather3A_1138 = tpu.dynamic_gather %div3A_25[%gather3A_1137] in [0] : vector<16xf32>, vector<16xi32> -> vector<16xf32>
    %get3A_1139 = arith.constant 1392 : index
    %get3A_1140 = tpu.vector_load %arg6[%get3A_1139] {strides = array<i32>} : memref<4096xf32, #tpu.memory_space<vmem>>, vector<16xf32>,
    %get3A_1141 = vector.shape_cast %get3A_1140 : vector<16xf32> to vector<16xf32>
    %mul3A_1142 = arith.mulf %get3A_1141, %gather3A_1138 : vector<16xf32>
    %swap3A_1143 = arith.constant 1392 : index
    %swap3A_1144 = tpu.vector_load %arg9[%swap3A_1143] {strides = array<i32>} : memref<4096xf32, #tpu.memory_space<vmem>>, vector<16xf32>,
    %swap3A_1145 = vector.shape_cast %swap3A_1144 : vector<16xf32> to vector<16xf32>
    %swap3A_1146 = vector.shape_cast %mul3A_1142 : vector<16xf32> to vector<16xf32>
    tpu.vector_store %arg9[%swap3A_1143], %swap3A_1146 {strides = array<i32>} : memref<4096xf32, #tpu.memory_space<vmem>>, vector<16xf32>,
    %broadcast_in_dim3A_1147 = vector.shape_cast %get3A_1124 : vector<16xi32> to vector<16x1xi32>
    %gather3A_1148 = vector.shape_cast %broadcast_in_dim3A_1147 : vector<16x1xi32> to vector<16xi32>
    %gather3A_1149 = tpu.dynamic_gather %div3A_34[%gather3A_1148] in [0] : vector<16xf32>, vector<16xi32> -> vector<16xf32>
    %get3A_1150 = arith.constant 2416 : index
    %get3A_1151 = tpu.vector_load %arg6[%get3A_1150] {strides = array<i32>} : memref<4096xf32, #tpu.memory_space<vmem>>, vector<16xf32>,
    %get3A_1152 = vector.shape_cast %get3A_1151 : vector<16xf32> to vector<16xf32>
    %mul3A_1153 = arith.mulf %get3A_1152, %gather3A_1149 : vector<16xf32>
    %swap3A_1154 = arith.constant 2416 : index
    %swap3A_1155 = tpu.vector_load %arg9[%swap3A_1154] {strides = array<i32>} : memref<4096xf32, #tpu.memory_space<vmem>>, vector<16xf32>,
    %swap3A_1156 = vector.shape_cast %swap3A_1155 : vector<16xf32> to vector<16xf32>
    %swap3A_1157 = vector.shape_cast %mul3A_1153 : vector<16xf32> to vector<16xf32>
    tpu.vector_store %arg9[%swap3A_1154], %swap3A_1157 {strides = array<i32>} : memref<4096xf32, #tpu.memory_space<vmem>>, vector<16xf32>,
    %broadcast_in_dim3A_1158 = vector.shape_cast %get3A_1124 : vector<16xi32> to vector<16x1xi32>
    %gather3A_1159 = vector.shape_cast %broadcast_in_dim3A_1158 : vector<16x1xi32> to vector<16xi32>
    %gather3A_1160 = tpu.dynamic_gather %div3A_43[%gather3A_1159] in [0] : vector<16xf32>, vector<16xi32> -> vector<16xf32>
    %get3A_1161 = arith.constant 3440 : index
    %get3A_1162 = tpu.vector_load %arg6[%get3A_1161] {strides = array<i32>} : memref<4096xf32, #tpu.memory_space<vmem>>, vector<16xf32>,
    %get3A_1163 = vector.shape_cast %get3A_1162 : vector<16xf32> to vector<16xf32>
    %mul3A_1164 = arith.mulf %get3A_1163, %gather3A_1160 : vector<16xf32>
    %swap3A_1165 = arith.constant 3440 : index
    %swap3A_1166 = tpu.vector_load %arg9[%swap3A_1165] {strides = array<i32>} : memref<4096xf32, #tpu.memory_space<vmem>>, vector<16xf32>,
    %swap3A_1167 = vector.shape_cast %swap3A_1166 : vector<16xf32> to vector<16xf32>
    %swap3A_1168 = vector.shape_cast %mul3A_1164 : vector<16xf32> to vector<16xf32>
    tpu.vector_store %arg9[%swap3A_1165], %swap3A_1168 {strides = array<i32>} : memref<4096xf32, #tpu.memory_space<vmem>>, vector<16xf32>,
    %get3A_1169 = arith.constant 384 : index
    %get3A_1170 = tpu.vector_load %arg7[%get3A_1169] {strides = array<i32>} : memref<1024xi32, #tpu.memory_space<vmem>>, vector<16xi32>,
    %get3A_1171 = vector.shape_cast %get3A_1170 : vector<16xi32> to vector<16xi32>
    %broadcast_in_dim3A_1172 = vector.shape_cast %get3A_1171 : vector<16xi32> to vector<16x1xi32>
    %gather3A_1173 = vector.shape_cast %broadcast_in_dim3A_1172 : vector<16x1xi32> to vector<16xi32>
    %gather3A_1174 = tpu.dynamic_gather %div3A_16[%gather3A_1173] in [0] : vector<16xf32>, vector<16xi32> -> vector<16xf32>
    %get3A_1175 = arith.constant 384 : index
    %get3A_1176 = tpu.vector_load %arg6[%get3A_1175] {strides = array<i32>} : memref<4096xf32, #tpu.memory_space<vmem>>, vector<16xf32>,
    %get3A_1177 = vector.shape_cast %get3A_1176 : vector<16xf32> to vector<16xf32>
    %mul3A_1178 = arith.mulf %get3A_1177, %gather3A_1174 : vector<16xf32>
    %swap3A_1179 = arith.constant 384 : index
    %swap3A_1180 = tpu.vector_load %arg9[%swap3A_1179] {strides = array<i32>} : memref<4096xf32, #tpu.memory_space<vmem>>, vector<16xf32>,
    %swap3A_1181 = vector.shape_cast %swap3A_1180 : vector<16xf32> to vector<16xf32>
    %swap3A_1182 = vector.shape_cast %mul3A_1178 : vector<16xf32> to vector<16xf32>
    tpu.vector_store %arg9[%swap3A_1179], %swap3A_1182 {strides = array<i32>} : memref<4096xf32, #tpu.memory_space<vmem>>, vector<16xf32>,
    %broadcast_in_dim3A_1183 = vector.shape_cast %get3A_1171 : vector<16xi32> to vector<16x1xi32>
    %gather3A_1184 = vector.shape_cast %broadcast_in_dim3A_1183 : vector<16x1xi32> to vector<16xi32>
    %gather3A_1185 = tpu.dynamic_gather %div3A_25[%gather3A_1184] in [0] : vector<16xf32>, vector<16xi32> -> vector<16xf32>
    %get3A_1186 = arith.constant 1408 : index
    %get3A_1187 = tpu.vector_load %arg6[%get3A_1186] {strides = array<i32>} : memref<4096xf32, #tpu.memory_space<vmem>>, vector<16xf32>,
    %get3A_1188 = vector.shape_cast %get3A_1187 : vector<16xf32> to vector<16xf32>
    %mul3A_1189 = arith.mulf %get3A_1188, %gather3A_1185 : vector<16xf32>
    %swap3A_1190 = arith.constant 1408 : index
    %swap3A_1191 = tpu.vector_load %arg9[%swap3A_1190] {strides = array<i32>} : memref<4096xf32, #tpu.memory_space<vmem>>, vector<16xf32>,
    %swap3A_1192 = vector.shape_cast %swap3A_1191 : vector<16xf32> to vector<16xf32>
    %swap3A_1193 = vector.shape_cast %mul3A_1189 : vector<16xf32> to vector<16xf32>
    tpu.vector_store %arg9[%swap3A_1190], %swap3A_1193 {strides = array<i32>} : memref<4096xf32, #tpu.memory_space<vmem>>, vector<16xf32>,
    %broadcast_in_dim3A_1194 = vector.shape_cast %get3A_1171 : vector<16xi32> to vector<16x1xi32>
    %gather3A_1195 = vector.shape_cast %broadcast_in_dim3A_1194 : vector<16x1xi32> to vector<16xi32>
    %gather3A_1196 = tpu.dynamic_gather %div3A_34[%gather3A_1195] in [0] : vector<16xf32>, vector<16xi32> -> vector<16xf32>
    %get3A_1197 = arith.constant 2432 : index
    %get3A_1198 = tpu.vector_load %arg6[%get3A_1197] {strides = array<i32>} : memref<4096xf32, #tpu.memory_space<vmem>>, vector<16xf32>,
    %get3A_1199 = vector.shape_cast %get3A_1198 : vector<16xf32> to vector<16xf32>
    %mul3A_1200 = arith.mulf %get3A_1199, %gather3A_1196 : vector<16xf32>
    %swap3A_1201 = arith.constant 2432 : index
    %swap3A_1202 = tpu.vector_load %arg9[%swap3A_1201] {strides = array<i32>} : memref<4096xf32, #tpu.memory_space<vmem>>, vector<16xf32>,
    %swap3A_1203 = vector.shape_cast %swap3A_1202 : vector<16xf32> to vector<16xf32>
    %swap3A_1204 = vector.shape_cast %mul3A_1200 : vector<16xf32> to vector<16xf32>
    tpu.vector_store %arg9[%swap3A_1201], %swap3A_1204 {strides = array<i32>} : memref<4096xf32, #tpu.memory_space<vmem>>, vector<16xf32>,
    %broadcast_in_dim3A_1205 = vector.shape_cast %get3A_1171 : vector<16xi32> to vector<16x1xi32>
    %gather3A_1206 = vector.shape_cast %broadcast_in_dim3A_1205 : vector<16x1xi32> to vector<16xi32>
    %gather3A_1207 = tpu.dynamic_gather %div3A_43[%gather3A_1206] in [0] : vector<16xf32>, vector<16xi32> -> vector<16xf32>
    %get3A_1208 = arith.constant 3456 : index
    %get3A_1209 = tpu.vector_load %arg6[%get3A_1208] {strides = array<i32>} : memref<4096xf32, #tpu.memory_space<vmem>>, vector<16xf32>,
    %get3A_1210 = vector.shape_cast %get3A_1209 : vector<16xf32> to vector<16xf32>
    %mul3A_1211 = arith.mulf %get3A_1210, %gather3A_1207 : vector<16xf32>
    %swap3A_1212 = arith.constant 3456 : index
    %swap3A_1213 = tpu.vector_load %arg9[%swap3A_1212] {strides = array<i32>} : memref<4096xf32, #tpu.memory_space<vmem>>, vector<16xf32>,
    %swap3A_1214 = vector.shape_cast %swap3A_1213 : vector<16xf32> to vector<16xf32>
    %swap3A_1215 = vector.shape_cast %mul3A_1211 : vector<16xf32> to vector<16xf32>
    tpu.vector_store %arg9[%swap3A_1212], %swap3A_1215 {strides = array<i32>} : memref<4096xf32, #tpu.memory_space<vmem>>, vector<16xf32>,
    %get3A_1216 = arith.constant 400 : index
    %get3A_1217 = tpu.vector_load %arg7[%get3A_1216] {strides = array<i32>} : memref<1024xi32, #tpu.memory_space<vmem>>, vector<16xi32>,
    %get3A_1218 = vector.shape_cast %get3A_1217 : vector<16xi32> to vector<16xi32>
    %broadcast_in_dim3A_1219 = vector.shape_cast %get3A_1218 : vector<16xi32> to vector<16x1xi32>
    %gather3A_1220 = vector.shape_cast %broadcast_in_dim3A_1219 : vector<16x1xi32> to vector<16xi32>
    %gather3A_1221 = tpu.dynamic_gather %div3A_16[%gather3A_1220] in [0] : vector<16xf32>, vector<16xi32> -> vector<16xf32>
    %get3A_1222 = arith.constant 400 : index
    %get3A_1223 = tpu.vector_load %arg6[%get3A_1222] {strides = array<i32>} : memref<4096xf32, #tpu.memory_space<vmem>>, vector<16xf32>,
    %get3A_1224 = vector.shape_cast %get3A_1223 : vector<16xf32> to vector<16xf32>
    %mul3A_1225 = arith.mulf %get3A_1224, %gather3A_1221 : vector<16xf32>
    %swap3A_1226 = arith.constant 400 : index
    %swap3A_1227 = tpu.vector_load %arg9[%swap3A_1226] {strides = array<i32>} : memref<4096xf32, #tpu.memory_space<vmem>>, vector<16xf32>,
    %swap3A_1228 = vector.shape_cast %swap3A_1227 : vector<16xf32> to vector<16xf32>
    %swap3A_1229 = vector.shape_cast %mul3A_1225 : vector<16xf32> to vector<16xf32>
    tpu.vector_store %arg9[%swap3A_1226], %swap3A_1229 {strides = array<i32>} : memref<4096xf32, #tpu.memory_space<vmem>>, vector<16xf32>,
    %broadcast_in_dim3A_1230 = vector.shape_cast %get3A_1218 : vector<16xi32> to vector<16x1xi32>
    %gather3A_1231 = vector.shape_cast %broadcast_in_dim3A_1230 : vector<16x1xi32> to vector<16xi32>
    %gather3A_1232 = tpu.dynamic_gather %div3A_25[%gather3A_1231] in [0] : vector<16xf32>, vector<16xi32> -> vector<16xf32>
    %get3A_1233 = arith.constant 1424 : index
    %get3A_1234 = tpu.vector_load %arg6[%get3A_1233] {strides = array<i32>} : memref<4096xf32, #tpu.memory_space<vmem>>, vector<16xf32>,
    %get3A_1235 = vector.shape_cast %get3A_1234 : vector<16xf32> to vector<16xf32>
    %mul3A_1236 = arith.mulf %get3A_1235, %gather3A_1232 : vector<16xf32>
    %swap3A_1237 = arith.constant 1424 : index
    %swap3A_1238 = tpu.vector_load %arg9[%swap3A_1237] {strides = array<i32>} : memref<4096xf32, #tpu.memory_space<vmem>>, vector<16xf32>,
    %swap3A_1239 = vector.shape_cast %swap3A_1238 : vector<16xf32> to vector<16xf32>
    %swap3A_1240 = vector.shape_cast %mul3A_1236 : vector<16xf32> to vector<16xf32>
    tpu.vector_store %arg9[%swap3A_1237], %swap3A_1240 {strides = array<i32>} : memref<4096xf32, #tpu.memory_space<vmem>>, vector<16xf32>,
    %broadcast_in_dim3A_1241 = vector.shape_cast %get3A_1218 : vector<16xi32> to vector<16x1xi32>
    %gather3A_1242 = vector.shape_cast %broadcast_in_dim3A_1241 : vector<16x1xi32> to vector<16xi32>
    %gather3A_1243 = tpu.dynamic_gather %div3A_34[%gather3A_1242] in [0] : vector<16xf32>, vector<16xi32> -> vector<16xf32>
    %get3A_1244 = arith.constant 2448 : index
    %get3A_1245 = tpu.vector_load %arg6[%get3A_1244] {strides = array<i32>} : memref<4096xf32, #tpu.memory_space<vmem>>, vector<16xf32>,
    %get3A_1246 = vector.shape_cast %get3A_1245 : vector<16xf32> to vector<16xf32>
    %mul3A_1247 = arith.mulf %get3A_1246, %gather3A_1243 : vector<16xf32>
    %swap3A_1248 = arith.constant 2448 : index
    %swap3A_1249 = tpu.vector_load %arg9[%swap3A_1248] {strides = array<i32>} : memref<4096xf32, #tpu.memory_space<vmem>>, vector<16xf32>,
    %swap3A_1250 = vector.shape_cast %swap3A_1249 : vector<16xf32> to vector<16xf32>
    %swap3A_1251 = vector.shape_cast %mul3A_1247 : vector<16xf32> to vector<16xf32>
    tpu.vector_store %arg9[%swap3A_1248], %swap3A_1251 {strides = array<i32>} : memref<4096xf32, #tpu.memory_space<vmem>>, vector<16xf32>,
    %broadcast_in_dim3A_1252 = vector.shape_cast %get3A_1218 : vector<16xi32> to vector<16x1xi32>
    %gather3A_1253 = vector.shape_cast %broadcast_in_dim3A_1252 : vector<16x1xi32> to vector<16xi32>
    %gather3A_1254 = tpu.dynamic_gather %div3A_43[%gather3A_1253] in [0] : vector<16xf32>, vector<16xi32> -> vector<16xf32>
    %get3A_1255 = arith.constant 3472 : index
    %get3A_1256 = tpu.vector_load %arg6[%get3A_1255] {strides = array<i32>} : memref<4096xf32, #tpu.memory_space<vmem>>, vector<16xf32>,
    %get3A_1257 = vector.shape_cast %get3A_1256 : vector<16xf32> to vector<16xf32>
    %mul3A_1258 = arith.mulf %get3A_1257, %gather3A_1254 : vector<16xf32>
    %swap3A_1259 = arith.constant 3472 : index
    %swap3A_1260 = tpu.vector_load %arg9[%swap3A_1259] {strides = array<i32>} : memref<4096xf32, #tpu.memory_space<vmem>>, vector<16xf32>,
    %swap3A_1261 = vector.shape_cast %swap3A_1260 : vector<16xf32> to vector<16xf32>
    %swap3A_1262 = vector.shape_cast %mul3A_1258 : vector<16xf32> to vector<16xf32>
    tpu.vector_store %arg9[%swap3A_1259], %swap3A_1262 {strides = array<i32>} : memref<4096xf32, #tpu.memory_space<vmem>>, vector<16xf32>,
    %get3A_1263 = arith.constant 416 : index
    %get3A_1264 = tpu.vector_load %arg7[%get3A_1263] {strides = array<i32>} : memref<1024xi32, #tpu.memory_space<vmem>>, vector<16xi32>,
    %get3A_1265 = vector.shape_cast %get3A_1264 : vector<16xi32> to vector<16xi32>
    %broadcast_in_dim3A_1266 = vector.shape_cast %get3A_1265 : vector<16xi32> to vector<16x1xi32>
    %gather3A_1267 = vector.shape_cast %broadcast_in_dim3A_1266 : vector<16x1xi32> to vector<16xi32>
    %gather3A_1268 = tpu.dynamic_gather %div3A_16[%gather3A_1267] in [0] : vector<16xf32>, vector<16xi32> -> vector<16xf32>
    %get3A_1269 = arith.constant 416 : index
    %get3A_1270 = tpu.vector_load %arg6[%get3A_1269] {strides = array<i32>} : memref<4096xf32, #tpu.memory_space<vmem>>, vector<16xf32>,
    %get3A_1271 = vector.shape_cast %get3A_1270 : vector<16xf32> to vector<16xf32>
    %mul3A_1272 = arith.mulf %get3A_1271, %gather3A_1268 : vector<16xf32>
    %swap3A_1273 = arith.constant 416 : index
    %swap3A_1274 = tpu.vector_load %arg9[%swap3A_1273] {strides = array<i32>} : memref<4096xf32, #tpu.memory_space<vmem>>, vector<16xf32>,
    %swap3A_1275 = vector.shape_cast %swap3A_1274 : vector<16xf32> to vector<16xf32>
    %swap3A_1276 = vector.shape_cast %mul3A_1272 : vector<16xf32> to vector<16xf32>
    tpu.vector_store %arg9[%swap3A_1273], %swap3A_1276 {strides = array<i32>} : memref<4096xf32, #tpu.memory_space<vmem>>, vector<16xf32>,
    %broadcast_in_dim3A_1277 = vector.shape_cast %get3A_1265 : vector<16xi32> to vector<16x1xi32>
    %gather3A_1278 = vector.shape_cast %broadcast_in_dim3A_1277 : vector<16x1xi32> to vector<16xi32>
    %gather3A_1279 = tpu.dynamic_gather %div3A_25[%gather3A_1278] in [0] : vector<16xf32>, vector<16xi32> -> vector<16xf32>
    %get3A_1280 = arith.constant 1440 : index
    %get3A_1281 = tpu.vector_load %arg6[%get3A_1280] {strides = array<i32>} : memref<4096xf32, #tpu.memory_space<vmem>>, vector<16xf32>,
    %get3A_1282 = vector.shape_cast %get3A_1281 : vector<16xf32> to vector<16xf32>
    %mul3A_1283 = arith.mulf %get3A_1282, %gather3A_1279 : vector<16xf32>
    %swap3A_1284 = arith.constant 1440 : index
    %swap3A_1285 = tpu.vector_load %arg9[%swap3A_1284] {strides = array<i32>} : memref<4096xf32, #tpu.memory_space<vmem>>, vector<16xf32>,
    %swap3A_1286 = vector.shape_cast %swap3A_1285 : vector<16xf32> to vector<16xf32>
    %swap3A_1287 = vector.shape_cast %mul3A_1283 : vector<16xf32> to vector<16xf32>
    tpu.vector_store %arg9[%swap3A_1284], %swap3A_1287 {strides = array<i32>} : memref<4096xf32, #tpu.memory_space<vmem>>, vector<16xf32>,
    %broadcast_in_dim3A_1288 = vector.shape_cast %get3A_1265 : vector<16xi32> to vector<16x1xi32>
    %gather3A_1289 = vector.shape_cast %broadcast_in_dim3A_1288 : vector<16x1xi32> to vector<16xi32>
    %gather3A_1290 = tpu.dynamic_gather %div3A_34[%gather3A_1289] in [0] : vector<16xf32>, vector<16xi32> -> vector<16xf32>
    %get3A_1291 = arith.constant 2464 : index
    %get3A_1292 = tpu.vector_load %arg6[%get3A_1291] {strides = array<i32>} : memref<4096xf32, #tpu.memory_space<vmem>>, vector<16xf32>,
    %get3A_1293 = vector.shape_cast %get3A_1292 : vector<16xf32> to vector<16xf32>
    %mul3A_1294 = arith.mulf %get3A_1293, %gather3A_1290 : vector<16xf32>
    %swap3A_1295 = arith.constant 2464 : index
    %swap3A_1296 = tpu.vector_load %arg9[%swap3A_1295] {strides = array<i32>} : memref<4096xf32, #tpu.memory_space<vmem>>, vector<16xf32>,
    %swap3A_1297 = vector.shape_cast %swap3A_1296 : vector<16xf32> to vector<16xf32>
    %swap3A_1298 = vector.shape_cast %mul3A_1294 : vector<16xf32> to vector<16xf32>
    tpu.vector_store %arg9[%swap3A_1295], %swap3A_1298 {strides = array<i32>} : memref<4096xf32, #tpu.memory_space<vmem>>, vector<16xf32>,
    %broadcast_in_dim3A_1299 = vector.shape_cast %get3A_1265 : vector<16xi32> to vector<16x1xi32>
    %gather3A_1300 = vector.shape_cast %broadcast_in_dim3A_1299 : vector<16x1xi32> to vector<16xi32>
    %gather3A_1301 = tpu.dynamic_gather %div3A_43[%gather3A_1300] in [0] : vector<16xf32>, vector<16xi32> -> vector<16xf32>
    %get3A_1302 = arith.constant 3488 : index
    %get3A_1303 = tpu.vector_load %arg6[%get3A_1302] {strides = array<i32>} : memref<4096xf32, #tpu.memory_space<vmem>>, vector<16xf32>,
    %get3A_1304 = vector.shape_cast %get3A_1303 : vector<16xf32> to vector<16xf32>
    %mul3A_1305 = arith.mulf %get3A_1304, %gather3A_1301 : vector<16xf32>
    %swap3A_1306 = arith.constant 3488 : index
    %swap3A_1307 = tpu.vector_load %arg9[%swap3A_1306] {strides = array<i32>} : memref<4096xf32, #tpu.memory_space<vmem>>, vector<16xf32>,
    %swap3A_1308 = vector.shape_cast %swap3A_1307 : vector<16xf32> to vector<16xf32>
    %swap3A_1309 = vector.shape_cast %mul3A_1305 : vector<16xf32> to vector<16xf32>
    tpu.vector_store %arg9[%swap3A_1306], %swap3A_1309 {strides = array<i32>} : memref<4096xf32, #tpu.memory_space<vmem>>, vector<16xf32>,
    %get3A_1310 = arith.constant 432 : index
    %get3A_1311 = tpu.vector_load %arg7[%get3A_1310] {strides = array<i32>} : memref<1024xi32, #tpu.memory_space<vmem>>, vector<16xi32>,
    %get3A_1312 = vector.shape_cast %get3A_1311 : vector<16xi32> to vector<16xi32>
    %broadcast_in_dim3A_1313 = vector.shape_cast %get3A_1312 : vector<16xi32> to vector<16x1xi32>
    %gather3A_1314 = vector.shape_cast %broadcast_in_dim3A_1313 : vector<16x1xi32> to vector<16xi32>
    %gather3A_1315 = tpu.dynamic_gather %div3A_16[%gather3A_1314] in [0] : vector<16xf32>, vector<16xi32> -> vector<16xf32>
    %get3A_1316 = arith.constant 432 : index
    %get3A_1317 = tpu.vector_load %arg6[%get3A_1316] {strides = array<i32>} : memref<4096xf32, #tpu.memory_space<vmem>>, vector<16xf32>,
    %get3A_1318 = vector.shape_cast %get3A_1317 : vector<16xf32> to vector<16xf32>
    %mul3A_1319 = arith.mulf %get3A_1318, %gather3A_1315 : vector<16xf32>
    %swap3A_1320 = arith.constant 432 : index
    %swap3A_1321 = tpu.vector_load %arg9[%swap3A_1320] {strides = array<i32>} : memref<4096xf32, #tpu.memory_space<vmem>>, vector<16xf32>,
    %swap3A_1322 = vector.shape_cast %swap3A_1321 : vector<16xf32> to vector<16xf32>
    %swap3A_1323 = vector.shape_cast %mul3A_1319 : vector<16xf32> to vector<16xf32>
    tpu.vector_store %arg9[%swap3A_1320], %swap3A_1323 {strides = array<i32>} : memref<4096xf32, #tpu.memory_space<vmem>>, vector<16xf32>,
    %broadcast_in_dim3A_1324 = vector.shape_cast %get3A_1312 : vector<16xi32> to vector<16x1xi32>
    %gather3A_1325 = vector.shape_cast %broadcast_in_dim3A_1324 : vector<16x1xi32> to vector<16xi32>
    %gather3A_1326 = tpu.dynamic_gather %div3A_25[%gather3A_1325] in [0] : vector<16xf32>, vector<16xi32> -> vector<16xf32>
    %get3A_1327 = arith.constant 1456 : index
    %get3A_1328 = tpu.vector_load %arg6[%get3A_1327] {strides = array<i32>} : memref<4096xf32, #tpu.memory_space<vmem>>, vector<16xf32>,
    %get3A_1329 = vector.shape_cast %get3A_1328 : vector<16xf32> to vector<16xf32>
    %mul3A_1330 = arith.mulf %get3A_1329, %gather3A_1326 : vector<16xf32>
    %swap3A_1331 = arith.constant 1456 : index
    %swap3A_1332 = tpu.vector_load %arg9[%swap3A_1331] {strides = array<i32>} : memref<4096xf32, #tpu.memory_space<vmem>>, vector<16xf32>,
    %swap3A_1333 = vector.shape_cast %swap3A_1332 : vector<16xf32> to vector<16xf32>
    %swap3A_1334 = vector.shape_cast %mul3A_1330 : vector<16xf32> to vector<16xf32>
    tpu.vector_store %arg9[%swap3A_1331], %swap3A_1334 {strides = array<i32>} : memref<4096xf32, #tpu.memory_space<vmem>>, vector<16xf32>,
    %broadcast_in_dim3A_1335 = vector.shape_cast %get3A_1312 : vector<16xi32> to vector<16x1xi32>
    %gather3A_1336 = vector.shape_cast %broadcast_in_dim3A_1335 : vector<16x1xi32> to vector<16xi32>
    %gather3A_1337 = tpu.dynamic_gather %div3A_34[%gather3A_1336] in [0] : vector<16xf32>, vector<16xi32> -> vector<16xf32>
    %get3A_1338 = arith.constant 2480 : index
    %get3A_1339 = tpu.vector_load %arg6[%get3A_1338] {strides = array<i32>} : memref<4096xf32, #tpu.memory_space<vmem>>, vector<16xf32>,
    %get3A_1340 = vector.shape_cast %get3A_1339 : vector<16xf32> to vector<16xf32>
    %mul3A_1341 = arith.mulf %get3A_1340, %gather3A_1337 : vector<16xf32>
    %swap3A_1342 = arith.constant 2480 : index
    %swap3A_1343 = tpu.vector_load %arg9[%swap3A_1342] {strides = array<i32>} : memref<4096xf32, #tpu.memory_space<vmem>>, vector<16xf32>,
    %swap3A_1344 = vector.shape_cast %swap3A_1343 : vector<16xf32> to vector<16xf32>
    %swap3A_1345 = vector.shape_cast %mul3A_1341 : vector<16xf32> to vector<16xf32>
    tpu.vector_store %arg9[%swap3A_1342], %swap3A_1345 {strides = array<i32>} : memref<4096xf32, #tpu.memory_space<vmem>>, vector<16xf32>,
    %broadcast_in_dim3A_1346 = vector.shape_cast %get3A_1312 : vector<16xi32> to vector<16x1xi32>
    %gather3A_1347 = vector.shape_cast %broadcast_in_dim3A_1346 : vector<16x1xi32> to vector<16xi32>
    %gather3A_1348 = tpu.dynamic_gather %div3A_43[%gather3A_1347] in [0] : vector<16xf32>, vector<16xi32> -> vector<16xf32>
    %get3A_1349 = arith.constant 3504 : index
    %get3A_1350 = tpu.vector_load %arg6[%get3A_1349] {strides = array<i32>} : memref<4096xf32, #tpu.memory_space<vmem>>, vector<16xf32>,
    %get3A_1351 = vector.shape_cast %get3A_1350 : vector<16xf32> to vector<16xf32>
    %mul3A_1352 = arith.mulf %get3A_1351, %gather3A_1348 : vector<16xf32>
    %swap3A_1353 = arith.constant 3504 : index
    %swap3A_1354 = tpu.vector_load %arg9[%swap3A_1353] {strides = array<i32>} : memref<4096xf32, #tpu.memory_space<vmem>>, vector<16xf32>,
    %swap3A_1355 = vector.shape_cast %swap3A_1354 : vector<16xf32> to vector<16xf32>
    %swap3A_1356 = vector.shape_cast %mul3A_1352 : vector<16xf32> to vector<16xf32>
    tpu.vector_store %arg9[%swap3A_1353], %swap3A_1356 {strides = array<i32>} : memref<4096xf32, #tpu.memory_space<vmem>>, vector<16xf32>,
    %get3A_1357 = arith.constant 448 : index
    %get3A_1358 = tpu.vector_load %arg7[%get3A_1357] {strides = array<i32>} : memref<1024xi32, #tpu.memory_space<vmem>>, vector<16xi32>,
    %get3A_1359 = vector.shape_cast %get3A_1358 : vector<16xi32> to vector<16xi32>
    %broadcast_in_dim3A_1360 = vector.shape_cast %get3A_1359 : vector<16xi32> to vector<16x1xi32>
    %gather3A_1361 = vector.shape_cast %broadcast_in_dim3A_1360 : vector<16x1xi32> to vector<16xi32>
    %gather3A_1362 = tpu.dynamic_gather %div3A_16[%gather3A_1361] in [0] : vector<16xf32>, vector<16xi32> -> vector<16xf32>
    %get3A_1363 = arith.constant 448 : index
    %get3A_1364 = tpu.vector_load %arg6[%get3A_1363] {strides = array<i32>} : memref<4096xf32, #tpu.memory_space<vmem>>, vector<16xf32>,
    %get3A_1365 = vector.shape_cast %get3A_1364 : vector<16xf32> to vector<16xf32>
    %mul3A_1366 = arith.mulf %get3A_1365, %gather3A_1362 : vector<16xf32>
    %swap3A_1367 = arith.constant 448 : index
    %swap3A_1368 = tpu.vector_load %arg9[%swap3A_1367] {strides = array<i32>} : memref<4096xf32, #tpu.memory_space<vmem>>, vector<16xf32>,
    %swap3A_1369 = vector.shape_cast %swap3A_1368 : vector<16xf32> to vector<16xf32>
    %swap3A_1370 = vector.shape_cast %mul3A_1366 : vector<16xf32> to vector<16xf32>
    tpu.vector_store %arg9[%swap3A_1367], %swap3A_1370 {strides = array<i32>} : memref<4096xf32, #tpu.memory_space<vmem>>, vector<16xf32>,
    %broadcast_in_dim3A_1371 = vector.shape_cast %get3A_1359 : vector<16xi32> to vector<16x1xi32>
    %gather3A_1372 = vector.shape_cast %broadcast_in_dim3A_1371 : vector<16x1xi32> to vector<16xi32>
    %gather3A_1373 = tpu.dynamic_gather %div3A_25[%gather3A_1372] in [0] : vector<16xf32>, vector<16xi32> -> vector<16xf32>
    %get3A_1374 = arith.constant 1472 : index
    %get3A_1375 = tpu.vector_load %arg6[%get3A_1374] {strides = array<i32>} : memref<4096xf32, #tpu.memory_space<vmem>>, vector<16xf32>,
    %get3A_1376 = vector.shape_cast %get3A_1375 : vector<16xf32> to vector<16xf32>
    %mul3A_1377 = arith.mulf %get3A_1376, %gather3A_1373 : vector<16xf32>
    %swap3A_1378 = arith.constant 1472 : index
    %swap3A_1379 = tpu.vector_load %arg9[%swap3A_1378] {strides = array<i32>} : memref<4096xf32, #tpu.memory_space<vmem>>, vector<16xf32>,
    %swap3A_1380 = vector.shape_cast %swap3A_1379 : vector<16xf32> to vector<16xf32>
    %swap3A_1381 = vector.shape_cast %mul3A_1377 : vector<16xf32> to vector<16xf32>
    tpu.vector_store %arg9[%swap3A_1378], %swap3A_1381 {strides = array<i32>} : memref<4096xf32, #tpu.memory_space<vmem>>, vector<16xf32>,
    %broadcast_in_dim3A_1382 = vector.shape_cast %get3A_1359 : vector<16xi32> to vector<16x1xi32>
    %gather3A_1383 = vector.shape_cast %broadcast_in_dim3A_1382 : vector<16x1xi32> to vector<16xi32>
    %gather3A_1384 = tpu.dynamic_gather %div3A_34[%gather3A_1383] in [0] : vector<16xf32>, vector<16xi32> -> vector<16xf32>
    %get3A_1385 = arith.constant 2496 : index
    %get3A_1386 = tpu.vector_load %arg6[%get3A_1385] {strides = array<i32>} : memref<4096xf32, #tpu.memory_space<vmem>>, vector<16xf32>,
    %get3A_1387 = vector.shape_cast %get3A_1386 : vector<16xf32> to vector<16xf32>
    %mul3A_1388 = arith.mulf %get3A_1387, %gather3A_1384 : vector<16xf32>
    %swap3A_1389 = arith.constant 2496 : index
    %swap3A_1390 = tpu.vector_load %arg9[%swap3A_1389] {strides = array<i32>} : memref<4096xf32, #tpu.memory_space<vmem>>, vector<16xf32>,
    %swap3A_1391 = vector.shape_cast %swap3A_1390 : vector<16xf32> to vector<16xf32>
    %swap3A_1392 = vector.shape_cast %mul3A_1388 : vector<16xf32> to vector<16xf32>
    tpu.vector_store %arg9[%swap3A_1389], %swap3A_1392 {strides = array<i32>} : memref<4096xf32, #tpu.memory_space<vmem>>, vector<16xf32>,
    %broadcast_in_dim3A_1393 = vector.shape_cast %get3A_1359 : vector<16xi32> to vector<16x1xi32>
    %gather3A_1394 = vector.shape_cast %broadcast_in_dim3A_1393 : vector<16x1xi32> to vector<16xi32>
    %gather3A_1395 = tpu.dynamic_gather %div3A_43[%gather3A_1394] in [0] : vector<16xf32>, vector<16xi32> -> vector<16xf32>
    %get3A_1396 = arith.constant 3520 : index
    %get3A_1397 = tpu.vector_load %arg6[%get3A_1396] {strides = array<i32>} : memref<4096xf32, #tpu.memory_space<vmem>>, vector<16xf32>,
    %get3A_1398 = vector.shape_cast %get3A_1397 : vector<16xf32> to vector<16xf32>
    %mul3A_1399 = arith.mulf %get3A_1398, %gather3A_1395 : vector<16xf32>
    %swap3A_1400 = arith.constant 3520 : index
    %swap3A_1401 = tpu.vector_load %arg9[%swap3A_1400] {strides = array<i32>} : memref<4096xf32, #tpu.memory_space<vmem>>, vector<16xf32>,
    %swap3A_1402 = vector.shape_cast %swap3A_1401 : vector<16xf32> to vector<16xf32>
    %swap3A_1403 = vector.shape_cast %mul3A_1399 : vector<16xf32> to vector<16xf32>
    tpu.vector_store %arg9[%swap3A_1400], %swap3A_1403 {strides = array<i32>} : memref<4096xf32, #tpu.memory_space<vmem>>, vector<16xf32>,
    %get3A_1404 = arith.constant 464 : index
    %get3A_1405 = tpu.vector_load %arg7[%get3A_1404] {strides = array<i32>} : memref<1024xi32, #tpu.memory_space<vmem>>, vector<16xi32>,
    %get3A_1406 = vector.shape_cast %get3A_1405 : vector<16xi32> to vector<16xi32>
    %broadcast_in_dim3A_1407 = vector.shape_cast %get3A_1406 : vector<16xi32> to vector<16x1xi32>
    %gather3A_1408 = vector.shape_cast %broadcast_in_dim3A_1407 : vector<16x1xi32> to vector<16xi32>
    %gather3A_1409 = tpu.dynamic_gather %div3A_16[%gather3A_1408] in [0] : vector<16xf32>, vector<16xi32> -> vector<16xf32>
    %get3A_1410 = arith.constant 464 : index
    %get3A_1411 = tpu.vector_load %arg6[%get3A_1410] {strides = array<i32>} : memref<4096xf32, #tpu.memory_space<vmem>>, vector<16xf32>,
    %get3A_1412 = vector.shape_cast %get3A_1411 : vector<16xf32> to vector<16xf32>
    %mul3A_1413 = arith.mulf %get3A_1412, %gather3A_1409 : vector<16xf32>
    %swap3A_1414 = arith.constant 464 : index
    %swap3A_1415 = tpu.vector_load %arg9[%swap3A_1414] {strides = array<i32>} : memref<4096xf32, #tpu.memory_space<vmem>>, vector<16xf32>,
    %swap3A_1416 = vector.shape_cast %swap3A_1415 : vector<16xf32> to vector<16xf32>
    %swap3A_1417 = vector.shape_cast %mul3A_1413 : vector<16xf32> to vector<16xf32>
    tpu.vector_store %arg9[%swap3A_1414], %swap3A_1417 {strides = array<i32>} : memref<4096xf32, #tpu.memory_space<vmem>>, vector<16xf32>,
    %broadcast_in_dim3A_1418 = vector.shape_cast %get3A_1406 : vector<16xi32> to vector<16x1xi32>
    %gather3A_1419 = vector.shape_cast %broadcast_in_dim3A_1418 : vector<16x1xi32> to vector<16xi32>
    %gather3A_1420 = tpu.dynamic_gather %div3A_25[%gather3A_1419] in [0] : vector<16xf32>, vector<16xi32> -> vector<16xf32>
    %get3A_1421 = arith.constant 1488 : index
    %get3A_1422 = tpu.vector_load %arg6[%get3A_1421] {strides = array<i32>} : memref<4096xf32, #tpu.memory_space<vmem>>, vector<16xf32>,
    %get3A_1423 = vector.shape_cast %get3A_1422 : vector<16xf32> to vector<16xf32>
    %mul3A_1424 = arith.mulf %get3A_1423, %gather3A_1420 : vector<16xf32>
    %swap3A_1425 = arith.constant 1488 : index
    %swap3A_1426 = tpu.vector_load %arg9[%swap3A_1425] {strides = array<i32>} : memref<4096xf32, #tpu.memory_space<vmem>>, vector<16xf32>,
    %swap3A_1427 = vector.shape_cast %swap3A_1426 : vector<16xf32> to vector<16xf32>
    %swap3A_1428 = vector.shape_cast %mul3A_1424 : vector<16xf32> to vector<16xf32>
    tpu.vector_store %arg9[%swap3A_1425], %swap3A_1428 {strides = array<i32>} : memref<4096xf32, #tpu.memory_space<vmem>>, vector<16xf32>,
    %broadcast_in_dim3A_1429 = vector.shape_cast %get3A_1406 : vector<16xi32> to vector<16x1xi32>
    %gather3A_1430 = vector.shape_cast %broadcast_in_dim3A_1429 : vector<16x1xi32> to vector<16xi32>
    %gather3A_1431 = tpu.dynamic_gather %div3A_34[%gather3A_1430] in [0] : vector<16xf32>, vector<16xi32> -> vector<16xf32>
    %get3A_1432 = arith.constant 2512 : index
    %get3A_1433 = tpu.vector_load %arg6[%get3A_1432] {strides = array<i32>} : memref<4096xf32, #tpu.memory_space<vmem>>, vector<16xf32>,
    %get3A_1434 = vector.shape_cast %get3A_1433 : vector<16xf32> to vector<16xf32>
    %mul3A_1435 = arith.mulf %get3A_1434, %gather3A_1431 : vector<16xf32>
    %swap3A_1436 = arith.constant 2512 : index
    %swap3A_1437 = tpu.vector_load %arg9[%swap3A_1436] {strides = array<i32>} : memref<4096xf32, #tpu.memory_space<vmem>>, vector<16xf32>,
    %swap3A_1438 = vector.shape_cast %swap3A_1437 : vector<16xf32> to vector<16xf32>
    %swap3A_1439 = vector.shape_cast %mul3A_1435 : vector<16xf32> to vector<16xf32>
    tpu.vector_store %arg9[%swap3A_1436], %swap3A_1439 {strides = array<i32>} : memref<4096xf32, #tpu.memory_space<vmem>>, vector<16xf32>,
    %broadcast_in_dim3A_1440 = vector.shape_cast %get3A_1406 : vector<16xi32> to vector<16x1xi32>
    %gather3A_1441 = vector.shape_cast %broadcast_in_dim3A_1440 : vector<16x1xi32> to vector<16xi32>
    %gather3A_1442 = tpu.dynamic_gather %div3A_43[%gather3A_1441] in [0] : vector<16xf32>, vector<16xi32> -> vector<16xf32>
    %get3A_1443 = arith.constant 3536 : index
    %get3A_1444 = tpu.vector_load %arg6[%get3A_1443] {strides = array<i32>} : memref<4096xf32, #tpu.memory_space<vmem>>, vector<16xf32>,
    %get3A_1445 = vector.shape_cast %get3A_1444 : vector<16xf32> to vector<16xf32>
    %mul3A_1446 = arith.mulf %get3A_1445, %gather3A_1442 : vector<16xf32>
    %swap3A_1447 = arith.constant 3536 : index
    %swap3A_1448 = tpu.vector_load %arg9[%swap3A_1447] {strides = array<i32>} : memref<4096xf32, #tpu.memory_space<vmem>>, vector<16xf32>,
    %swap3A_1449 = vector.shape_cast %swap3A_1448 : vector<16xf32> to vector<16xf32>
    %swap3A_1450 = vector.shape_cast %mul3A_1446 : vector<16xf32> to vector<16xf32>
    tpu.vector_store %arg9[%swap3A_1447], %swap3A_1450 {strides = array<i32>} : memref<4096xf32, #tpu.memory_space<vmem>>, vector<16xf32>,
    %get3A_1451 = arith.constant 480 : index
    %get3A_1452 = tpu.vector_load %arg7[%get3A_1451] {strides = array<i32>} : memref<1024xi32, #tpu.memory_space<vmem>>, vector<16xi32>,
    %get3A_1453 = vector.shape_cast %get3A_1452 : vector<16xi32> to vector<16xi32>
    %broadcast_in_dim3A_1454 = vector.shape_cast %get3A_1453 : vector<16xi32> to vector<16x1xi32>
    %gather3A_1455 = vector.shape_cast %broadcast_in_dim3A_1454 : vector<16x1xi32> to vector<16xi32>
    %gather3A_1456 = tpu.dynamic_gather %div3A_16[%gather3A_1455] in [0] : vector<16xf32>, vector<16xi32> -> vector<16xf32>
    %get3A_1457 = arith.constant 480 : index
    %get3A_1458 = tpu.vector_load %arg6[%get3A_1457] {strides = array<i32>} : memref<4096xf32, #tpu.memory_space<vmem>>, vector<16xf32>,
    %get3A_1459 = vector.shape_cast %get3A_1458 : vector<16xf32> to vector<16xf32>
    %mul3A_1460 = arith.mulf %get3A_1459, %gather3A_1456 : vector<16xf32>
    %swap3A_1461 = arith.constant 480 : index
    %swap3A_1462 = tpu.vector_load %arg9[%swap3A_1461] {strides = array<i32>} : memref<4096xf32, #tpu.memory_space<vmem>>, vector<16xf32>,
    %swap3A_1463 = vector.shape_cast %swap3A_1462 : vector<16xf32> to vector<16xf32>
    %swap3A_1464 = vector.shape_cast %mul3A_1460 : vector<16xf32> to vector<16xf32>
    tpu.vector_store %arg9[%swap3A_1461], %swap3A_1464 {strides = array<i32>} : memref<4096xf32, #tpu.memory_space<vmem>>, vector<16xf32>,
    %broadcast_in_dim3A_1465 = vector.shape_cast %get3A_1453 : vector<16xi32> to vector<16x1xi32>
    %gather3A_1466 = vector.shape_cast %broadcast_in_dim3A_1465 : vector<16x1xi32> to vector<16xi32>
    %gather3A_1467 = tpu.dynamic_gather %div3A_25[%gather3A_1466] in [0] : vector<16xf32>, vector<16xi32> -> vector<16xf32>
    %get3A_1468 = arith.constant 1504 : index
    %get3A_1469 = tpu.vector_load %arg6[%get3A_1468] {strides = array<i32>} : memref<4096xf32, #tpu.memory_space<vmem>>, vector<16xf32>,
    %get3A_1470 = vector.shape_cast %get3A_1469 : vector<16xf32> to vector<16xf32>
    %mul3A_1471 = arith.mulf %get3A_1470, %gather3A_1467 : vector<16xf32>
    %swap3A_1472 = arith.constant 1504 : index
    %swap3A_1473 = tpu.vector_load %arg9[%swap3A_1472] {strides = array<i32>} : memref<4096xf32, #tpu.memory_space<vmem>>, vector<16xf32>,
    %swap3A_1474 = vector.shape_cast %swap3A_1473 : vector<16xf32> to vector<16xf32>
    %swap3A_1475 = vector.shape_cast %mul3A_1471 : vector<16xf32> to vector<16xf32>
    tpu.vector_store %arg9[%swap3A_1472], %swap3A_1475 {strides = array<i32>} : memref<4096xf32, #tpu.memory_space<vmem>>, vector<16xf32>,
    %broadcast_in_dim3A_1476 = vector.shape_cast %get3A_1453 : vector<16xi32> to vector<16x1xi32>
    %gather3A_1477 = vector.shape_cast %broadcast_in_dim3A_1476 : vector<16x1xi32> to vector<16xi32>
    %gather3A_1478 = tpu.dynamic_gather %div3A_34[%gather3A_1477] in [0] : vector<16xf32>, vector<16xi32> -> vector<16xf32>
    %get3A_1479 = arith.constant 2528 : index
    %get3A_1480 = tpu.vector_load %arg6[%get3A_1479] {strides = array<i32>} : memref<4096xf32, #tpu.memory_space<vmem>>, vector<16xf32>,
    %get3A_1481 = vector.shape_cast %get3A_1480 : vector<16xf32> to vector<16xf32>
    %mul3A_1482 = arith.mulf %get3A_1481, %gather3A_1478 : vector<16xf32>
    %swap3A_1483 = arith.constant 2528 : index
    %swap3A_1484 = tpu.vector_load %arg9[%swap3A_1483] {strides = array<i32>} : memref<4096xf32, #tpu.memory_space<vmem>>, vector<16xf32>,
    %swap3A_1485 = vector.shape_cast %swap3A_1484 : vector<16xf32> to vector<16xf32>
    %swap3A_1486 = vector.shape_cast %mul3A_1482 : vector<16xf32> to vector<16xf32>
    tpu.vector_store %arg9[%swap3A_1483], %swap3A_1486 {strides = array<i32>} : memref<4096xf32, #tpu.memory_space<vmem>>, vector<16xf32>,
    %broadcast_in_dim3A_1487 = vector.shape_cast %get3A_1453 : vector<16xi32> to vector<16x1xi32>
    %gather3A_1488 = vector.shape_cast %broadcast_in_dim3A_1487 : vector<16x1xi32> to vector<16xi32>
    %gather3A_1489 = tpu.dynamic_gather %div3A_43[%gather3A_1488] in [0] : vector<16xf32>, vector<16xi32> -> vector<16xf32>
    %get3A_1490 = arith.constant 3552 : index
    %get3A_1491 = tpu.vector_load %arg6[%get3A_1490] {strides = array<i32>} : memref<4096xf32, #tpu.memory_space<vmem>>, vector<16xf32>,
    %get3A_1492 = vector.shape_cast %get3A_1491 : vector<16xf32> to vector<16xf32>
    %mul3A_1493 = arith.mulf %get3A_1492, %gather3A_1489 : vector<16xf32>
    %swap3A_1494 = arith.constant 3552 : index
    %swap3A_1495 = tpu.vector_load %arg9[%swap3A_1494] {strides = array<i32>} : memref<4096xf32, #tpu.memory_space<vmem>>, vector<16xf32>,
    %swap3A_1496 = vector.shape_cast %swap3A_1495 : vector<16xf32> to vector<16xf32>
    %swap3A_1497 = vector.shape_cast %mul3A_1493 : vector<16xf32> to vector<16xf32>
    tpu.vector_store %arg9[%swap3A_1494], %swap3A_1497 {strides = array<i32>} : memref<4096xf32, #tpu.memory_space<vmem>>, vector<16xf32>,
    %get3A_1498 = arith.constant 496 : index
    %get3A_1499 = tpu.vector_load %arg7[%get3A_1498] {strides = array<i32>} : memref<1024xi32, #tpu.memory_space<vmem>>, vector<16xi32>,
    %get3A_1500 = vector.shape_cast %get3A_1499 : vector<16xi32> to vector<16xi32>
    %broadcast_in_dim3A_1501 = vector.shape_cast %get3A_1500 : vector<16xi32> to vector<16x1xi32>
    %gather3A_1502 = vector.shape_cast %broadcast_in_dim3A_1501 : vector<16x1xi32> to vector<16xi32>
    %gather3A_1503 = tpu.dynamic_gather %div3A_16[%gather3A_1502] in [0] : vector<16xf32>, vector<16xi32> -> vector<16xf32>
    %get3A_1504 = arith.constant 496 : index
    %get3A_1505 = tpu.vector_load %arg6[%get3A_1504] {strides = array<i32>} : memref<4096xf32, #tpu.memory_space<vmem>>, vector<16xf32>,
    %get3A_1506 = vector.shape_cast %get3A_1505 : vector<16xf32> to vector<16xf32>
    %mul3A_1507 = arith.mulf %get3A_1506, %gather3A_1503 : vector<16xf32>
    %swap3A_1508 = arith.constant 496 : index
    %swap3A_1509 = tpu.vector_load %arg9[%swap3A_1508] {strides = array<i32>} : memref<4096xf32, #tpu.memory_space<vmem>>, vector<16xf32>,
    %swap3A_1510 = vector.shape_cast %swap3A_1509 : vector<16xf32> to vector<16xf32>
    %swap3A_1511 = vector.shape_cast %mul3A_1507 : vector<16xf32> to vector<16xf32>
    tpu.vector_store %arg9[%swap3A_1508], %swap3A_1511 {strides = array<i32>} : memref<4096xf32, #tpu.memory_space<vmem>>, vector<16xf32>,
    %broadcast_in_dim3A_1512 = vector.shape_cast %get3A_1500 : vector<16xi32> to vector<16x1xi32>
    %gather3A_1513 = vector.shape_cast %broadcast_in_dim3A_1512 : vector<16x1xi32> to vector<16xi32>
    %gather3A_1514 = tpu.dynamic_gather %div3A_25[%gather3A_1513] in [0] : vector<16xf32>, vector<16xi32> -> vector<16xf32>
    %get3A_1515 = arith.constant 1520 : index
    %get3A_1516 = tpu.vector_load %arg6[%get3A_1515] {strides = array<i32>} : memref<4096xf32, #tpu.memory_space<vmem>>, vector<16xf32>,
    %get3A_1517 = vector.shape_cast %get3A_1516 : vector<16xf32> to vector<16xf32>
    %mul3A_1518 = arith.mulf %get3A_1517, %gather3A_1514 : vector<16xf32>
    %swap3A_1519 = arith.constant 1520 : index
    %swap3A_1520 = tpu.vector_load %arg9[%swap3A_1519] {strides = array<i32>} : memref<4096xf32, #tpu.memory_space<vmem>>, vector<16xf32>,
    %swap3A_1521 = vector.shape_cast %swap3A_1520 : vector<16xf32> to vector<16xf32>
    %swap3A_1522 = vector.shape_cast %mul3A_1518 : vector<16xf32> to vector<16xf32>
    tpu.vector_store %arg9[%swap3A_1519], %swap3A_1522 {strides = array<i32>} : memref<4096xf32, #tpu.memory_space<vmem>>, vector<16xf32>,
    %broadcast_in_dim3A_1523 = vector.shape_cast %get3A_1500 : vector<16xi32> to vector<16x1xi32>
    %gather3A_1524 = vector.shape_cast %broadcast_in_dim3A_1523 : vector<16x1xi32> to vector<16xi32>
    %gather3A_1525 = tpu.dynamic_gather %div3A_34[%gather3A_1524] in [0] : vector<16xf32>, vector<16xi32> -> vector<16xf32>
    %get3A_1526 = arith.constant 2544 : index
    %get3A_1527 = tpu.vector_load %arg6[%get3A_1526] {strides = array<i32>} : memref<4096xf32, #tpu.memory_space<vmem>>, vector<16xf32>,
    %get3A_1528 = vector.shape_cast %get3A_1527 : vector<16xf32> to vector<16xf32>
    %mul3A_1529 = arith.mulf %get3A_1528, %gather3A_1525 : vector<16xf32>
    %swap3A_1530 = arith.constant 2544 : index
    %swap3A_1531 = tpu.vector_load %arg9[%swap3A_1530] {strides = array<i32>} : memref<4096xf32, #tpu.memory_space<vmem>>, vector<16xf32>,
    %swap3A_1532 = vector.shape_cast %swap3A_1531 : vector<16xf32> to vector<16xf32>
    %swap3A_1533 = vector.shape_cast %mul3A_1529 : vector<16xf32> to vector<16xf32>
    tpu.vector_store %arg9[%swap3A_1530], %swap3A_1533 {strides = array<i32>} : memref<4096xf32, #tpu.memory_space<vmem>>, vector<16xf32>,
    %broadcast_in_dim3A_1534 = vector.shape_cast %get3A_1500 : vector<16xi32> to vector<16x1xi32>
    %gather3A_1535 = vector.shape_cast %broadcast_in_dim3A_1534 : vector<16x1xi32> to vector<16xi32>
    %gather3A_1536 = tpu.dynamic_gather %div3A_43[%gather3A_1535] in [0] : vector<16xf32>, vector<16xi32> -> vector<16xf32>
    %get3A_1537 = arith.constant 3568 : index
    %get3A_1538 = tpu.vector_load %arg6[%get3A_1537] {strides = array<i32>} : memref<4096xf32, #tpu.memory_space<vmem>>, vector<16xf32>,
    %get3A_1539 = vector.shape_cast %get3A_1538 : vector<16xf32> to vector<16xf32>
    %mul3A_1540 = arith.mulf %get3A_1539, %gather3A_1536 : vector<16xf32>
    %swap3A_1541 = arith.constant 3568 : index
    %swap3A_1542 = tpu.vector_load %arg9[%swap3A_1541] {strides = array<i32>} : memref<4096xf32, #tpu.memory_space<vmem>>, vector<16xf32>,
    %swap3A_1543 = vector.shape_cast %swap3A_1542 : vector<16xf32> to vector<16xf32>
    %swap3A_1544 = vector.shape_cast %mul3A_1540 : vector<16xf32> to vector<16xf32>
    tpu.vector_store %arg9[%swap3A_1541], %swap3A_1544 {strides = array<i32>} : memref<4096xf32, #tpu.memory_space<vmem>>, vector<16xf32>,
    %get3A_1545 = arith.constant 512 : index
    %get3A_1546 = tpu.vector_load %arg7[%get3A_1545] {strides = array<i32>} : memref<1024xi32, #tpu.memory_space<vmem>>, vector<16xi32>,
    %get3A_1547 = vector.shape_cast %get3A_1546 : vector<16xi32> to vector<16xi32>
    %broadcast_in_dim3A_1548 = vector.shape_cast %get3A_1547 : vector<16xi32> to vector<16x1xi32>
    %gather3A_1549 = vector.shape_cast %broadcast_in_dim3A_1548 : vector<16x1xi32> to vector<16xi32>
    %gather3A_1550 = tpu.dynamic_gather %div3A_16[%gather3A_1549] in [0] : vector<16xf32>, vector<16xi32> -> vector<16xf32>
    %get3A_1551 = arith.constant 512 : index
    %get3A_1552 = tpu.vector_load %arg6[%get3A_1551] {strides = array<i32>} : memref<4096xf32, #tpu.memory_space<vmem>>, vector<16xf32>,
    %get3A_1553 = vector.shape_cast %get3A_1552 : vector<16xf32> to vector<16xf32>
    %mul3A_1554 = arith.mulf %get3A_1553, %gather3A_1550 : vector<16xf32>
    %swap3A_1555 = arith.constant 512 : index
    %swap3A_1556 = tpu.vector_load %arg9[%swap3A_1555] {strides = array<i32>} : memref<4096xf32, #tpu.memory_space<vmem>>, vector<16xf32>,
    %swap3A_1557 = vector.shape_cast %swap3A_1556 : vector<16xf32> to vector<16xf32>
    %swap3A_1558 = vector.shape_cast %mul3A_1554 : vector<16xf32> to vector<16xf32>
    tpu.vector_store %arg9[%swap3A_1555], %swap3A_1558 {strides = array<i32>} : memref<4096xf32, #tpu.memory_space<vmem>>, vector<16xf32>,
    %broadcast_in_dim3A_1559 = vector.shape_cast %get3A_1547 : vector<16xi32> to vector<16x1xi32>
    %gather3A_1560 = vector.shape_cast %broadcast_in_dim3A_1559 : vector<16x1xi32> to vector<16xi32>
    %gather3A_1561 = tpu.dynamic_gather %div3A_25[%gather3A_1560] in [0] : vector<16xf32>, vector<16xi32> -> vector<16xf32>
    %get3A_1562 = arith.constant 1536 : index
    %get3A_1563 = tpu.vector_load %arg6[%get3A_1562] {strides = array<i32>} : memref<4096xf32, #tpu.memory_space<vmem>>, vector<16xf32>,
    %get3A_1564 = vector.shape_cast %get3A_1563 : vector<16xf32> to vector<16xf32>
    %mul3A_1565 = arith.mulf %get3A_1564, %gather3A_1561 : vector<16xf32>
    %swap3A_1566 = arith.constant 1536 : index
    %swap3A_1567 = tpu.vector_load %arg9[%swap3A_1566] {strides = array<i32>} : memref<4096xf32, #tpu.memory_space<vmem>>, vector<16xf32>,
    %swap3A_1568 = vector.shape_cast %swap3A_1567 : vector<16xf32> to vector<16xf32>
    %swap3A_1569 = vector.shape_cast %mul3A_1565 : vector<16xf32> to vector<16xf32>
    tpu.vector_store %arg9[%swap3A_1566], %swap3A_1569 {strides = array<i32>} : memref<4096xf32, #tpu.memory_space<vmem>>, vector<16xf32>,
    %broadcast_in_dim3A_1570 = vector.shape_cast %get3A_1547 : vector<16xi32> to vector<16x1xi32>
    %gather3A_1571 = vector.shape_cast %broadcast_in_dim3A_1570 : vector<16x1xi32> to vector<16xi32>
    %gather3A_1572 = tpu.dynamic_gather %div3A_34[%gather3A_1571] in [0] : vector<16xf32>, vector<16xi32> -> vector<16xf32>
    %get3A_1573 = arith.constant 2560 : index
    %get3A_1574 = tpu.vector_load %arg6[%get3A_1573] {strides = array<i32>} : memref<4096xf32, #tpu.memory_space<vmem>>, vector<16xf32>,
    %get3A_1575 = vector.shape_cast %get3A_1574 : vector<16xf32> to vector<16xf32>
    %mul3A_1576 = arith.mulf %get3A_1575, %gather3A_1572 : vector<16xf32>
    %swap3A_1577 = arith.constant 2560 : index
    %swap3A_1578 = tpu.vector_load %arg9[%swap3A_1577] {strides = array<i32>} : memref<4096xf32, #tpu.memory_space<vmem>>, vector<16xf32>,
    %swap3A_1579 = vector.shape_cast %swap3A_1578 : vector<16xf32> to vector<16xf32>
    %swap3A_1580 = vector.shape_cast %mul3A_1576 : vector<16xf32> to vector<16xf32>
    tpu.vector_store %arg9[%swap3A_1577], %swap3A_1580 {strides = array<i32>} : memref<4096xf32, #tpu.memory_space<vmem>>, vector<16xf32>,
    %broadcast_in_dim3A_1581 = vector.shape_cast %get3A_1547 : vector<16xi32> to vector<16x1xi32>
    %gather3A_1582 = vector.shape_cast %broadcast_in_dim3A_1581 : vector<16x1xi32> to vector<16xi32>
    %gather3A_1583 = tpu.dynamic_gather %div3A_43[%gather3A_1582] in [0] : vector<16xf32>, vector<16xi32> -> vector<16xf32>
    %get3A_1584 = arith.constant 3584 : index
    %get3A_1585 = tpu.vector_load %arg6[%get3A_1584] {strides = array<i32>} : memref<4096xf32, #tpu.memory_space<vmem>>, vector<16xf32>,
    %get3A_1586 = vector.shape_cast %get3A_1585 : vector<16xf32> to vector<16xf32>
    %mul3A_1587 = arith.mulf %get3A_1586, %gather3A_1583 : vector<16xf32>
    %swap3A_1588 = arith.constant 3584 : index
    %swap3A_1589 = tpu.vector_load %arg9[%swap3A_1588] {strides = array<i32>} : memref<4096xf32, #tpu.memory_space<vmem>>, vector<16xf32>,
    %swap3A_1590 = vector.shape_cast %swap3A_1589 : vector<16xf32> to vector<16xf32>
    %swap3A_1591 = vector.shape_cast %mul3A_1587 : vector<16xf32> to vector<16xf32>
    tpu.vector_store %arg9[%swap3A_1588], %swap3A_1591 {strides = array<i32>} : memref<4096xf32, #tpu.memory_space<vmem>>, vector<16xf32>,
    %get3A_1592 = arith.constant 528 : index
    %get3A_1593 = tpu.vector_load %arg7[%get3A_1592] {strides = array<i32>} : memref<1024xi32, #tpu.memory_space<vmem>>, vector<16xi32>,
    %get3A_1594 = vector.shape_cast %get3A_1593 : vector<16xi32> to vector<16xi32>
    %broadcast_in_dim3A_1595 = vector.shape_cast %get3A_1594 : vector<16xi32> to vector<16x1xi32>
    %gather3A_1596 = vector.shape_cast %broadcast_in_dim3A_1595 : vector<16x1xi32> to vector<16xi32>
    %gather3A_1597 = tpu.dynamic_gather %div3A_16[%gather3A_1596] in [0] : vector<16xf32>, vector<16xi32> -> vector<16xf32>
    %get3A_1598 = arith.constant 528 : index
    %get3A_1599 = tpu.vector_load %arg6[%get3A_1598] {strides = array<i32>} : memref<4096xf32, #tpu.memory_space<vmem>>, vector<16xf32>,
    %get3A_1600 = vector.shape_cast %get3A_1599 : vector<16xf32> to vector<16xf32>
    %mul3A_1601 = arith.mulf %get3A_1600, %gather3A_1597 : vector<16xf32>
    %swap3A_1602 = arith.constant 528 : index
    %swap3A_1603 = tpu.vector_load %arg9[%swap3A_1602] {strides = array<i32>} : memref<4096xf32, #tpu.memory_space<vmem>>, vector<16xf32>,
    %swap3A_1604 = vector.shape_cast %swap3A_1603 : vector<16xf32> to vector<16xf32>
    %swap3A_1605 = vector.shape_cast %mul3A_1601 : vector<16xf32> to vector<16xf32>
    tpu.vector_store %arg9[%swap3A_1602], %swap3A_1605 {strides = array<i32>} : memref<4096xf32, #tpu.memory_space<vmem>>, vector<16xf32>,
    %broadcast_in_dim3A_1606 = vector.shape_cast %get3A_1594 : vector<16xi32> to vector<16x1xi32>
    %gather3A_1607 = vector.shape_cast %broadcast_in_dim3A_1606 : vector<16x1xi32> to vector<16xi32>
    %gather3A_1608 = tpu.dynamic_gather %div3A_25[%gather3A_1607] in [0] : vector<16xf32>, vector<16xi32> -> vector<16xf32>
    %get3A_1609 = arith.constant 1552 : index
    %get3A_1610 = tpu.vector_load %arg6[%get3A_1609] {strides = array<i32>} : memref<4096xf32, #tpu.memory_space<vmem>>, vector<16xf32>,
    %get3A_1611 = vector.shape_cast %get3A_1610 : vector<16xf32> to vector<16xf32>
    %mul3A_1612 = arith.mulf %get3A_1611, %gather3A_1608 : vector<16xf32>
    %swap3A_1613 = arith.constant 1552 : index
    %swap3A_1614 = tpu.vector_load %arg9[%swap3A_1613] {strides = array<i32>} : memref<4096xf32, #tpu.memory_space<vmem>>, vector<16xf32>,
    %swap3A_1615 = vector.shape_cast %swap3A_1614 : vector<16xf32> to vector<16xf32>
    %swap3A_1616 = vector.shape_cast %mul3A_1612 : vector<16xf32> to vector<16xf32>
    tpu.vector_store %arg9[%swap3A_1613], %swap3A_1616 {strides = array<i32>} : memref<4096xf32, #tpu.memory_space<vmem>>, vector<16xf32>,
    %broadcast_in_dim3A_1617 = vector.shape_cast %get3A_1594 : vector<16xi32> to vector<16x1xi32>
    %gather3A_1618 = vector.shape_cast %broadcast_in_dim3A_1617 : vector<16x1xi32> to vector<16xi32>
    %gather3A_1619 = tpu.dynamic_gather %div3A_34[%gather3A_1618] in [0] : vector<16xf32>, vector<16xi32> -> vector<16xf32>
    %get3A_1620 = arith.constant 2576 : index
    %get3A_1621 = tpu.vector_load %arg6[%get3A_1620] {strides = array<i32>} : memref<4096xf32, #tpu.memory_space<vmem>>, vector<16xf32>,
    %get3A_1622 = vector.shape_cast %get3A_1621 : vector<16xf32> to vector<16xf32>
    %mul3A_1623 = arith.mulf %get3A_1622, %gather3A_1619 : vector<16xf32>
    %swap3A_1624 = arith.constant 2576 : index
    %swap3A_1625 = tpu.vector_load %arg9[%swap3A_1624] {strides = array<i32>} : memref<4096xf32, #tpu.memory_space<vmem>>, vector<16xf32>,
    %swap3A_1626 = vector.shape_cast %swap3A_1625 : vector<16xf32> to vector<16xf32>
    %swap3A_1627 = vector.shape_cast %mul3A_1623 : vector<16xf32> to vector<16xf32>
    tpu.vector_store %arg9[%swap3A_1624], %swap3A_1627 {strides = array<i32>} : memref<4096xf32, #tpu.memory_space<vmem>>, vector<16xf32>,
    %broadcast_in_dim3A_1628 = vector.shape_cast %get3A_1594 : vector<16xi32> to vector<16x1xi32>
    %gather3A_1629 = vector.shape_cast %broadcast_in_dim3A_1628 : vector<16x1xi32> to vector<16xi32>
    %gather3A_1630 = tpu.dynamic_gather %div3A_43[%gather3A_1629] in [0] : vector<16xf32>, vector<16xi32> -> vector<16xf32>
    %get3A_1631 = arith.constant 3600 : index
    %get3A_1632 = tpu.vector_load %arg6[%get3A_1631] {strides = array<i32>} : memref<4096xf32, #tpu.memory_space<vmem>>, vector<16xf32>,
    %get3A_1633 = vector.shape_cast %get3A_1632 : vector<16xf32> to vector<16xf32>
    %mul3A_1634 = arith.mulf %get3A_1633, %gather3A_1630 : vector<16xf32>
    %swap3A_1635 = arith.constant 3600 : index
    %swap3A_1636 = tpu.vector_load %arg9[%swap3A_1635] {strides = array<i32>} : memref<4096xf32, #tpu.memory_space<vmem>>, vector<16xf32>,
    %swap3A_1637 = vector.shape_cast %swap3A_1636 : vector<16xf32> to vector<16xf32>
    %swap3A_1638 = vector.shape_cast %mul3A_1634 : vector<16xf32> to vector<16xf32>
    tpu.vector_store %arg9[%swap3A_1635], %swap3A_1638 {strides = array<i32>} : memref<4096xf32, #tpu.memory_space<vmem>>, vector<16xf32>,
    %get3A_1639 = arith.constant 544 : index
    %get3A_1640 = tpu.vector_load %arg7[%get3A_1639] {strides = array<i32>} : memref<1024xi32, #tpu.memory_space<vmem>>, vector<16xi32>,
    %get3A_1641 = vector.shape_cast %get3A_1640 : vector<16xi32> to vector<16xi32>
    %broadcast_in_dim3A_1642 = vector.shape_cast %get3A_1641 : vector<16xi32> to vector<16x1xi32>
    %gather3A_1643 = vector.shape_cast %broadcast_in_dim3A_1642 : vector<16x1xi32> to vector<16xi32>
    %gather3A_1644 = tpu.dynamic_gather %div3A_16[%gather3A_1643] in [0] : vector<16xf32>, vector<16xi32> -> vector<16xf32>
    %get3A_1645 = arith.constant 544 : index
    %get3A_1646 = tpu.vector_load %arg6[%get3A_1645] {strides = array<i32>} : memref<4096xf32, #tpu.memory_space<vmem>>, vector<16xf32>,
    %get3A_1647 = vector.shape_cast %get3A_1646 : vector<16xf32> to vector<16xf32>
    %mul3A_1648 = arith.mulf %get3A_1647, %gather3A_1644 : vector<16xf32>
    %swap3A_1649 = arith.constant 544 : index
    %swap3A_1650 = tpu.vector_load %arg9[%swap3A_1649] {strides = array<i32>} : memref<4096xf32, #tpu.memory_space<vmem>>, vector<16xf32>,
    %swap3A_1651 = vector.shape_cast %swap3A_1650 : vector<16xf32> to vector<16xf32>
    %swap3A_1652 = vector.shape_cast %mul3A_1648 : vector<16xf32> to vector<16xf32>
    tpu.vector_store %arg9[%swap3A_1649], %swap3A_1652 {strides = array<i32>} : memref<4096xf32, #tpu.memory_space<vmem>>, vector<16xf32>,
    %broadcast_in_dim3A_1653 = vector.shape_cast %get3A_1641 : vector<16xi32> to vector<16x1xi32>
    %gather3A_1654 = vector.shape_cast %broadcast_in_dim3A_1653 : vector<16x1xi32> to vector<16xi32>
    %gather3A_1655 = tpu.dynamic_gather %div3A_25[%gather3A_1654] in [0] : vector<16xf32>, vector<16xi32> -> vector<16xf32>
    %get3A_1656 = arith.constant 1568 : index
    %get3A_1657 = tpu.vector_load %arg6[%get3A_1656] {strides = array<i32>} : memref<4096xf32, #tpu.memory_space<vmem>>, vector<16xf32>,
    %get3A_1658 = vector.shape_cast %get3A_1657 : vector<16xf32> to vector<16xf32>
    %mul3A_1659 = arith.mulf %get3A_1658, %gather3A_1655 : vector<16xf32>
    %swap3A_1660 = arith.constant 1568 : index
    %swap3A_1661 = tpu.vector_load %arg9[%swap3A_1660] {strides = array<i32>} : memref<4096xf32, #tpu.memory_space<vmem>>, vector<16xf32>,
    %swap3A_1662 = vector.shape_cast %swap3A_1661 : vector<16xf32> to vector<16xf32>
    %swap3A_1663 = vector.shape_cast %mul3A_1659 : vector<16xf32> to vector<16xf32>
    tpu.vector_store %arg9[%swap3A_1660], %swap3A_1663 {strides = array<i32>} : memref<4096xf32, #tpu.memory_space<vmem>>, vector<16xf32>,
    %broadcast_in_dim3A_1664 = vector.shape_cast %get3A_1641 : vector<16xi32> to vector<16x1xi32>
    %gather3A_1665 = vector.shape_cast %broadcast_in_dim3A_1664 : vector<16x1xi32> to vector<16xi32>
    %gather3A_1666 = tpu.dynamic_gather %div3A_34[%gather3A_1665] in [0] : vector<16xf32>, vector<16xi32> -> vector<16xf32>
    %get3A_1667 = arith.constant 2592 : index
    %get3A_1668 = tpu.vector_load %arg6[%get3A_1667] {strides = array<i32>} : memref<4096xf32, #tpu.memory_space<vmem>>, vector<16xf32>,
    %get3A_1669 = vector.shape_cast %get3A_1668 : vector<16xf32> to vector<16xf32>
    %mul3A_1670 = arith.mulf %get3A_1669, %gather3A_1666 : vector<16xf32>
    %swap3A_1671 = arith.constant 2592 : index
    %swap3A_1672 = tpu.vector_load %arg9[%swap3A_1671] {strides = array<i32>} : memref<4096xf32, #tpu.memory_space<vmem>>, vector<16xf32>,
    %swap3A_1673 = vector.shape_cast %swap3A_1672 : vector<16xf32> to vector<16xf32>
    %swap3A_1674 = vector.shape_cast %mul3A_1670 : vector<16xf32> to vector<16xf32>
    tpu.vector_store %arg9[%swap3A_1671], %swap3A_1674 {strides = array<i32>} : memref<4096xf32, #tpu.memory_space<vmem>>, vector<16xf32>,
    %broadcast_in_dim3A_1675 = vector.shape_cast %get3A_1641 : vector<16xi32> to vector<16x1xi32>
    %gather3A_1676 = vector.shape_cast %broadcast_in_dim3A_1675 : vector<16x1xi32> to vector<16xi32>
    %gather3A_1677 = tpu.dynamic_gather %div3A_43[%gather3A_1676] in [0] : vector<16xf32>, vector<16xi32> -> vector<16xf32>
    %get3A_1678 = arith.constant 3616 : index
    %get3A_1679 = tpu.vector_load %arg6[%get3A_1678] {strides = array<i32>} : memref<4096xf32, #tpu.memory_space<vmem>>, vector<16xf32>,
    %get3A_1680 = vector.shape_cast %get3A_1679 : vector<16xf32> to vector<16xf32>
    %mul3A_1681 = arith.mulf %get3A_1680, %gather3A_1677 : vector<16xf32>
    %swap3A_1682 = arith.constant 3616 : index
    %swap3A_1683 = tpu.vector_load %arg9[%swap3A_1682] {strides = array<i32>} : memref<4096xf32, #tpu.memory_space<vmem>>, vector<16xf32>,
    %swap3A_1684 = vector.shape_cast %swap3A_1683 : vector<16xf32> to vector<16xf32>
    %swap3A_1685 = vector.shape_cast %mul3A_1681 : vector<16xf32> to vector<16xf32>
    tpu.vector_store %arg9[%swap3A_1682], %swap3A_1685 {strides = array<i32>} : memref<4096xf32, #tpu.memory_space<vmem>>, vector<16xf32>,
    %get3A_1686 = arith.constant 560 : index
    %get3A_1687 = tpu.vector_load %arg7[%get3A_1686] {strides = array<i32>} : memref<1024xi32, #tpu.memory_space<vmem>>, vector<16xi32>,
    %get3A_1688 = vector.shape_cast %get3A_1687 : vector<16xi32> to vector<16xi32>
    %broadcast_in_dim3A_1689 = vector.shape_cast %get3A_1688 : vector<16xi32> to vector<16x1xi32>
    %gather3A_1690 = vector.shape_cast %broadcast_in_dim3A_1689 : vector<16x1xi32> to vector<16xi32>
    %gather3A_1691 = tpu.dynamic_gather %div3A_16[%gather3A_1690] in [0] : vector<16xf32>, vector<16xi32> -> vector<16xf32>
    %get3A_1692 = arith.constant 560 : index
    %get3A_1693 = tpu.vector_load %arg6[%get3A_1692] {strides = array<i32>} : memref<4096xf32, #tpu.memory_space<vmem>>, vector<16xf32>,
    %get3A_1694 = vector.shape_cast %get3A_1693 : vector<16xf32> to vector<16xf32>
    %mul3A_1695 = arith.mulf %get3A_1694, %gather3A_1691 : vector<16xf32>
    %swap3A_1696 = arith.constant 560 : index
    %swap3A_1697 = tpu.vector_load %arg9[%swap3A_1696] {strides = array<i32>} : memref<4096xf32, #tpu.memory_space<vmem>>, vector<16xf32>,
    %swap3A_1698 = vector.shape_cast %swap3A_1697 : vector<16xf32> to vector<16xf32>
    %swap3A_1699 = vector.shape_cast %mul3A_1695 : vector<16xf32> to vector<16xf32>
    tpu.vector_store %arg9[%swap3A_1696], %swap3A_1699 {strides = array<i32>} : memref<4096xf32, #tpu.memory_space<vmem>>, vector<16xf32>,
    %broadcast_in_dim3A_1700 = vector.shape_cast %get3A_1688 : vector<16xi32> to vector<16x1xi32>
    %gather3A_1701 = vector.shape_cast %broadcast_in_dim3A_1700 : vector<16x1xi32> to vector<16xi32>
    %gather3A_1702 = tpu.dynamic_gather %div3A_25[%gather3A_1701] in [0] : vector<16xf32>, vector<16xi32> -> vector<16xf32>
    %get3A_1703 = arith.constant 1584 : index
    %get3A_1704 = tpu.vector_load %arg6[%get3A_1703] {strides = array<i32>} : memref<4096xf32, #tpu.memory_space<vmem>>, vector<16xf32>,
    %get3A_1705 = vector.shape_cast %get3A_1704 : vector<16xf32> to vector<16xf32>
    %mul3A_1706 = arith.mulf %get3A_1705, %gather3A_1702 : vector<16xf32>
    %swap3A_1707 = arith.constant 1584 : index
    %swap3A_1708 = tpu.vector_load %arg9[%swap3A_1707] {strides = array<i32>} : memref<4096xf32, #tpu.memory_space<vmem>>, vector<16xf32>,
    %swap3A_1709 = vector.shape_cast %swap3A_1708 : vector<16xf32> to vector<16xf32>
    %swap3A_1710 = vector.shape_cast %mul3A_1706 : vector<16xf32> to vector<16xf32>
    tpu.vector_store %arg9[%swap3A_1707], %swap3A_1710 {strides = array<i32>} : memref<4096xf32, #tpu.memory_space<vmem>>, vector<16xf32>,
    %broadcast_in_dim3A_1711 = vector.shape_cast %get3A_1688 : vector<16xi32> to vector<16x1xi32>
    %gather3A_1712 = vector.shape_cast %broadcast_in_dim3A_1711 : vector<16x1xi32> to vector<16xi32>
    %gather3A_1713 = tpu.dynamic_gather %div3A_34[%gather3A_1712] in [0] : vector<16xf32>, vector<16xi32> -> vector<16xf32>
    %get3A_1714 = arith.constant 2608 : index
    %get3A_1715 = tpu.vector_load %arg6[%get3A_1714] {strides = array<i32>} : memref<4096xf32, #tpu.memory_space<vmem>>, vector<16xf32>,
    %get3A_1716 = vector.shape_cast %get3A_1715 : vector<16xf32> to vector<16xf32>
    %mul3A_1717 = arith.mulf %get3A_1716, %gather3A_1713 : vector<16xf32>
    %swap3A_1718 = arith.constant 2608 : index
    %swap3A_1719 = tpu.vector_load %arg9[%swap3A_1718] {strides = array<i32>} : memref<4096xf32, #tpu.memory_space<vmem>>, vector<16xf32>,
    %swap3A_1720 = vector.shape_cast %swap3A_1719 : vector<16xf32> to vector<16xf32>
    %swap3A_1721 = vector.shape_cast %mul3A_1717 : vector<16xf32> to vector<16xf32>
    tpu.vector_store %arg9[%swap3A_1718], %swap3A_1721 {strides = array<i32>} : memref<4096xf32, #tpu.memory_space<vmem>>, vector<16xf32>,
    %broadcast_in_dim3A_1722 = vector.shape_cast %get3A_1688 : vector<16xi32> to vector<16x1xi32>
    %gather3A_1723 = vector.shape_cast %broadcast_in_dim3A_1722 : vector<16x1xi32> to vector<16xi32>
    %gather3A_1724 = tpu.dynamic_gather %div3A_43[%gather3A_1723] in [0] : vector<16xf32>, vector<16xi32> -> vector<16xf32>
    %get3A_1725 = arith.constant 3632 : index
    %get3A_1726 = tpu.vector_load %arg6[%get3A_1725] {strides = array<i32>} : memref<4096xf32, #tpu.memory_space<vmem>>, vector<16xf32>,
    %get3A_1727 = vector.shape_cast %get3A_1726 : vector<16xf32> to vector<16xf32>
    %mul3A_1728 = arith.mulf %get3A_1727, %gather3A_1724 : vector<16xf32>
    %swap3A_1729 = arith.constant 3632 : index
    %swap3A_1730 = tpu.vector_load %arg9[%swap3A_1729] {strides = array<i32>} : memref<4096xf32, #tpu.memory_space<vmem>>, vector<16xf32>,
    %swap3A_1731 = vector.shape_cast %swap3A_1730 : vector<16xf32> to vector<16xf32>
    %swap3A_1732 = vector.shape_cast %mul3A_1728 : vector<16xf32> to vector<16xf32>
    tpu.vector_store %arg9[%swap3A_1729], %swap3A_1732 {strides = array<i32>} : memref<4096xf32, #tpu.memory_space<vmem>>, vector<16xf32>,
    %get3A_1733 = arith.constant 576 : index
    %get3A_1734 = tpu.vector_load %arg7[%get3A_1733] {strides = array<i32>} : memref<1024xi32, #tpu.memory_space<vmem>>, vector<16xi32>,
    %get3A_1735 = vector.shape_cast %get3A_1734 : vector<16xi32> to vector<16xi32>
    %broadcast_in_dim3A_1736 = vector.shape_cast %get3A_1735 : vector<16xi32> to vector<16x1xi32>
    %gather3A_1737 = vector.shape_cast %broadcast_in_dim3A_1736 : vector<16x1xi32> to vector<16xi32>
    %gather3A_1738 = tpu.dynamic_gather %div3A_16[%gather3A_1737] in [0] : vector<16xf32>, vector<16xi32> -> vector<16xf32>
    %get3A_1739 = arith.constant 576 : index
    %get3A_1740 = tpu.vector_load %arg6[%get3A_1739] {strides = array<i32>} : memref<4096xf32, #tpu.memory_space<vmem>>, vector<16xf32>,
    %get3A_1741 = vector.shape_cast %get3A_1740 : vector<16xf32> to vector<16xf32>
    %mul3A_1742 = arith.mulf %get3A_1741, %gather3A_1738 : vector<16xf32>
    %swap3A_1743 = arith.constant 576 : index
    %swap3A_1744 = tpu.vector_load %arg9[%swap3A_1743] {strides = array<i32>} : memref<4096xf32, #tpu.memory_space<vmem>>, vector<16xf32>,
    %swap3A_1745 = vector.shape_cast %swap3A_1744 : vector<16xf32> to vector<16xf32>
    %swap3A_1746 = vector.shape_cast %mul3A_1742 : vector<16xf32> to vector<16xf32>
    tpu.vector_store %arg9[%swap3A_1743], %swap3A_1746 {strides = array<i32>} : memref<4096xf32, #tpu.memory_space<vmem>>, vector<16xf32>,
    %broadcast_in_dim3A_1747 = vector.shape_cast %get3A_1735 : vector<16xi32> to vector<16x1xi32>
    %gather3A_1748 = vector.shape_cast %broadcast_in_dim3A_1747 : vector<16x1xi32> to vector<16xi32>
    %gather3A_1749 = tpu.dynamic_gather %div3A_25[%gather3A_1748] in [0] : vector<16xf32>, vector<16xi32> -> vector<16xf32>
    %get3A_1750 = arith.constant 1600 : index
    %get3A_1751 = tpu.vector_load %arg6[%get3A_1750] {strides = array<i32>} : memref<4096xf32, #tpu.memory_space<vmem>>, vector<16xf32>,
    %get3A_1752 = vector.shape_cast %get3A_1751 : vector<16xf32> to vector<16xf32>
    %mul3A_1753 = arith.mulf %get3A_1752, %gather3A_1749 : vector<16xf32>
    %swap3A_1754 = arith.constant 1600 : index
    %swap3A_1755 = tpu.vector_load %arg9[%swap3A_1754] {strides = array<i32>} : memref<4096xf32, #tpu.memory_space<vmem>>, vector<16xf32>,
    %swap3A_1756 = vector.shape_cast %swap3A_1755 : vector<16xf32> to vector<16xf32>
    %swap3A_1757 = vector.shape_cast %mul3A_1753 : vector<16xf32> to vector<16xf32>
    tpu.vector_store %arg9[%swap3A_1754], %swap3A_1757 {strides = array<i32>} : memref<4096xf32, #tpu.memory_space<vmem>>, vector<16xf32>,
    %broadcast_in_dim3A_1758 = vector.shape_cast %get3A_1735 : vector<16xi32> to vector<16x1xi32>
    %gather3A_1759 = vector.shape_cast %broadcast_in_dim3A_1758 : vector<16x1xi32> to vector<16xi32>
    %gather3A_1760 = tpu.dynamic_gather %div3A_34[%gather3A_1759] in [0] : vector<16xf32>, vector<16xi32> -> vector<16xf32>
    %get3A_1761 = arith.constant 2624 : index
    %get3A_1762 = tpu.vector_load %arg6[%get3A_1761] {strides = array<i32>} : memref<4096xf32, #tpu.memory_space<vmem>>, vector<16xf32>,
    %get3A_1763 = vector.shape_cast %get3A_1762 : vector<16xf32> to vector<16xf32>
    %mul3A_1764 = arith.mulf %get3A_1763, %gather3A_1760 : vector<16xf32>
    %swap3A_1765 = arith.constant 2624 : index
    %swap3A_1766 = tpu.vector_load %arg9[%swap3A_1765] {strides = array<i32>} : memref<4096xf32, #tpu.memory_space<vmem>>, vector<16xf32>,
    %swap3A_1767 = vector.shape_cast %swap3A_1766 : vector<16xf32> to vector<16xf32>
    %swap3A_1768 = vector.shape_cast %mul3A_1764 : vector<16xf32> to vector<16xf32>
    tpu.vector_store %arg9[%swap3A_1765], %swap3A_1768 {strides = array<i32>} : memref<4096xf32, #tpu.memory_space<vmem>>, vector<16xf32>,
    %broadcast_in_dim3A_1769 = vector.shape_cast %get3A_1735 : vector<16xi32> to vector<16x1xi32>
    %gather3A_1770 = vector.shape_cast %broadcast_in_dim3A_1769 : vector<16x1xi32> to vector<16xi32>
    %gather3A_1771 = tpu.dynamic_gather %div3A_43[%gather3A_1770] in [0] : vector<16xf32>, vector<16xi32> -> vector<16xf32>
    %get3A_1772 = arith.constant 3648 : index
    %get3A_1773 = tpu.vector_load %arg6[%get3A_1772] {strides = array<i32>} : memref<4096xf32, #tpu.memory_space<vmem>>, vector<16xf32>,
    %get3A_1774 = vector.shape_cast %get3A_1773 : vector<16xf32> to vector<16xf32>
    %mul3A_1775 = arith.mulf %get3A_1774, %gather3A_1771 : vector<16xf32>
    %swap3A_1776 = arith.constant 3648 : index
    %swap3A_1777 = tpu.vector_load %arg9[%swap3A_1776] {strides = array<i32>} : memref<4096xf32, #tpu.memory_space<vmem>>, vector<16xf32>,
    %swap3A_1778 = vector.shape_cast %swap3A_1777 : vector<16xf32> to vector<16xf32>
    %swap3A_1779 = vector.shape_cast %mul3A_1775 : vector<16xf32> to vector<16xf32>
    tpu.vector_store %arg9[%swap3A_1776], %swap3A_1779 {strides = array<i32>} : memref<4096xf32, #tpu.memory_space<vmem>>, vector<16xf32>,
    %get3A_1780 = arith.constant 592 : index
    %get3A_1781 = tpu.vector_load %arg7[%get3A_1780] {strides = array<i32>} : memref<1024xi32, #tpu.memory_space<vmem>>, vector<16xi32>,
    %get3A_1782 = vector.shape_cast %get3A_1781 : vector<16xi32> to vector<16xi32>
    %broadcast_in_dim3A_1783 = vector.shape_cast %get3A_1782 : vector<16xi32> to vector<16x1xi32>
    %gather3A_1784 = vector.shape_cast %broadcast_in_dim3A_1783 : vector<16x1xi32> to vector<16xi32>
    %gather3A_1785 = tpu.dynamic_gather %div3A_16[%gather3A_1784] in [0] : vector<16xf32>, vector<16xi32> -> vector<16xf32>
    %get3A_1786 = arith.constant 592 : index
    %get3A_1787 = tpu.vector_load %arg6[%get3A_1786] {strides = array<i32>} : memref<4096xf32, #tpu.memory_space<vmem>>, vector<16xf32>,
    %get3A_1788 = vector.shape_cast %get3A_1787 : vector<16xf32> to vector<16xf32>
    %mul3A_1789 = arith.mulf %get3A_1788, %gather3A_1785 : vector<16xf32>
    %swap3A_1790 = arith.constant 592 : index
    %swap3A_1791 = tpu.vector_load %arg9[%swap3A_1790] {strides = array<i32>} : memref<4096xf32, #tpu.memory_space<vmem>>, vector<16xf32>,
    %swap3A_1792 = vector.shape_cast %swap3A_1791 : vector<16xf32> to vector<16xf32>
    %swap3A_1793 = vector.shape_cast %mul3A_1789 : vector<16xf32> to vector<16xf32>
    tpu.vector_store %arg9[%swap3A_1790], %swap3A_1793 {strides = array<i32>} : memref<4096xf32, #tpu.memory_space<vmem>>, vector<16xf32>,
    %broadcast_in_dim3A_1794 = vector.shape_cast %get3A_1782 : vector<16xi32> to vector<16x1xi32>
    %gather3A_1795 = vector.shape_cast %broadcast_in_dim3A_1794 : vector<16x1xi32> to vector<16xi32>
    %gather3A_1796 = tpu.dynamic_gather %div3A_25[%gather3A_1795] in [0] : vector<16xf32>, vector<16xi32> -> vector<16xf32>
    %get3A_1797 = arith.constant 1616 : index
    %get3A_1798 = tpu.vector_load %arg6[%get3A_1797] {strides = array<i32>} : memref<4096xf32, #tpu.memory_space<vmem>>, vector<16xf32>,
    %get3A_1799 = vector.shape_cast %get3A_1798 : vector<16xf32> to vector<16xf32>
    %mul3A_1800 = arith.mulf %get3A_1799, %gather3A_1796 : vector<16xf32>
    %swap3A_1801 = arith.constant 1616 : index
    %swap3A_1802 = tpu.vector_load %arg9[%swap3A_1801] {strides = array<i32>} : memref<4096xf32, #tpu.memory_space<vmem>>, vector<16xf32>,
    %swap3A_1803 = vector.shape_cast %swap3A_1802 : vector<16xf32> to vector<16xf32>
    %swap3A_1804 = vector.shape_cast %mul3A_1800 : vector<16xf32> to vector<16xf32>
    tpu.vector_store %arg9[%swap3A_1801], %swap3A_1804 {strides = array<i32>} : memref<4096xf32, #tpu.memory_space<vmem>>, vector<16xf32>,
    %broadcast_in_dim3A_1805 = vector.shape_cast %get3A_1782 : vector<16xi32> to vector<16x1xi32>
    %gather3A_1806 = vector.shape_cast %broadcast_in_dim3A_1805 : vector<16x1xi32> to vector<16xi32>
    %gather3A_1807 = tpu.dynamic_gather %div3A_34[%gather3A_1806] in [0] : vector<16xf32>, vector<16xi32> -> vector<16xf32>
    %get3A_1808 = arith.constant 2640 : index
    %get3A_1809 = tpu.vector_load %arg6[%get3A_1808] {strides = array<i32>} : memref<4096xf32, #tpu.memory_space<vmem>>, vector<16xf32>,
    %get3A_1810 = vector.shape_cast %get3A_1809 : vector<16xf32> to vector<16xf32>
    %mul3A_1811 = arith.mulf %get3A_1810, %gather3A_1807 : vector<16xf32>
    %swap3A_1812 = arith.constant 2640 : index
    %swap3A_1813 = tpu.vector_load %arg9[%swap3A_1812] {strides = array<i32>} : memref<4096xf32, #tpu.memory_space<vmem>>, vector<16xf32>,
    %swap3A_1814 = vector.shape_cast %swap3A_1813 : vector<16xf32> to vector<16xf32>
    %swap3A_1815 = vector.shape_cast %mul3A_1811 : vector<16xf32> to vector<16xf32>
    tpu.vector_store %arg9[%swap3A_1812], %swap3A_1815 {strides = array<i32>} : memref<4096xf32, #tpu.memory_space<vmem>>, vector<16xf32>,
    %broadcast_in_dim3A_1816 = vector.shape_cast %get3A_1782 : vector<16xi32> to vector<16x1xi32>
    %gather3A_1817 = vector.shape_cast %broadcast_in_dim3A_1816 : vector<16x1xi32> to vector<16xi32>
    %gather3A_1818 = tpu.dynamic_gather %div3A_43[%gather3A_1817] in [0] : vector<16xf32>, vector<16xi32> -> vector<16xf32>
    %get3A_1819 = arith.constant 3664 : index
    %get3A_1820 = tpu.vector_load %arg6[%get3A_1819] {strides = array<i32>} : memref<4096xf32, #tpu.memory_space<vmem>>, vector<16xf32>,
    %get3A_1821 = vector.shape_cast %get3A_1820 : vector<16xf32> to vector<16xf32>
    %mul3A_1822 = arith.mulf %get3A_1821, %gather3A_1818 : vector<16xf32>
    %swap3A_1823 = arith.constant 3664 : index
    %swap3A_1824 = tpu.vector_load %arg9[%swap3A_1823] {strides = array<i32>} : memref<4096xf32, #tpu.memory_space<vmem>>, vector<16xf32>,
    %swap3A_1825 = vector.shape_cast %swap3A_1824 : vector<16xf32> to vector<16xf32>
    %swap3A_1826 = vector.shape_cast %mul3A_1822 : vector<16xf32> to vector<16xf32>
    tpu.vector_store %arg9[%swap3A_1823], %swap3A_1826 {strides = array<i32>} : memref<4096xf32, #tpu.memory_space<vmem>>, vector<16xf32>,
    %get3A_1827 = arith.constant 608 : index
    %get3A_1828 = tpu.vector_load %arg7[%get3A_1827] {strides = array<i32>} : memref<1024xi32, #tpu.memory_space<vmem>>, vector<16xi32>,
    %get3A_1829 = vector.shape_cast %get3A_1828 : vector<16xi32> to vector<16xi32>
    %broadcast_in_dim3A_1830 = vector.shape_cast %get3A_1829 : vector<16xi32> to vector<16x1xi32>
    %gather3A_1831 = vector.shape_cast %broadcast_in_dim3A_1830 : vector<16x1xi32> to vector<16xi32>
    %gather3A_1832 = tpu.dynamic_gather %div3A_16[%gather3A_1831] in [0] : vector<16xf32>, vector<16xi32> -> vector<16xf32>
    %get3A_1833 = arith.constant 608 : index
    %get3A_1834 = tpu.vector_load %arg6[%get3A_1833] {strides = array<i32>} : memref<4096xf32, #tpu.memory_space<vmem>>, vector<16xf32>,
    %get3A_1835 = vector.shape_cast %get3A_1834 : vector<16xf32> to vector<16xf32>
    %mul3A_1836 = arith.mulf %get3A_1835, %gather3A_1832 : vector<16xf32>
    %swap3A_1837 = arith.constant 608 : index
    %swap3A_1838 = tpu.vector_load %arg9[%swap3A_1837] {strides = array<i32>} : memref<4096xf32, #tpu.memory_space<vmem>>, vector<16xf32>,
    %swap3A_1839 = vector.shape_cast %swap3A_1838 : vector<16xf32> to vector<16xf32>
    %swap3A_1840 = vector.shape_cast %mul3A_1836 : vector<16xf32> to vector<16xf32>
    tpu.vector_store %arg9[%swap3A_1837], %swap3A_1840 {strides = array<i32>} : memref<4096xf32, #tpu.memory_space<vmem>>, vector<16xf32>,
    %broadcast_in_dim3A_1841 = vector.shape_cast %get3A_1829 : vector<16xi32> to vector<16x1xi32>
    %gather3A_1842 = vector.shape_cast %broadcast_in_dim3A_1841 : vector<16x1xi32> to vector<16xi32>
    %gather3A_1843 = tpu.dynamic_gather %div3A_25[%gather3A_1842] in [0] : vector<16xf32>, vector<16xi32> -> vector<16xf32>
    %get3A_1844 = arith.constant 1632 : index
    %get3A_1845 = tpu.vector_load %arg6[%get3A_1844] {strides = array<i32>} : memref<4096xf32, #tpu.memory_space<vmem>>, vector<16xf32>,
    %get3A_1846 = vector.shape_cast %get3A_1845 : vector<16xf32> to vector<16xf32>
    %mul3A_1847 = arith.mulf %get3A_1846, %gather3A_1843 : vector<16xf32>
    %swap3A_1848 = arith.constant 1632 : index
    %swap3A_1849 = tpu.vector_load %arg9[%swap3A_1848] {strides = array<i32>} : memref<4096xf32, #tpu.memory_space<vmem>>, vector<16xf32>,
    %swap3A_1850 = vector.shape_cast %swap3A_1849 : vector<16xf32> to vector<16xf32>
    %swap3A_1851 = vector.shape_cast %mul3A_1847 : vector<16xf32> to vector<16xf32>
    tpu.vector_store %arg9[%swap3A_1848], %swap3A_1851 {strides = array<i32>} : memref<4096xf32, #tpu.memory_space<vmem>>, vector<16xf32>,
    %broadcast_in_dim3A_1852 = vector.shape_cast %get3A_1829 : vector<16xi32> to vector<16x1xi32>
    %gather3A_1853 = vector.shape_cast %broadcast_in_dim3A_1852 : vector<16x1xi32> to vector<16xi32>
    %gather3A_1854 = tpu.dynamic_gather %div3A_34[%gather3A_1853] in [0] : vector<16xf32>, vector<16xi32> -> vector<16xf32>
    %get3A_1855 = arith.constant 2656 : index
    %get3A_1856 = tpu.vector_load %arg6[%get3A_1855] {strides = array<i32>} : memref<4096xf32, #tpu.memory_space<vmem>>, vector<16xf32>,
    %get3A_1857 = vector.shape_cast %get3A_1856 : vector<16xf32> to vector<16xf32>
    %mul3A_1858 = arith.mulf %get3A_1857, %gather3A_1854 : vector<16xf32>
    %swap3A_1859 = arith.constant 2656 : index
    %swap3A_1860 = tpu.vector_load %arg9[%swap3A_1859] {strides = array<i32>} : memref<4096xf32, #tpu.memory_space<vmem>>, vector<16xf32>,
    %swap3A_1861 = vector.shape_cast %swap3A_1860 : vector<16xf32> to vector<16xf32>
    %swap3A_1862 = vector.shape_cast %mul3A_1858 : vector<16xf32> to vector<16xf32>
    tpu.vector_store %arg9[%swap3A_1859], %swap3A_1862 {strides = array<i32>} : memref<4096xf32, #tpu.memory_space<vmem>>, vector<16xf32>,
    %broadcast_in_dim3A_1863 = vector.shape_cast %get3A_1829 : vector<16xi32> to vector<16x1xi32>
    %gather3A_1864 = vector.shape_cast %broadcast_in_dim3A_1863 : vector<16x1xi32> to vector<16xi32>
    %gather3A_1865 = tpu.dynamic_gather %div3A_43[%gather3A_1864] in [0] : vector<16xf32>, vector<16xi32> -> vector<16xf32>
    %get3A_1866 = arith.constant 3680 : index
    %get3A_1867 = tpu.vector_load %arg6[%get3A_1866] {strides = array<i32>} : memref<4096xf32, #tpu.memory_space<vmem>>, vector<16xf32>,
    %get3A_1868 = vector.shape_cast %get3A_1867 : vector<16xf32> to vector<16xf32>
    %mul3A_1869 = arith.mulf %get3A_1868, %gather3A_1865 : vector<16xf32>
    %swap3A_1870 = arith.constant 3680 : index
    %swap3A_1871 = tpu.vector_load %arg9[%swap3A_1870] {strides = array<i32>} : memref<4096xf32, #tpu.memory_space<vmem>>, vector<16xf32>,
    %swap3A_1872 = vector.shape_cast %swap3A_1871 : vector<16xf32> to vector<16xf32>
    %swap3A_1873 = vector.shape_cast %mul3A_1869 : vector<16xf32> to vector<16xf32>
    tpu.vector_store %arg9[%swap3A_1870], %swap3A_1873 {strides = array<i32>} : memref<4096xf32, #tpu.memory_space<vmem>>, vector<16xf32>,
    %get3A_1874 = arith.constant 624 : index
    %get3A_1875 = tpu.vector_load %arg7[%get3A_1874] {strides = array<i32>} : memref<1024xi32, #tpu.memory_space<vmem>>, vector<16xi32>,
    %get3A_1876 = vector.shape_cast %get3A_1875 : vector<16xi32> to vector<16xi32>
    %broadcast_in_dim3A_1877 = vector.shape_cast %get3A_1876 : vector<16xi32> to vector<16x1xi32>
    %gather3A_1878 = vector.shape_cast %broadcast_in_dim3A_1877 : vector<16x1xi32> to vector<16xi32>
    %gather3A_1879 = tpu.dynamic_gather %div3A_16[%gather3A_1878] in [0] : vector<16xf32>, vector<16xi32> -> vector<16xf32>
    %get3A_1880 = arith.constant 624 : index
    %get3A_1881 = tpu.vector_load %arg6[%get3A_1880] {strides = array<i32>} : memref<4096xf32, #tpu.memory_space<vmem>>, vector<16xf32>,
    %get3A_1882 = vector.shape_cast %get3A_1881 : vector<16xf32> to vector<16xf32>
    %mul3A_1883 = arith.mulf %get3A_1882, %gather3A_1879 : vector<16xf32>
    %swap3A_1884 = arith.constant 624 : index
    %swap3A_1885 = tpu.vector_load %arg9[%swap3A_1884] {strides = array<i32>} : memref<4096xf32, #tpu.memory_space<vmem>>, vector<16xf32>,
    %swap3A_1886 = vector.shape_cast %swap3A_1885 : vector<16xf32> to vector<16xf32>
    %swap3A_1887 = vector.shape_cast %mul3A_1883 : vector<16xf32> to vector<16xf32>
    tpu.vector_store %arg9[%swap3A_1884], %swap3A_1887 {strides = array<i32>} : memref<4096xf32, #tpu.memory_space<vmem>>, vector<16xf32>,
    %broadcast_in_dim3A_1888 = vector.shape_cast %get3A_1876 : vector<16xi32> to vector<16x1xi32>
    %gather3A_1889 = vector.shape_cast %broadcast_in_dim3A_1888 : vector<16x1xi32> to vector<16xi32>
    %gather3A_1890 = tpu.dynamic_gather %div3A_25[%gather3A_1889] in [0] : vector<16xf32>, vector<16xi32> -> vector<16xf32>
    %get3A_1891 = arith.constant 1648 : index
    %get3A_1892 = tpu.vector_load %arg6[%get3A_1891] {strides = array<i32>} : memref<4096xf32, #tpu.memory_space<vmem>>, vector<16xf32>,
    %get3A_1893 = vector.shape_cast %get3A_1892 : vector<16xf32> to vector<16xf32>
    %mul3A_1894 = arith.mulf %get3A_1893, %gather3A_1890 : vector<16xf32>
    %swap3A_1895 = arith.constant 1648 : index
    %swap3A_1896 = tpu.vector_load %arg9[%swap3A_1895] {strides = array<i32>} : memref<4096xf32, #tpu.memory_space<vmem>>, vector<16xf32>,
    %swap3A_1897 = vector.shape_cast %swap3A_1896 : vector<16xf32> to vector<16xf32>
    %swap3A_1898 = vector.shape_cast %mul3A_1894 : vector<16xf32> to vector<16xf32>
    tpu.vector_store %arg9[%swap3A_1895], %swap3A_1898 {strides = array<i32>} : memref<4096xf32, #tpu.memory_space<vmem>>, vector<16xf32>,
    %broadcast_in_dim3A_1899 = vector.shape_cast %get3A_1876 : vector<16xi32> to vector<16x1xi32>
    %gather3A_1900 = vector.shape_cast %broadcast_in_dim3A_1899 : vector<16x1xi32> to vector<16xi32>
    %gather3A_1901 = tpu.dynamic_gather %div3A_34[%gather3A_1900] in [0] : vector<16xf32>, vector<16xi32> -> vector<16xf32>
    %get3A_1902 = arith.constant 2672 : index
    %get3A_1903 = tpu.vector_load %arg6[%get3A_1902] {strides = array<i32>} : memref<4096xf32, #tpu.memory_space<vmem>>, vector<16xf32>,
    %get3A_1904 = vector.shape_cast %get3A_1903 : vector<16xf32> to vector<16xf32>
    %mul3A_1905 = arith.mulf %get3A_1904, %gather3A_1901 : vector<16xf32>
    %swap3A_1906 = arith.constant 2672 : index
    %swap3A_1907 = tpu.vector_load %arg9[%swap3A_1906] {strides = array<i32>} : memref<4096xf32, #tpu.memory_space<vmem>>, vector<16xf32>,
    %swap3A_1908 = vector.shape_cast %swap3A_1907 : vector<16xf32> to vector<16xf32>
    %swap3A_1909 = vector.shape_cast %mul3A_1905 : vector<16xf32> to vector<16xf32>
    tpu.vector_store %arg9[%swap3A_1906], %swap3A_1909 {strides = array<i32>} : memref<4096xf32, #tpu.memory_space<vmem>>, vector<16xf32>,
    %broadcast_in_dim3A_1910 = vector.shape_cast %get3A_1876 : vector<16xi32> to vector<16x1xi32>
    %gather3A_1911 = vector.shape_cast %broadcast_in_dim3A_1910 : vector<16x1xi32> to vector<16xi32>
    %gather3A_1912 = tpu.dynamic_gather %div3A_43[%gather3A_1911] in [0] : vector<16xf32>, vector<16xi32> -> vector<16xf32>
    %get3A_1913 = arith.constant 3696 : index
    %get3A_1914 = tpu.vector_load %arg6[%get3A_1913] {strides = array<i32>} : memref<4096xf32, #tpu.memory_space<vmem>>, vector<16xf32>,
    %get3A_1915 = vector.shape_cast %get3A_1914 : vector<16xf32> to vector<16xf32>
    %mul3A_1916 = arith.mulf %get3A_1915, %gather3A_1912 : vector<16xf32>
    %swap3A_1917 = arith.constant 3696 : index
    %swap3A_1918 = tpu.vector_load %arg9[%swap3A_1917] {strides = array<i32>} : memref<4096xf32, #tpu.memory_space<vmem>>, vector<16xf32>,
    %swap3A_1919 = vector.shape_cast %swap3A_1918 : vector<16xf32> to vector<16xf32>
    %swap3A_1920 = vector.shape_cast %mul3A_1916 : vector<16xf32> to vector<16xf32>
    tpu.vector_store %arg9[%swap3A_1917], %swap3A_1920 {strides = array<i32>} : memref<4096xf32, #tpu.memory_space<vmem>>, vector<16xf32>,
    %get3A_1921 = arith.constant 640 : index
    %get3A_1922 = tpu.vector_load %arg7[%get3A_1921] {strides = array<i32>} : memref<1024xi32, #tpu.memory_space<vmem>>, vector<16xi32>,
    %get3A_1923 = vector.shape_cast %get3A_1922 : vector<16xi32> to vector<16xi32>
    %broadcast_in_dim3A_1924 = vector.shape_cast %get3A_1923 : vector<16xi32> to vector<16x1xi32>
    %gather3A_1925 = vector.shape_cast %broadcast_in_dim3A_1924 : vector<16x1xi32> to vector<16xi32>
    %gather3A_1926 = tpu.dynamic_gather %div3A_16[%gather3A_1925] in [0] : vector<16xf32>, vector<16xi32> -> vector<16xf32>
    %get3A_1927 = arith.constant 640 : index
    %get3A_1928 = tpu.vector_load %arg6[%get3A_1927] {strides = array<i32>} : memref<4096xf32, #tpu.memory_space<vmem>>, vector<16xf32>,
    %get3A_1929 = vector.shape_cast %get3A_1928 : vector<16xf32> to vector<16xf32>
    %mul3A_1930 = arith.mulf %get3A_1929, %gather3A_1926 : vector<16xf32>
    %swap3A_1931 = arith.constant 640 : index
    %swap3A_1932 = tpu.vector_load %arg9[%swap3A_1931] {strides = array<i32>} : memref<4096xf32, #tpu.memory_space<vmem>>, vector<16xf32>,
    %swap3A_1933 = vector.shape_cast %swap3A_1932 : vector<16xf32> to vector<16xf32>
    %swap3A_1934 = vector.shape_cast %mul3A_1930 : vector<16xf32> to vector<16xf32>
    tpu.vector_store %arg9[%swap3A_1931], %swap3A_1934 {strides = array<i32>} : memref<4096xf32, #tpu.memory_space<vmem>>, vector<16xf32>,
    %broadcast_in_dim3A_1935 = vector.shape_cast %get3A_1923 : vector<16xi32> to vector<16x1xi32>
    %gather3A_1936 = vector.shape_cast %broadcast_in_dim3A_1935 : vector<16x1xi32> to vector<16xi32>
    %gather3A_1937 = tpu.dynamic_gather %div3A_25[%gather3A_1936] in [0] : vector<16xf32>, vector<16xi32> -> vector<16xf32>
    %get3A_1938 = arith.constant 1664 : index
    %get3A_1939 = tpu.vector_load %arg6[%get3A_1938] {strides = array<i32>} : memref<4096xf32, #tpu.memory_space<vmem>>, vector<16xf32>,
    %get3A_1940 = vector.shape_cast %get3A_1939 : vector<16xf32> to vector<16xf32>
    %mul3A_1941 = arith.mulf %get3A_1940, %gather3A_1937 : vector<16xf32>
    %swap3A_1942 = arith.constant 1664 : index
    %swap3A_1943 = tpu.vector_load %arg9[%swap3A_1942] {strides = array<i32>} : memref<4096xf32, #tpu.memory_space<vmem>>, vector<16xf32>,
    %swap3A_1944 = vector.shape_cast %swap3A_1943 : vector<16xf32> to vector<16xf32>
    %swap3A_1945 = vector.shape_cast %mul3A_1941 : vector<16xf32> to vector<16xf32>
    tpu.vector_store %arg9[%swap3A_1942], %swap3A_1945 {strides = array<i32>} : memref<4096xf32, #tpu.memory_space<vmem>>, vector<16xf32>,
    %broadcast_in_dim3A_1946 = vector.shape_cast %get3A_1923 : vector<16xi32> to vector<16x1xi32>
    %gather3A_1947 = vector.shape_cast %broadcast_in_dim3A_1946 : vector<16x1xi32> to vector<16xi32>
    %gather3A_1948 = tpu.dynamic_gather %div3A_34[%gather3A_1947] in [0] : vector<16xf32>, vector<16xi32> -> vector<16xf32>
    %get3A_1949 = arith.constant 2688 : index
    %get3A_1950 = tpu.vector_load %arg6[%get3A_1949] {strides = array<i32>} : memref<4096xf32, #tpu.memory_space<vmem>>, vector<16xf32>,
    %get3A_1951 = vector.shape_cast %get3A_1950 : vector<16xf32> to vector<16xf32>
    %mul3A_1952 = arith.mulf %get3A_1951, %gather3A_1948 : vector<16xf32>
    %swap3A_1953 = arith.constant 2688 : index
    %swap3A_1954 = tpu.vector_load %arg9[%swap3A_1953] {strides = array<i32>} : memref<4096xf32, #tpu.memory_space<vmem>>, vector<16xf32>,
    %swap3A_1955 = vector.shape_cast %swap3A_1954 : vector<16xf32> to vector<16xf32>
    %swap3A_1956 = vector.shape_cast %mul3A_1952 : vector<16xf32> to vector<16xf32>
    tpu.vector_store %arg9[%swap3A_1953], %swap3A_1956 {strides = array<i32>} : memref<4096xf32, #tpu.memory_space<vmem>>, vector<16xf32>,
    %broadcast_in_dim3A_1957 = vector.shape_cast %get3A_1923 : vector<16xi32> to vector<16x1xi32>
    %gather3A_1958 = vector.shape_cast %broadcast_in_dim3A_1957 : vector<16x1xi32> to vector<16xi32>
    %gather3A_1959 = tpu.dynamic_gather %div3A_43[%gather3A_1958] in [0] : vector<16xf32>, vector<16xi32> -> vector<16xf32>
    %get3A_1960 = arith.constant 3712 : index
    %get3A_1961 = tpu.vector_load %arg6[%get3A_1960] {strides = array<i32>} : memref<4096xf32, #tpu.memory_space<vmem>>, vector<16xf32>,
    %get3A_1962 = vector.shape_cast %get3A_1961 : vector<16xf32> to vector<16xf32>
    %mul3A_1963 = arith.mulf %get3A_1962, %gather3A_1959 : vector<16xf32>
    %swap3A_1964 = arith.constant 3712 : index
    %swap3A_1965 = tpu.vector_load %arg9[%swap3A_1964] {strides = array<i32>} : memref<4096xf32, #tpu.memory_space<vmem>>, vector<16xf32>,
    %swap3A_1966 = vector.shape_cast %swap3A_1965 : vector<16xf32> to vector<16xf32>
    %swap3A_1967 = vector.shape_cast %mul3A_1963 : vector<16xf32> to vector<16xf32>
    tpu.vector_store %arg9[%swap3A_1964], %swap3A_1967 {strides = array<i32>} : memref<4096xf32, #tpu.memory_space<vmem>>, vector<16xf32>,
    %get3A_1968 = arith.constant 656 : index
    %get3A_1969 = tpu.vector_load %arg7[%get3A_1968] {strides = array<i32>} : memref<1024xi32, #tpu.memory_space<vmem>>, vector<16xi32>,
    %get3A_1970 = vector.shape_cast %get3A_1969 : vector<16xi32> to vector<16xi32>
    %broadcast_in_dim3A_1971 = vector.shape_cast %get3A_1970 : vector<16xi32> to vector<16x1xi32>
    %gather3A_1972 = vector.shape_cast %broadcast_in_dim3A_1971 : vector<16x1xi32> to vector<16xi32>
    %gather3A_1973 = tpu.dynamic_gather %div3A_16[%gather3A_1972] in [0] : vector<16xf32>, vector<16xi32> -> vector<16xf32>
    %get3A_1974 = arith.constant 656 : index
    %get3A_1975 = tpu.vector_load %arg6[%get3A_1974] {strides = array<i32>} : memref<4096xf32, #tpu.memory_space<vmem>>, vector<16xf32>,
    %get3A_1976 = vector.shape_cast %get3A_1975 : vector<16xf32> to vector<16xf32>
    %mul3A_1977 = arith.mulf %get3A_1976, %gather3A_1973 : vector<16xf32>
    %swap3A_1978 = arith.constant 656 : index
    %swap3A_1979 = tpu.vector_load %arg9[%swap3A_1978] {strides = array<i32>} : memref<4096xf32, #tpu.memory_space<vmem>>, vector<16xf32>,
    %swap3A_1980 = vector.shape_cast %swap3A_1979 : vector<16xf32> to vector<16xf32>
    %swap3A_1981 = vector.shape_cast %mul3A_1977 : vector<16xf32> to vector<16xf32>
    tpu.vector_store %arg9[%swap3A_1978], %swap3A_1981 {strides = array<i32>} : memref<4096xf32, #tpu.memory_space<vmem>>, vector<16xf32>,
    %broadcast_in_dim3A_1982 = vector.shape_cast %get3A_1970 : vector<16xi32> to vector<16x1xi32>
    %gather3A_1983 = vector.shape_cast %broadcast_in_dim3A_1982 : vector<16x1xi32> to vector<16xi32>
    %gather3A_1984 = tpu.dynamic_gather %div3A_25[%gather3A_1983] in [0] : vector<16xf32>, vector<16xi32> -> vector<16xf32>
    %get3A_1985 = arith.constant 1680 : index
    %get3A_1986 = tpu.vector_load %arg6[%get3A_1985] {strides = array<i32>} : memref<4096xf32, #tpu.memory_space<vmem>>, vector<16xf32>,
    %get3A_1987 = vector.shape_cast %get3A_1986 : vector<16xf32> to vector<16xf32>
    %mul3A_1988 = arith.mulf %get3A_1987, %gather3A_1984 : vector<16xf32>
    %swap3A_1989 = arith.constant 1680 : index
    %swap3A_1990 = tpu.vector_load %arg9[%swap3A_1989] {strides = array<i32>} : memref<4096xf32, #tpu.memory_space<vmem>>, vector<16xf32>,
    %swap3A_1991 = vector.shape_cast %swap3A_1990 : vector<16xf32> to vector<16xf32>
    %swap3A_1992 = vector.shape_cast %mul3A_1988 : vector<16xf32> to vector<16xf32>
    tpu.vector_store %arg9[%swap3A_1989], %swap3A_1992 {strides = array<i32>} : memref<4096xf32, #tpu.memory_space<vmem>>, vector<16xf32>,
    %broadcast_in_dim3A_1993 = vector.shape_cast %get3A_1970 : vector<16xi32> to vector<16x1xi32>
    %gather3A_1994 = vector.shape_cast %broadcast_in_dim3A_1993 : vector<16x1xi32> to vector<16xi32>
    %gather3A_1995 = tpu.dynamic_gather %div3A_34[%gather3A_1994] in [0] : vector<16xf32>, vector<16xi32> -> vector<16xf32>
    %get3A_1996 = arith.constant 2704 : index
    %get3A_1997 = tpu.vector_load %arg6[%get3A_1996] {strides = array<i32>} : memref<4096xf32, #tpu.memory_space<vmem>>, vector<16xf32>,
    %get3A_1998 = vector.shape_cast %get3A_1997 : vector<16xf32> to vector<16xf32>
    %mul3A_1999 = arith.mulf %get3A_1998, %gather3A_1995 : vector<16xf32>
    %swap3A_2000 = arith.constant 2704 : index
    %swap3A_2001 = tpu.vector_load %arg9[%swap3A_2000] {strides = array<i32>} : memref<4096xf32, #tpu.memory_space<vmem>>, vector<16xf32>,
    %swap3A_2002 = vector.shape_cast %swap3A_2001 : vector<16xf32> to vector<16xf32>
    %swap3A_2003 = vector.shape_cast %mul3A_1999 : vector<16xf32> to vector<16xf32>
    tpu.vector_store %arg9[%swap3A_2000], %swap3A_2003 {strides = array<i32>} : memref<4096xf32, #tpu.memory_space<vmem>>, vector<16xf32>,
    %broadcast_in_dim3A_2004 = vector.shape_cast %get3A_1970 : vector<16xi32> to vector<16x1xi32>
    %gather3A_2005 = vector.shape_cast %broadcast_in_dim3A_2004 : vector<16x1xi32> to vector<16xi32>
    %gather3A_2006 = tpu.dynamic_gather %div3A_43[%gather3A_2005] in [0] : vector<16xf32>, vector<16xi32> -> vector<16xf32>
    %get3A_2007 = arith.constant 3728 : index
    %get3A_2008 = tpu.vector_load %arg6[%get3A_2007] {strides = array<i32>} : memref<4096xf32, #tpu.memory_space<vmem>>, vector<16xf32>,
    %get3A_2009 = vector.shape_cast %get3A_2008 : vector<16xf32> to vector<16xf32>
    %mul3A_2010 = arith.mulf %get3A_2009, %gather3A_2006 : vector<16xf32>
    %swap3A_2011 = arith.constant 3728 : index
    %swap3A_2012 = tpu.vector_load %arg9[%swap3A_2011] {strides = array<i32>} : memref<4096xf32, #tpu.memory_space<vmem>>, vector<16xf32>,
    %swap3A_2013 = vector.shape_cast %swap3A_2012 : vector<16xf32> to vector<16xf32>
    %swap3A_2014 = vector.shape_cast %mul3A_2010 : vector<16xf32> to vector<16xf32>
    tpu.vector_store %arg9[%swap3A_2011], %swap3A_2014 {strides = array<i32>} : memref<4096xf32, #tpu.memory_space<vmem>>, vector<16xf32>,
    %get3A_2015 = arith.constant 672 : index
    %get3A_2016 = tpu.vector_load %arg7[%get3A_2015] {strides = array<i32>} : memref<1024xi32, #tpu.memory_space<vmem>>, vector<16xi32>,
    %get3A_2017 = vector.shape_cast %get3A_2016 : vector<16xi32> to vector<16xi32>
    %broadcast_in_dim3A_2018 = vector.shape_cast %get3A_2017 : vector<16xi32> to vector<16x1xi32>
    %gather3A_2019 = vector.shape_cast %broadcast_in_dim3A_2018 : vector<16x1xi32> to vector<16xi32>
    %gather3A_2020 = tpu.dynamic_gather %div3A_16[%gather3A_2019] in [0] : vector<16xf32>, vector<16xi32> -> vector<16xf32>
    %get3A_2021 = arith.constant 672 : index
    %get3A_2022 = tpu.vector_load %arg6[%get3A_2021] {strides = array<i32>} : memref<4096xf32, #tpu.memory_space<vmem>>, vector<16xf32>,
    %get3A_2023 = vector.shape_cast %get3A_2022 : vector<16xf32> to vector<16xf32>
    %mul3A_2024 = arith.mulf %get3A_2023, %gather3A_2020 : vector<16xf32>
    %swap3A_2025 = arith.constant 672 : index
    %swap3A_2026 = tpu.vector_load %arg9[%swap3A_2025] {strides = array<i32>} : memref<4096xf32, #tpu.memory_space<vmem>>, vector<16xf32>,
    %swap3A_2027 = vector.shape_cast %swap3A_2026 : vector<16xf32> to vector<16xf32>
    %swap3A_2028 = vector.shape_cast %mul3A_2024 : vector<16xf32> to vector<16xf32>
    tpu.vector_store %arg9[%swap3A_2025], %swap3A_2028 {strides = array<i32>} : memref<4096xf32, #tpu.memory_space<vmem>>, vector<16xf32>,
    %broadcast_in_dim3A_2029 = vector.shape_cast %get3A_2017 : vector<16xi32> to vector<16x1xi32>
    %gather3A_2030 = vector.shape_cast %broadcast_in_dim3A_2029 : vector<16x1xi32> to vector<16xi32>
    %gather3A_2031 = tpu.dynamic_gather %div3A_25[%gather3A_2030] in [0] : vector<16xf32>, vector<16xi32> -> vector<16xf32>
    %get3A_2032 = arith.constant 1696 : index
    %get3A_2033 = tpu.vector_load %arg6[%get3A_2032] {strides = array<i32>} : memref<4096xf32, #tpu.memory_space<vmem>>, vector<16xf32>,
    %get3A_2034 = vector.shape_cast %get3A_2033 : vector<16xf32> to vector<16xf32>
    %mul3A_2035 = arith.mulf %get3A_2034, %gather3A_2031 : vector<16xf32>
    %swap3A_2036 = arith.constant 1696 : index
    %swap3A_2037 = tpu.vector_load %arg9[%swap3A_2036] {strides = array<i32>} : memref<4096xf32, #tpu.memory_space<vmem>>, vector<16xf32>,
    %swap3A_2038 = vector.shape_cast %swap3A_2037 : vector<16xf32> to vector<16xf32>
    %swap3A_2039 = vector.shape_cast %mul3A_2035 : vector<16xf32> to vector<16xf32>
    tpu.vector_store %arg9[%swap3A_2036], %swap3A_2039 {strides = array<i32>} : memref<4096xf32, #tpu.memory_space<vmem>>, vector<16xf32>,
    %broadcast_in_dim3A_2040 = vector.shape_cast %get3A_2017 : vector<16xi32> to vector<16x1xi32>
    %gather3A_2041 = vector.shape_cast %broadcast_in_dim3A_2040 : vector<16x1xi32> to vector<16xi32>
    %gather3A_2042 = tpu.dynamic_gather %div3A_34[%gather3A_2041] in [0] : vector<16xf32>, vector<16xi32> -> vector<16xf32>
    %get3A_2043 = arith.constant 2720 : index
    %get3A_2044 = tpu.vector_load %arg6[%get3A_2043] {strides = array<i32>} : memref<4096xf32, #tpu.memory_space<vmem>>, vector<16xf32>,
    %get3A_2045 = vector.shape_cast %get3A_2044 : vector<16xf32> to vector<16xf32>
    %mul3A_2046 = arith.mulf %get3A_2045, %gather3A_2042 : vector<16xf32>
    %swap3A_2047 = arith.constant 2720 : index
    %swap3A_2048 = tpu.vector_load %arg9[%swap3A_2047] {strides = array<i32>} : memref<4096xf32, #tpu.memory_space<vmem>>, vector<16xf32>,
    %swap3A_2049 = vector.shape_cast %swap3A_2048 : vector<16xf32> to vector<16xf32>
    %swap3A_2050 = vector.shape_cast %mul3A_2046 : vector<16xf32> to vector<16xf32>
    tpu.vector_store %arg9[%swap3A_2047], %swap3A_2050 {strides = array<i32>} : memref<4096xf32, #tpu.memory_space<vmem>>, vector<16xf32>,
    %broadcast_in_dim3A_2051 = vector.shape_cast %get3A_2017 : vector<16xi32> to vector<16x1xi32>
    %gather3A_2052 = vector.shape_cast %broadcast_in_dim3A_2051 : vector<16x1xi32> to vector<16xi32>
    %gather3A_2053 = tpu.dynamic_gather %div3A_43[%gather3A_2052] in [0] : vector<16xf32>, vector<16xi32> -> vector<16xf32>
    %get3A_2054 = arith.constant 3744 : index
    %get3A_2055 = tpu.vector_load %arg6[%get3A_2054] {strides = array<i32>} : memref<4096xf32, #tpu.memory_space<vmem>>, vector<16xf32>,
    %get3A_2056 = vector.shape_cast %get3A_2055 : vector<16xf32> to vector<16xf32>
    %mul3A_2057 = arith.mulf %get3A_2056, %gather3A_2053 : vector<16xf32>
    %swap3A_2058 = arith.constant 3744 : index
    %swap3A_2059 = tpu.vector_load %arg9[%swap3A_2058] {strides = array<i32>} : memref<4096xf32, #tpu.memory_space<vmem>>, vector<16xf32>,
    %swap3A_2060 = vector.shape_cast %swap3A_2059 : vector<16xf32> to vector<16xf32>
    %swap3A_2061 = vector.shape_cast %mul3A_2057 : vector<16xf32> to vector<16xf32>
    tpu.vector_store %arg9[%swap3A_2058], %swap3A_2061 {strides = array<i32>} : memref<4096xf32, #tpu.memory_space<vmem>>, vector<16xf32>,
    %get3A_2062 = arith.constant 688 : index
    %get3A_2063 = tpu.vector_load %arg7[%get3A_2062] {strides = array<i32>} : memref<1024xi32, #tpu.memory_space<vmem>>, vector<16xi32>,
    %get3A_2064 = vector.shape_cast %get3A_2063 : vector<16xi32> to vector<16xi32>
    %broadcast_in_dim3A_2065 = vector.shape_cast %get3A_2064 : vector<16xi32> to vector<16x1xi32>
    %gather3A_2066 = vector.shape_cast %broadcast_in_dim3A_2065 : vector<16x1xi32> to vector<16xi32>
    %gather3A_2067 = tpu.dynamic_gather %div3A_16[%gather3A_2066] in [0] : vector<16xf32>, vector<16xi32> -> vector<16xf32>
    %get3A_2068 = arith.constant 688 : index
    %get3A_2069 = tpu.vector_load %arg6[%get3A_2068] {strides = array<i32>} : memref<4096xf32, #tpu.memory_space<vmem>>, vector<16xf32>,
    %get3A_2070 = vector.shape_cast %get3A_2069 : vector<16xf32> to vector<16xf32>
    %mul3A_2071 = arith.mulf %get3A_2070, %gather3A_2067 : vector<16xf32>
    %swap3A_2072 = arith.constant 688 : index
    %swap3A_2073 = tpu.vector_load %arg9[%swap3A_2072] {strides = array<i32>} : memref<4096xf32, #tpu.memory_space<vmem>>, vector<16xf32>,
    %swap3A_2074 = vector.shape_cast %swap3A_2073 : vector<16xf32> to vector<16xf32>
    %swap3A_2075 = vector.shape_cast %mul3A_2071 : vector<16xf32> to vector<16xf32>
    tpu.vector_store %arg9[%swap3A_2072], %swap3A_2075 {strides = array<i32>} : memref<4096xf32, #tpu.memory_space<vmem>>, vector<16xf32>,
    %broadcast_in_dim3A_2076 = vector.shape_cast %get3A_2064 : vector<16xi32> to vector<16x1xi32>
    %gather3A_2077 = vector.shape_cast %broadcast_in_dim3A_2076 : vector<16x1xi32> to vector<16xi32>
    %gather3A_2078 = tpu.dynamic_gather %div3A_25[%gather3A_2077] in [0] : vector<16xf32>, vector<16xi32> -> vector<16xf32>
    %get3A_2079 = arith.constant 1712 : index
    %get3A_2080 = tpu.vector_load %arg6[%get3A_2079] {strides = array<i32>} : memref<4096xf32, #tpu.memory_space<vmem>>, vector<16xf32>,
    %get3A_2081 = vector.shape_cast %get3A_2080 : vector<16xf32> to vector<16xf32>
    %mul3A_2082 = arith.mulf %get3A_2081, %gather3A_2078 : vector<16xf32>
    %swap3A_2083 = arith.constant 1712 : index
    %swap3A_2084 = tpu.vector_load %arg9[%swap3A_2083] {strides = array<i32>} : memref<4096xf32, #tpu.memory_space<vmem>>, vector<16xf32>,
    %swap3A_2085 = vector.shape_cast %swap3A_2084 : vector<16xf32> to vector<16xf32>
    %swap3A_2086 = vector.shape_cast %mul3A_2082 : vector<16xf32> to vector<16xf32>
    tpu.vector_store %arg9[%swap3A_2083], %swap3A_2086 {strides = array<i32>} : memref<4096xf32, #tpu.memory_space<vmem>>, vector<16xf32>,
    %broadcast_in_dim3A_2087 = vector.shape_cast %get3A_2064 : vector<16xi32> to vector<16x1xi32>
    %gather3A_2088 = vector.shape_cast %broadcast_in_dim3A_2087 : vector<16x1xi32> to vector<16xi32>
    %gather3A_2089 = tpu.dynamic_gather %div3A_34[%gather3A_2088] in [0] : vector<16xf32>, vector<16xi32> -> vector<16xf32>
    %get3A_2090 = arith.constant 2736 : index
    %get3A_2091 = tpu.vector_load %arg6[%get3A_2090] {strides = array<i32>} : memref<4096xf32, #tpu.memory_space<vmem>>, vector<16xf32>,
    %get3A_2092 = vector.shape_cast %get3A_2091 : vector<16xf32> to vector<16xf32>
    %mul3A_2093 = arith.mulf %get3A_2092, %gather3A_2089 : vector<16xf32>
    %swap3A_2094 = arith.constant 2736 : index
    %swap3A_2095 = tpu.vector_load %arg9[%swap3A_2094] {strides = array<i32>} : memref<4096xf32, #tpu.memory_space<vmem>>, vector<16xf32>,
    %swap3A_2096 = vector.shape_cast %swap3A_2095 : vector<16xf32> to vector<16xf32>
    %swap3A_2097 = vector.shape_cast %mul3A_2093 : vector<16xf32> to vector<16xf32>
    tpu.vector_store %arg9[%swap3A_2094], %swap3A_2097 {strides = array<i32>} : memref<4096xf32, #tpu.memory_space<vmem>>, vector<16xf32>,
    %broadcast_in_dim3A_2098 = vector.shape_cast %get3A_2064 : vector<16xi32> to vector<16x1xi32>
    %gather3A_2099 = vector.shape_cast %broadcast_in_dim3A_2098 : vector<16x1xi32> to vector<16xi32>
    %gather3A_2100 = tpu.dynamic_gather %div3A_43[%gather3A_2099] in [0] : vector<16xf32>, vector<16xi32> -> vector<16xf32>
    %get3A_2101 = arith.constant 3760 : index
    %get3A_2102 = tpu.vector_load %arg6[%get3A_2101] {strides = array<i32>} : memref<4096xf32, #tpu.memory_space<vmem>>, vector<16xf32>,
    %get3A_2103 = vector.shape_cast %get3A_2102 : vector<16xf32> to vector<16xf32>
    %mul3A_2104 = arith.mulf %get3A_2103, %gather3A_2100 : vector<16xf32>
    %swap3A_2105 = arith.constant 3760 : index
    %swap3A_2106 = tpu.vector_load %arg9[%swap3A_2105] {strides = array<i32>} : memref<4096xf32, #tpu.memory_space<vmem>>, vector<16xf32>,
    %swap3A_2107 = vector.shape_cast %swap3A_2106 : vector<16xf32> to vector<16xf32>
    %swap3A_2108 = vector.shape_cast %mul3A_2104 : vector<16xf32> to vector<16xf32>
    tpu.vector_store %arg9[%swap3A_2105], %swap3A_2108 {strides = array<i32>} : memref<4096xf32, #tpu.memory_space<vmem>>, vector<16xf32>,
    %get3A_2109 = arith.constant 704 : index
    %get3A_2110 = tpu.vector_load %arg7[%get3A_2109] {strides = array<i32>} : memref<1024xi32, #tpu.memory_space<vmem>>, vector<16xi32>,
    %get3A_2111 = vector.shape_cast %get3A_2110 : vector<16xi32> to vector<16xi32>
    %broadcast_in_dim3A_2112 = vector.shape_cast %get3A_2111 : vector<16xi32> to vector<16x1xi32>
    %gather3A_2113 = vector.shape_cast %broadcast_in_dim3A_2112 : vector<16x1xi32> to vector<16xi32>
    %gather3A_2114 = tpu.dynamic_gather %div3A_16[%gather3A_2113] in [0] : vector<16xf32>, vector<16xi32> -> vector<16xf32>
    %get3A_2115 = arith.constant 704 : index
    %get3A_2116 = tpu.vector_load %arg6[%get3A_2115] {strides = array<i32>} : memref<4096xf32, #tpu.memory_space<vmem>>, vector<16xf32>,
    %get3A_2117 = vector.shape_cast %get3A_2116 : vector<16xf32> to vector<16xf32>
    %mul3A_2118 = arith.mulf %get3A_2117, %gather3A_2114 : vector<16xf32>
    %swap3A_2119 = arith.constant 704 : index
    %swap3A_2120 = tpu.vector_load %arg9[%swap3A_2119] {strides = array<i32>} : memref<4096xf32, #tpu.memory_space<vmem>>, vector<16xf32>,
    %swap3A_2121 = vector.shape_cast %swap3A_2120 : vector<16xf32> to vector<16xf32>
    %swap3A_2122 = vector.shape_cast %mul3A_2118 : vector<16xf32> to vector<16xf32>
    tpu.vector_store %arg9[%swap3A_2119], %swap3A_2122 {strides = array<i32>} : memref<4096xf32, #tpu.memory_space<vmem>>, vector<16xf32>,
    %broadcast_in_dim3A_2123 = vector.shape_cast %get3A_2111 : vector<16xi32> to vector<16x1xi32>
    %gather3A_2124 = vector.shape_cast %broadcast_in_dim3A_2123 : vector<16x1xi32> to vector<16xi32>
    %gather3A_2125 = tpu.dynamic_gather %div3A_25[%gather3A_2124] in [0] : vector<16xf32>, vector<16xi32> -> vector<16xf32>
    %get3A_2126 = arith.constant 1728 : index
    %get3A_2127 = tpu.vector_load %arg6[%get3A_2126] {strides = array<i32>} : memref<4096xf32, #tpu.memory_space<vmem>>, vector<16xf32>,
    %get3A_2128 = vector.shape_cast %get3A_2127 : vector<16xf32> to vector<16xf32>
    %mul3A_2129 = arith.mulf %get3A_2128, %gather3A_2125 : vector<16xf32>
    %swap3A_2130 = arith.constant 1728 : index
    %swap3A_2131 = tpu.vector_load %arg9[%swap3A_2130] {strides = array<i32>} : memref<4096xf32, #tpu.memory_space<vmem>>, vector<16xf32>,
    %swap3A_2132 = vector.shape_cast %swap3A_2131 : vector<16xf32> to vector<16xf32>
    %swap3A_2133 = vector.shape_cast %mul3A_2129 : vector<16xf32> to vector<16xf32>
    tpu.vector_store %arg9[%swap3A_2130], %swap3A_2133 {strides = array<i32>} : memref<4096xf32, #tpu.memory_space<vmem>>, vector<16xf32>,
    %broadcast_in_dim3A_2134 = vector.shape_cast %get3A_2111 : vector<16xi32> to vector<16x1xi32>
    %gather3A_2135 = vector.shape_cast %broadcast_in_dim3A_2134 : vector<16x1xi32> to vector<16xi32>
    %gather3A_2136 = tpu.dynamic_gather %div3A_34[%gather3A_2135] in [0] : vector<16xf32>, vector<16xi32> -> vector<16xf32>
    %get3A_2137 = arith.constant 2752 : index
    %get3A_2138 = tpu.vector_load %arg6[%get3A_2137] {strides = array<i32>} : memref<4096xf32, #tpu.memory_space<vmem>>, vector<16xf32>,
    %get3A_2139 = vector.shape_cast %get3A_2138 : vector<16xf32> to vector<16xf32>
    %mul3A_2140 = arith.mulf %get3A_2139, %gather3A_2136 : vector<16xf32>
    %swap3A_2141 = arith.constant 2752 : index
    %swap3A_2142 = tpu.vector_load %arg9[%swap3A_2141] {strides = array<i32>} : memref<4096xf32, #tpu.memory_space<vmem>>, vector<16xf32>,
    %swap3A_2143 = vector.shape_cast %swap3A_2142 : vector<16xf32> to vector<16xf32>
    %swap3A_2144 = vector.shape_cast %mul3A_2140 : vector<16xf32> to vector<16xf32>
    tpu.vector_store %arg9[%swap3A_2141], %swap3A_2144 {strides = array<i32>} : memref<4096xf32, #tpu.memory_space<vmem>>, vector<16xf32>,
    %broadcast_in_dim3A_2145 = vector.shape_cast %get3A_2111 : vector<16xi32> to vector<16x1xi32>
    %gather3A_2146 = vector.shape_cast %broadcast_in_dim3A_2145 : vector<16x1xi32> to vector<16xi32>
    %gather3A_2147 = tpu.dynamic_gather %div3A_43[%gather3A_2146] in [0] : vector<16xf32>, vector<16xi32> -> vector<16xf32>
    %get3A_2148 = arith.constant 3776 : index
    %get3A_2149 = tpu.vector_load %arg6[%get3A_2148] {strides = array<i32>} : memref<4096xf32, #tpu.memory_space<vmem>>, vector<16xf32>,
    %get3A_2150 = vector.shape_cast %get3A_2149 : vector<16xf32> to vector<16xf32>
    %mul3A_2151 = arith.mulf %get3A_2150, %gather3A_2147 : vector<16xf32>
    %swap3A_2152 = arith.constant 3776 : index
    %swap3A_2153 = tpu.vector_load %arg9[%swap3A_2152] {strides = array<i32>} : memref<4096xf32, #tpu.memory_space<vmem>>, vector<16xf32>,
    %swap3A_2154 = vector.shape_cast %swap3A_2153 : vector<16xf32> to vector<16xf32>
    %swap3A_2155 = vector.shape_cast %mul3A_2151 : vector<16xf32> to vector<16xf32>
    tpu.vector_store %arg9[%swap3A_2152], %swap3A_2155 {strides = array<i32>} : memref<4096xf32, #tpu.memory_space<vmem>>, vector<16xf32>,
    %get3A_2156 = arith.constant 720 : index
    %get3A_2157 = tpu.vector_load %arg7[%get3A_2156] {strides = array<i32>} : memref<1024xi32, #tpu.memory_space<vmem>>, vector<16xi32>,
    %get3A_2158 = vector.shape_cast %get3A_2157 : vector<16xi32> to vector<16xi32>
    %broadcast_in_dim3A_2159 = vector.shape_cast %get3A_2158 : vector<16xi32> to vector<16x1xi32>
    %gather3A_2160 = vector.shape_cast %broadcast_in_dim3A_2159 : vector<16x1xi32> to vector<16xi32>
    %gather3A_2161 = tpu.dynamic_gather %div3A_16[%gather3A_2160] in [0] : vector<16xf32>, vector<16xi32> -> vector<16xf32>
    %get3A_2162 = arith.constant 720 : index
    %get3A_2163 = tpu.vector_load %arg6[%get3A_2162] {strides = array<i32>} : memref<4096xf32, #tpu.memory_space<vmem>>, vector<16xf32>,
    %get3A_2164 = vector.shape_cast %get3A_2163 : vector<16xf32> to vector<16xf32>
    %mul3A_2165 = arith.mulf %get3A_2164, %gather3A_2161 : vector<16xf32>
    %swap3A_2166 = arith.constant 720 : index
    %swap3A_2167 = tpu.vector_load %arg9[%swap3A_2166] {strides = array<i32>} : memref<4096xf32, #tpu.memory_space<vmem>>, vector<16xf32>,
    %swap3A_2168 = vector.shape_cast %swap3A_2167 : vector<16xf32> to vector<16xf32>
    %swap3A_2169 = vector.shape_cast %mul3A_2165 : vector<16xf32> to vector<16xf32>
    tpu.vector_store %arg9[%swap3A_2166], %swap3A_2169 {strides = array<i32>} : memref<4096xf32, #tpu.memory_space<vmem>>, vector<16xf32>,
    %broadcast_in_dim3A_2170 = vector.shape_cast %get3A_2158 : vector<16xi32> to vector<16x1xi32>
    %gather3A_2171 = vector.shape_cast %broadcast_in_dim3A_2170 : vector<16x1xi32> to vector<16xi32>
    %gather3A_2172 = tpu.dynamic_gather %div3A_25[%gather3A_2171] in [0] : vector<16xf32>, vector<16xi32> -> vector<16xf32>
    %get3A_2173 = arith.constant 1744 : index
    %get3A_2174 = tpu.vector_load %arg6[%get3A_2173] {strides = array<i32>} : memref<4096xf32, #tpu.memory_space<vmem>>, vector<16xf32>,
    %get3A_2175 = vector.shape_cast %get3A_2174 : vector<16xf32> to vector<16xf32>
    %mul3A_2176 = arith.mulf %get3A_2175, %gather3A_2172 : vector<16xf32>
    %swap3A_2177 = arith.constant 1744 : index
    %swap3A_2178 = tpu.vector_load %arg9[%swap3A_2177] {strides = array<i32>} : memref<4096xf32, #tpu.memory_space<vmem>>, vector<16xf32>,
    %swap3A_2179 = vector.shape_cast %swap3A_2178 : vector<16xf32> to vector<16xf32>
    %swap3A_2180 = vector.shape_cast %mul3A_2176 : vector<16xf32> to vector<16xf32>
    tpu.vector_store %arg9[%swap3A_2177], %swap3A_2180 {strides = array<i32>} : memref<4096xf32, #tpu.memory_space<vmem>>, vector<16xf32>,
    %broadcast_in_dim3A_2181 = vector.shape_cast %get3A_2158 : vector<16xi32> to vector<16x1xi32>
    %gather3A_2182 = vector.shape_cast %broadcast_in_dim3A_2181 : vector<16x1xi32> to vector<16xi32>
    %gather3A_2183 = tpu.dynamic_gather %div3A_34[%gather3A_2182] in [0] : vector<16xf32>, vector<16xi32> -> vector<16xf32>
    %get3A_2184 = arith.constant 2768 : index
    %get3A_2185 = tpu.vector_load %arg6[%get3A_2184] {strides = array<i32>} : memref<4096xf32, #tpu.memory_space<vmem>>, vector<16xf32>,
    %get3A_2186 = vector.shape_cast %get3A_2185 : vector<16xf32> to vector<16xf32>
    %mul3A_2187 = arith.mulf %get3A_2186, %gather3A_2183 : vector<16xf32>
    %swap3A_2188 = arith.constant 2768 : index
    %swap3A_2189 = tpu.vector_load %arg9[%swap3A_2188] {strides = array<i32>} : memref<4096xf32, #tpu.memory_space<vmem>>, vector<16xf32>,
    %swap3A_2190 = vector.shape_cast %swap3A_2189 : vector<16xf32> to vector<16xf32>
    %swap3A_2191 = vector.shape_cast %mul3A_2187 : vector<16xf32> to vector<16xf32>
    tpu.vector_store %arg9[%swap3A_2188], %swap3A_2191 {strides = array<i32>} : memref<4096xf32, #tpu.memory_space<vmem>>, vector<16xf32>,
    %broadcast_in_dim3A_2192 = vector.shape_cast %get3A_2158 : vector<16xi32> to vector<16x1xi32>
    %gather3A_2193 = vector.shape_cast %broadcast_in_dim3A_2192 : vector<16x1xi32> to vector<16xi32>
    %gather3A_2194 = tpu.dynamic_gather %div3A_43[%gather3A_2193] in [0] : vector<16xf32>, vector<16xi32> -> vector<16xf32>
    %get3A_2195 = arith.constant 3792 : index
    %get3A_2196 = tpu.vector_load %arg6[%get3A_2195] {strides = array<i32>} : memref<4096xf32, #tpu.memory_space<vmem>>, vector<16xf32>,
    %get3A_2197 = vector.shape_cast %get3A_2196 : vector<16xf32> to vector<16xf32>
    %mul3A_2198 = arith.mulf %get3A_2197, %gather3A_2194 : vector<16xf32>
    %swap3A_2199 = arith.constant 3792 : index
    %swap3A_2200 = tpu.vector_load %arg9[%swap3A_2199] {strides = array<i32>} : memref<4096xf32, #tpu.memory_space<vmem>>, vector<16xf32>,
    %swap3A_2201 = vector.shape_cast %swap3A_2200 : vector<16xf32> to vector<16xf32>
    %swap3A_2202 = vector.shape_cast %mul3A_2198 : vector<16xf32> to vector<16xf32>
    tpu.vector_store %arg9[%swap3A_2199], %swap3A_2202 {strides = array<i32>} : memref<4096xf32, #tpu.memory_space<vmem>>, vector<16xf32>,
    %get3A_2203 = arith.constant 736 : index
    %get3A_2204 = tpu.vector_load %arg7[%get3A_2203] {strides = array<i32>} : memref<1024xi32, #tpu.memory_space<vmem>>, vector<16xi32>,
    %get3A_2205 = vector.shape_cast %get3A_2204 : vector<16xi32> to vector<16xi32>
    %broadcast_in_dim3A_2206 = vector.shape_cast %get3A_2205 : vector<16xi32> to vector<16x1xi32>
    %gather3A_2207 = vector.shape_cast %broadcast_in_dim3A_2206 : vector<16x1xi32> to vector<16xi32>
    %gather3A_2208 = tpu.dynamic_gather %div3A_16[%gather3A_2207] in [0] : vector<16xf32>, vector<16xi32> -> vector<16xf32>
    %get3A_2209 = arith.constant 736 : index
    %get3A_2210 = tpu.vector_load %arg6[%get3A_2209] {strides = array<i32>} : memref<4096xf32, #tpu.memory_space<vmem>>, vector<16xf32>,
    %get3A_2211 = vector.shape_cast %get3A_2210 : vector<16xf32> to vector<16xf32>
    %mul3A_2212 = arith.mulf %get3A_2211, %gather3A_2208 : vector<16xf32>
    %swap3A_2213 = arith.constant 736 : index
    %swap3A_2214 = tpu.vector_load %arg9[%swap3A_2213] {strides = array<i32>} : memref<4096xf32, #tpu.memory_space<vmem>>, vector<16xf32>,
    %swap3A_2215 = vector.shape_cast %swap3A_2214 : vector<16xf32> to vector<16xf32>
    %swap3A_2216 = vector.shape_cast %mul3A_2212 : vector<16xf32> to vector<16xf32>
    tpu.vector_store %arg9[%swap3A_2213], %swap3A_2216 {strides = array<i32>} : memref<4096xf32, #tpu.memory_space<vmem>>, vector<16xf32>,
    %broadcast_in_dim3A_2217 = vector.shape_cast %get3A_2205 : vector<16xi32> to vector<16x1xi32>
    %gather3A_2218 = vector.shape_cast %broadcast_in_dim3A_2217 : vector<16x1xi32> to vector<16xi32>
    %gather3A_2219 = tpu.dynamic_gather %div3A_25[%gather3A_2218] in [0] : vector<16xf32>, vector<16xi32> -> vector<16xf32>
    %get3A_2220 = arith.constant 1760 : index
    %get3A_2221 = tpu.vector_load %arg6[%get3A_2220] {strides = array<i32>} : memref<4096xf32, #tpu.memory_space<vmem>>, vector<16xf32>,
    %get3A_2222 = vector.shape_cast %get3A_2221 : vector<16xf32> to vector<16xf32>
    %mul3A_2223 = arith.mulf %get3A_2222, %gather3A_2219 : vector<16xf32>
    %swap3A_2224 = arith.constant 1760 : index
    %swap3A_2225 = tpu.vector_load %arg9[%swap3A_2224] {strides = array<i32>} : memref<4096xf32, #tpu.memory_space<vmem>>, vector<16xf32>,
    %swap3A_2226 = vector.shape_cast %swap3A_2225 : vector<16xf32> to vector<16xf32>
    %swap3A_2227 = vector.shape_cast %mul3A_2223 : vector<16xf32> to vector<16xf32>
    tpu.vector_store %arg9[%swap3A_2224], %swap3A_2227 {strides = array<i32>} : memref<4096xf32, #tpu.memory_space<vmem>>, vector<16xf32>,
    %broadcast_in_dim3A_2228 = vector.shape_cast %get3A_2205 : vector<16xi32> to vector<16x1xi32>
    %gather3A_2229 = vector.shape_cast %broadcast_in_dim3A_2228 : vector<16x1xi32> to vector<16xi32>
    %gather3A_2230 = tpu.dynamic_gather %div3A_34[%gather3A_2229] in [0] : vector<16xf32>, vector<16xi32> -> vector<16xf32>
    %get3A_2231 = arith.constant 2784 : index
    %get3A_2232 = tpu.vector_load %arg6[%get3A_2231] {strides = array<i32>} : memref<4096xf32, #tpu.memory_space<vmem>>, vector<16xf32>,
    %get3A_2233 = vector.shape_cast %get3A_2232 : vector<16xf32> to vector<16xf32>
    %mul3A_2234 = arith.mulf %get3A_2233, %gather3A_2230 : vector<16xf32>
    %swap3A_2235 = arith.constant 2784 : index
    %swap3A_2236 = tpu.vector_load %arg9[%swap3A_2235] {strides = array<i32>} : memref<4096xf32, #tpu.memory_space<vmem>>, vector<16xf32>,
    %swap3A_2237 = vector.shape_cast %swap3A_2236 : vector<16xf32> to vector<16xf32>
    %swap3A_2238 = vector.shape_cast %mul3A_2234 : vector<16xf32> to vector<16xf32>
    tpu.vector_store %arg9[%swap3A_2235], %swap3A_2238 {strides = array<i32>} : memref<4096xf32, #tpu.memory_space<vmem>>, vector<16xf32>,
    %broadcast_in_dim3A_2239 = vector.shape_cast %get3A_2205 : vector<16xi32> to vector<16x1xi32>
    %gather3A_2240 = vector.shape_cast %broadcast_in_dim3A_2239 : vector<16x1xi32> to vector<16xi32>
    %gather3A_2241 = tpu.dynamic_gather %div3A_43[%gather3A_2240] in [0] : vector<16xf32>, vector<16xi32> -> vector<16xf32>
    %get3A_2242 = arith.constant 3808 : index
    %get3A_2243 = tpu.vector_load %arg6[%get3A_2242] {strides = array<i32>} : memref<4096xf32, #tpu.memory_space<vmem>>, vector<16xf32>,
    %get3A_2244 = vector.shape_cast %get3A_2243 : vector<16xf32> to vector<16xf32>
    %mul3A_2245 = arith.mulf %get3A_2244, %gather3A_2241 : vector<16xf32>
    %swap3A_2246 = arith.constant 3808 : index
    %swap3A_2247 = tpu.vector_load %arg9[%swap3A_2246] {strides = array<i32>} : memref<4096xf32, #tpu.memory_space<vmem>>, vector<16xf32>,
    %swap3A_2248 = vector.shape_cast %swap3A_2247 : vector<16xf32> to vector<16xf32>
    %swap3A_2249 = vector.shape_cast %mul3A_2245 : vector<16xf32> to vector<16xf32>
    tpu.vector_store %arg9[%swap3A_2246], %swap3A_2249 {strides = array<i32>} : memref<4096xf32, #tpu.memory_space<vmem>>, vector<16xf32>,
    %get3A_2250 = arith.constant 752 : index
    %get3A_2251 = tpu.vector_load %arg7[%get3A_2250] {strides = array<i32>} : memref<1024xi32, #tpu.memory_space<vmem>>, vector<16xi32>,
    %get3A_2252 = vector.shape_cast %get3A_2251 : vector<16xi32> to vector<16xi32>
    %broadcast_in_dim3A_2253 = vector.shape_cast %get3A_2252 : vector<16xi32> to vector<16x1xi32>
    %gather3A_2254 = vector.shape_cast %broadcast_in_dim3A_2253 : vector<16x1xi32> to vector<16xi32>
    %gather3A_2255 = tpu.dynamic_gather %div3A_16[%gather3A_2254] in [0] : vector<16xf32>, vector<16xi32> -> vector<16xf32>
    %get3A_2256 = arith.constant 752 : index
    %get3A_2257 = tpu.vector_load %arg6[%get3A_2256] {strides = array<i32>} : memref<4096xf32, #tpu.memory_space<vmem>>, vector<16xf32>,
    %get3A_2258 = vector.shape_cast %get3A_2257 : vector<16xf32> to vector<16xf32>
    %mul3A_2259 = arith.mulf %get3A_2258, %gather3A_2255 : vector<16xf32>
    %swap3A_2260 = arith.constant 752 : index
    %swap3A_2261 = tpu.vector_load %arg9[%swap3A_2260] {strides = array<i32>} : memref<4096xf32, #tpu.memory_space<vmem>>, vector<16xf32>,
    %swap3A_2262 = vector.shape_cast %swap3A_2261 : vector<16xf32> to vector<16xf32>
    %swap3A_2263 = vector.shape_cast %mul3A_2259 : vector<16xf32> to vector<16xf32>
    tpu.vector_store %arg9[%swap3A_2260], %swap3A_2263 {strides = array<i32>} : memref<4096xf32, #tpu.memory_space<vmem>>, vector<16xf32>,
    %broadcast_in_dim3A_2264 = vector.shape_cast %get3A_2252 : vector<16xi32> to vector<16x1xi32>
    %gather3A_2265 = vector.shape_cast %broadcast_in_dim3A_2264 : vector<16x1xi32> to vector<16xi32>
    %gather3A_2266 = tpu.dynamic_gather %div3A_25[%gather3A_2265] in [0] : vector<16xf32>, vector<16xi32> -> vector<16xf32>
    %get3A_2267 = arith.constant 1776 : index
    %get3A_2268 = tpu.vector_load %arg6[%get3A_2267] {strides = array<i32>} : memref<4096xf32, #tpu.memory_space<vmem>>, vector<16xf32>,
    %get3A_2269 = vector.shape_cast %get3A_2268 : vector<16xf32> to vector<16xf32>
    %mul3A_2270 = arith.mulf %get3A_2269, %gather3A_2266 : vector<16xf32>
    %swap3A_2271 = arith.constant 1776 : index
    %swap3A_2272 = tpu.vector_load %arg9[%swap3A_2271] {strides = array<i32>} : memref<4096xf32, #tpu.memory_space<vmem>>, vector<16xf32>,
    %swap3A_2273 = vector.shape_cast %swap3A_2272 : vector<16xf32> to vector<16xf32>
    %swap3A_2274 = vector.shape_cast %mul3A_2270 : vector<16xf32> to vector<16xf32>
    tpu.vector_store %arg9[%swap3A_2271], %swap3A_2274 {strides = array<i32>} : memref<4096xf32, #tpu.memory_space<vmem>>, vector<16xf32>,
    %broadcast_in_dim3A_2275 = vector.shape_cast %get3A_2252 : vector<16xi32> to vector<16x1xi32>
    %gather3A_2276 = vector.shape_cast %broadcast_in_dim3A_2275 : vector<16x1xi32> to vector<16xi32>
    %gather3A_2277 = tpu.dynamic_gather %div3A_34[%gather3A_2276] in [0] : vector<16xf32>, vector<16xi32> -> vector<16xf32>
    %get3A_2278 = arith.constant 2800 : index
    %get3A_2279 = tpu.vector_load %arg6[%get3A_2278] {strides = array<i32>} : memref<4096xf32, #tpu.memory_space<vmem>>, vector<16xf32>,
    %get3A_2280 = vector.shape_cast %get3A_2279 : vector<16xf32> to vector<16xf32>
    %mul3A_2281 = arith.mulf %get3A_2280, %gather3A_2277 : vector<16xf32>
    %swap3A_2282 = arith.constant 2800 : index
    %swap3A_2283 = tpu.vector_load %arg9[%swap3A_2282] {strides = array<i32>} : memref<4096xf32, #tpu.memory_space<vmem>>, vector<16xf32>,
    %swap3A_2284 = vector.shape_cast %swap3A_2283 : vector<16xf32> to vector<16xf32>
    %swap3A_2285 = vector.shape_cast %mul3A_2281 : vector<16xf32> to vector<16xf32>
    tpu.vector_store %arg9[%swap3A_2282], %swap3A_2285 {strides = array<i32>} : memref<4096xf32, #tpu.memory_space<vmem>>, vector<16xf32>,
    %broadcast_in_dim3A_2286 = vector.shape_cast %get3A_2252 : vector<16xi32> to vector<16x1xi32>
    %gather3A_2287 = vector.shape_cast %broadcast_in_dim3A_2286 : vector<16x1xi32> to vector<16xi32>
    %gather3A_2288 = tpu.dynamic_gather %div3A_43[%gather3A_2287] in [0] : vector<16xf32>, vector<16xi32> -> vector<16xf32>
    %get3A_2289 = arith.constant 3824 : index
    %get3A_2290 = tpu.vector_load %arg6[%get3A_2289] {strides = array<i32>} : memref<4096xf32, #tpu.memory_space<vmem>>, vector<16xf32>,
    %get3A_2291 = vector.shape_cast %get3A_2290 : vector<16xf32> to vector<16xf32>
    %mul3A_2292 = arith.mulf %get3A_2291, %gather3A_2288 : vector<16xf32>
    %swap3A_2293 = arith.constant 3824 : index
    %swap3A_2294 = tpu.vector_load %arg9[%swap3A_2293] {strides = array<i32>} : memref<4096xf32, #tpu.memory_space<vmem>>, vector<16xf32>,
    %swap3A_2295 = vector.shape_cast %swap3A_2294 : vector<16xf32> to vector<16xf32>
    %swap3A_2296 = vector.shape_cast %mul3A_2292 : vector<16xf32> to vector<16xf32>
    tpu.vector_store %arg9[%swap3A_2293], %swap3A_2296 {strides = array<i32>} : memref<4096xf32, #tpu.memory_space<vmem>>, vector<16xf32>,
    %get3A_2297 = arith.constant 768 : index
    %get3A_2298 = tpu.vector_load %arg7[%get3A_2297] {strides = array<i32>} : memref<1024xi32, #tpu.memory_space<vmem>>, vector<16xi32>,
    %get3A_2299 = vector.shape_cast %get3A_2298 : vector<16xi32> to vector<16xi32>
    %broadcast_in_dim3A_2300 = vector.shape_cast %get3A_2299 : vector<16xi32> to vector<16x1xi32>
    %gather3A_2301 = vector.shape_cast %broadcast_in_dim3A_2300 : vector<16x1xi32> to vector<16xi32>
    %gather3A_2302 = tpu.dynamic_gather %div3A_16[%gather3A_2301] in [0] : vector<16xf32>, vector<16xi32> -> vector<16xf32>
    %get3A_2303 = arith.constant 768 : index
    %get3A_2304 = tpu.vector_load %arg6[%get3A_2303] {strides = array<i32>} : memref<4096xf32, #tpu.memory_space<vmem>>, vector<16xf32>,
    %get3A_2305 = vector.shape_cast %get3A_2304 : vector<16xf32> to vector<16xf32>
    %mul3A_2306 = arith.mulf %get3A_2305, %gather3A_2302 : vector<16xf32>
    %swap3A_2307 = arith.constant 768 : index
    %swap3A_2308 = tpu.vector_load %arg9[%swap3A_2307] {strides = array<i32>} : memref<4096xf32, #tpu.memory_space<vmem>>, vector<16xf32>,
    %swap3A_2309 = vector.shape_cast %swap3A_2308 : vector<16xf32> to vector<16xf32>
    %swap3A_2310 = vector.shape_cast %mul3A_2306 : vector<16xf32> to vector<16xf32>
    tpu.vector_store %arg9[%swap3A_2307], %swap3A_2310 {strides = array<i32>} : memref<4096xf32, #tpu.memory_space<vmem>>, vector<16xf32>,
    %broadcast_in_dim3A_2311 = vector.shape_cast %get3A_2299 : vector<16xi32> to vector<16x1xi32>
    %gather3A_2312 = vector.shape_cast %broadcast_in_dim3A_2311 : vector<16x1xi32> to vector<16xi32>
    %gather3A_2313 = tpu.dynamic_gather %div3A_25[%gather3A_2312] in [0] : vector<16xf32>, vector<16xi32> -> vector<16xf32>
    %get3A_2314 = arith.constant 1792 : index
    %get3A_2315 = tpu.vector_load %arg6[%get3A_2314] {strides = array<i32>} : memref<4096xf32, #tpu.memory_space<vmem>>, vector<16xf32>,
    %get3A_2316 = vector.shape_cast %get3A_2315 : vector<16xf32> to vector<16xf32>
    %mul3A_2317 = arith.mulf %get3A_2316, %gather3A_2313 : vector<16xf32>
    %swap3A_2318 = arith.constant 1792 : index
    %swap3A_2319 = tpu.vector_load %arg9[%swap3A_2318] {strides = array<i32>} : memref<4096xf32, #tpu.memory_space<vmem>>, vector<16xf32>,
    %swap3A_2320 = vector.shape_cast %swap3A_2319 : vector<16xf32> to vector<16xf32>
    %swap3A_2321 = vector.shape_cast %mul3A_2317 : vector<16xf32> to vector<16xf32>
    tpu.vector_store %arg9[%swap3A_2318], %swap3A_2321 {strides = array<i32>} : memref<4096xf32, #tpu.memory_space<vmem>>, vector<16xf32>,
    %broadcast_in_dim3A_2322 = vector.shape_cast %get3A_2299 : vector<16xi32> to vector<16x1xi32>
    %gather3A_2323 = vector.shape_cast %broadcast_in_dim3A_2322 : vector<16x1xi32> to vector<16xi32>
    %gather3A_2324 = tpu.dynamic_gather %div3A_34[%gather3A_2323] in [0] : vector<16xf32>, vector<16xi32> -> vector<16xf32>
    %get3A_2325 = arith.constant 2816 : index
    %get3A_2326 = tpu.vector_load %arg6[%get3A_2325] {strides = array<i32>} : memref<4096xf32, #tpu.memory_space<vmem>>, vector<16xf32>,
    %get3A_2327 = vector.shape_cast %get3A_2326 : vector<16xf32> to vector<16xf32>
    %mul3A_2328 = arith.mulf %get3A_2327, %gather3A_2324 : vector<16xf32>
    %swap3A_2329 = arith.constant 2816 : index
    %swap3A_2330 = tpu.vector_load %arg9[%swap3A_2329] {strides = array<i32>} : memref<4096xf32, #tpu.memory_space<vmem>>, vector<16xf32>,
    %swap3A_2331 = vector.shape_cast %swap3A_2330 : vector<16xf32> to vector<16xf32>
    %swap3A_2332 = vector.shape_cast %mul3A_2328 : vector<16xf32> to vector<16xf32>
    tpu.vector_store %arg9[%swap3A_2329], %swap3A_2332 {strides = array<i32>} : memref<4096xf32, #tpu.memory_space<vmem>>, vector<16xf32>,
    %broadcast_in_dim3A_2333 = vector.shape_cast %get3A_2299 : vector<16xi32> to vector<16x1xi32>
    %gather3A_2334 = vector.shape_cast %broadcast_in_dim3A_2333 : vector<16x1xi32> to vector<16xi32>
    %gather3A_2335 = tpu.dynamic_gather %div3A_43[%gather3A_2334] in [0] : vector<16xf32>, vector<16xi32> -> vector<16xf32>
    %get3A_2336 = arith.constant 3840 : index
    %get3A_2337 = tpu.vector_load %arg6[%get3A_2336] {strides = array<i32>} : memref<4096xf32, #tpu.memory_space<vmem>>, vector<16xf32>,
    %get3A_2338 = vector.shape_cast %get3A_2337 : vector<16xf32> to vector<16xf32>
    %mul3A_2339 = arith.mulf %get3A_2338, %gather3A_2335 : vector<16xf32>
    %swap3A_2340 = arith.constant 3840 : index
    %swap3A_2341 = tpu.vector_load %arg9[%swap3A_2340] {strides = array<i32>} : memref<4096xf32, #tpu.memory_space<vmem>>, vector<16xf32>,
    %swap3A_2342 = vector.shape_cast %swap3A_2341 : vector<16xf32> to vector<16xf32>
    %swap3A_2343 = vector.shape_cast %mul3A_2339 : vector<16xf32> to vector<16xf32>
    tpu.vector_store %arg9[%swap3A_2340], %swap3A_2343 {strides = array<i32>} : memref<4096xf32, #tpu.memory_space<vmem>>, vector<16xf32>,
    %get3A_2344 = arith.constant 784 : index
    %get3A_2345 = tpu.vector_load %arg7[%get3A_2344] {strides = array<i32>} : memref<1024xi32, #tpu.memory_space<vmem>>, vector<16xi32>,
    %get3A_2346 = vector.shape_cast %get3A_2345 : vector<16xi32> to vector<16xi32>
    %broadcast_in_dim3A_2347 = vector.shape_cast %get3A_2346 : vector<16xi32> to vector<16x1xi32>
    %gather3A_2348 = vector.shape_cast %broadcast_in_dim3A_2347 : vector<16x1xi32> to vector<16xi32>
    %gather3A_2349 = tpu.dynamic_gather %div3A_16[%gather3A_2348] in [0] : vector<16xf32>, vector<16xi32> -> vector<16xf32>
    %get3A_2350 = arith.constant 784 : index
    %get3A_2351 = tpu.vector_load %arg6[%get3A_2350] {strides = array<i32>} : memref<4096xf32, #tpu.memory_space<vmem>>, vector<16xf32>,
    %get3A_2352 = vector.shape_cast %get3A_2351 : vector<16xf32> to vector<16xf32>
    %mul3A_2353 = arith.mulf %get3A_2352, %gather3A_2349 : vector<16xf32>
    %swap3A_2354 = arith.constant 784 : index
    %swap3A_2355 = tpu.vector_load %arg9[%swap3A_2354] {strides = array<i32>} : memref<4096xf32, #tpu.memory_space<vmem>>, vector<16xf32>,
    %swap3A_2356 = vector.shape_cast %swap3A_2355 : vector<16xf32> to vector<16xf32>
    %swap3A_2357 = vector.shape_cast %mul3A_2353 : vector<16xf32> to vector<16xf32>
    tpu.vector_store %arg9[%swap3A_2354], %swap3A_2357 {strides = array<i32>} : memref<4096xf32, #tpu.memory_space<vmem>>, vector<16xf32>,
    %broadcast_in_dim3A_2358 = vector.shape_cast %get3A_2346 : vector<16xi32> to vector<16x1xi32>
    %gather3A_2359 = vector.shape_cast %broadcast_in_dim3A_2358 : vector<16x1xi32> to vector<16xi32>
    %gather3A_2360 = tpu.dynamic_gather %div3A_25[%gather3A_2359] in [0] : vector<16xf32>, vector<16xi32> -> vector<16xf32>
    %get3A_2361 = arith.constant 1808 : index
    %get3A_2362 = tpu.vector_load %arg6[%get3A_2361] {strides = array<i32>} : memref<4096xf32, #tpu.memory_space<vmem>>, vector<16xf32>,
    %get3A_2363 = vector.shape_cast %get3A_2362 : vector<16xf32> to vector<16xf32>
    %mul3A_2364 = arith.mulf %get3A_2363, %gather3A_2360 : vector<16xf32>
    %swap3A_2365 = arith.constant 1808 : index
    %swap3A_2366 = tpu.vector_load %arg9[%swap3A_2365] {strides = array<i32>} : memref<4096xf32, #tpu.memory_space<vmem>>, vector<16xf32>,
    %swap3A_2367 = vector.shape_cast %swap3A_2366 : vector<16xf32> to vector<16xf32>
    %swap3A_2368 = vector.shape_cast %mul3A_2364 : vector<16xf32> to vector<16xf32>
    tpu.vector_store %arg9[%swap3A_2365], %swap3A_2368 {strides = array<i32>} : memref<4096xf32, #tpu.memory_space<vmem>>, vector<16xf32>,
    %broadcast_in_dim3A_2369 = vector.shape_cast %get3A_2346 : vector<16xi32> to vector<16x1xi32>
    %gather3A_2370 = vector.shape_cast %broadcast_in_dim3A_2369 : vector<16x1xi32> to vector<16xi32>
    %gather3A_2371 = tpu.dynamic_gather %div3A_34[%gather3A_2370] in [0] : vector<16xf32>, vector<16xi32> -> vector<16xf32>
    %get3A_2372 = arith.constant 2832 : index
    %get3A_2373 = tpu.vector_load %arg6[%get3A_2372] {strides = array<i32>} : memref<4096xf32, #tpu.memory_space<vmem>>, vector<16xf32>,
    %get3A_2374 = vector.shape_cast %get3A_2373 : vector<16xf32> to vector<16xf32>
    %mul3A_2375 = arith.mulf %get3A_2374, %gather3A_2371 : vector<16xf32>
    %swap3A_2376 = arith.constant 2832 : index
    %swap3A_2377 = tpu.vector_load %arg9[%swap3A_2376] {strides = array<i32>} : memref<4096xf32, #tpu.memory_space<vmem>>, vector<16xf32>,
    %swap3A_2378 = vector.shape_cast %swap3A_2377 : vector<16xf32> to vector<16xf32>
    %swap3A_2379 = vector.shape_cast %mul3A_2375 : vector<16xf32> to vector<16xf32>
    tpu.vector_store %arg9[%swap3A_2376], %swap3A_2379 {strides = array<i32>} : memref<4096xf32, #tpu.memory_space<vmem>>, vector<16xf32>,
    %broadcast_in_dim3A_2380 = vector.shape_cast %get3A_2346 : vector<16xi32> to vector<16x1xi32>
    %gather3A_2381 = vector.shape_cast %broadcast_in_dim3A_2380 : vector<16x1xi32> to vector<16xi32>
    %gather3A_2382 = tpu.dynamic_gather %div3A_43[%gather3A_2381] in [0] : vector<16xf32>, vector<16xi32> -> vector<16xf32>
    %get3A_2383 = arith.constant 3856 : index
    %get3A_2384 = tpu.vector_load %arg6[%get3A_2383] {strides = array<i32>} : memref<4096xf32, #tpu.memory_space<vmem>>, vector<16xf32>,
    %get3A_2385 = vector.shape_cast %get3A_2384 : vector<16xf32> to vector<16xf32>
    %mul3A_2386 = arith.mulf %get3A_2385, %gather3A_2382 : vector<16xf32>
    %swap3A_2387 = arith.constant 3856 : index
    %swap3A_2388 = tpu.vector_load %arg9[%swap3A_2387] {strides = array<i32>} : memref<4096xf32, #tpu.memory_space<vmem>>, vector<16xf32>,
    %swap3A_2389 = vector.shape_cast %swap3A_2388 : vector<16xf32> to vector<16xf32>
    %swap3A_2390 = vector.shape_cast %mul3A_2386 : vector<16xf32> to vector<16xf32>
    tpu.vector_store %arg9[%swap3A_2387], %swap3A_2390 {strides = array<i32>} : memref<4096xf32, #tpu.memory_space<vmem>>, vector<16xf32>,
    %get3A_2391 = arith.constant 800 : index
    %get3A_2392 = tpu.vector_load %arg7[%get3A_2391] {strides = array<i32>} : memref<1024xi32, #tpu.memory_space<vmem>>, vector<16xi32>,
    %get3A_2393 = vector.shape_cast %get3A_2392 : vector<16xi32> to vector<16xi32>
    %broadcast_in_dim3A_2394 = vector.shape_cast %get3A_2393 : vector<16xi32> to vector<16x1xi32>
    %gather3A_2395 = vector.shape_cast %broadcast_in_dim3A_2394 : vector<16x1xi32> to vector<16xi32>
    %gather3A_2396 = tpu.dynamic_gather %div3A_16[%gather3A_2395] in [0] : vector<16xf32>, vector<16xi32> -> vector<16xf32>
    %get3A_2397 = arith.constant 800 : index
    %get3A_2398 = tpu.vector_load %arg6[%get3A_2397] {strides = array<i32>} : memref<4096xf32, #tpu.memory_space<vmem>>, vector<16xf32>,
    %get3A_2399 = vector.shape_cast %get3A_2398 : vector<16xf32> to vector<16xf32>
    %mul3A_2400 = arith.mulf %get3A_2399, %gather3A_2396 : vector<16xf32>
    %swap3A_2401 = arith.constant 800 : index
    %swap3A_2402 = tpu.vector_load %arg9[%swap3A_2401] {strides = array<i32>} : memref<4096xf32, #tpu.memory_space<vmem>>, vector<16xf32>,
    %swap3A_2403 = vector.shape_cast %swap3A_2402 : vector<16xf32> to vector<16xf32>
    %swap3A_2404 = vector.shape_cast %mul3A_2400 : vector<16xf32> to vector<16xf32>
    tpu.vector_store %arg9[%swap3A_2401], %swap3A_2404 {strides = array<i32>} : memref<4096xf32, #tpu.memory_space<vmem>>, vector<16xf32>,
    %broadcast_in_dim3A_2405 = vector.shape_cast %get3A_2393 : vector<16xi32> to vector<16x1xi32>
    %gather3A_2406 = vector.shape_cast %broadcast_in_dim3A_2405 : vector<16x1xi32> to vector<16xi32>
    %gather3A_2407 = tpu.dynamic_gather %div3A_25[%gather3A_2406] in [0] : vector<16xf32>, vector<16xi32> -> vector<16xf32>
    %get3A_2408 = arith.constant 1824 : index
    %get3A_2409 = tpu.vector_load %arg6[%get3A_2408] {strides = array<i32>} : memref<4096xf32, #tpu.memory_space<vmem>>, vector<16xf32>,
    %get3A_2410 = vector.shape_cast %get3A_2409 : vector<16xf32> to vector<16xf32>
    %mul3A_2411 = arith.mulf %get3A_2410, %gather3A_2407 : vector<16xf32>
    %swap3A_2412 = arith.constant 1824 : index
    %swap3A_2413 = tpu.vector_load %arg9[%swap3A_2412] {strides = array<i32>} : memref<4096xf32, #tpu.memory_space<vmem>>, vector<16xf32>,
    %swap3A_2414 = vector.shape_cast %swap3A_2413 : vector<16xf32> to vector<16xf32>
    %swap3A_2415 = vector.shape_cast %mul3A_2411 : vector<16xf32> to vector<16xf32>
    tpu.vector_store %arg9[%swap3A_2412], %swap3A_2415 {strides = array<i32>} : memref<4096xf32, #tpu.memory_space<vmem>>, vector<16xf32>,
    %broadcast_in_dim3A_2416 = vector.shape_cast %get3A_2393 : vector<16xi32> to vector<16x1xi32>
    %gather3A_2417 = vector.shape_cast %broadcast_in_dim3A_2416 : vector<16x1xi32> to vector<16xi32>
    %gather3A_2418 = tpu.dynamic_gather %div3A_34[%gather3A_2417] in [0] : vector<16xf32>, vector<16xi32> -> vector<16xf32>
    %get3A_2419 = arith.constant 2848 : index
    %get3A_2420 = tpu.vector_load %arg6[%get3A_2419] {strides = array<i32>} : memref<4096xf32, #tpu.memory_space<vmem>>, vector<16xf32>,
    %get3A_2421 = vector.shape_cast %get3A_2420 : vector<16xf32> to vector<16xf32>
    %mul3A_2422 = arith.mulf %get3A_2421, %gather3A_2418 : vector<16xf32>
    %swap3A_2423 = arith.constant 2848 : index
    %swap3A_2424 = tpu.vector_load %arg9[%swap3A_2423] {strides = array<i32>} : memref<4096xf32, #tpu.memory_space<vmem>>, vector<16xf32>,
    %swap3A_2425 = vector.shape_cast %swap3A_2424 : vector<16xf32> to vector<16xf32>
    %swap3A_2426 = vector.shape_cast %mul3A_2422 : vector<16xf32> to vector<16xf32>
    tpu.vector_store %arg9[%swap3A_2423], %swap3A_2426 {strides = array<i32>} : memref<4096xf32, #tpu.memory_space<vmem>>, vector<16xf32>,
    %broadcast_in_dim3A_2427 = vector.shape_cast %get3A_2393 : vector<16xi32> to vector<16x1xi32>
    %gather3A_2428 = vector.shape_cast %broadcast_in_dim3A_2427 : vector<16x1xi32> to vector<16xi32>
    %gather3A_2429 = tpu.dynamic_gather %div3A_43[%gather3A_2428] in [0] : vector<16xf32>, vector<16xi32> -> vector<16xf32>
    %get3A_2430 = arith.constant 3872 : index
    %get3A_2431 = tpu.vector_load %arg6[%get3A_2430] {strides = array<i32>} : memref<4096xf32, #tpu.memory_space<vmem>>, vector<16xf32>,
    %get3A_2432 = vector.shape_cast %get3A_2431 : vector<16xf32> to vector<16xf32>
    %mul3A_2433 = arith.mulf %get3A_2432, %gather3A_2429 : vector<16xf32>
    %swap3A_2434 = arith.constant 3872 : index
    %swap3A_2435 = tpu.vector_load %arg9[%swap3A_2434] {strides = array<i32>} : memref<4096xf32, #tpu.memory_space<vmem>>, vector<16xf32>,
    %swap3A_2436 = vector.shape_cast %swap3A_2435 : vector<16xf32> to vector<16xf32>
    %swap3A_2437 = vector.shape_cast %mul3A_2433 : vector<16xf32> to vector<16xf32>
    tpu.vector_store %arg9[%swap3A_2434], %swap3A_2437 {strides = array<i32>} : memref<4096xf32, #tpu.memory_space<vmem>>, vector<16xf32>,
    %get3A_2438 = arith.constant 816 : index
    %get3A_2439 = tpu.vector_load %arg7[%get3A_2438] {strides = array<i32>} : memref<1024xi32, #tpu.memory_space<vmem>>, vector<16xi32>,
    %get3A_2440 = vector.shape_cast %get3A_2439 : vector<16xi32> to vector<16xi32>
    %broadcast_in_dim3A_2441 = vector.shape_cast %get3A_2440 : vector<16xi32> to vector<16x1xi32>
    %gather3A_2442 = vector.shape_cast %broadcast_in_dim3A_2441 : vector<16x1xi32> to vector<16xi32>
    %gather3A_2443 = tpu.dynamic_gather %div3A_16[%gather3A_2442] in [0] : vector<16xf32>, vector<16xi32> -> vector<16xf32>
    %get3A_2444 = arith.constant 816 : index
    %get3A_2445 = tpu.vector_load %arg6[%get3A_2444] {strides = array<i32>} : memref<4096xf32, #tpu.memory_space<vmem>>, vector<16xf32>,
    %get3A_2446 = vector.shape_cast %get3A_2445 : vector<16xf32> to vector<16xf32>
    %mul3A_2447 = arith.mulf %get3A_2446, %gather3A_2443 : vector<16xf32>
    %swap3A_2448 = arith.constant 816 : index
    %swap3A_2449 = tpu.vector_load %arg9[%swap3A_2448] {strides = array<i32>} : memref<4096xf32, #tpu.memory_space<vmem>>, vector<16xf32>,
    %swap3A_2450 = vector.shape_cast %swap3A_2449 : vector<16xf32> to vector<16xf32>
    %swap3A_2451 = vector.shape_cast %mul3A_2447 : vector<16xf32> to vector<16xf32>
    tpu.vector_store %arg9[%swap3A_2448], %swap3A_2451 {strides = array<i32>} : memref<4096xf32, #tpu.memory_space<vmem>>, vector<16xf32>,
    %broadcast_in_dim3A_2452 = vector.shape_cast %get3A_2440 : vector<16xi32> to vector<16x1xi32>
    %gather3A_2453 = vector.shape_cast %broadcast_in_dim3A_2452 : vector<16x1xi32> to vector<16xi32>
    %gather3A_2454 = tpu.dynamic_gather %div3A_25[%gather3A_2453] in [0] : vector<16xf32>, vector<16xi32> -> vector<16xf32>
    %get3A_2455 = arith.constant 1840 : index
    %get3A_2456 = tpu.vector_load %arg6[%get3A_2455] {strides = array<i32>} : memref<4096xf32, #tpu.memory_space<vmem>>, vector<16xf32>,
    %get3A_2457 = vector.shape_cast %get3A_2456 : vector<16xf32> to vector<16xf32>
    %mul3A_2458 = arith.mulf %get3A_2457, %gather3A_2454 : vector<16xf32>
    %swap3A_2459 = arith.constant 1840 : index
    %swap3A_2460 = tpu.vector_load %arg9[%swap3A_2459] {strides = array<i32>} : memref<4096xf32, #tpu.memory_space<vmem>>, vector<16xf32>,
    %swap3A_2461 = vector.shape_cast %swap3A_2460 : vector<16xf32> to vector<16xf32>
    %swap3A_2462 = vector.shape_cast %mul3A_2458 : vector<16xf32> to vector<16xf32>
    tpu.vector_store %arg9[%swap3A_2459], %swap3A_2462 {strides = array<i32>} : memref<4096xf32, #tpu.memory_space<vmem>>, vector<16xf32>,
    %broadcast_in_dim3A_2463 = vector.shape_cast %get3A_2440 : vector<16xi32> to vector<16x1xi32>
    %gather3A_2464 = vector.shape_cast %broadcast_in_dim3A_2463 : vector<16x1xi32> to vector<16xi32>
    %gather3A_2465 = tpu.dynamic_gather %div3A_34[%gather3A_2464] in [0] : vector<16xf32>, vector<16xi32> -> vector<16xf32>
    %get3A_2466 = arith.constant 2864 : index
    %get3A_2467 = tpu.vector_load %arg6[%get3A_2466] {strides = array<i32>} : memref<4096xf32, #tpu.memory_space<vmem>>, vector<16xf32>,
    %get3A_2468 = vector.shape_cast %get3A_2467 : vector<16xf32> to vector<16xf32>
    %mul3A_2469 = arith.mulf %get3A_2468, %gather3A_2465 : vector<16xf32>
    %swap3A_2470 = arith.constant 2864 : index
    %swap3A_2471 = tpu.vector_load %arg9[%swap3A_2470] {strides = array<i32>} : memref<4096xf32, #tpu.memory_space<vmem>>, vector<16xf32>,
    %swap3A_2472 = vector.shape_cast %swap3A_2471 : vector<16xf32> to vector<16xf32>
    %swap3A_2473 = vector.shape_cast %mul3A_2469 : vector<16xf32> to vector<16xf32>
    tpu.vector_store %arg9[%swap3A_2470], %swap3A_2473 {strides = array<i32>} : memref<4096xf32, #tpu.memory_space<vmem>>, vector<16xf32>,
    %broadcast_in_dim3A_2474 = vector.shape_cast %get3A_2440 : vector<16xi32> to vector<16x1xi32>
    %gather3A_2475 = vector.shape_cast %broadcast_in_dim3A_2474 : vector<16x1xi32> to vector<16xi32>
    %gather3A_2476 = tpu.dynamic_gather %div3A_43[%gather3A_2475] in [0] : vector<16xf32>, vector<16xi32> -> vector<16xf32>
    %get3A_2477 = arith.constant 3888 : index
    %get3A_2478 = tpu.vector_load %arg6[%get3A_2477] {strides = array<i32>} : memref<4096xf32, #tpu.memory_space<vmem>>, vector<16xf32>,
    %get3A_2479 = vector.shape_cast %get3A_2478 : vector<16xf32> to vector<16xf32>
    %mul3A_2480 = arith.mulf %get3A_2479, %gather3A_2476 : vector<16xf32>
    %swap3A_2481 = arith.constant 3888 : index
    %swap3A_2482 = tpu.vector_load %arg9[%swap3A_2481] {strides = array<i32>} : memref<4096xf32, #tpu.memory_space<vmem>>, vector<16xf32>,
    %swap3A_2483 = vector.shape_cast %swap3A_2482 : vector<16xf32> to vector<16xf32>
    %swap3A_2484 = vector.shape_cast %mul3A_2480 : vector<16xf32> to vector<16xf32>
    tpu.vector_store %arg9[%swap3A_2481], %swap3A_2484 {strides = array<i32>} : memref<4096xf32, #tpu.memory_space<vmem>>, vector<16xf32>,
    %get3A_2485 = arith.constant 832 : index
    %get3A_2486 = tpu.vector_load %arg7[%get3A_2485] {strides = array<i32>} : memref<1024xi32, #tpu.memory_space<vmem>>, vector<16xi32>,
    %get3A_2487 = vector.shape_cast %get3A_2486 : vector<16xi32> to vector<16xi32>
    %broadcast_in_dim3A_2488 = vector.shape_cast %get3A_2487 : vector<16xi32> to vector<16x1xi32>
    %gather3A_2489 = vector.shape_cast %broadcast_in_dim3A_2488 : vector<16x1xi32> to vector<16xi32>
    %gather3A_2490 = tpu.dynamic_gather %div3A_16[%gather3A_2489] in [0] : vector<16xf32>, vector<16xi32> -> vector<16xf32>
    %get3A_2491 = arith.constant 832 : index
    %get3A_2492 = tpu.vector_load %arg6[%get3A_2491] {strides = array<i32>} : memref<4096xf32, #tpu.memory_space<vmem>>, vector<16xf32>,
    %get3A_2493 = vector.shape_cast %get3A_2492 : vector<16xf32> to vector<16xf32>
    %mul3A_2494 = arith.mulf %get3A_2493, %gather3A_2490 : vector<16xf32>
    %swap3A_2495 = arith.constant 832 : index
    %swap3A_2496 = tpu.vector_load %arg9[%swap3A_2495] {strides = array<i32>} : memref<4096xf32, #tpu.memory_space<vmem>>, vector<16xf32>,
    %swap3A_2497 = vector.shape_cast %swap3A_2496 : vector<16xf32> to vector<16xf32>
    %swap3A_2498 = vector.shape_cast %mul3A_2494 : vector<16xf32> to vector<16xf32>
    tpu.vector_store %arg9[%swap3A_2495], %swap3A_2498 {strides = array<i32>} : memref<4096xf32, #tpu.memory_space<vmem>>, vector<16xf32>,
    %broadcast_in_dim3A_2499 = vector.shape_cast %get3A_2487 : vector<16xi32> to vector<16x1xi32>
    %gather3A_2500 = vector.shape_cast %broadcast_in_dim3A_2499 : vector<16x1xi32> to vector<16xi32>
    %gather3A_2501 = tpu.dynamic_gather %div3A_25[%gather3A_2500] in [0] : vector<16xf32>, vector<16xi32> -> vector<16xf32>
    %get3A_2502 = arith.constant 1856 : index
    %get3A_2503 = tpu.vector_load %arg6[%get3A_2502] {strides = array<i32>} : memref<4096xf32, #tpu.memory_space<vmem>>, vector<16xf32>,
    %get3A_2504 = vector.shape_cast %get3A_2503 : vector<16xf32> to vector<16xf32>
    %mul3A_2505 = arith.mulf %get3A_2504, %gather3A_2501 : vector<16xf32>
    %swap3A_2506 = arith.constant 1856 : index
    %swap3A_2507 = tpu.vector_load %arg9[%swap3A_2506] {strides = array<i32>} : memref<4096xf32, #tpu.memory_space<vmem>>, vector<16xf32>,
    %swap3A_2508 = vector.shape_cast %swap3A_2507 : vector<16xf32> to vector<16xf32>
    %swap3A_2509 = vector.shape_cast %mul3A_2505 : vector<16xf32> to vector<16xf32>
    tpu.vector_store %arg9[%swap3A_2506], %swap3A_2509 {strides = array<i32>} : memref<4096xf32, #tpu.memory_space<vmem>>, vector<16xf32>,
    %broadcast_in_dim3A_2510 = vector.shape_cast %get3A_2487 : vector<16xi32> to vector<16x1xi32>
    %gather3A_2511 = vector.shape_cast %broadcast_in_dim3A_2510 : vector<16x1xi32> to vector<16xi32>
    %gather3A_2512 = tpu.dynamic_gather %div3A_34[%gather3A_2511] in [0] : vector<16xf32>, vector<16xi32> -> vector<16xf32>
    %get3A_2513 = arith.constant 2880 : index
    %get3A_2514 = tpu.vector_load %arg6[%get3A_2513] {strides = array<i32>} : memref<4096xf32, #tpu.memory_space<vmem>>, vector<16xf32>,
    %get3A_2515 = vector.shape_cast %get3A_2514 : vector<16xf32> to vector<16xf32>
    %mul3A_2516 = arith.mulf %get3A_2515, %gather3A_2512 : vector<16xf32>
    %swap3A_2517 = arith.constant 2880 : index
    %swap3A_2518 = tpu.vector_load %arg9[%swap3A_2517] {strides = array<i32>} : memref<4096xf32, #tpu.memory_space<vmem>>, vector<16xf32>,
    %swap3A_2519 = vector.shape_cast %swap3A_2518 : vector<16xf32> to vector<16xf32>
    %swap3A_2520 = vector.shape_cast %mul3A_2516 : vector<16xf32> to vector<16xf32>
    tpu.vector_store %arg9[%swap3A_2517], %swap3A_2520 {strides = array<i32>} : memref<4096xf32, #tpu.memory_space<vmem>>, vector<16xf32>,
    %broadcast_in_dim3A_2521 = vector.shape_cast %get3A_2487 : vector<16xi32> to vector<16x1xi32>
    %gather3A_2522 = vector.shape_cast %broadcast_in_dim3A_2521 : vector<16x1xi32> to vector<16xi32>
    %gather3A_2523 = tpu.dynamic_gather %div3A_43[%gather3A_2522] in [0] : vector<16xf32>, vector<16xi32> -> vector<16xf32>
    %get3A_2524 = arith.constant 3904 : index
    %get3A_2525 = tpu.vector_load %arg6[%get3A_2524] {strides = array<i32>} : memref<4096xf32, #tpu.memory_space<vmem>>, vector<16xf32>,
    %get3A_2526 = vector.shape_cast %get3A_2525 : vector<16xf32> to vector<16xf32>
    %mul3A_2527 = arith.mulf %get3A_2526, %gather3A_2523 : vector<16xf32>
    %swap3A_2528 = arith.constant 3904 : index
    %swap3A_2529 = tpu.vector_load %arg9[%swap3A_2528] {strides = array<i32>} : memref<4096xf32, #tpu.memory_space<vmem>>, vector<16xf32>,
    %swap3A_2530 = vector.shape_cast %swap3A_2529 : vector<16xf32> to vector<16xf32>
    %swap3A_2531 = vector.shape_cast %mul3A_2527 : vector<16xf32> to vector<16xf32>
    tpu.vector_store %arg9[%swap3A_2528], %swap3A_2531 {strides = array<i32>} : memref<4096xf32, #tpu.memory_space<vmem>>, vector<16xf32>,
    %get3A_2532 = arith.constant 848 : index
    %get3A_2533 = tpu.vector_load %arg7[%get3A_2532] {strides = array<i32>} : memref<1024xi32, #tpu.memory_space<vmem>>, vector<16xi32>,
    %get3A_2534 = vector.shape_cast %get3A_2533 : vector<16xi32> to vector<16xi32>
    %broadcast_in_dim3A_2535 = vector.shape_cast %get3A_2534 : vector<16xi32> to vector<16x1xi32>
    %gather3A_2536 = vector.shape_cast %broadcast_in_dim3A_2535 : vector<16x1xi32> to vector<16xi32>
    %gather3A_2537 = tpu.dynamic_gather %div3A_16[%gather3A_2536] in [0] : vector<16xf32>, vector<16xi32> -> vector<16xf32>
    %get3A_2538 = arith.constant 848 : index
    %get3A_2539 = tpu.vector_load %arg6[%get3A_2538] {strides = array<i32>} : memref<4096xf32, #tpu.memory_space<vmem>>, vector<16xf32>,
    %get3A_2540 = vector.shape_cast %get3A_2539 : vector<16xf32> to vector<16xf32>
    %mul3A_2541 = arith.mulf %get3A_2540, %gather3A_2537 : vector<16xf32>
    %swap3A_2542 = arith.constant 848 : index
    %swap3A_2543 = tpu.vector_load %arg9[%swap3A_2542] {strides = array<i32>} : memref<4096xf32, #tpu.memory_space<vmem>>, vector<16xf32>,
    %swap3A_2544 = vector.shape_cast %swap3A_2543 : vector<16xf32> to vector<16xf32>
    %swap3A_2545 = vector.shape_cast %mul3A_2541 : vector<16xf32> to vector<16xf32>
    tpu.vector_store %arg9[%swap3A_2542], %swap3A_2545 {strides = array<i32>} : memref<4096xf32, #tpu.memory_space<vmem>>, vector<16xf32>,
    %broadcast_in_dim3A_2546 = vector.shape_cast %get3A_2534 : vector<16xi32> to vector<16x1xi32>
    %gather3A_2547 = vector.shape_cast %broadcast_in_dim3A_2546 : vector<16x1xi32> to vector<16xi32>
    %gather3A_2548 = tpu.dynamic_gather %div3A_25[%gather3A_2547] in [0] : vector<16xf32>, vector<16xi32> -> vector<16xf32>
    %get3A_2549 = arith.constant 1872 : index
    %get3A_2550 = tpu.vector_load %arg6[%get3A_2549] {strides = array<i32>} : memref<4096xf32, #tpu.memory_space<vmem>>, vector<16xf32>,
    %get3A_2551 = vector.shape_cast %get3A_2550 : vector<16xf32> to vector<16xf32>
    %mul3A_2552 = arith.mulf %get3A_2551, %gather3A_2548 : vector<16xf32>
    %swap3A_2553 = arith.constant 1872 : index
    %swap3A_2554 = tpu.vector_load %arg9[%swap3A_2553] {strides = array<i32>} : memref<4096xf32, #tpu.memory_space<vmem>>, vector<16xf32>,
    %swap3A_2555 = vector.shape_cast %swap3A_2554 : vector<16xf32> to vector<16xf32>
    %swap3A_2556 = vector.shape_cast %mul3A_2552 : vector<16xf32> to vector<16xf32>
    tpu.vector_store %arg9[%swap3A_2553], %swap3A_2556 {strides = array<i32>} : memref<4096xf32, #tpu.memory_space<vmem>>, vector<16xf32>,
    %broadcast_in_dim3A_2557 = vector.shape_cast %get3A_2534 : vector<16xi32> to vector<16x1xi32>
    %gather3A_2558 = vector.shape_cast %broadcast_in_dim3A_2557 : vector<16x1xi32> to vector<16xi32>
    %gather3A_2559 = tpu.dynamic_gather %div3A_34[%gather3A_2558] in [0] : vector<16xf32>, vector<16xi32> -> vector<16xf32>
    %get3A_2560 = arith.constant 2896 : index
    %get3A_2561 = tpu.vector_load %arg6[%get3A_2560] {strides = array<i32>} : memref<4096xf32, #tpu.memory_space<vmem>>, vector<16xf32>,
    %get3A_2562 = vector.shape_cast %get3A_2561 : vector<16xf32> to vector<16xf32>
    %mul3A_2563 = arith.mulf %get3A_2562, %gather3A_2559 : vector<16xf32>
    %swap3A_2564 = arith.constant 2896 : index
    %swap3A_2565 = tpu.vector_load %arg9[%swap3A_2564] {strides = array<i32>} : memref<4096xf32, #tpu.memory_space<vmem>>, vector<16xf32>,
    %swap3A_2566 = vector.shape_cast %swap3A_2565 : vector<16xf32> to vector<16xf32>
    %swap3A_2567 = vector.shape_cast %mul3A_2563 : vector<16xf32> to vector<16xf32>
    tpu.vector_store %arg9[%swap3A_2564], %swap3A_2567 {strides = array<i32>} : memref<4096xf32, #tpu.memory_space<vmem>>, vector<16xf32>,
    %broadcast_in_dim3A_2568 = vector.shape_cast %get3A_2534 : vector<16xi32> to vector<16x1xi32>
    %gather3A_2569 = vector.shape_cast %broadcast_in_dim3A_2568 : vector<16x1xi32> to vector<16xi32>
    %gather3A_2570 = tpu.dynamic_gather %div3A_43[%gather3A_2569] in [0] : vector<16xf32>, vector<16xi32> -> vector<16xf32>
    %get3A_2571 = arith.constant 3920 : index
    %get3A_2572 = tpu.vector_load %arg6[%get3A_2571] {strides = array<i32>} : memref<4096xf32, #tpu.memory_space<vmem>>, vector<16xf32>,
    %get3A_2573 = vector.shape_cast %get3A_2572 : vector<16xf32> to vector<16xf32>
    %mul3A_2574 = arith.mulf %get3A_2573, %gather3A_2570 : vector<16xf32>
    %swap3A_2575 = arith.constant 3920 : index
    %swap3A_2576 = tpu.vector_load %arg9[%swap3A_2575] {strides = array<i32>} : memref<4096xf32, #tpu.memory_space<vmem>>, vector<16xf32>,
    %swap3A_2577 = vector.shape_cast %swap3A_2576 : vector<16xf32> to vector<16xf32>
    %swap3A_2578 = vector.shape_cast %mul3A_2574 : vector<16xf32> to vector<16xf32>
    tpu.vector_store %arg9[%swap3A_2575], %swap3A_2578 {strides = array<i32>} : memref<4096xf32, #tpu.memory_space<vmem>>, vector<16xf32>,
    %get3A_2579 = arith.constant 864 : index
    %get3A_2580 = tpu.vector_load %arg7[%get3A_2579] {strides = array<i32>} : memref<1024xi32, #tpu.memory_space<vmem>>, vector<16xi32>,
    %get3A_2581 = vector.shape_cast %get3A_2580 : vector<16xi32> to vector<16xi32>
    %broadcast_in_dim3A_2582 = vector.shape_cast %get3A_2581 : vector<16xi32> to vector<16x1xi32>
    %gather3A_2583 = vector.shape_cast %broadcast_in_dim3A_2582 : vector<16x1xi32> to vector<16xi32>
    %gather3A_2584 = tpu.dynamic_gather %div3A_16[%gather3A_2583] in [0] : vector<16xf32>, vector<16xi32> -> vector<16xf32>
    %get3A_2585 = arith.constant 864 : index
    %get3A_2586 = tpu.vector_load %arg6[%get3A_2585] {strides = array<i32>} : memref<4096xf32, #tpu.memory_space<vmem>>, vector<16xf32>,
    %get3A_2587 = vector.shape_cast %get3A_2586 : vector<16xf32> to vector<16xf32>
    %mul3A_2588 = arith.mulf %get3A_2587, %gather3A_2584 : vector<16xf32>
    %swap3A_2589 = arith.constant 864 : index
    %swap3A_2590 = tpu.vector_load %arg9[%swap3A_2589] {strides = array<i32>} : memref<4096xf32, #tpu.memory_space<vmem>>, vector<16xf32>,
    %swap3A_2591 = vector.shape_cast %swap3A_2590 : vector<16xf32> to vector<16xf32>
    %swap3A_2592 = vector.shape_cast %mul3A_2588 : vector<16xf32> to vector<16xf32>
    tpu.vector_store %arg9[%swap3A_2589], %swap3A_2592 {strides = array<i32>} : memref<4096xf32, #tpu.memory_space<vmem>>, vector<16xf32>,
    %broadcast_in_dim3A_2593 = vector.shape_cast %get3A_2581 : vector<16xi32> to vector<16x1xi32>
    %gather3A_2594 = vector.shape_cast %broadcast_in_dim3A_2593 : vector<16x1xi32> to vector<16xi32>
    %gather3A_2595 = tpu.dynamic_gather %div3A_25[%gather3A_2594] in [0] : vector<16xf32>, vector<16xi32> -> vector<16xf32>
    %get3A_2596 = arith.constant 1888 : index
    %get3A_2597 = tpu.vector_load %arg6[%get3A_2596] {strides = array<i32>} : memref<4096xf32, #tpu.memory_space<vmem>>, vector<16xf32>,
    %get3A_2598 = vector.shape_cast %get3A_2597 : vector<16xf32> to vector<16xf32>
    %mul3A_2599 = arith.mulf %get3A_2598, %gather3A_2595 : vector<16xf32>
    %swap3A_2600 = arith.constant 1888 : index
    %swap3A_2601 = tpu.vector_load %arg9[%swap3A_2600] {strides = array<i32>} : memref<4096xf32, #tpu.memory_space<vmem>>, vector<16xf32>,
    %swap3A_2602 = vector.shape_cast %swap3A_2601 : vector<16xf32> to vector<16xf32>
    %swap3A_2603 = vector.shape_cast %mul3A_2599 : vector<16xf32> to vector<16xf32>
    tpu.vector_store %arg9[%swap3A_2600], %swap3A_2603 {strides = array<i32>} : memref<4096xf32, #tpu.memory_space<vmem>>, vector<16xf32>,
    %broadcast_in_dim3A_2604 = vector.shape_cast %get3A_2581 : vector<16xi32> to vector<16x1xi32>
    %gather3A_2605 = vector.shape_cast %broadcast_in_dim3A_2604 : vector<16x1xi32> to vector<16xi32>
    %gather3A_2606 = tpu.dynamic_gather %div3A_34[%gather3A_2605] in [0] : vector<16xf32>, vector<16xi32> -> vector<16xf32>
    %get3A_2607 = arith.constant 2912 : index
    %get3A_2608 = tpu.vector_load %arg6[%get3A_2607] {strides = array<i32>} : memref<4096xf32, #tpu.memory_space<vmem>>, vector<16xf32>,
    %get3A_2609 = vector.shape_cast %get3A_2608 : vector<16xf32> to vector<16xf32>
    %mul3A_2610 = arith.mulf %get3A_2609, %gather3A_2606 : vector<16xf32>
    %swap3A_2611 = arith.constant 2912 : index
    %swap3A_2612 = tpu.vector_load %arg9[%swap3A_2611] {strides = array<i32>} : memref<4096xf32, #tpu.memory_space<vmem>>, vector<16xf32>,
    %swap3A_2613 = vector.shape_cast %swap3A_2612 : vector<16xf32> to vector<16xf32>
    %swap3A_2614 = vector.shape_cast %mul3A_2610 : vector<16xf32> to vector<16xf32>
    tpu.vector_store %arg9[%swap3A_2611], %swap3A_2614 {strides = array<i32>} : memref<4096xf32, #tpu.memory_space<vmem>>, vector<16xf32>,
    %broadcast_in_dim3A_2615 = vector.shape_cast %get3A_2581 : vector<16xi32> to vector<16x1xi32>
    %gather3A_2616 = vector.shape_cast %broadcast_in_dim3A_2615 : vector<16x1xi32> to vector<16xi32>
    %gather3A_2617 = tpu.dynamic_gather %div3A_43[%gather3A_2616] in [0] : vector<16xf32>, vector<16xi32> -> vector<16xf32>
    %get3A_2618 = arith.constant 3936 : index
    %get3A_2619 = tpu.vector_load %arg6[%get3A_2618] {strides = array<i32>} : memref<4096xf32, #tpu.memory_space<vmem>>, vector<16xf32>,
    %get3A_2620 = vector.shape_cast %get3A_2619 : vector<16xf32> to vector<16xf32>
    %mul3A_2621 = arith.mulf %get3A_2620, %gather3A_2617 : vector<16xf32>
    %swap3A_2622 = arith.constant 3936 : index
    %swap3A_2623 = tpu.vector_load %arg9[%swap3A_2622] {strides = array<i32>} : memref<4096xf32, #tpu.memory_space<vmem>>, vector<16xf32>,
    %swap3A_2624 = vector.shape_cast %swap3A_2623 : vector<16xf32> to vector<16xf32>
    %swap3A_2625 = vector.shape_cast %mul3A_2621 : vector<16xf32> to vector<16xf32>
    tpu.vector_store %arg9[%swap3A_2622], %swap3A_2625 {strides = array<i32>} : memref<4096xf32, #tpu.memory_space<vmem>>, vector<16xf32>,
    %get3A_2626 = arith.constant 880 : index
    %get3A_2627 = tpu.vector_load %arg7[%get3A_2626] {strides = array<i32>} : memref<1024xi32, #tpu.memory_space<vmem>>, vector<16xi32>,
    %get3A_2628 = vector.shape_cast %get3A_2627 : vector<16xi32> to vector<16xi32>
    %broadcast_in_dim3A_2629 = vector.shape_cast %get3A_2628 : vector<16xi32> to vector<16x1xi32>
    %gather3A_2630 = vector.shape_cast %broadcast_in_dim3A_2629 : vector<16x1xi32> to vector<16xi32>
    %gather3A_2631 = tpu.dynamic_gather %div3A_16[%gather3A_2630] in [0] : vector<16xf32>, vector<16xi32> -> vector<16xf32>
    %get3A_2632 = arith.constant 880 : index
    %get3A_2633 = tpu.vector_load %arg6[%get3A_2632] {strides = array<i32>} : memref<4096xf32, #tpu.memory_space<vmem>>, vector<16xf32>,
    %get3A_2634 = vector.shape_cast %get3A_2633 : vector<16xf32> to vector<16xf32>
    %mul3A_2635 = arith.mulf %get3A_2634, %gather3A_2631 : vector<16xf32>
    %swap3A_2636 = arith.constant 880 : index
    %swap3A_2637 = tpu.vector_load %arg9[%swap3A_2636] {strides = array<i32>} : memref<4096xf32, #tpu.memory_space<vmem>>, vector<16xf32>,
    %swap3A_2638 = vector.shape_cast %swap3A_2637 : vector<16xf32> to vector<16xf32>
    %swap3A_2639 = vector.shape_cast %mul3A_2635 : vector<16xf32> to vector<16xf32>
    tpu.vector_store %arg9[%swap3A_2636], %swap3A_2639 {strides = array<i32>} : memref<4096xf32, #tpu.memory_space<vmem>>, vector<16xf32>,
    %broadcast_in_dim3A_2640 = vector.shape_cast %get3A_2628 : vector<16xi32> to vector<16x1xi32>
    %gather3A_2641 = vector.shape_cast %broadcast_in_dim3A_2640 : vector<16x1xi32> to vector<16xi32>
    %gather3A_2642 = tpu.dynamic_gather %div3A_25[%gather3A_2641] in [0] : vector<16xf32>, vector<16xi32> -> vector<16xf32>
    %get3A_2643 = arith.constant 1904 : index
    %get3A_2644 = tpu.vector_load %arg6[%get3A_2643] {strides = array<i32>} : memref<4096xf32, #tpu.memory_space<vmem>>, vector<16xf32>,
    %get3A_2645 = vector.shape_cast %get3A_2644 : vector<16xf32> to vector<16xf32>
    %mul3A_2646 = arith.mulf %get3A_2645, %gather3A_2642 : vector<16xf32>
    %swap3A_2647 = arith.constant 1904 : index
    %swap3A_2648 = tpu.vector_load %arg9[%swap3A_2647] {strides = array<i32>} : memref<4096xf32, #tpu.memory_space<vmem>>, vector<16xf32>,
    %swap3A_2649 = vector.shape_cast %swap3A_2648 : vector<16xf32> to vector<16xf32>
    %swap3A_2650 = vector.shape_cast %mul3A_2646 : vector<16xf32> to vector<16xf32>
    tpu.vector_store %arg9[%swap3A_2647], %swap3A_2650 {strides = array<i32>} : memref<4096xf32, #tpu.memory_space<vmem>>, vector<16xf32>,
    %broadcast_in_dim3A_2651 = vector.shape_cast %get3A_2628 : vector<16xi32> to vector<16x1xi32>
    %gather3A_2652 = vector.shape_cast %broadcast_in_dim3A_2651 : vector<16x1xi32> to vector<16xi32>
    %gather3A_2653 = tpu.dynamic_gather %div3A_34[%gather3A_2652] in [0] : vector<16xf32>, vector<16xi32> -> vector<16xf32>
    %get3A_2654 = arith.constant 2928 : index
    %get3A_2655 = tpu.vector_load %arg6[%get3A_2654] {strides = array<i32>} : memref<4096xf32, #tpu.memory_space<vmem>>, vector<16xf32>,
    %get3A_2656 = vector.shape_cast %get3A_2655 : vector<16xf32> to vector<16xf32>
    %mul3A_2657 = arith.mulf %get3A_2656, %gather3A_2653 : vector<16xf32>
    %swap3A_2658 = arith.constant 2928 : index
    %swap3A_2659 = tpu.vector_load %arg9[%swap3A_2658] {strides = array<i32>} : memref<4096xf32, #tpu.memory_space<vmem>>, vector<16xf32>,
    %swap3A_2660 = vector.shape_cast %swap3A_2659 : vector<16xf32> to vector<16xf32>
    %swap3A_2661 = vector.shape_cast %mul3A_2657 : vector<16xf32> to vector<16xf32>
    tpu.vector_store %arg9[%swap3A_2658], %swap3A_2661 {strides = array<i32>} : memref<4096xf32, #tpu.memory_space<vmem>>, vector<16xf32>,
    %broadcast_in_dim3A_2662 = vector.shape_cast %get3A_2628 : vector<16xi32> to vector<16x1xi32>
    %gather3A_2663 = vector.shape_cast %broadcast_in_dim3A_2662 : vector<16x1xi32> to vector<16xi32>
    %gather3A_2664 = tpu.dynamic_gather %div3A_43[%gather3A_2663] in [0] : vector<16xf32>, vector<16xi32> -> vector<16xf32>
    %get3A_2665 = arith.constant 3952 : index
    %get3A_2666 = tpu.vector_load %arg6[%get3A_2665] {strides = array<i32>} : memref<4096xf32, #tpu.memory_space<vmem>>, vector<16xf32>,
    %get3A_2667 = vector.shape_cast %get3A_2666 : vector<16xf32> to vector<16xf32>
    %mul3A_2668 = arith.mulf %get3A_2667, %gather3A_2664 : vector<16xf32>
    %swap3A_2669 = arith.constant 3952 : index
    %swap3A_2670 = tpu.vector_load %arg9[%swap3A_2669] {strides = array<i32>} : memref<4096xf32, #tpu.memory_space<vmem>>, vector<16xf32>,
    %swap3A_2671 = vector.shape_cast %swap3A_2670 : vector<16xf32> to vector<16xf32>
    %swap3A_2672 = vector.shape_cast %mul3A_2668 : vector<16xf32> to vector<16xf32>
    tpu.vector_store %arg9[%swap3A_2669], %swap3A_2672 {strides = array<i32>} : memref<4096xf32, #tpu.memory_space<vmem>>, vector<16xf32>,
    %get3A_2673 = arith.constant 896 : index
    %get3A_2674 = tpu.vector_load %arg7[%get3A_2673] {strides = array<i32>} : memref<1024xi32, #tpu.memory_space<vmem>>, vector<16xi32>,
    %get3A_2675 = vector.shape_cast %get3A_2674 : vector<16xi32> to vector<16xi32>
    %broadcast_in_dim3A_2676 = vector.shape_cast %get3A_2675 : vector<16xi32> to vector<16x1xi32>
    %gather3A_2677 = vector.shape_cast %broadcast_in_dim3A_2676 : vector<16x1xi32> to vector<16xi32>
    %gather3A_2678 = tpu.dynamic_gather %div3A_16[%gather3A_2677] in [0] : vector<16xf32>, vector<16xi32> -> vector<16xf32>
    %get3A_2679 = arith.constant 896 : index
    %get3A_2680 = tpu.vector_load %arg6[%get3A_2679] {strides = array<i32>} : memref<4096xf32, #tpu.memory_space<vmem>>, vector<16xf32>,
    %get3A_2681 = vector.shape_cast %get3A_2680 : vector<16xf32> to vector<16xf32>
    %mul3A_2682 = arith.mulf %get3A_2681, %gather3A_2678 : vector<16xf32>
    %swap3A_2683 = arith.constant 896 : index
    %swap3A_2684 = tpu.vector_load %arg9[%swap3A_2683] {strides = array<i32>} : memref<4096xf32, #tpu.memory_space<vmem>>, vector<16xf32>,
    %swap3A_2685 = vector.shape_cast %swap3A_2684 : vector<16xf32> to vector<16xf32>
    %swap3A_2686 = vector.shape_cast %mul3A_2682 : vector<16xf32> to vector<16xf32>
    tpu.vector_store %arg9[%swap3A_2683], %swap3A_2686 {strides = array<i32>} : memref<4096xf32, #tpu.memory_space<vmem>>, vector<16xf32>,
    %broadcast_in_dim3A_2687 = vector.shape_cast %get3A_2675 : vector<16xi32> to vector<16x1xi32>
    %gather3A_2688 = vector.shape_cast %broadcast_in_dim3A_2687 : vector<16x1xi32> to vector<16xi32>
    %gather3A_2689 = tpu.dynamic_gather %div3A_25[%gather3A_2688] in [0] : vector<16xf32>, vector<16xi32> -> vector<16xf32>
    %get3A_2690 = arith.constant 1920 : index
    %get3A_2691 = tpu.vector_load %arg6[%get3A_2690] {strides = array<i32>} : memref<4096xf32, #tpu.memory_space<vmem>>, vector<16xf32>,
    %get3A_2692 = vector.shape_cast %get3A_2691 : vector<16xf32> to vector<16xf32>
    %mul3A_2693 = arith.mulf %get3A_2692, %gather3A_2689 : vector<16xf32>
    %swap3A_2694 = arith.constant 1920 : index
    %swap3A_2695 = tpu.vector_load %arg9[%swap3A_2694] {strides = array<i32>} : memref<4096xf32, #tpu.memory_space<vmem>>, vector<16xf32>,
    %swap3A_2696 = vector.shape_cast %swap3A_2695 : vector<16xf32> to vector<16xf32>
    %swap3A_2697 = vector.shape_cast %mul3A_2693 : vector<16xf32> to vector<16xf32>
    tpu.vector_store %arg9[%swap3A_2694], %swap3A_2697 {strides = array<i32>} : memref<4096xf32, #tpu.memory_space<vmem>>, vector<16xf32>,
    %broadcast_in_dim3A_2698 = vector.shape_cast %get3A_2675 : vector<16xi32> to vector<16x1xi32>
    %gather3A_2699 = vector.shape_cast %broadcast_in_dim3A_2698 : vector<16x1xi32> to vector<16xi32>
    %gather3A_2700 = tpu.dynamic_gather %div3A_34[%gather3A_2699] in [0] : vector<16xf32>, vector<16xi32> -> vector<16xf32>
    %get3A_2701 = arith.constant 2944 : index
    %get3A_2702 = tpu.vector_load %arg6[%get3A_2701] {strides = array<i32>} : memref<4096xf32, #tpu.memory_space<vmem>>, vector<16xf32>,
    %get3A_2703 = vector.shape_cast %get3A_2702 : vector<16xf32> to vector<16xf32>
    %mul3A_2704 = arith.mulf %get3A_2703, %gather3A_2700 : vector<16xf32>
    %swap3A_2705 = arith.constant 2944 : index
    %swap3A_2706 = tpu.vector_load %arg9[%swap3A_2705] {strides = array<i32>} : memref<4096xf32, #tpu.memory_space<vmem>>, vector<16xf32>,
    %swap3A_2707 = vector.shape_cast %swap3A_2706 : vector<16xf32> to vector<16xf32>
    %swap3A_2708 = vector.shape_cast %mul3A_2704 : vector<16xf32> to vector<16xf32>
    tpu.vector_store %arg9[%swap3A_2705], %swap3A_2708 {strides = array<i32>} : memref<4096xf32, #tpu.memory_space<vmem>>, vector<16xf32>,
    %broadcast_in_dim3A_2709 = vector.shape_cast %get3A_2675 : vector<16xi32> to vector<16x1xi32>
    %gather3A_2710 = vector.shape_cast %broadcast_in_dim3A_2709 : vector<16x1xi32> to vector<16xi32>
    %gather3A_2711 = tpu.dynamic_gather %div3A_43[%gather3A_2710] in [0] : vector<16xf32>, vector<16xi32> -> vector<16xf32>
    %get3A_2712 = arith.constant 3968 : index
    %get3A_2713 = tpu.vector_load %arg6[%get3A_2712] {strides = array<i32>} : memref<4096xf32, #tpu.memory_space<vmem>>, vector<16xf32>,
    %get3A_2714 = vector.shape_cast %get3A_2713 : vector<16xf32> to vector<16xf32>
    %mul3A_2715 = arith.mulf %get3A_2714, %gather3A_2711 : vector<16xf32>
    %swap3A_2716 = arith.constant 3968 : index
    %swap3A_2717 = tpu.vector_load %arg9[%swap3A_2716] {strides = array<i32>} : memref<4096xf32, #tpu.memory_space<vmem>>, vector<16xf32>,
    %swap3A_2718 = vector.shape_cast %swap3A_2717 : vector<16xf32> to vector<16xf32>
    %swap3A_2719 = vector.shape_cast %mul3A_2715 : vector<16xf32> to vector<16xf32>
    tpu.vector_store %arg9[%swap3A_2716], %swap3A_2719 {strides = array<i32>} : memref<4096xf32, #tpu.memory_space<vmem>>, vector<16xf32>,
    %get3A_2720 = arith.constant 912 : index
    %get3A_2721 = tpu.vector_load %arg7[%get3A_2720] {strides = array<i32>} : memref<1024xi32, #tpu.memory_space<vmem>>, vector<16xi32>,
    %get3A_2722 = vector.shape_cast %get3A_2721 : vector<16xi32> to vector<16xi32>
    %broadcast_in_dim3A_2723 = vector.shape_cast %get3A_2722 : vector<16xi32> to vector<16x1xi32>
    %gather3A_2724 = vector.shape_cast %broadcast_in_dim3A_2723 : vector<16x1xi32> to vector<16xi32>
    %gather3A_2725 = tpu.dynamic_gather %div3A_16[%gather3A_2724] in [0] : vector<16xf32>, vector<16xi32> -> vector<16xf32>
    %get3A_2726 = arith.constant 912 : index
    %get3A_2727 = tpu.vector_load %arg6[%get3A_2726] {strides = array<i32>} : memref<4096xf32, #tpu.memory_space<vmem>>, vector<16xf32>,
    %get3A_2728 = vector.shape_cast %get3A_2727 : vector<16xf32> to vector<16xf32>
    %mul3A_2729 = arith.mulf %get3A_2728, %gather3A_2725 : vector<16xf32>
    %swap3A_2730 = arith.constant 912 : index
    %swap3A_2731 = tpu.vector_load %arg9[%swap3A_2730] {strides = array<i32>} : memref<4096xf32, #tpu.memory_space<vmem>>, vector<16xf32>,
    %swap3A_2732 = vector.shape_cast %swap3A_2731 : vector<16xf32> to vector<16xf32>
    %swap3A_2733 = vector.shape_cast %mul3A_2729 : vector<16xf32> to vector<16xf32>
    tpu.vector_store %arg9[%swap3A_2730], %swap3A_2733 {strides = array<i32>} : memref<4096xf32, #tpu.memory_space<vmem>>, vector<16xf32>,
    %broadcast_in_dim3A_2734 = vector.shape_cast %get3A_2722 : vector<16xi32> to vector<16x1xi32>
    %gather3A_2735 = vector.shape_cast %broadcast_in_dim3A_2734 : vector<16x1xi32> to vector<16xi32>
    %gather3A_2736 = tpu.dynamic_gather %div3A_25[%gather3A_2735] in [0] : vector<16xf32>, vector<16xi32> -> vector<16xf32>
    %get3A_2737 = arith.constant 1936 : index
    %get3A_2738 = tpu.vector_load %arg6[%get3A_2737] {strides = array<i32>} : memref<4096xf32, #tpu.memory_space<vmem>>, vector<16xf32>,
    %get3A_2739 = vector.shape_cast %get3A_2738 : vector<16xf32> to vector<16xf32>
    %mul3A_2740 = arith.mulf %get3A_2739, %gather3A_2736 : vector<16xf32>
    %swap3A_2741 = arith.constant 1936 : index
    %swap3A_2742 = tpu.vector_load %arg9[%swap3A_2741] {strides = array<i32>} : memref<4096xf32, #tpu.memory_space<vmem>>, vector<16xf32>,
    %swap3A_2743 = vector.shape_cast %swap3A_2742 : vector<16xf32> to vector<16xf32>
    %swap3A_2744 = vector.shape_cast %mul3A_2740 : vector<16xf32> to vector<16xf32>
    tpu.vector_store %arg9[%swap3A_2741], %swap3A_2744 {strides = array<i32>} : memref<4096xf32, #tpu.memory_space<vmem>>, vector<16xf32>,
    %broadcast_in_dim3A_2745 = vector.shape_cast %get3A_2722 : vector<16xi32> to vector<16x1xi32>
    %gather3A_2746 = vector.shape_cast %broadcast_in_dim3A_2745 : vector<16x1xi32> to vector<16xi32>
    %gather3A_2747 = tpu.dynamic_gather %div3A_34[%gather3A_2746] in [0] : vector<16xf32>, vector<16xi32> -> vector<16xf32>
    %get3A_2748 = arith.constant 2960 : index
    %get3A_2749 = tpu.vector_load %arg6[%get3A_2748] {strides = array<i32>} : memref<4096xf32, #tpu.memory_space<vmem>>, vector<16xf32>,
    %get3A_2750 = vector.shape_cast %get3A_2749 : vector<16xf32> to vector<16xf32>
    %mul3A_2751 = arith.mulf %get3A_2750, %gather3A_2747 : vector<16xf32>
    %swap3A_2752 = arith.constant 2960 : index
    %swap3A_2753 = tpu.vector_load %arg9[%swap3A_2752] {strides = array<i32>} : memref<4096xf32, #tpu.memory_space<vmem>>, vector<16xf32>,
    %swap3A_2754 = vector.shape_cast %swap3A_2753 : vector<16xf32> to vector<16xf32>
    %swap3A_2755 = vector.shape_cast %mul3A_2751 : vector<16xf32> to vector<16xf32>
    tpu.vector_store %arg9[%swap3A_2752], %swap3A_2755 {strides = array<i32>} : memref<4096xf32, #tpu.memory_space<vmem>>, vector<16xf32>,
    %broadcast_in_dim3A_2756 = vector.shape_cast %get3A_2722 : vector<16xi32> to vector<16x1xi32>
    %gather3A_2757 = vector.shape_cast %broadcast_in_dim3A_2756 : vector<16x1xi32> to vector<16xi32>
    %gather3A_2758 = tpu.dynamic_gather %div3A_43[%gather3A_2757] in [0] : vector<16xf32>, vector<16xi32> -> vector<16xf32>
    %get3A_2759 = arith.constant 3984 : index
    %get3A_2760 = tpu.vector_load %arg6[%get3A_2759] {strides = array<i32>} : memref<4096xf32, #tpu.memory_space<vmem>>, vector<16xf32>,
    %get3A_2761 = vector.shape_cast %get3A_2760 : vector<16xf32> to vector<16xf32>
    %mul3A_2762 = arith.mulf %get3A_2761, %gather3A_2758 : vector<16xf32>
    %swap3A_2763 = arith.constant 3984 : index
    %swap3A_2764 = tpu.vector_load %arg9[%swap3A_2763] {strides = array<i32>} : memref<4096xf32, #tpu.memory_space<vmem>>, vector<16xf32>,
    %swap3A_2765 = vector.shape_cast %swap3A_2764 : vector<16xf32> to vector<16xf32>
    %swap3A_2766 = vector.shape_cast %mul3A_2762 : vector<16xf32> to vector<16xf32>
    tpu.vector_store %arg9[%swap3A_2763], %swap3A_2766 {strides = array<i32>} : memref<4096xf32, #tpu.memory_space<vmem>>, vector<16xf32>,
    %get3A_2767 = arith.constant 928 : index
    %get3A_2768 = tpu.vector_load %arg7[%get3A_2767] {strides = array<i32>} : memref<1024xi32, #tpu.memory_space<vmem>>, vector<16xi32>,
    %get3A_2769 = vector.shape_cast %get3A_2768 : vector<16xi32> to vector<16xi32>
    %broadcast_in_dim3A_2770 = vector.shape_cast %get3A_2769 : vector<16xi32> to vector<16x1xi32>
    %gather3A_2771 = vector.shape_cast %broadcast_in_dim3A_2770 : vector<16x1xi32> to vector<16xi32>
    %gather3A_2772 = tpu.dynamic_gather %div3A_16[%gather3A_2771] in [0] : vector<16xf32>, vector<16xi32> -> vector<16xf32>
    %get3A_2773 = arith.constant 928 : index
    %get3A_2774 = tpu.vector_load %arg6[%get3A_2773] {strides = array<i32>} : memref<4096xf32, #tpu.memory_space<vmem>>, vector<16xf32>,
    %get3A_2775 = vector.shape_cast %get3A_2774 : vector<16xf32> to vector<16xf32>
    %mul3A_2776 = arith.mulf %get3A_2775, %gather3A_2772 : vector<16xf32>
    %swap3A_2777 = arith.constant 928 : index
    %swap3A_2778 = tpu.vector_load %arg9[%swap3A_2777] {strides = array<i32>} : memref<4096xf32, #tpu.memory_space<vmem>>, vector<16xf32>,
    %swap3A_2779 = vector.shape_cast %swap3A_2778 : vector<16xf32> to vector<16xf32>
    %swap3A_2780 = vector.shape_cast %mul3A_2776 : vector<16xf32> to vector<16xf32>
    tpu.vector_store %arg9[%swap3A_2777], %swap3A_2780 {strides = array<i32>} : memref<4096xf32, #tpu.memory_space<vmem>>, vector<16xf32>,
    %broadcast_in_dim3A_2781 = vector.shape_cast %get3A_2769 : vector<16xi32> to vector<16x1xi32>
    %gather3A_2782 = vector.shape_cast %broadcast_in_dim3A_2781 : vector<16x1xi32> to vector<16xi32>
    %gather3A_2783 = tpu.dynamic_gather %div3A_25[%gather3A_2782] in [0] : vector<16xf32>, vector<16xi32> -> vector<16xf32>
    %get3A_2784 = arith.constant 1952 : index
    %get3A_2785 = tpu.vector_load %arg6[%get3A_2784] {strides = array<i32>} : memref<4096xf32, #tpu.memory_space<vmem>>, vector<16xf32>,
    %get3A_2786 = vector.shape_cast %get3A_2785 : vector<16xf32> to vector<16xf32>
    %mul3A_2787 = arith.mulf %get3A_2786, %gather3A_2783 : vector<16xf32>
    %swap3A_2788 = arith.constant 1952 : index
    %swap3A_2789 = tpu.vector_load %arg9[%swap3A_2788] {strides = array<i32>} : memref<4096xf32, #tpu.memory_space<vmem>>, vector<16xf32>,
    %swap3A_2790 = vector.shape_cast %swap3A_2789 : vector<16xf32> to vector<16xf32>
    %swap3A_2791 = vector.shape_cast %mul3A_2787 : vector<16xf32> to vector<16xf32>
    tpu.vector_store %arg9[%swap3A_2788], %swap3A_2791 {strides = array<i32>} : memref<4096xf32, #tpu.memory_space<vmem>>, vector<16xf32>,
    %broadcast_in_dim3A_2792 = vector.shape_cast %get3A_2769 : vector<16xi32> to vector<16x1xi32>
    %gather3A_2793 = vector.shape_cast %broadcast_in_dim3A_2792 : vector<16x1xi32> to vector<16xi32>
    %gather3A_2794 = tpu.dynamic_gather %div3A_34[%gather3A_2793] in [0] : vector<16xf32>, vector<16xi32> -> vector<16xf32>
    %get3A_2795 = arith.constant 2976 : index
    %get3A_2796 = tpu.vector_load %arg6[%get3A_2795] {strides = array<i32>} : memref<4096xf32, #tpu.memory_space<vmem>>, vector<16xf32>,
    %get3A_2797 = vector.shape_cast %get3A_2796 : vector<16xf32> to vector<16xf32>
    %mul3A_2798 = arith.mulf %get3A_2797, %gather3A_2794 : vector<16xf32>
    %swap3A_2799 = arith.constant 2976 : index
    %swap3A_2800 = tpu.vector_load %arg9[%swap3A_2799] {strides = array<i32>} : memref<4096xf32, #tpu.memory_space<vmem>>, vector<16xf32>,
    %swap3A_2801 = vector.shape_cast %swap3A_2800 : vector<16xf32> to vector<16xf32>
    %swap3A_2802 = vector.shape_cast %mul3A_2798 : vector<16xf32> to vector<16xf32>
    tpu.vector_store %arg9[%swap3A_2799], %swap3A_2802 {strides = array<i32>} : memref<4096xf32, #tpu.memory_space<vmem>>, vector<16xf32>,
    %broadcast_in_dim3A_2803 = vector.shape_cast %get3A_2769 : vector<16xi32> to vector<16x1xi32>
    %gather3A_2804 = vector.shape_cast %broadcast_in_dim3A_2803 : vector<16x1xi32> to vector<16xi32>
    %gather3A_2805 = tpu.dynamic_gather %div3A_43[%gather3A_2804] in [0] : vector<16xf32>, vector<16xi32> -> vector<16xf32>
    %get3A_2806 = arith.constant 4000 : index
    %get3A_2807 = tpu.vector_load %arg6[%get3A_2806] {strides = array<i32>} : memref<4096xf32, #tpu.memory_space<vmem>>, vector<16xf32>,
    %get3A_2808 = vector.shape_cast %get3A_2807 : vector<16xf32> to vector<16xf32>
    %mul3A_2809 = arith.mulf %get3A_2808, %gather3A_2805 : vector<16xf32>
    %swap3A_2810 = arith.constant 4000 : index
    %swap3A_2811 = tpu.vector_load %arg9[%swap3A_2810] {strides = array<i32>} : memref<4096xf32, #tpu.memory_space<vmem>>, vector<16xf32>,
    %swap3A_2812 = vector.shape_cast %swap3A_2811 : vector<16xf32> to vector<16xf32>
    %swap3A_2813 = vector.shape_cast %mul3A_2809 : vector<16xf32> to vector<16xf32>
    tpu.vector_store %arg9[%swap3A_2810], %swap3A_2813 {strides = array<i32>} : memref<4096xf32, #tpu.memory_space<vmem>>, vector<16xf32>,
    %get3A_2814 = arith.constant 944 : index
    %get3A_2815 = tpu.vector_load %arg7[%get3A_2814] {strides = array<i32>} : memref<1024xi32, #tpu.memory_space<vmem>>, vector<16xi32>,
    %get3A_2816 = vector.shape_cast %get3A_2815 : vector<16xi32> to vector<16xi32>
    %broadcast_in_dim3A_2817 = vector.shape_cast %get3A_2816 : vector<16xi32> to vector<16x1xi32>
    %gather3A_2818 = vector.shape_cast %broadcast_in_dim3A_2817 : vector<16x1xi32> to vector<16xi32>
    %gather3A_2819 = tpu.dynamic_gather %div3A_16[%gather3A_2818] in [0] : vector<16xf32>, vector<16xi32> -> vector<16xf32>
    %get3A_2820 = arith.constant 944 : index
    %get3A_2821 = tpu.vector_load %arg6[%get3A_2820] {strides = array<i32>} : memref<4096xf32, #tpu.memory_space<vmem>>, vector<16xf32>,
    %get3A_2822 = vector.shape_cast %get3A_2821 : vector<16xf32> to vector<16xf32>
    %mul3A_2823 = arith.mulf %get3A_2822, %gather3A_2819 : vector<16xf32>
    %swap3A_2824 = arith.constant 944 : index
    %swap3A_2825 = tpu.vector_load %arg9[%swap3A_2824] {strides = array<i32>} : memref<4096xf32, #tpu.memory_space<vmem>>, vector<16xf32>,
    %swap3A_2826 = vector.shape_cast %swap3A_2825 : vector<16xf32> to vector<16xf32>
    %swap3A_2827 = vector.shape_cast %mul3A_2823 : vector<16xf32> to vector<16xf32>
    tpu.vector_store %arg9[%swap3A_2824], %swap3A_2827 {strides = array<i32>} : memref<4096xf32, #tpu.memory_space<vmem>>, vector<16xf32>,
    %broadcast_in_dim3A_2828 = vector.shape_cast %get3A_2816 : vector<16xi32> to vector<16x1xi32>
    %gather3A_2829 = vector.shape_cast %broadcast_in_dim3A_2828 : vector<16x1xi32> to vector<16xi32>
    %gather3A_2830 = tpu.dynamic_gather %div3A_25[%gather3A_2829] in [0] : vector<16xf32>, vector<16xi32> -> vector<16xf32>
    %get3A_2831 = arith.constant 1968 : index
    %get3A_2832 = tpu.vector_load %arg6[%get3A_2831] {strides = array<i32>} : memref<4096xf32, #tpu.memory_space<vmem>>, vector<16xf32>,
    %get3A_2833 = vector.shape_cast %get3A_2832 : vector<16xf32> to vector<16xf32>
    %mul3A_2834 = arith.mulf %get3A_2833, %gather3A_2830 : vector<16xf32>
    %swap3A_2835 = arith.constant 1968 : index
    %swap3A_2836 = tpu.vector_load %arg9[%swap3A_2835] {strides = array<i32>} : memref<4096xf32, #tpu.memory_space<vmem>>, vector<16xf32>,
    %swap3A_2837 = vector.shape_cast %swap3A_2836 : vector<16xf32> to vector<16xf32>
    %swap3A_2838 = vector.shape_cast %mul3A_2834 : vector<16xf32> to vector<16xf32>
    tpu.vector_store %arg9[%swap3A_2835], %swap3A_2838 {strides = array<i32>} : memref<4096xf32, #tpu.memory_space<vmem>>, vector<16xf32>,
    %broadcast_in_dim3A_2839 = vector.shape_cast %get3A_2816 : vector<16xi32> to vector<16x1xi32>
    %gather3A_2840 = vector.shape_cast %broadcast_in_dim3A_2839 : vector<16x1xi32> to vector<16xi32>
    %gather3A_2841 = tpu.dynamic_gather %div3A_34[%gather3A_2840] in [0] : vector<16xf32>, vector<16xi32> -> vector<16xf32>
    %get3A_2842 = arith.constant 2992 : index
    %get3A_2843 = tpu.vector_load %arg6[%get3A_2842] {strides = array<i32>} : memref<4096xf32, #tpu.memory_space<vmem>>, vector<16xf32>,
    %get3A_2844 = vector.shape_cast %get3A_2843 : vector<16xf32> to vector<16xf32>
    %mul3A_2845 = arith.mulf %get3A_2844, %gather3A_2841 : vector<16xf32>
    %swap3A_2846 = arith.constant 2992 : index
    %swap3A_2847 = tpu.vector_load %arg9[%swap3A_2846] {strides = array<i32>} : memref<4096xf32, #tpu.memory_space<vmem>>, vector<16xf32>,
    %swap3A_2848 = vector.shape_cast %swap3A_2847 : vector<16xf32> to vector<16xf32>
    %swap3A_2849 = vector.shape_cast %mul3A_2845 : vector<16xf32> to vector<16xf32>
    tpu.vector_store %arg9[%swap3A_2846], %swap3A_2849 {strides = array<i32>} : memref<4096xf32, #tpu.memory_space<vmem>>, vector<16xf32>,
    %broadcast_in_dim3A_2850 = vector.shape_cast %get3A_2816 : vector<16xi32> to vector<16x1xi32>
    %gather3A_2851 = vector.shape_cast %broadcast_in_dim3A_2850 : vector<16x1xi32> to vector<16xi32>
    %gather3A_2852 = tpu.dynamic_gather %div3A_43[%gather3A_2851] in [0] : vector<16xf32>, vector<16xi32> -> vector<16xf32>
    %get3A_2853 = arith.constant 4016 : index
    %get3A_2854 = tpu.vector_load %arg6[%get3A_2853] {strides = array<i32>} : memref<4096xf32, #tpu.memory_space<vmem>>, vector<16xf32>,
    %get3A_2855 = vector.shape_cast %get3A_2854 : vector<16xf32> to vector<16xf32>
    %mul3A_2856 = arith.mulf %get3A_2855, %gather3A_2852 : vector<16xf32>
    %swap3A_2857 = arith.constant 4016 : index
    %swap3A_2858 = tpu.vector_load %arg9[%swap3A_2857] {strides = array<i32>} : memref<4096xf32, #tpu.memory_space<vmem>>, vector<16xf32>,
    %swap3A_2859 = vector.shape_cast %swap3A_2858 : vector<16xf32> to vector<16xf32>
    %swap3A_2860 = vector.shape_cast %mul3A_2856 : vector<16xf32> to vector<16xf32>
    tpu.vector_store %arg9[%swap3A_2857], %swap3A_2860 {strides = array<i32>} : memref<4096xf32, #tpu.memory_space<vmem>>, vector<16xf32>,
    %get3A_2861 = arith.constant 960 : index
    %get3A_2862 = tpu.vector_load %arg7[%get3A_2861] {strides = array<i32>} : memref<1024xi32, #tpu.memory_space<vmem>>, vector<16xi32>,
    %get3A_2863 = vector.shape_cast %get3A_2862 : vector<16xi32> to vector<16xi32>
    %broadcast_in_dim3A_2864 = vector.shape_cast %get3A_2863 : vector<16xi32> to vector<16x1xi32>
    %gather3A_2865 = vector.shape_cast %broadcast_in_dim3A_2864 : vector<16x1xi32> to vector<16xi32>
    %gather3A_2866 = tpu.dynamic_gather %div3A_16[%gather3A_2865] in [0] : vector<16xf32>, vector<16xi32> -> vector<16xf32>
    %get3A_2867 = arith.constant 960 : index
    %get3A_2868 = tpu.vector_load %arg6[%get3A_2867] {strides = array<i32>} : memref<4096xf32, #tpu.memory_space<vmem>>, vector<16xf32>,
    %get3A_2869 = vector.shape_cast %get3A_2868 : vector<16xf32> to vector<16xf32>
    %mul3A_2870 = arith.mulf %get3A_2869, %gather3A_2866 : vector<16xf32>
    %swap3A_2871 = arith.constant 960 : index
    %swap3A_2872 = tpu.vector_load %arg9[%swap3A_2871] {strides = array<i32>} : memref<4096xf32, #tpu.memory_space<vmem>>, vector<16xf32>,
    %swap3A_2873 = vector.shape_cast %swap3A_2872 : vector<16xf32> to vector<16xf32>
    %swap3A_2874 = vector.shape_cast %mul3A_2870 : vector<16xf32> to vector<16xf32>
    tpu.vector_store %arg9[%swap3A_2871], %swap3A_2874 {strides = array<i32>} : memref<4096xf32, #tpu.memory_space<vmem>>, vector<16xf32>,
    %broadcast_in_dim3A_2875 = vector.shape_cast %get3A_2863 : vector<16xi32> to vector<16x1xi32>
    %gather3A_2876 = vector.shape_cast %broadcast_in_dim3A_2875 : vector<16x1xi32> to vector<16xi32>
    %gather3A_2877 = tpu.dynamic_gather %div3A_25[%gather3A_2876] in [0] : vector<16xf32>, vector<16xi32> -> vector<16xf32>
    %get3A_2878 = arith.constant 1984 : index
    %get3A_2879 = tpu.vector_load %arg6[%get3A_2878] {strides = array<i32>} : memref<4096xf32, #tpu.memory_space<vmem>>, vector<16xf32>,
    %get3A_2880 = vector.shape_cast %get3A_2879 : vector<16xf32> to vector<16xf32>
    %mul3A_2881 = arith.mulf %get3A_2880, %gather3A_2877 : vector<16xf32>
    %swap3A_2882 = arith.constant 1984 : index
    %swap3A_2883 = tpu.vector_load %arg9[%swap3A_2882] {strides = array<i32>} : memref<4096xf32, #tpu.memory_space<vmem>>, vector<16xf32>,
    %swap3A_2884 = vector.shape_cast %swap3A_2883 : vector<16xf32> to vector<16xf32>
    %swap3A_2885 = vector.shape_cast %mul3A_2881 : vector<16xf32> to vector<16xf32>
    tpu.vector_store %arg9[%swap3A_2882], %swap3A_2885 {strides = array<i32>} : memref<4096xf32, #tpu.memory_space<vmem>>, vector<16xf32>,
    %broadcast_in_dim3A_2886 = vector.shape_cast %get3A_2863 : vector<16xi32> to vector<16x1xi32>
    %gather3A_2887 = vector.shape_cast %broadcast_in_dim3A_2886 : vector<16x1xi32> to vector<16xi32>
    %gather3A_2888 = tpu.dynamic_gather %div3A_34[%gather3A_2887] in [0] : vector<16xf32>, vector<16xi32> -> vector<16xf32>
    %get3A_2889 = arith.constant 3008 : index
    %get3A_2890 = tpu.vector_load %arg6[%get3A_2889] {strides = array<i32>} : memref<4096xf32, #tpu.memory_space<vmem>>, vector<16xf32>,
    %get3A_2891 = vector.shape_cast %get3A_2890 : vector<16xf32> to vector<16xf32>
    %mul3A_2892 = arith.mulf %get3A_2891, %gather3A_2888 : vector<16xf32>
    %swap3A_2893 = arith.constant 3008 : index
    %swap3A_2894 = tpu.vector_load %arg9[%swap3A_2893] {strides = array<i32>} : memref<4096xf32, #tpu.memory_space<vmem>>, vector<16xf32>,
    %swap3A_2895 = vector.shape_cast %swap3A_2894 : vector<16xf32> to vector<16xf32>
    %swap3A_2896 = vector.shape_cast %mul3A_2892 : vector<16xf32> to vector<16xf32>
    tpu.vector_store %arg9[%swap3A_2893], %swap3A_2896 {strides = array<i32>} : memref<4096xf32, #tpu.memory_space<vmem>>, vector<16xf32>,
    %broadcast_in_dim3A_2897 = vector.shape_cast %get3A_2863 : vector<16xi32> to vector<16x1xi32>
    %gather3A_2898 = vector.shape_cast %broadcast_in_dim3A_2897 : vector<16x1xi32> to vector<16xi32>
    %gather3A_2899 = tpu.dynamic_gather %div3A_43[%gather3A_2898] in [0] : vector<16xf32>, vector<16xi32> -> vector<16xf32>
    %get3A_2900 = arith.constant 4032 : index
    %get3A_2901 = tpu.vector_load %arg6[%get3A_2900] {strides = array<i32>} : memref<4096xf32, #tpu.memory_space<vmem>>, vector<16xf32>,
    %get3A_2902 = vector.shape_cast %get3A_2901 : vector<16xf32> to vector<16xf32>
    %mul3A_2903 = arith.mulf %get3A_2902, %gather3A_2899 : vector<16xf32>
    %swap3A_2904 = arith.constant 4032 : index
    %swap3A_2905 = tpu.vector_load %arg9[%swap3A_2904] {strides = array<i32>} : memref<4096xf32, #tpu.memory_space<vmem>>, vector<16xf32>,
    %swap3A_2906 = vector.shape_cast %swap3A_2905 : vector<16xf32> to vector<16xf32>
    %swap3A_2907 = vector.shape_cast %mul3A_2903 : vector<16xf32> to vector<16xf32>
    tpu.vector_store %arg9[%swap3A_2904], %swap3A_2907 {strides = array<i32>} : memref<4096xf32, #tpu.memory_space<vmem>>, vector<16xf32>,
    %get3A_2908 = arith.constant 976 : index
    %get3A_2909 = tpu.vector_load %arg7[%get3A_2908] {strides = array<i32>} : memref<1024xi32, #tpu.memory_space<vmem>>, vector<16xi32>,
    %get3A_2910 = vector.shape_cast %get3A_2909 : vector<16xi32> to vector<16xi32>
    %broadcast_in_dim3A_2911 = vector.shape_cast %get3A_2910 : vector<16xi32> to vector<16x1xi32>
    %gather3A_2912 = vector.shape_cast %broadcast_in_dim3A_2911 : vector<16x1xi32> to vector<16xi32>
    %gather3A_2913 = tpu.dynamic_gather %div3A_16[%gather3A_2912] in [0] : vector<16xf32>, vector<16xi32> -> vector<16xf32>
    %get3A_2914 = arith.constant 976 : index
    %get3A_2915 = tpu.vector_load %arg6[%get3A_2914] {strides = array<i32>} : memref<4096xf32, #tpu.memory_space<vmem>>, vector<16xf32>,
    %get3A_2916 = vector.shape_cast %get3A_2915 : vector<16xf32> to vector<16xf32>
    %mul3A_2917 = arith.mulf %get3A_2916, %gather3A_2913 : vector<16xf32>
    %swap3A_2918 = arith.constant 976 : index
    %swap3A_2919 = tpu.vector_load %arg9[%swap3A_2918] {strides = array<i32>} : memref<4096xf32, #tpu.memory_space<vmem>>, vector<16xf32>,
    %swap3A_2920 = vector.shape_cast %swap3A_2919 : vector<16xf32> to vector<16xf32>
    %swap3A_2921 = vector.shape_cast %mul3A_2917 : vector<16xf32> to vector<16xf32>
    tpu.vector_store %arg9[%swap3A_2918], %swap3A_2921 {strides = array<i32>} : memref<4096xf32, #tpu.memory_space<vmem>>, vector<16xf32>,
    %broadcast_in_dim3A_2922 = vector.shape_cast %get3A_2910 : vector<16xi32> to vector<16x1xi32>
    %gather3A_2923 = vector.shape_cast %broadcast_in_dim3A_2922 : vector<16x1xi32> to vector<16xi32>
    %gather3A_2924 = tpu.dynamic_gather %div3A_25[%gather3A_2923] in [0] : vector<16xf32>, vector<16xi32> -> vector<16xf32>
    %get3A_2925 = arith.constant 2000 : index
    %get3A_2926 = tpu.vector_load %arg6[%get3A_2925] {strides = array<i32>} : memref<4096xf32, #tpu.memory_space<vmem>>, vector<16xf32>,
    %get3A_2927 = vector.shape_cast %get3A_2926 : vector<16xf32> to vector<16xf32>
    %mul3A_2928 = arith.mulf %get3A_2927, %gather3A_2924 : vector<16xf32>
    %swap3A_2929 = arith.constant 2000 : index
    %swap3A_2930 = tpu.vector_load %arg9[%swap3A_2929] {strides = array<i32>} : memref<4096xf32, #tpu.memory_space<vmem>>, vector<16xf32>,
    %swap3A_2931 = vector.shape_cast %swap3A_2930 : vector<16xf32> to vector<16xf32>
    %swap3A_2932 = vector.shape_cast %mul3A_2928 : vector<16xf32> to vector<16xf32>
    tpu.vector_store %arg9[%swap3A_2929], %swap3A_2932 {strides = array<i32>} : memref<4096xf32, #tpu.memory_space<vmem>>, vector<16xf32>,
    %broadcast_in_dim3A_2933 = vector.shape_cast %get3A_2910 : vector<16xi32> to vector<16x1xi32>
    %gather3A_2934 = vector.shape_cast %broadcast_in_dim3A_2933 : vector<16x1xi32> to vector<16xi32>
    %gather3A_2935 = tpu.dynamic_gather %div3A_34[%gather3A_2934] in [0] : vector<16xf32>, vector<16xi32> -> vector<16xf32>
    %get3A_2936 = arith.constant 3024 : index
    %get3A_2937 = tpu.vector_load %arg6[%get3A_2936] {strides = array<i32>} : memref<4096xf32, #tpu.memory_space<vmem>>, vector<16xf32>,
    %get3A_2938 = vector.shape_cast %get3A_2937 : vector<16xf32> to vector<16xf32>
    %mul3A_2939 = arith.mulf %get3A_2938, %gather3A_2935 : vector<16xf32>
    %swap3A_2940 = arith.constant 3024 : index
    %swap3A_2941 = tpu.vector_load %arg9[%swap3A_2940] {strides = array<i32>} : memref<4096xf32, #tpu.memory_space<vmem>>, vector<16xf32>,
    %swap3A_2942 = vector.shape_cast %swap3A_2941 : vector<16xf32> to vector<16xf32>
    %swap3A_2943 = vector.shape_cast %mul3A_2939 : vector<16xf32> to vector<16xf32>
    tpu.vector_store %arg9[%swap3A_2940], %swap3A_2943 {strides = array<i32>} : memref<4096xf32, #tpu.memory_space<vmem>>, vector<16xf32>,
    %broadcast_in_dim3A_2944 = vector.shape_cast %get3A_2910 : vector<16xi32> to vector<16x1xi32>
    %gather3A_2945 = vector.shape_cast %broadcast_in_dim3A_2944 : vector<16x1xi32> to vector<16xi32>
    %gather3A_2946 = tpu.dynamic_gather %div3A_43[%gather3A_2945] in [0] : vector<16xf32>, vector<16xi32> -> vector<16xf32>
    %get3A_2947 = arith.constant 4048 : index
    %get3A_2948 = tpu.vector_load %arg6[%get3A_2947] {strides = array<i32>} : memref<4096xf32, #tpu.memory_space<vmem>>, vector<16xf32>,
    %get3A_2949 = vector.shape_cast %get3A_2948 : vector<16xf32> to vector<16xf32>
    %mul3A_2950 = arith.mulf %get3A_2949, %gather3A_2946 : vector<16xf32>
    %swap3A_2951 = arith.constant 4048 : index
    %swap3A_2952 = tpu.vector_load %arg9[%swap3A_2951] {strides = array<i32>} : memref<4096xf32, #tpu.memory_space<vmem>>, vector<16xf32>,
    %swap3A_2953 = vector.shape_cast %swap3A_2952 : vector<16xf32> to vector<16xf32>
    %swap3A_2954 = vector.shape_cast %mul3A_2950 : vector<16xf32> to vector<16xf32>
    tpu.vector_store %arg9[%swap3A_2951], %swap3A_2954 {strides = array<i32>} : memref<4096xf32, #tpu.memory_space<vmem>>, vector<16xf32>,
    %get3A_2955 = arith.constant 992 : index
    %get3A_2956 = tpu.vector_load %arg7[%get3A_2955] {strides = array<i32>} : memref<1024xi32, #tpu.memory_space<vmem>>, vector<16xi32>,
    %get3A_2957 = vector.shape_cast %get3A_2956 : vector<16xi32> to vector<16xi32>
    %broadcast_in_dim3A_2958 = vector.shape_cast %get3A_2957 : vector<16xi32> to vector<16x1xi32>
    %gather3A_2959 = vector.shape_cast %broadcast_in_dim3A_2958 : vector<16x1xi32> to vector<16xi32>
    %gather3A_2960 = tpu.dynamic_gather %div3A_16[%gather3A_2959] in [0] : vector<16xf32>, vector<16xi32> -> vector<16xf32>
    %get3A_2961 = arith.constant 992 : index
    %get3A_2962 = tpu.vector_load %arg6[%get3A_2961] {strides = array<i32>} : memref<4096xf32, #tpu.memory_space<vmem>>, vector<16xf32>,
    %get3A_2963 = vector.shape_cast %get3A_2962 : vector<16xf32> to vector<16xf32>
    %mul3A_2964 = arith.mulf %get3A_2963, %gather3A_2960 : vector<16xf32>
    %swap3A_2965 = arith.constant 992 : index
    %swap3A_2966 = tpu.vector_load %arg9[%swap3A_2965] {strides = array<i32>} : memref<4096xf32, #tpu.memory_space<vmem>>, vector<16xf32>,
    %swap3A_2967 = vector.shape_cast %swap3A_2966 : vector<16xf32> to vector<16xf32>
    %swap3A_2968 = vector.shape_cast %mul3A_2964 : vector<16xf32> to vector<16xf32>
    tpu.vector_store %arg9[%swap3A_2965], %swap3A_2968 {strides = array<i32>} : memref<4096xf32, #tpu.memory_space<vmem>>, vector<16xf32>,
    %broadcast_in_dim3A_2969 = vector.shape_cast %get3A_2957 : vector<16xi32> to vector<16x1xi32>
    %gather3A_2970 = vector.shape_cast %broadcast_in_dim3A_2969 : vector<16x1xi32> to vector<16xi32>
    %gather3A_2971 = tpu.dynamic_gather %div3A_25[%gather3A_2970] in [0] : vector<16xf32>, vector<16xi32> -> vector<16xf32>
    %get3A_2972 = arith.constant 2016 : index
    %get3A_2973 = tpu.vector_load %arg6[%get3A_2972] {strides = array<i32>} : memref<4096xf32, #tpu.memory_space<vmem>>, vector<16xf32>,
    %get3A_2974 = vector.shape_cast %get3A_2973 : vector<16xf32> to vector<16xf32>
    %mul3A_2975 = arith.mulf %get3A_2974, %gather3A_2971 : vector<16xf32>
    %swap3A_2976 = arith.constant 2016 : index
    %swap3A_2977 = tpu.vector_load %arg9[%swap3A_2976] {strides = array<i32>} : memref<4096xf32, #tpu.memory_space<vmem>>, vector<16xf32>,
    %swap3A_2978 = vector.shape_cast %swap3A_2977 : vector<16xf32> to vector<16xf32>
    %swap3A_2979 = vector.shape_cast %mul3A_2975 : vector<16xf32> to vector<16xf32>
    tpu.vector_store %arg9[%swap3A_2976], %swap3A_2979 {strides = array<i32>} : memref<4096xf32, #tpu.memory_space<vmem>>, vector<16xf32>,
    %broadcast_in_dim3A_2980 = vector.shape_cast %get3A_2957 : vector<16xi32> to vector<16x1xi32>
    %gather3A_2981 = vector.shape_cast %broadcast_in_dim3A_2980 : vector<16x1xi32> to vector<16xi32>
    %gather3A_2982 = tpu.dynamic_gather %div3A_34[%gather3A_2981] in [0] : vector<16xf32>, vector<16xi32> -> vector<16xf32>
    %get3A_2983 = arith.constant 3040 : index
    %get3A_2984 = tpu.vector_load %arg6[%get3A_2983] {strides = array<i32>} : memref<4096xf32, #tpu.memory_space<vmem>>, vector<16xf32>,
    %get3A_2985 = vector.shape_cast %get3A_2984 : vector<16xf32> to vector<16xf32>
    %mul3A_2986 = arith.mulf %get3A_2985, %gather3A_2982 : vector<16xf32>
    %swap3A_2987 = arith.constant 3040 : index
    %swap3A_2988 = tpu.vector_load %arg9[%swap3A_2987] {strides = array<i32>} : memref<4096xf32, #tpu.memory_space<vmem>>, vector<16xf32>,
    %swap3A_2989 = vector.shape_cast %swap3A_2988 : vector<16xf32> to vector<16xf32>
    %swap3A_2990 = vector.shape_cast %mul3A_2986 : vector<16xf32> to vector<16xf32>
    tpu.vector_store %arg9[%swap3A_2987], %swap3A_2990 {strides = array<i32>} : memref<4096xf32, #tpu.memory_space<vmem>>, vector<16xf32>,
    %broadcast_in_dim3A_2991 = vector.shape_cast %get3A_2957 : vector<16xi32> to vector<16x1xi32>
    %gather3A_2992 = vector.shape_cast %broadcast_in_dim3A_2991 : vector<16x1xi32> to vector<16xi32>
    %gather3A_2993 = tpu.dynamic_gather %div3A_43[%gather3A_2992] in [0] : vector<16xf32>, vector<16xi32> -> vector<16xf32>
    %get3A_2994 = arith.constant 4064 : index
    %get3A_2995 = tpu.vector_load %arg6[%get3A_2994] {strides = array<i32>} : memref<4096xf32, #tpu.memory_space<vmem>>, vector<16xf32>,
    %get3A_2996 = vector.shape_cast %get3A_2995 : vector<16xf32> to vector<16xf32>
    %mul3A_2997 = arith.mulf %get3A_2996, %gather3A_2993 : vector<16xf32>
    %swap3A_2998 = arith.constant 4064 : index
    %swap3A_2999 = tpu.vector_load %arg9[%swap3A_2998] {strides = array<i32>} : memref<4096xf32, #tpu.memory_space<vmem>>, vector<16xf32>,
    %swap3A_3000 = vector.shape_cast %swap3A_2999 : vector<16xf32> to vector<16xf32>
    %swap3A_3001 = vector.shape_cast %mul3A_2997 : vector<16xf32> to vector<16xf32>
    tpu.vector_store %arg9[%swap3A_2998], %swap3A_3001 {strides = array<i32>} : memref<4096xf32, #tpu.memory_space<vmem>>, vector<16xf32>,
    %get3A_3002 = arith.constant 1008 : index
    %get3A_3003 = tpu.vector_load %arg7[%get3A_3002] {strides = array<i32>} : memref<1024xi32, #tpu.memory_space<vmem>>, vector<16xi32>,
    %get3A_3004 = vector.shape_cast %get3A_3003 : vector<16xi32> to vector<16xi32>
    %broadcast_in_dim3A_3005 = vector.shape_cast %get3A_3004 : vector<16xi32> to vector<16x1xi32>
    %gather3A_3006 = vector.shape_cast %broadcast_in_dim3A_3005 : vector<16x1xi32> to vector<16xi32>
    %gather3A_3007 = tpu.dynamic_gather %div3A_16[%gather3A_3006] in [0] : vector<16xf32>, vector<16xi32> -> vector<16xf32>
    %get3A_3008 = arith.constant 1008 : index
    %get3A_3009 = tpu.vector_load %arg6[%get3A_3008] {strides = array<i32>} : memref<4096xf32, #tpu.memory_space<vmem>>, vector<16xf32>,
    %get3A_3010 = vector.shape_cast %get3A_3009 : vector<16xf32> to vector<16xf32>
    %mul3A_3011 = arith.mulf %get3A_3010, %gather3A_3007 : vector<16xf32>
    %swap3A_3012 = arith.constant 1008 : index
    %swap3A_3013 = tpu.vector_load %arg9[%swap3A_3012] {strides = array<i32>} : memref<4096xf32, #tpu.memory_space<vmem>>, vector<16xf32>,
    %swap3A_3014 = vector.shape_cast %swap3A_3013 : vector<16xf32> to vector<16xf32>
    %swap3A_3015 = vector.shape_cast %mul3A_3011 : vector<16xf32> to vector<16xf32>
    tpu.vector_store %arg9[%swap3A_3012], %swap3A_3015 {strides = array<i32>} : memref<4096xf32, #tpu.memory_space<vmem>>, vector<16xf32>,
    %broadcast_in_dim3A_3016 = vector.shape_cast %get3A_3004 : vector<16xi32> to vector<16x1xi32>
    %gather3A_3017 = vector.shape_cast %broadcast_in_dim3A_3016 : vector<16x1xi32> to vector<16xi32>
    %gather3A_3018 = tpu.dynamic_gather %div3A_25[%gather3A_3017] in [0] : vector<16xf32>, vector<16xi32> -> vector<16xf32>
    %get3A_3019 = arith.constant 2032 : index
    %get3A_3020 = tpu.vector_load %arg6[%get3A_3019] {strides = array<i32>} : memref<4096xf32, #tpu.memory_space<vmem>>, vector<16xf32>,
    %get3A_3021 = vector.shape_cast %get3A_3020 : vector<16xf32> to vector<16xf32>
    %mul3A_3022 = arith.mulf %get3A_3021, %gather3A_3018 : vector<16xf32>
    %swap3A_3023 = arith.constant 2032 : index
    %swap3A_3024 = tpu.vector_load %arg9[%swap3A_3023] {strides = array<i32>} : memref<4096xf32, #tpu.memory_space<vmem>>, vector<16xf32>,
    %swap3A_3025 = vector.shape_cast %swap3A_3024 : vector<16xf32> to vector<16xf32>
    %swap3A_3026 = vector.shape_cast %mul3A_3022 : vector<16xf32> to vector<16xf32>
    tpu.vector_store %arg9[%swap3A_3023], %swap3A_3026 {strides = array<i32>} : memref<4096xf32, #tpu.memory_space<vmem>>, vector<16xf32>,
    %broadcast_in_dim3A_3027 = vector.shape_cast %get3A_3004 : vector<16xi32> to vector<16x1xi32>
    %gather3A_3028 = vector.shape_cast %broadcast_in_dim3A_3027 : vector<16x1xi32> to vector<16xi32>
    %gather3A_3029 = tpu.dynamic_gather %div3A_34[%gather3A_3028] in [0] : vector<16xf32>, vector<16xi32> -> vector<16xf32>
    %get3A_3030 = arith.constant 3056 : index
    %get3A_3031 = tpu.vector_load %arg6[%get3A_3030] {strides = array<i32>} : memref<4096xf32, #tpu.memory_space<vmem>>, vector<16xf32>,
    %get3A_3032 = vector.shape_cast %get3A_3031 : vector<16xf32> to vector<16xf32>
    %mul3A_3033 = arith.mulf %get3A_3032, %gather3A_3029 : vector<16xf32>
    %swap3A_3034 = arith.constant 3056 : index
    %swap3A_3035 = tpu.vector_load %arg9[%swap3A_3034] {strides = array<i32>} : memref<4096xf32, #tpu.memory_space<vmem>>, vector<16xf32>,
    %swap3A_3036 = vector.shape_cast %swap3A_3035 : vector<16xf32> to vector<16xf32>
    %swap3A_3037 = vector.shape_cast %mul3A_3033 : vector<16xf32> to vector<16xf32>
    tpu.vector_store %arg9[%swap3A_3034], %swap3A_3037 {strides = array<i32>} : memref<4096xf32, #tpu.memory_space<vmem>>, vector<16xf32>,
    %broadcast_in_dim3A_3038 = vector.shape_cast %get3A_3004 : vector<16xi32> to vector<16x1xi32>
    %gather3A_3039 = vector.shape_cast %broadcast_in_dim3A_3038 : vector<16x1xi32> to vector<16xi32>
    %gather3A_3040 = tpu.dynamic_gather %div3A_43[%gather3A_3039] in [0] : vector<16xf32>, vector<16xi32> -> vector<16xf32>
    %get3A_3041 = arith.constant 4080 : index
    %get3A_3042 = tpu.vector_load %arg6[%get3A_3041] {strides = array<i32>} : memref<4096xf32, #tpu.memory_space<vmem>>, vector<16xf32>,
    %get3A_3043 = vector.shape_cast %get3A_3042 : vector<16xf32> to vector<16xf32>
    %mul3A_3044 = arith.mulf %get3A_3043, %gather3A_3040 : vector<16xf32>
    %swap3A_3045 = arith.constant 4080 : index
    %swap3A_3046 = tpu.vector_load %arg9[%swap3A_3045] {strides = array<i32>} : memref<4096xf32, #tpu.memory_space<vmem>>, vector<16xf32>,
    %swap3A_3047 = vector.shape_cast %swap3A_3046 : vector<16xf32> to vector<16xf32>
    %swap3A_3048 = vector.shape_cast %mul3A_3044 : vector<16xf32> to vector<16xf32>
    tpu.vector_store %arg9[%swap3A_3045], %swap3A_3048 {strides = array<i32>} : memref<4096xf32, #tpu.memory_space<vmem>>, vector<16xf32>,
    %add3A_3049 = arith.constant 0 : i32
    %add3A_3050 = arith.addi %add3A_3049, %mul3A_2 : i32
    "tpu.region"() ({
      %run_scoped3A = tpu.sem_alloc : memref<!tpu.dma_semaphore, #tpu.memory_space<semaphore_mem>>
      %dma_start3A = arith.constant 0 : i32
      %dma_start3A_3057 = tpu.memref_slice %arg9[%dma_start3A] : memref<4096xf32, #tpu.memory_space<vmem>> -> memref<1024xf32, #tpu.memory_space<vmem>>
      %dma_start3A_3058 = tpu.memref_slice %arg5[%add3A_3050] : memref<131072xf32, #tpu.memory_space<hbm>> -> memref<1024xf32, #tpu.memory_space<hbm>>
      %dma_start3A_3059 = tpu.memref_slice %arg5[%add3A_3050] : memref<131072xf32, #tpu.memory_space<hbm>> -> memref<1024xf32, #tpu.memory_space<hbm>>
      %dma_start3A_3060 = arith.constant 0 : i32
      %dma_start3A_3061 = tpu.memref_slice %arg9[%dma_start3A_3060] : memref<4096xf32, #tpu.memory_space<vmem>> -> memref<1024xf32, #tpu.memory_space<vmem>>
      tpu.enqueue_dma source(%dma_start3A_3061 : memref<1024xf32, #tpu.memory_space<vmem>>) target(%dma_start3A_3059 : memref<1024xf32, #tpu.memory_space<hbm>>) target_semaphore(%run_scoped3A : memref<!tpu.dma_semaphore, #tpu.memory_space<semaphore_mem>>)
      %dma_wait3A = arith.constant 0 : i32
      %dma_wait3A_3062 = tpu.memref_slice %arg9[%dma_wait3A] : memref<4096xf32, #tpu.memory_space<vmem>> -> memref<1024xf32, #tpu.memory_space<vmem>>
      %dma_wait3A_3063 = tpu.memref_slice %arg5[%add3A_3050] : memref<131072xf32, #tpu.memory_space<hbm>> -> memref<1024xf32, #tpu.memory_space<hbm>>
      %dma_wait3A_3064 = tpu.memref_slice %arg5[%add3A_3050] : memref<131072xf32, #tpu.memory_space<hbm>> -> memref<1024xf32, #tpu.memory_space<hbm>>
      %dma_wait3A_3065 = arith.constant 0 : i32
      %dma_wait3A_3066 = tpu.memref_slice %arg9[%dma_wait3A_3065] : memref<4096xf32, #tpu.memory_space<vmem>> -> memref<1024xf32, #tpu.memory_space<vmem>>
      tpu.wait_dma2 semaphore(%run_scoped3A : memref<!tpu.dma_semaphore, #tpu.memory_space<semaphore_mem>>) src(%dma_wait3A_3066 : memref<1024xf32, #tpu.memory_space<vmem>>) dst(%dma_wait3A_3064 : memref<1024xf32, #tpu.memory_space<hbm>>)
      tpu.yield
    }) : () -> ()
    %add3A_3051 = arith.constant 32768 : i32
    %add3A_3052 = arith.addi %add3A_3051, %mul3A_2 : i32
    "tpu.region"() ({
      %run_scoped3A = tpu.sem_alloc : memref<!tpu.dma_semaphore, #tpu.memory_space<semaphore_mem>>
      %dma_start3A = arith.constant 1024 : i32
      %dma_start3A_3057 = tpu.memref_slice %arg9[%dma_start3A] : memref<4096xf32, #tpu.memory_space<vmem>> -> memref<1024xf32, #tpu.memory_space<vmem>>
      %dma_start3A_3058 = tpu.memref_slice %arg5[%add3A_3052] : memref<131072xf32, #tpu.memory_space<hbm>> -> memref<1024xf32, #tpu.memory_space<hbm>>
      %dma_start3A_3059 = tpu.memref_slice %arg5[%add3A_3052] : memref<131072xf32, #tpu.memory_space<hbm>> -> memref<1024xf32, #tpu.memory_space<hbm>>
      %dma_start3A_3060 = arith.constant 1024 : i32
      %dma_start3A_3061 = tpu.memref_slice %arg9[%dma_start3A_3060] : memref<4096xf32, #tpu.memory_space<vmem>> -> memref<1024xf32, #tpu.memory_space<vmem>>
      tpu.enqueue_dma source(%dma_start3A_3061 : memref<1024xf32, #tpu.memory_space<vmem>>) target(%dma_start3A_3059 : memref<1024xf32, #tpu.memory_space<hbm>>) target_semaphore(%run_scoped3A : memref<!tpu.dma_semaphore, #tpu.memory_space<semaphore_mem>>)
      %dma_wait3A = arith.constant 1024 : i32
      %dma_wait3A_3062 = tpu.memref_slice %arg9[%dma_wait3A] : memref<4096xf32, #tpu.memory_space<vmem>> -> memref<1024xf32, #tpu.memory_space<vmem>>
      %dma_wait3A_3063 = tpu.memref_slice %arg5[%add3A_3052] : memref<131072xf32, #tpu.memory_space<hbm>> -> memref<1024xf32, #tpu.memory_space<hbm>>
      %dma_wait3A_3064 = tpu.memref_slice %arg5[%add3A_3052] : memref<131072xf32, #tpu.memory_space<hbm>> -> memref<1024xf32, #tpu.memory_space<hbm>>
      %dma_wait3A_3065 = arith.constant 1024 : i32
      %dma_wait3A_3066 = tpu.memref_slice %arg9[%dma_wait3A_3065] : memref<4096xf32, #tpu.memory_space<vmem>> -> memref<1024xf32, #tpu.memory_space<vmem>>
      tpu.wait_dma2 semaphore(%run_scoped3A : memref<!tpu.dma_semaphore, #tpu.memory_space<semaphore_mem>>) src(%dma_wait3A_3066 : memref<1024xf32, #tpu.memory_space<vmem>>) dst(%dma_wait3A_3064 : memref<1024xf32, #tpu.memory_space<hbm>>)
      tpu.yield
    }) : () -> ()
    %add3A_3053 = arith.constant 65536 : i32
    %add3A_3054 = arith.addi %add3A_3053, %mul3A_2 : i32
    "tpu.region"() ({
      %run_scoped3A = tpu.sem_alloc : memref<!tpu.dma_semaphore, #tpu.memory_space<semaphore_mem>>
      %dma_start3A = arith.constant 2048 : i32
      %dma_start3A_3057 = tpu.memref_slice %arg9[%dma_start3A] : memref<4096xf32, #tpu.memory_space<vmem>> -> memref<1024xf32, #tpu.memory_space<vmem>>
      %dma_start3A_3058 = tpu.memref_slice %arg5[%add3A_3054] : memref<131072xf32, #tpu.memory_space<hbm>> -> memref<1024xf32, #tpu.memory_space<hbm>>
      %dma_start3A_3059 = tpu.memref_slice %arg5[%add3A_3054] : memref<131072xf32, #tpu.memory_space<hbm>> -> memref<1024xf32, #tpu.memory_space<hbm>>
      %dma_start3A_3060 = arith.constant 2048 : i32
      %dma_start3A_3061 = tpu.memref_slice %arg9[%dma_start3A_3060] : memref<4096xf32, #tpu.memory_space<vmem>> -> memref<1024xf32, #tpu.memory_space<vmem>>
      tpu.enqueue_dma source(%dma_start3A_3061 : memref<1024xf32, #tpu.memory_space<vmem>>) target(%dma_start3A_3059 : memref<1024xf32, #tpu.memory_space<hbm>>) target_semaphore(%run_scoped3A : memref<!tpu.dma_semaphore, #tpu.memory_space<semaphore_mem>>)
      %dma_wait3A = arith.constant 2048 : i32
      %dma_wait3A_3062 = tpu.memref_slice %arg9[%dma_wait3A] : memref<4096xf32, #tpu.memory_space<vmem>> -> memref<1024xf32, #tpu.memory_space<vmem>>
      %dma_wait3A_3063 = tpu.memref_slice %arg5[%add3A_3054] : memref<131072xf32, #tpu.memory_space<hbm>> -> memref<1024xf32, #tpu.memory_space<hbm>>
      %dma_wait3A_3064 = tpu.memref_slice %arg5[%add3A_3054] : memref<131072xf32, #tpu.memory_space<hbm>> -> memref<1024xf32, #tpu.memory_space<hbm>>
      %dma_wait3A_3065 = arith.constant 2048 : i32
      %dma_wait3A_3066 = tpu.memref_slice %arg9[%dma_wait3A_3065] : memref<4096xf32, #tpu.memory_space<vmem>> -> memref<1024xf32, #tpu.memory_space<vmem>>
      tpu.wait_dma2 semaphore(%run_scoped3A : memref<!tpu.dma_semaphore, #tpu.memory_space<semaphore_mem>>) src(%dma_wait3A_3066 : memref<1024xf32, #tpu.memory_space<vmem>>) dst(%dma_wait3A_3064 : memref<1024xf32, #tpu.memory_space<hbm>>)
      tpu.yield
    }) : () -> ()
    %add3A_3055 = arith.constant 98304 : i32
    %add3A_3056 = arith.addi %add3A_3055, %mul3A_2 : i32
    "tpu.region"() ({
      %run_scoped3A = tpu.sem_alloc : memref<!tpu.dma_semaphore, #tpu.memory_space<semaphore_mem>>
      %dma_start3A = arith.constant 3072 : i32
      %dma_start3A_3057 = tpu.memref_slice %arg9[%dma_start3A] : memref<4096xf32, #tpu.memory_space<vmem>> -> memref<1024xf32, #tpu.memory_space<vmem>>
      %dma_start3A_3058 = tpu.memref_slice %arg5[%add3A_3056] : memref<131072xf32, #tpu.memory_space<hbm>> -> memref<1024xf32, #tpu.memory_space<hbm>>
      %dma_start3A_3059 = tpu.memref_slice %arg5[%add3A_3056] : memref<131072xf32, #tpu.memory_space<hbm>> -> memref<1024xf32, #tpu.memory_space<hbm>>
      %dma_start3A_3060 = arith.constant 3072 : i32
      %dma_start3A_3061 = tpu.memref_slice %arg9[%dma_start3A_3060] : memref<4096xf32, #tpu.memory_space<vmem>> -> memref<1024xf32, #tpu.memory_space<vmem>>
      tpu.enqueue_dma source(%dma_start3A_3061 : memref<1024xf32, #tpu.memory_space<vmem>>) target(%dma_start3A_3059 : memref<1024xf32, #tpu.memory_space<hbm>>) target_semaphore(%run_scoped3A : memref<!tpu.dma_semaphore, #tpu.memory_space<semaphore_mem>>)
      %dma_wait3A = arith.constant 3072 : i32
      %dma_wait3A_3062 = tpu.memref_slice %arg9[%dma_wait3A] : memref<4096xf32, #tpu.memory_space<vmem>> -> memref<1024xf32, #tpu.memory_space<vmem>>
      %dma_wait3A_3063 = tpu.memref_slice %arg5[%add3A_3056] : memref<131072xf32, #tpu.memory_space<hbm>> -> memref<1024xf32, #tpu.memory_space<hbm>>
      %dma_wait3A_3064 = tpu.memref_slice %arg5[%add3A_3056] : memref<131072xf32, #tpu.memory_space<hbm>> -> memref<1024xf32, #tpu.memory_space<hbm>>
      %dma_wait3A_3065 = arith.constant 3072 : i32
      %dma_wait3A_3066 = tpu.memref_slice %arg9[%dma_wait3A_3065] : memref<4096xf32, #tpu.memory_space<vmem>> -> memref<1024xf32, #tpu.memory_space<vmem>>
      tpu.wait_dma2 semaphore(%run_scoped3A : memref<!tpu.dma_semaphore, #tpu.memory_space<semaphore_mem>>) src(%dma_wait3A_3066 : memref<1024xf32, #tpu.memory_space<vmem>>) dst(%dma_wait3A_3064 : memref<1024xf32, #tpu.memory_space<hbm>>)
      tpu.yield
    }) : () -> ()
    return
  }
}

module attributes {stable_mosaic.version = 14 : i64} {
  func.func @_tc_body(%arg0: i32, %arg1: memref<4096x128xf32, #tpu.memory_space<vmem>>, %arg2: memref<1x4096xi32, #tpu.memory_space<vmem>>, %arg3: memref<128x256xf32, #tpu.memory_space<vmem>>, %arg4: memref<256x4xf32, #tpu.memory_space<vmem>>, %arg5: memref<4x4096xf32, #tpu.memory_space<vmem>>, %arg6: memref<4x16xf32, #tpu.memory_space<vmem>>, %arg7: memref<128x4xf32, #tpu.memory_space<vmem>>) attributes {dimension_semantics = [#tpu.dimension_semantics<arbitrary>], iteration_bounds = array<i64: 8>, scalar_prefetch = 0 : i64, scratch_operands = 1 : i64, tpu.core_type = #tpu.core_type<tc>, window_params = [{transform_indices = @transform_0, window_bounds = array<i64: 4096, 128>}, {transform_indices = @transform_1, window_bounds = array<i64: 1, 4096>}, {pipeline_mode = #tpu.pipeline_mode<synchronous>, transform_indices = @transform_2, window_bounds = array<i64: 128, 256>}, {pipeline_mode = #tpu.pipeline_mode<synchronous>, transform_indices = @transform_3, window_bounds = array<i64: 256, 4>}, {transform_indices = @transform_4, window_bounds = array<i64: 4, 4096>}, {pipeline_mode = #tpu.pipeline_mode<synchronous>, transform_indices = @transform_5, window_bounds = array<i64: 4, 16>}]} {
    %eq3A = arith.constant 0 : i32
    %eq3A_0 = arith.cmpi eq, %arg0, %eq3A : i32
    %convert_element_type3A = arith.extui %eq3A_0 : i1 to i32
    %cond3A = arith.constant 0 : i32
    %cond3A_1 = arith.cmpi ne, %convert_element_type3A, %cond3A : i32
    scf.if %cond3A_1 {
      %get3A_33 = arith.constant 0 : index
      %get3A_34 = arith.constant 0 : index
      %get3A_35 = vector.load %arg3[%get3A_33, %get3A_34] : memref<128x256xf32, #tpu.memory_space<vmem>>, vector<128x256xf32>
      %get3A_36 = arith.constant 0 : index
      %get3A_37 = arith.constant 0 : index
      %get3A_38 = vector.load %arg4[%get3A_36, %get3A_37] : memref<256x4xf32, #tpu.memory_space<vmem>>, vector<256x4xf32>
      %dot_general3A_39 = arith.constant dense<0.000000e+00> : vector<128x4xf32>
      %dot_general3A_40 = tpu.matmul %get3A_35, %get3A_38, %dot_general3A_39 {dimension_numbers = #tpu.dot_dimension_numbers<[1], [0], [0], [1], [0, 0, 1, 1], [], []>, precision = #tpu.contract_precision<fp32>, transpose_lhs_hint = false} : vector<128x256xf32>, vector<256x4xf32>, vector<128x4xf32> -> vector<128x4xf32>
      %swap3A_41 = arith.constant 0 : index
      %swap3A_42 = arith.constant 0 : index
      %swap3A_43 = vector.load %arg7[%swap3A_41, %swap3A_42] : memref<128x4xf32, #tpu.memory_space<vmem>>, vector<128x4xf32>
      tpu.vector_store %arg7[%swap3A_41, %swap3A_42], %dot_general3A_40 {strides = array<i32>} : memref<128x4xf32, #tpu.memory_space<vmem>>, vector<128x4xf32>,
    } else {
    }
    %get3A = arith.constant 0 : index
    %get3A_2 = arith.constant 0 : index
    %get3A_3 = vector.load %arg1[%get3A, %get3A_2] : memref<4096x128xf32, #tpu.memory_space<vmem>>, vector<4096x128xf32>
    %get3A_4 = arith.constant 0 : index
    %get3A_5 = arith.constant 0 : index
    %get3A_6 = vector.load %arg7[%get3A_4, %get3A_5] : memref<128x4xf32, #tpu.memory_space<vmem>>, vector<128x4xf32>
    %dot_general3A = arith.constant dense<0.000000e+00> : vector<4096x4xf32>
    %dot_general3A_7 = tpu.matmul %get3A_3, %get3A_6, %dot_general3A {dimension_numbers = #tpu.dot_dimension_numbers<[1], [0], [0], [1], [0, 0, 1, 1], [], []>, transpose_lhs_hint = false} : vector<4096x128xf32>, vector<128x4xf32>, vector<4096x4xf32> -> vector<4096x4xf32>
    %mul3A = arith.constant 1.250000e-01 : f32
    %mul3A_8 = vector.broadcast %mul3A : f32 to vector<4096x4xf32>
    %mul3A_9 = arith.mulf %dot_general3A_7, %mul3A_8 : vector<4096x4xf32>
    %min3A = arith.constant 5.000000e+01 : f32
    %min3A_10 = vector.broadcast %min3A : f32 to vector<4096x4xf32>
    %min3A_11 = arith.minimumf %mul3A_9, %min3A_10 : vector<4096x4xf32>
    %exp3A = math.exp %min3A_11 : vector<4096x4xf32>
    %transpose3A = tpu.transpose %exp3A, [1, 0] : vector<4096x4xf32> -> vector<4x4096xf32>
    %swap3A = arith.constant 0 : index
    %swap3A_12 = arith.constant 0 : index
    %swap3A_13 = vector.load %arg5[%swap3A, %swap3A_12] : memref<4x4096xf32, #tpu.memory_space<vmem>>, vector<4x4096xf32>
    tpu.vector_store %arg5[%swap3A, %swap3A_12], %transpose3A {strides = array<i32>} : memref<4x4096xf32, #tpu.memory_space<vmem>>, vector<4x4096xf32>,
    %iota3A = tpu.iota {dimensions = array<i32: 0>} : vector<16x4096xi32>
    %get3A_14 = arith.constant 0 : index
    %get3A_15 = arith.constant 0 : index
    %get3A_16 = vector.load %arg2[%get3A_14, %get3A_15] : memref<1x4096xi32, #tpu.memory_space<vmem>>, vector<1x4096xi32>
    %eq3A_17 = vector.broadcast %get3A_16 : vector<1x4096xi32> to vector<16x4096xi32>
    %eq3A_18 = arith.cmpi eq, %iota3A, %eq3A_17 : vector<16x4096xi32>
    %convert_element_type3A_19 = arith.extui %eq3A_18 : vector<16x4096xi1> to vector<16x4096xi32>
    %convert_element_type3A_20 = arith.sitofp %convert_element_type3A_19 : vector<16x4096xi32> to vector<16x4096xf32>
    %dot_general3A_21 = arith.constant dense<0.000000e+00> : vector<16x4xf32>
    %dot_general3A_22 = tpu.matmul %convert_element_type3A_20, %exp3A, %dot_general3A_21 {dimension_numbers = #tpu.dot_dimension_numbers<[1], [0], [0], [1], [0, 0, 1, 1], [], []>, transpose_lhs_hint = false} : vector<16x4096xf32>, vector<4096x4xf32>, vector<16x4xf32> -> vector<16x4xf32>
    %transpose3A_23 = tpu.transpose %dot_general3A_22, [1, 0] : vector<16x4xf32> -> vector<4x16xf32>
    %eq3A_24 = arith.constant 0 : i32
    %eq3A_25 = arith.cmpi eq, %arg0, %eq3A_24 : i32
    %convert_element_type3A_26 = arith.extui %eq3A_25 : i1 to i32
    %cond3A_27 = arith.constant 0 : i32
    %cond3A_28 = arith.cmpi ne, %convert_element_type3A_26, %cond3A_27 : i32
    scf.if %cond3A_28 {
      %swap3A_33 = arith.constant 0 : index
      %swap3A_34 = arith.constant 0 : index
      %swap3A_35 = vector.load %arg6[%swap3A_33, %swap3A_34] : memref<4x16xf32, #tpu.memory_space<vmem>>, vector<4x16xf32>
      tpu.vector_store %arg6[%swap3A_33, %swap3A_34], %transpose3A_23 {strides = array<i32>} : memref<4x16xf32, #tpu.memory_space<vmem>>, vector<4x16xf32>,
    } else {
    }
    %ne3A = arith.constant 0 : i32
    %ne3A_29 = arith.cmpi ne, %arg0, %ne3A : i32
    %convert_element_type3A_30 = arith.extui %ne3A_29 : i1 to i32
    %cond3A_31 = arith.constant 0 : i32
    %cond3A_32 = arith.cmpi ne, %convert_element_type3A_30, %cond3A_31 : i32
    scf.if %cond3A_32 {
      %get3A_33 = arith.constant 0 : index
      %get3A_34 = arith.constant 0 : index
      %get3A_35 = vector.load %arg6[%get3A_33, %get3A_34] : memref<4x16xf32, #tpu.memory_space<vmem>>, vector<4x16xf32>
      %add3A = arith.addf %get3A_35, %transpose3A_23 : vector<4x16xf32>
      %swap3A_36 = arith.constant 0 : index
      %swap3A_37 = arith.constant 0 : index
      %swap3A_38 = vector.load %arg6[%swap3A_36, %swap3A_37] : memref<4x16xf32, #tpu.memory_space<vmem>>, vector<4x16xf32>
      tpu.vector_store %arg6[%swap3A_36, %swap3A_37], %add3A {strides = array<i32>} : memref<4x16xf32, #tpu.memory_space<vmem>>, vector<4x16xf32>,
    } else {
    }
    return
  }
  func.func @transform_0(%arg0: i32) -> (i32, i32) {
    %c0_i32 = arith.constant 0 : i32
    %c0_i32_0 = arith.constant 0 : i32
    return %arg0, %c0_i32 : i32, i32
  }
  func.func @transform_1(%arg0: i32) -> (i32, i32) {
    %c0_i32 = arith.constant 0 : i32
    %c0_i32_0 = arith.constant 0 : i32
    return %c0_i32, %arg0 : i32, i32
  }
  func.func @transform_2(%arg0: i32) -> (i32, i32) {
    %c0_i32 = arith.constant 0 : i32
    %c0_i32_0 = arith.constant 0 : i32
    %c0_i32_1 = arith.constant 0 : i32
    return %c0_i32, %c0_i32_0 : i32, i32
  }
  func.func @transform_3(%arg0: i32) -> (i32, i32) {
    %c0_i32 = arith.constant 0 : i32
    %c0_i32_0 = arith.constant 0 : i32
    %c0_i32_1 = arith.constant 0 : i32
    return %c0_i32, %c0_i32_0 : i32, i32
  }
  func.func @transform_4(%arg0: i32) -> (i32, i32) {
    %c0_i32 = arith.constant 0 : i32
    %c0_i32_0 = arith.constant 0 : i32
    return %c0_i32, %arg0 : i32, i32
  }
  func.func @transform_5(%arg0: i32) -> (i32, i32) {
    %c0_i32 = arith.constant 0 : i32
    %c0_i32_0 = arith.constant 0 : i32
    %c0_i32_1 = arith.constant 0 : i32
    return %c0_i32, %c0_i32_0 : i32, i32
  }
}

</mosaic_0001>

<sc_bundles>
// kernel: kernel.4.cloned.1.call-start
scs
__scs_entry_jumppad:
0x0: {  	(pc) =	sbr.rel $0x88, $3  }
0x1: {  	(tag) =	ssettag $0x0;
	lr =	simm.s32 $0x1  }
0x2: {  	[smem:$0x3F9D] =	sst lr;
	_ =	strace $0xD0000000  }
0x3: {  	_ = 	snop  }
0x4: {  	_ = 	snop  }
0x5: {  	_ = 	snop  }
0x6: {  	_ = 	snop  }
0x7: {  	_ = 	snop  }
__scs_overlays_trampoline_lowered:
0x8: {  	[smem:$0x3FAC] =	sst s0  }
0x9: {  	[smem:$0x3FAD] =	sst s1  }
0xa: {  	[smem:$0x3FAE] =	sst s2  }
0xb: {  	[smem:$0x3FAF] =	sst s3  }
0xc: {  	[smem:$0x3FB0] =	sst s4  }
0xd: {  	[smem:$0x3FB1] =	sst s5  }
0xe: {  	[smem:$0x3FB2] =	sst s6  }
0xf: {  	[smem:$0x3FB3] =	sst s7  }
0x10: {  	[smem:$0x3FB4] =	sst s8  }
0x11: {  	[smem:$0x3FB5] =	sst s9;
	s0 =	simm.s32 @!p0 $0x0  }
0x12: {  	s1 =	sld [smem:$0x3F9B];
	s0 =	simm.s32 @p0 $0x1  }
0x13: {  	[smem:$0x3FB6] =	sst s0;
	s0 =	simm.s32 @!p1 $0x0  }
0x14: {  	s2 =	sld [smem:$0x3F9A];
	s0 =	simm.s32 @p1 $0x1  }
0x15: {  	[smem:$0x3FB7] =	sst s0;
	s0 =	simm.s32 @!p2 $0x0  }
0x16: {  	s3 =	sld [smem:$0x3FDB];
	s0 =	simm.s32 @p2 $0x1  }
0x17: {  	s4 =	simm.s32 $0x1BF5;
	[smem:$0x3FB9] =	sst s0  }
0x18: {  	s0 =	sld [smem:$0x3F9C];
	_ =	swait.ge [sflag:s4], $0x0  }
0x19: {  	s7 =	sld [smem:$0x3F9D]  }
0x1a: {  	s8 =	sadd.s32 $0xFFFFE003, lr  }
0x1b: {  	s9 =	sadd.s32 $0xFFFFFEF7, lr;
	s5 =	simm.s32 $0xFFFFFFFF;
	p2 =	slt.u32 s8, $0xFFFFF086  }
0x1c: {  	p1 =	slt.u32 s9, $0xF7A;
	s5 =	simm.s32 @!p2 $0x0  }
0x1d: {  	s5 =	simm.s32 @p1 $0x1;
	p0 =	seq.s32 s7, s2  }
0x1e: {  	s7 =	smul.u32 @!p0 $0xF7A, s2;
	p2 =	seq.s32 @!p0 s5, $0x0  }
0x1f: {  	s9 =	smul.u32 $0xF7A, s1;
	s8 =	simm.s32 @!p0 $0x1BF5;
	p2 =	por !p2, p0  }
0x20: {  	[sflag:s8] =	ssyncset.s32 @!p0 $0xFFFFF086;
	s6 =	sadd.s32 @!p0 s3, s7;
	s7 =	simm.s32 @!p0 $0x108  }
0x21: {  	s3 =	sadd.s32 s3, s9;
	s6 =	sadd.s32 @!p0 $0x88, s6;
	s7 =	simm.s32 @p2 $0x1082  }
0x22: {  	[simem:s7], [sflag:s8] =	dma.local @!p0 [hbm:s6], $0xF7A  }
0x23: {  	s9 =	sor.u32 $0xD0000000, s2;
	s6 =	simm.s32 $0x108;
	_ =	swait.ge @!p0 [sflag:s8], $0x0  }
0x24: {  	s3 =	sadd.s32 $0x88, s3;
	s6 =	simm.s32 @!p1 $0x1082;
	[sflag:s4] =	ssyncset.s32 $0xFFFFF086  }
0x25: {  	[simem:s6], [sflag:s4] =	dma.local [hbm:s3], $0xF7A  }
0x26: {  	[smem:$0x3F9D] =	sst s1;
	(tag) =	ssettag s2;
	_ =	strace s9  }
0x27: {  	s1 =	sld [smem:$0x3FAD]  }
0x28: {  	s2 =	sld [smem:$0x3FAE]  }
0x29: {  	s4 =	sld [smem:$0x3FB0]  }
0x2a: {  	p0 =	seq.s32 s5, $0x0;
	s5 =	sld [smem:$0x3FB1]  }
0x2b: {  	s6 =	sld [smem:$0x3FB2]  }
0x2c: {  	s7 =	sld [smem:$0x3FB3]  }
0x2d: {  	s3 =	simm.s32 $0x108;
	s8 =	sld [smem:$0x3FB4]  }
0x2e: {  	s3 =	simm.s32 @!p0 $0x1082;
	s9 =	sld [smem:$0x3FB5]  }
0x2f: {  	lr =	sadd.s32 s0, s3;
	s0 =	sld [smem:$0x3FAC]  }
0x30: {  	s3 =	sld [smem:$0x3FAF]  }
0x31: {  	[smem:$0x3FB8] =	sst s10  }
0x32: {  	s10 =	sld [smem:$0x3FB6];
	_ =	sdelay $0x3  }
0x33: {  	p0 =	seq.s32 s10, $0x1;
	s10 =	sld [smem:$0x3FB8];
	_ =	sdelay $0x3  }
0x34: {  	[smem:$0x3FB8] =	sst s10  }
0x35: {  	s10 =	sld [smem:$0x3FB7];
	_ =	sdelay $0x3  }
0x36: {  	p1 =	seq.s32 s10, $0x1;
	s10 =	sld [smem:$0x3FB8];
	_ =	sdelay $0x3  }
0x37: {  	[smem:$0x3FB8] =	sst s10  }
0x38: {  	s10 =	sld [smem:$0x3FB9]  }
0x39: {  	_ = 	snop;
	(pc) =	sbr.ind lr, $3  }
0x3a: {  	_ = 	snop  }
0x3b: {  	_ = 	snop  }
0x3c: {  	p2 =	seq.s32 s10, $0x1;
	s10 =	sld [smem:$0x3FB8]  }
0x3d: {  	_ =	shalt  }
0x3e: {  	_ =	shalt  }
0x3f: {  	_ =	shalt  }
0x40: {  	_ =	shalt  }
0x41: {  	_ =	shalt  }
0x42: {  	_ =	shalt  }
0x43: {  	_ =	shalt  }
0x44: {  	_ =	shalt  }
0x45: {  	_ =	shalt  }
0x46: {  	_ =	shalt  }
0x47: {  	_ =	shalt  }
0x48: {  	_ =	shalt  }
0x49: {  	_ =	shalt  }
0x4a: {  	_ =	shalt  }
0x4b: {  	_ =	shalt  }
0x4c: {  	_ =	shalt  }
0x4d: {  	_ =	shalt  }
0x4e: {  	_ =	shalt  }
0x4f: {  	_ =	shalt  }
0x50: {  	_ =	shalt  }
0x51: {  	_ =	shalt  }
0x52: {  	_ =	shalt  }
0x53: {  	_ =	shalt  }
0x54: {  	_ =	shalt  }
0x55: {  	_ =	shalt  }
0x56: {  	_ =	shalt  }
0x57: {  	_ =	shalt  }
0x58: {  	_ =	shalt  }
0x59: {  	_ =	shalt  }
0x5a: {  	_ =	shalt  }
0x5b: {  	_ =	shalt  }
0x5c: {  	_ =	shalt  }
0x5d: {  	_ =	shalt  }
0x5e: {  	_ =	shalt  }
0x5f: {  	_ =	shalt  }
0x60: {  	_ =	shalt  }
0x61: {  	_ =	shalt  }
0x62: {  	_ =	shalt  }
0x63: {  	_ =	shalt  }
0x64: {  	_ =	shalt  }
0x65: {  	_ =	shalt  }
0x66: {  	_ =	shalt  }
0x67: {  	_ =	shalt  }
0x68: {  	_ =	shalt  }
0x69: {  	_ =	shalt  }
0x6a: {  	_ =	shalt  }
0x6b: {  	_ =	shalt  }
0x6c: {  	_ =	shalt  }
0x6d: {  	_ =	shalt  }
0x6e: {  	_ =	shalt  }
0x6f: {  	_ =	shalt  }
0x70: {  	_ =	shalt  }
0x71: {  	_ =	shalt  }
0x72: {  	_ =	shalt  }
0x73: {  	_ =	shalt  }
0x74: {  	_ =	shalt  }
0x75: {  	_ =	shalt  }
0x76: {  	_ =	shalt  }
0x77: {  	_ =	shalt  }
0x78: {  	_ =	shalt  }
0x79: {  	_ =	shalt  }
0x7a: {  	_ =	shalt  }
0x7b: {  	_ =	shalt  }
0x7c: {  	_ =	shalt  }
0x7d: {  	_ =	shalt  }
0x7e: {  	_ =	shalt  }
0x7f: {  	_ =	shalt  }
0x80: {  	_ =	shalt  }
0x81: {  	_ =	shalt  }
0x82: {  	_ =	shalt  }
0x83: {  	_ =	shalt  }
0x84: {  	_ =	shalt  }
0x85: {  	_ =	shalt  }
0x86: {  	_ =	shalt  }
0x87: {  	_ =	shalt  }
.Lfunc_end0:
.L_simem_size_0:
called_computation_lowered:
.L_overlay_start_0:
0x88: {  	s2 =	sld [smem:$0x3FD9]  }
0x89: {  	s3 =	sld [smem:$0x3FFE];
	_ =	sdelay $0x1  }
0x8a: {  	s1 =	srdreg.scid  }
0x8b: {  	s0 =	sand.u32 $0x1, s1  }
0x8c: {  	s17 =	sshll.u32 s0, $0xA;
	s2 =	sadd.s32 s3, s2  }
0x8d: {  	s2 =	sadd.s32 s2, s17  }
0x8e: {  	[smem:$0x3FC4] =	sst s2  }
0x8f: {  	_ = 	snop  }
0x90: {  	s2 =	sld [smem:$0x3FC8]  }
0x91: {  	s18 =	sld [smem:$0x3FD0];
	(tm) =	ssettm $0x1  }
0x92: {  	s4 =	sld [smem:$0x3FFB];
	_ =	sdelay $0x3  }
0x93: {  	_ =	strace s4  }
0x94: {  	s4 =	sld [smem:$0x3FFC];
	_ =	sdelay $0x3  }
0x95: {  	_ =	strace s4  }
0x96: {  	s4 =	sld [smem:$0x3FFD];
	_ =	sdelay $0x3  }
0x97: {  	_ =	strace s4  }
0x98: {  	_ =	strace $0x8FFFFFFF  }
0x99: {  	s19 =	sld [smem:$0x3FDB];
	_ =	sdelay $0x1  }
0x9a: {  	s5 =	simm.s32 $_scs_section_size  }
0x9b: {  	s6 =	simm.s32 $_size__tile_overlayer_lowered;
	s7 =	simm.s32 $_tile_overlayer_lowered  }
0x9c: {  	s22 =	simm.s32 $0x1BFF;
	s21 =	sshll.u32 s7, $0x1;
	s4 =	sadd.s32 s5, s19  }
0x9d: {  	s8 =	simm.s32 $0x0;
	s20 =	sshll.u32 s6, $0x1;
	s6 =	sadd.s32 s21, s4  }
0x9e: {  	[timem:s8], [sflag:s22] =	dma.local [hbm:s6], s20  }
0x9f: {  	_ =	swait.ge [sflag:s22], s20  }
0xa0: {  	s5 =	ssub.s32 $0x0, s20;
	[sflag:s22] =	ssyncset.done $0x0  }
0xa1: {  	[sflag:s22] =	ssyncadd.s32 s5;
	_ =	sdelay $0x1  }
0xa2: {  	s23 =	simm.s32 $0x1B8B  }
0xa3: {  	_ =	swait.ge [sflag:s23], $0x1  }
0xa4: {  	[sflag:s23] =	ssyncset.done $0x0  }
0xa5: {  	s25 =	simm.s32 $0x1B8E;
	s24 =	sld [smem:$0x3FFE];
	[sflag:s23] =	ssyncadd.s32 $0xFFFFFFFF  }
0xa6: {  	s26 =	simm.s32 $execute0_lowered;
	[smem:$0x3FD2] =	sst s25  }
0xa7: {  	s6 =	sshll.u32 s26, $0x1;
	_ =	strace $0x80000046;
	[dreg:$0x1] =	wrdreg $0xFFFFFFFF  }
0xa8: {  	s28 =	simm.s32 $_size_execute0_lowered;
	s4 =	sadd.s32 s4, s6;
	[dreg:$0x0] =	wrdreg $0x0  }
0xa9: {  	s6 =	sshll.u32 s28, $0x1;
	[dreg:$0x2] =	wrdreg s4  }
0xaa: {  	[dreg:$0x3] =	wrdreg s6  }
0xab: {  	[dreg:$0x4] =	wrdreg $0xC0  }
0xac: {  	_ =	task [dreg:s8], $0x5FFFF  }
0xad: {  	[dreg:$0x1] =	wrdreg $0xFFFFFFFF  }
0xae: {  	[dreg:$0x0] =	wrdreg $0x60  }
0xaf: {  	[dreg:$0x2] =	wrdreg s24  }
0xb0: {  	[dreg:$0x3] =	wrdreg s2  }
0xb1: {  	[dreg:$0x4] =	wrdreg s18  }
0xb2: {  	[dreg:$0x5] =	wrdreg $0x9  }
0xb3: {  	_ =	task.clear_ibuf [dreg:s8], $0x6FFFF;
	_ =	strace $0x90000046  }
0xb4: {  	s29 =	simm.s32 $0x9;
	_ =	strace $0x80000048  }
0xb5: {  	_ =	swait.ge [sflag:s29], $0x1  }
0xb6: {  	[sflag:s29] =	ssyncadd.s32 $0xFFFFFFFF  }
0xb7: {  	_ =	strace $0x90000048  }
0xb8: {  	_ =	sfence  }
0xb9: {  	s30 =	sld [smem:$0x0];
	_ =	sdelay $0x2  }
0xba: {  	s31 =	sshll.u32 s1, $0xD;
	s1 =	sshrl.u32 s1, $0x2  }
0xbb: {  	s3 =	sand.u32 $0x4000, s31;
	s1 =	sadd.s32 s1, s30  }
0xbc: {  	s0 =	sor.u32 s3, s0;
	s1 =	sshll.u32 s1, $0x11  }
0xbd: {  	s0 =	sor.u32 s1, s0  }
0xbe: {  	s0 =	sadd.s32 $0x8F2B, s0  }
0xbf: {  	[sflag:s0] =	ssyncadd.remote.s32 $0x1  }
0xc0: {  	_ =	sfence.sel $0xFFFF  }
0xc1: {  	[dreg:$0x0] =	wrdreg $0xFFFFFFFF;
	(pc) =	sbr.abs _section_cstart, $3  }
0xc2: {  	[dreg:$0x1] =	wrdreg $0xFFFFFFFF  }
0xc3: {  	_ =	task.clear_ibuf [dreg:s8], $0x2FFFF;
	_ =	strace $0x9FFFFFFF  }
0xc4: {  	(tm) =	ssettm $0x7FFFFFFF  }
0xc5: {  	_ =	shalt  }
tec
execute0_lowered:
.L_overlay_start_1:
0x0: {  	(tag) =	ssettag $0x1  }
0x1: {  	s3 =	rddreg [dreg:$0x0]  }
0x2: {  	s4 =	rddreg [dreg:$0x1]  }
0x3: {  	s12 =	rddreg [dreg:$0x2]  }
0x4: {  	s0 =	rddreg [dreg:$0x3];
	s1 =	simm.s32 $0x0  }
0x5: {  	s5 =	srdreg.scid;
	s2 =	stileid.u32;
	s16 =	simm.s32 $0x400  }
0x6: {  	s17 =	simm.s32 $0x800;
	s18 =	simm.s32 $0xC00;
	s19 =	simm.s32 $0x1400  }
0x7: {  	s20 =	simm.s32 $0x1480;
	s21 =	simm.s32 $0x1880;
	s22 =	simm.s32 $0x1C80  }
0x8: {  	s23 =	simm.s32 $0x2080;
	[smem:$0x7FF] =	sst s1;
	s5 =	sand.u32 $0x1, s5  }
0x9: {  	s8 =	sadd.s32 $0xA00, s3;
	s7 =	sshll.u32 s2, $0x8;
	s6 =	ssub.s32 $0x2, s5  }
0xa: {  	s3 =	sadd.s32 $0x4A00, s3;
	s5 =	sshll.u32 s5, $0x7;
	s9 =	sshrl.u32 s6, $0x1  }
0xb: {  	_ =	strace $0x80000047;
	s10 =	sor.u32 s5, s7;
	s13 =	ssub.s32 s6, s9  }
0xc: {  	s4 =	sadd.s32 s4, s10;
	s5 =	sadd.s32 s8, s10;
	s11 =	sor.u32 $0x1000, s10  }
0xd: {  	s14 =	sor.u32 $0x2000, s10;
	s15 =	sor.u32 $0x3000, s10;
	s9 =	sadd.s32 s12, s10  }
0xe: {  	s6 =	sadd.s32 s8, s11;
	s7 =	sadd.s32 s8, s14;
	s8 =	sadd.s32 s8, s15  }
0xf: {  	s10 =	sadd.s32 s12, s11;
	s11 =	sadd.s32 s12, s14;
	s12 =	sadd.s32 s12, s15  }
0x10: {  	s13 =	smax.u32 s13, $0x1;
	s14 =	simm.s32 $0x1000;
	s15 =	simm.s32 $0x1  }
.LBB2_1:
0x11: {  	[tilespmem:s14], [sflag:$0x1] =	stream.linear.gather [hbm4b:s4+s1], $0x400, $0x38;
	[tilespmem:$0x2480] =	vst v63  }
0x12: {  	_ =	swait.ge [sflag:s15], $0x400  }
0x13: {  	[sflag:s15] =	ssyncset.done $0x0  }
0x14: {  	[sflag:s15] =	ssyncadd.s32 $0xFFFFFC00  }
0x15: {  	[tilespmem:s1], [sflag:$0x1] =	stream.linear.gather [hbm4b:s5+s1], $0x400, $0x38;
	[tilespmem:$0x2480] =	vst v63  }
0x16: {  	_ =	swait.ge [sflag:s15], $0x400  }
0x17: {  	[sflag:s15] =	ssyncset.done $0x0  }
0x18: {  	[sflag:s15] =	ssyncadd.s32 $0xFFFFFC00  }
0x19: {  	[tilespmem:s16], [sflag:$0x1] =	stream.linear.gather [hbm4b:s6+s1], $0x400, $0x38;
	[tilespmem:$0x2480] =	vst v63  }
0x1a: {  	_ =	swait.ge [sflag:s15], $0x400  }
0x1b: {  	[sflag:s15] =	ssyncset.done $0x0  }
0x1c: {  	[sflag:s15] =	ssyncadd.s32 $0xFFFFFC00  }
0x1d: {  	[tilespmem:s17], [sflag:$0x1] =	stream.linear.gather [hbm4b:s7+s1], $0x400, $0x38;
	[tilespmem:$0x2480] =	vst v63  }
0x1e: {  	_ =	swait.ge [sflag:s15], $0x400  }
0x1f: {  	[sflag:s15] =	ssyncset.done $0x0  }
0x20: {  	[sflag:s15] =	ssyncadd.s32 $0xFFFFFC00  }
0x21: {  	[tilespmem:s18], [sflag:$0x1] =	stream.linear.gather [hbm4b:s8+s1], $0x400, $0x38;
	[tilespmem:$0x2480] =	vst v63  }
0x22: {  	_ =	swait.ge [sflag:s15], $0x400  }
0x23: {  	[sflag:s15] =	ssyncset.done $0x0  }
0x24: {  	[sflag:s15] =	ssyncadd.s32 $0xFFFFFC00  }
0x25: {  	[tilespmem:s19], [sflag:$0x1] =	stream.linear.gather [hbm4b:s3+s1], $0x80, $0x38;
	[tilespmem:$0x2480] =	vst v63  }
0x26: {  	_ =	swait.ge [sflag:s15], $0x80  }
0x27: {  	[sflag:s15] =	ssyncset.done $0x0  }
0x28: {  	[sflag:s15] =	ssyncadd.s32 $0xFFFFFF80  }
0x29: {  	v0 =	vld [tilespmem:$0x1400]  }
0x2a: {  	v1 =	vld [tilespmem:$0x1410]  }
0x2b: {  	v2 =	vld [tilespmem:$0x1420]  }
0x2c: {  	v3 =	vld [tilespmem:$0x1430]  }
0x2d: {  	v4 =	vld [tilespmem:$0x1000]  }
0x2e: {  	v5 =	vld [tilespmem:$0x0]  }
0x2f: {  	v6 =	vld [tilespmem:$0x400]  }
0x30: {  	v7 =	vld [tilespmem:$0x800];
	v0 =	vmax.f32 v0, $1.000000000e-30  }
0x31: {  	v22 =	vld [tilespmem:$0xC00];
	(erf) = vrcp.f32 v0  }
0x32: {  	v9 =	vld [tilespmem:$0x1010]  }
0x33: {  	v10 =	vld [tilespmem:$0x10];
	v46 =	vmax.f32 v1, $1.000000000e-30  }
0x34: {  	v11 =	vld [tilespmem:$0x410];
	(erf) = vrcp.f32 v46  }
0x35: {  	v12 =	vld [tilespmem:$0x810]  }
0x36: {  	v13 =	vld [tilespmem:$0xC10]  }
0x37: {  	v21 =	vld [tilespmem:$0x1030]  }
0x38: {  	v14 =	vld [tilespmem:$0x1020];
	v47 =	vmax.f32 v2, $1.000000000e-30  }
0x39: {  	v15 =	vld [tilespmem:$0x20];
	(erf) = vrcp.f32 v47  }
0x3a: {  	v50 =	vld [tilespmem:$0x30];
	v48 =	vmax.f32 v3, $1.000000000e-30;
	v4 =	vand.u32 $0xF, v4;
	v3 =	vpop (erf)  }
0x3b: {  	v16 =	vld [tilespmem:$0x420];
	v9 =	vand.u32 $0xF, v9;
	v17 =	vperm.xlane v3, v4  }
0x3c: {  	v62 =	vld [tilespmem:$0x1040];
	v32 =	vand.u32 $0xF, v21;
	(erf) = vrcp.f32 v48;
	v52 =	vperm.xlane v3, v9  }
0x3d: {  	v18 =	vld [tilespmem:$0x820];
	v8 =	vpop (erf);
	v35 =	vperm.xlane v3, v32;
	v5 =	vmul.f32 v5, v17  }
0x3e: {  	v53 =	vld [tilespmem:$0x430];
	v19 =	vperm.xlane v8, v4;
	v56 =	vmul.f32 v10, v52  }
0x3f: {  	v23 =	vld [tilespmem:$0x40];
	v61 =	vand.u32 $0xF, v14;
	v54 =	vperm.xlane v8, v9;
	v40 =	vmul.f32 v50, v35;
	[tilespmem:$0x1480] =	vst v5  }
0x40: {  	v20 =	vld [tilespmem:$0xC20];
	v25 =	vperm.xlane v8, v61;
	v6 =	vmul.f32 v6, v19;
	[tilespmem:$0x1490] =	vst v56  }
0x41: {  	v55 =	vld [tilespmem:$0x830];
	v45 =	vand.u32 $0xF, v62;
	v38 =	vperm.xlane v8, v32;
	v59 =	vmul.f32 v11, v54;
	[tilespmem:$0x14B0] =	vst v40  }
0x42: {  	v58 =	vld [tilespmem:$0xC30];
	v48 =	vperm.xlane v3, v45;
	v1 =	vpop (erf);
	v30 =	vmul.f32 v16, v25;
	[tilespmem:$0x1880] =	vst v6  }
0x43: {  	v26 =	vld [tilespmem:$0x440];
	v49 =	vperm.xlane v1, v4;
	v43 =	vmul.f32 v53, v38;
	[tilespmem:$0x1890] =	vst v59  }
0x44: {  	v29 =	vld [tilespmem:$0x840];
	v57 =	vperm.xlane v1, v9;
	v53 =	vmul.f32 v23, v48;
	[tilespmem:$0x18A0] =	vst v30  }
0x45: {  	v33 =	vld [tilespmem:$0xC40];
	v28 =	vperm.xlane v1, v61;
	v51 =	vmul.f32 v7, v49;
	[tilespmem:$0x18B0] =	vst v43  }
0x46: {  	v36 =	vld [tilespmem:$0x1050];
	v2 =	vpop (erf);
	v41 =	vperm.xlane v1, v32;
	v63 =	vmul.f32 v12, v57;
	[tilespmem:$0x14C0] =	vst v53  }
0x47: {  	v39 =	vld [tilespmem:$0x50];
	v4 =	vperm.xlane v2, v4;
	v34 =	vmul.f32 v18, v28;
	[tilespmem:$0x1C80] =	vst v51  }
0x48: {  	v42 =	vld [tilespmem:$0x450];
	v60 =	vperm.xlane v2, v9;
	v47 =	vmul.f32 v55, v41;
	[tilespmem:$0x1C90] =	vst v63  }
0x49: {  	v62 =	vld [tilespmem:$0x860];
	v31 =	vperm.xlane v2, v61;
	v4 =	vmul.f32 v22, v4;
	[tilespmem:$0x1CA0] =	vst v34  }
0x4a: {  	v21 =	vld [tilespmem:$0xC60];
	v44 =	vperm.xlane v2, v32;
	v24 =	vmul.f32 v13, v60;
	[tilespmem:$0x1CB0] =	vst v47  }
0x4b: {  	v14 =	vld [tilespmem:$0x10B0];
	v54 =	vperm.xlane v1, v45;
	v37 =	vmul.f32 v20, v31;
	[tilespmem:$0x2080] =	vst v4  }
0x4c: {  	v46 =	vld [tilespmem:$0x850];
	v57 =	vperm.xlane v2, v45;
	v50 =	vmul.f32 v58, v44;
	[tilespmem:$0x2090] =	vst v24  }
0x4d: {  	v52 =	vld [tilespmem:$0x1060];
	v22 =	vperm.xlane v3, v61;
	v60 =	vmul.f32 v29, v54;
	[tilespmem:$0x20A0] =	vst v37  }
0x4e: {  	v49 =	vld [tilespmem:$0xC50];
	v58 =	vand.u32 $0xF, v36;
	v51 =	vperm.xlane v8, v45;
	v63 =	vmul.f32 v33, v57;
	[tilespmem:$0x20B0] =	vst v50  }
0x4f: {  	v55 =	vld [tilespmem:$0x60];
	v61 =	vperm.xlane v3, v58;
	v27 =	vmul.f32 v15, v22;
	[tilespmem:$0x1CC0] =	vst v60  }
0x50: {  	v59 =	vld [tilespmem:$0x460];
	v20 =	vperm.xlane v8, v58;
	v56 =	vmul.f32 v26, v51;
	[tilespmem:$0x20C0] =	vst v63  }
0x51: {  	v23 =	vperm.xlane v1, v58;
	v24 =	vld [tilespmem:$0x1070];
	v22 =	vmul.f32 v39, v61;
	[tilespmem:$0x14A0] =	vst v27  }
0x52: {  	v28 =	vld [tilespmem:$0x70];
	v25 =	vmul.f32 v42, v20;
	v26 =	vperm.xlane v2, v58;
	v27 =	vand.u32 $0xF, v52;
	[tilespmem:$0x18C0] =	vst v56  }
0x53: {  	v41 =	vld [tilespmem:$0xC70];
	v29 =	vmul.f32 v46, v23;
	[tilespmem:$0x14D0] =	vst v22;
	v30 =	vperm.xlane v3, v27  }
0x54: {  	v31 =	vld [tilespmem:$0x470];
	[tilespmem:$0x18D0] =	vst v25;
	v32 =	vmul.f32 v49, v26;
	v33 =	vperm.xlane v8, v27  }
0x55: {  	v37 =	vld [tilespmem:$0x1080];
	[tilespmem:$0x1CD0] =	vst v29;
	v36 =	vperm.xlane v1, v27;
	v35 =	vmul.f32 v55, v30  }
0x56: {  	v34 =	vld [tilespmem:$0x870];
	v39 =	vperm.xlane v2, v27;
	[tilespmem:$0x20D0] =	vst v32;
	v38 =	vmul.f32 v59, v33;
	v40 =	vand.u32 $0xF, v24  }
0x57: {  	v44 =	vld [tilespmem:$0x80];
	v42 =	vmul.f32 v62, v36;
	v43 =	vperm.xlane v3, v40;
	[tilespmem:$0x14E0] =	vst v35  }
0x58: {  	v47 =	vld [tilespmem:$0x480];
	v45 =	vmul.f32 v21, v39;
	v46 =	vperm.xlane v8, v40;
	[tilespmem:$0x18E0] =	vst v38  }
0x59: {  	v50 =	vld [tilespmem:$0x1090];
	v49 =	vperm.xlane v1, v40;
	[tilespmem:$0x1CE0] =	vst v42;
	v48 =	vmul.f32 v28, v43  }
0x5a: {  	v54 =	vld [tilespmem:$0x880];
	v53 =	vand.u32 $0xF, v37;
	v52 =	vperm.xlane v2, v40;
	[tilespmem:$0x20E0] =	vst v45;
	v51 =	vmul.f32 v31, v46  }
0x5b: {  	v57 =	vld [tilespmem:$0xC80];
	v56 =	vperm.xlane v3, v53;
	v55 =	vmul.f32 v34, v49;
	[tilespmem:$0x14F0] =	vst v48  }
0x5c: {  	v60 =	vld [tilespmem:$0x90];
	v59 =	vperm.xlane v8, v53;
	v58 =	vmul.f32 v41, v52;
	[tilespmem:$0x18F0] =	vst v51  }
0x5d: {  	v63 =	vld [tilespmem:$0x490];
	v62 =	vperm.xlane v1, v53;
	v61 =	vmul.f32 v44, v56;
	[tilespmem:$0x1CF0] =	vst v55  }
0x5e: {  	v17 =	vld [tilespmem:$0x890];
	v9 =	vand.u32 $0xF, v50;
	v16 =	vperm.xlane v2, v53;
	v15 =	vmul.f32 v47, v59;
	[tilespmem:$0x20F0] =	vst v58  }
0x5f: {  	v10 =	vld [tilespmem:$0x4A0];
	v19 =	vperm.xlane v3, v9;
	v18 =	vmul.f32 v54, v62;
	[tilespmem:$0x1500] =	vst v61  }
0x60: {  	v11 =	vld [tilespmem:$0x8A0];
	v21 =	vperm.xlane v8, v9;
	v20 =	vmul.f32 v57, v16;
	[tilespmem:$0x1900] =	vst v15  }
0x61: {  	v5 =	vld [tilespmem:$0x10A0];
	v23 =	vperm.xlane v1, v9;
	v22 =	vmul.f32 v60, v19;
	[tilespmem:$0x1D00] =	vst v18  }
0x62: {  	v7 =	vld [tilespmem:$0xA0];
	v24 =	vmul.f32 v63, v21;
	[tilespmem:$0x2100] =	vst v20  }
0x63: {  	v12 =	vld [tilespmem:$0xCA0];
	v25 =	vmul.f32 v17, v23;
	[tilespmem:$0x1510] =	vst v22  }
0x64: {  	v4 =	vld [tilespmem:$0xC90];
	[tilespmem:$0x1910] =	vst v24  }
0x65: {  	[tilespmem:$0x1D10] =	vst v25;
	v15 =	vld [tilespmem:$0xB0]  }
0x66: {  	v16 =	vld [tilespmem:$0x4B0]  }
0x67: {  	v17 =	vld [tilespmem:$0x8B0]  }
0x68: {  	v21 =	vld [tilespmem:$0xCB0]  }
0x69: {  	v22 =	vld [tilespmem:$0x10C0]  }
0x6a: {  	v23 =	vld [tilespmem:$0xC0]  }
0x6b: {  	v24 =	vld [tilespmem:$0x4C0]  }
0x6c: {  	v28 =	vld [tilespmem:$0x8C0]  }
0x6d: {  	v29 =	vld [tilespmem:$0xCC0]  }
0x6e: {  	v30 =	vld [tilespmem:$0x10D0]  }
0x6f: {  	v31 =	vld [tilespmem:$0xD0]  }
0x70: {  	v39 =	vld [tilespmem:$0x4D0]  }
0x71: {  	v47 =	vld [tilespmem:$0x8D0]  }
0x72: {  	v56 =	vld [tilespmem:$0xCD0]  }
0x73: {  	v57 =	vld [tilespmem:$0x10E0]  }
0x74: {  	v58 =	vld [tilespmem:$0xE0]  }
0x75: {  	v59 =	vld [tilespmem:$0x4E0]  }
0x76: {  	v60 =	vld [tilespmem:$0x8E0]  }
0x77: {  	v61 =	vld [tilespmem:$0xCE0]  }
0x78: {  	v62 =	vld [tilespmem:$0x10F0]  }
0x79: {  	v63 =	vld [tilespmem:$0xF0]  }
0x7a: {  	v13 =	vld [tilespmem:$0x4F0]  }
0x7b: {  	v35 =	vld [tilespmem:$0x8F0]  }
0x7c: {  	v36 =	vld [tilespmem:$0xCF0]  }
0x7d: {  	v6 =	vld [tilespmem:$0x1100]  }
0x7e: {  	v34 =	vld [tilespmem:$0x100]  }
0x7f: {  	v37 =	vld [tilespmem:$0x500]  }
0x80: {  	v51 =	vld [tilespmem:$0x900]  }
0x81: {  	v41 =	vld [tilespmem:$0xD00]  }
0x82: {  	v55 =	vld [tilespmem:$0x1110]  }
0x83: {  	v42 =	vld [tilespmem:$0x110]  }
0x84: {  	v43 =	vld [tilespmem:$0x510]  }
0x85: {  	v44 =	vld [tilespmem:$0x910]  }
0x86: {  	v53 =	vld [tilespmem:$0xD10]  }
0x87: {  	v54 =	vld [tilespmem:$0x1120]  }
0x88: {  	v48 =	vld [tilespmem:$0x120]  }
0x89: {  	v50 =	vld [tilespmem:$0x520]  }
0x8a: {  	v49 =	vld [tilespmem:$0x920]  }
0x8b: {  	v46 =	vld [tilespmem:$0xD20]  }
0x8c: {  	v52 =	vld [tilespmem:$0x1130]  }
0x8d: {  	v45 =	vld [tilespmem:$0x130]  }
0x8e: {  	v0 =	vperm.xlane v2, v9;
	v38 =	vld [tilespmem:$0x530]  }
0x8f: {  	v32 =	vld [tilespmem:$0x930]  }
0x90: {  	v19 =	vmul.f32 v4, v0;
	v4 =	vld [tilespmem:$0x950]  }
0x91: {  	v26 =	vld [tilespmem:$0x940]  }
0x92: {  	v33 =	vld [tilespmem:$0xD40]  }
0x93: {  	v27 =	vld [tilespmem:$0xD30]  }
0x94: {  	v40 =	vld [tilespmem:$0x1140]  }
0x95: {  	[tilespmem:$0x1FFE0] =	vst v4;
	v4 =	vld [tilespmem:$0xD50]  }
0x96: {  	v25 =	vld [tilespmem:$0x140];
	[tilespmem:$0x1FFC0] =	vst v26;
	v26 =	vand.u32 $0xF, v5  }
0x97: {  	v18 =	vld [tilespmem:$0x540];
	[tilespmem:$0x1FFD0] =	vst v33;
	v33 =	vperm.xlane v3, v26  }
0x98: {  	v20 =	vld [tilespmem:$0x1150];
	v0 =	vperm.xlane v8, v26  }
0x99: {  	v9 =	vld [tilespmem:$0x150];
	[tilespmem:$0x2110] =	vst v19;
	v7 =	vmul.f32 v7, v33;
	v33 =	vperm.xlane v1, v26  }
0x9a: {  	v14 =	vand.u32 $0xF, v14;
	v19 =	vld [tilespmem:$0x1160];
	v0 =	vmul.f32 v10, v0;
	v26 =	vperm.xlane v2, v26;
	[tilespmem:$0x1FFF0] =	vst v4  }
0x9b: {  	v5 =	vld [tilespmem:$0x550];
	[tilespmem:$0x1520] =	vst v7;
	v7 =	vmul.f32 v11, v33;
	v4 =	vperm.xlane v3, v14  }
0x9c: {  	v10 =	vld [tilespmem:$0x160];
	[tilespmem:$0x1920] =	vst v0;
	v0 =	vmul.f32 v12, v26;
	v12 =	vperm.xlane v8, v14  }
0x9d: {  	v11 =	vld [tilespmem:$0x560];
	v33 =	vperm.xlane v1, v14;
	v15 =	vmul.f32 v15, v4  }
0x9e: {  	v14 =	vperm.xlane v2, v14;
	v26 =	vld [tilespmem:$0x1170];
	[tilespmem:$0x1D20] =	vst v7;
	v4 =	vmul.f32 v16, v12;
	v16 =	vand.u32 $0xF, v22  }
0x9f: {  	v7 =	vld [tilespmem:$0x960];
	[tilespmem:$0x1530] =	vst v15;
	v15 =	vmul.f32 v17, v33;
	v17 =	vperm.xlane v3, v16  }
0xa0: {  	v12 =	vld [tilespmem:$0xD60];
	[tilespmem:$0x1930] =	vst v4;
	v33 =	vmul.f32 v21, v14;
	v4 =	vperm.xlane v8, v16  }
0xa1: {  	[tilespmem:$0x2120] =	vst v0;
	v22 =	vperm.xlane v1, v16;
	v14 =	vld [tilespmem:$0x170];
	v17 =	vmul.f32 v23, v17  }
0xa2: {  	v21 =	vld [tilespmem:$0x180];
	[tilespmem:$0x2130] =	vst v33;
	v0 =	vmul.f32 v24, v4;
	v33 =	vperm.xlane v2, v16;
	v23 =	vand.u32 $0xF, v30  }
0xa3: {  	v22 =	vmul.f32 v28, v22;
	[tilespmem:$0x1D30] =	vst v15;
	v15 =	vld [tilespmem:$0x570];
	v4 =	vperm.xlane v3, v23  }
0xa4: {  	v16 =	vld [tilespmem:$0x970];
	v28 =	vperm.xlane v8, v23;
	[tilespmem:$0x1940] =	vst v0;
	v0 =	vmul.f32 v29, v33  }
0xa5: {  	v24 =	vld [tilespmem:$0x580];
	[tilespmem:$0x1D40] =	vst v22;
	v22 =	vmul.f32 v31, v4;
	v4 =	vperm.xlane v1, v23  }
0xa6: {  	v30 =	vld [tilespmem:$0x190];
	[tilespmem:$0x1540] =	vst v17;
	v39 =	vmul.f32 v39, v28;
	v23 =	vperm.xlane v2, v23;
	v28 =	vand.u32 $0xF, v57  }
0xa7: {  	v17 =	vld [tilespmem:$0xD70];
	[tilespmem:$0x2140] =	vst v0;
	v57 =	vperm.xlane v8, v28;
	v29 =	vmul.f32 v47, v4  }
0xa8: {  	v33 =	vld [tilespmem:$0x1180];
	[tilespmem:$0x1550] =	vst v22;
	v47 =	vperm.xlane v3, v28;
	v56 =	vmul.f32 v56, v23  }
0xa9: {  	v31 =	vld [tilespmem:$0x590];
	v4 =	vmul.f32 v59, v57;
	[tilespmem:$0x1D50] =	vst v29  }
0xaa: {  	v0 =	vld [tilespmem:$0x9E0];
	v29 =	vmul.f32 v58, v47;
	v47 =	vperm.xlane v1, v28;
	[tilespmem:$0x2150] =	vst v56  }
0xab: {  	v22 =	vld [tilespmem:$0x980];
	v28 =	vperm.xlane v2, v28;
	v56 =	vand.u32 $0xF, v62;
	[tilespmem:$0x1960] =	vst v4  }
0xac: {  	v23 =	vld [tilespmem:$0xD80];
	v4 =	vperm.xlane v8, v56;
	[tilespmem:$0x1560] =	vst v29;
	v29 =	vmul.f32 v60, v47  }
0xad: {  	[tilespmem:$0x1950] =	vst v39;
	v39 =	vld [tilespmem:$0x1190];
	v60 =	vperm.xlane v3, v56;
	v62 =	vmul.f32 v61, v28  }
0xae: {  	v28 =	vld [tilespmem:$0x990];
	v61 =	vperm.xlane v1, v56  }
0xaf: {  	v6 =	vand.u32 $0xF, v6;
	v47 =	vld [tilespmem:$0x11A0];
	v60 =	vmul.f32 v63, v60;
	[tilespmem:$0x2160] =	vst v62;
	v62 =	vmul.f32 v13, v4  }
0xb0: {  	[tilespmem:$0x1D60] =	vst v29;
	v29 =	vld [tilespmem:$0xD90];
	v63 =	vperm.xlane v2, v56;
	v4 =	vmul.f32 v35, v61;
	v13 =	vand.u32 $0xF, v55  }
0xb1: {  	v35 =	vld [tilespmem:$0x1A0];
	v59 =	vperm.xlane v2, v13;
	[tilespmem:$0x1570] =	vst v60;
	v60 =	vperm.xlane v3, v6  }
0xb2: {  	[tilespmem:$0x1970] =	vst v62;
	v61 =	vmul.f32 v36, v63;
	v62 =	vperm.xlane v8, v6;
	v36 =	vld [tilespmem:$0x5A0]  }
0xb3: {  	[tilespmem:$0x1D70] =	vst v4;
	v4 =	vld [tilespmem:$0x1F0];
	v63 =	vmul.f32 v34, v60;
	v60 =	vperm.xlane v1, v6  }
0xb4: {  	v55 =	vand.u32 $0xF, v47;
	v47 =	vld [tilespmem:$0x1230];
	[tilespmem:$0x2170] =	vst v61;
	v61 =	vmul.f32 v37, v62;
	v6 =	vperm.xlane v2, v6  }
0xb5: {  	v34 =	vld [tilespmem:$0x9A0];
	[tilespmem:$0x1580] =	vst v63;
	v62 =	vmul.f32 v51, v60;
	v63 =	vperm.xlane v3, v13  }
0xb6: {  	v37 =	vld [tilespmem:$0xDA0];
	[tilespmem:$0x1980] =	vst v61;
	v60 =	vmul.f32 v41, v6;
	v61 =	vperm.xlane v8, v13  }
0xb7: {  	v39 =	vand.u32 $0xF, v39;
	v51 =	vld [tilespmem:$0x11B0];
	[tilespmem:$0x1D80] =	vst v62;
	v62 =	vmul.f32 v42, v63;
	v63 =	vperm.xlane v1, v13  }
0xb8: {  	v41 =	vld [tilespmem:$0x1B0];
	[tilespmem:$0x2180] =	vst v60;
	v58 =	vmul.f32 v43, v61;
	v13 =	vand.u32 $0xF, v54;
	v54 =	vperm.xlane v2, v39  }
0xb9: {  	v42 =	vld [tilespmem:$0x5B0];
	v61 =	vperm.xlane v3, v13;
	[tilespmem:$0x1590] =	vst v62;
	v60 =	vmul.f32 v44, v63  }
0xba: {  	v43 =	vld [tilespmem:$0x9B0];
	[tilespmem:$0x1990] =	vst v58;
	v62 =	vmul.f32 v53, v59;
	v63 =	vperm.xlane v8, v13  }
0xbb: {  	v44 =	vld [tilespmem:$0xDB0];
	v58 =	vperm.xlane v1, v13;
	v29 =	vmul.f32 v29, v54;
	[tilespmem:$0x1D90] =	vst v60  }
0xbc: {  	v53 =	vld [tilespmem:$0x11C0];
	v57 =	vmul.f32 v48, v61;
	[tilespmem:$0x2190] =	vst v62;
	v60 =	vperm.xlane v2, v13;
	v13 =	vand.u32 $0xF, v52  }
0xbd: {  	v48 =	vld [tilespmem:$0x1C0];
	v59 =	vmul.f32 v50, v63;
	[tilespmem:$0x2210] =	vst v29;
	v62 =	vperm.xlane v3, v13  }
0xbe: {  	v50 =	vld [tilespmem:$0x5C0];
	v61 =	vmul.f32 v49, v58;
	[tilespmem:$0x15A0] =	vst v57;
	v57 =	vperm.xlane v8, v13  }
0xbf: {  	v49 =	vld [tilespmem:$0x9C0];
	[tilespmem:$0x19A0] =	vst v59;
	v63 =	vmul.f32 v46, v60;
	v58 =	vmul.f32 v45, v62;
	v62 =	vand.u32 $0xF, v40  }
0xc0: {  	v29 =	vld [tilespmem:$0x230];
	[tilespmem:$0x1DA0] =	vst v61;
	v59 =	vperm.xlane v1, v13;
	v56 =	vperm.xlane v3, v62  }
0xc1: {  	v46 =	vld [tilespmem:$0xDC0];
	v60 =	vmul.f32 v38, v57;
	[tilespmem:$0x21A0] =	vst v63  }
0xc2: {  	v63 =	vmul.f32 v32, v59;
	[tilespmem:$0x15B0] =	vst v58;
	v59 =	vmul.f32 v25, v56;
	v56 =	vld [tilespmem:$0x1FFC0]  }
0xc3: {  	v61 =	vperm.xlane v2, v13;
	v13 =	vld [tilespmem:$0x1E0];
	[tilespmem:$0x19B0] =	vst v60  }
0xc4: {  	v58 =	vperm.xlane v8, v62;
	[tilespmem:$0x15C0] =	vst v59;
	v59 =	vld [tilespmem:$0x1FFD0]  }
0xc5: {  	v45 =	vld [tilespmem:$0x11D0];
	v57 =	vmul.f32 v27, v61;
	v60 =	vperm.xlane v1, v62;
	[tilespmem:$0x1DB0] =	vst v63;
	v63 =	vand.u32 $0xF, v20  }
0xc6: {  	v38 =	vld [tilespmem:$0x1D0];
	v61 =	vmul.f32 v18, v58;
	v58 =	vperm.xlane v3, v63  }
0xc7: {  	v62 =	vperm.xlane v2, v62;
	[tilespmem:$0x21B0] =	vst v57;
	v57 =	vmul.f32 v56, v60;
	v56 =	vld [tilespmem:$0x1FFE0]  }
0xc8: {  	v32 =	vld [tilespmem:$0x5D0];
	v9 =	vmul.f32 v9, v58  }
0xc9: {  	v60 =	vperm.xlane v8, v63;
	v6 =	vmul.f32 v59, v62;
	v59 =	vld [tilespmem:$0x1FFF0]  }
0xca: {  	v27 =	vld [tilespmem:$0x9D0];
	[tilespmem:$0x19C0] =	vst v61;
	v61 =	vperm.xlane v1, v63;
	v62 =	vperm.xlane v2, v63;
	v63 =	vand.u32 $0xF, v19  }
0xcb: {  	v25 =	vld [tilespmem:$0xDD0];
	[tilespmem:$0x15D0] =	vst v9;
	v5 =	vmul.f32 v5, v60;
	v58 =	vperm.xlane v3, v63  }
0xcc: {  	v20 =	vld [tilespmem:$0x11E0];
	[tilespmem:$0x1DC0] =	vst v57;
	v60 =	vperm.xlane v8, v63;
	v57 =	vmul.f32 v56, v61  }
0xcd: {  	v18 =	vld [tilespmem:$0x5E0];
	[tilespmem:$0x21C0] =	vst v6;
	v10 =	vmul.f32 v10, v58;
	v61 =	vperm.xlane v1, v63  }
0xce: {  	v9 =	vld [tilespmem:$0x9F0];
	[tilespmem:$0x19D0] =	vst v5;
	v11 =	vmul.f32 v11, v60;
	v52 =	vmul.f32 v59, v62  }
0xcf: {  	v19 =	vld [tilespmem:$0x11F0];
	[tilespmem:$0x1DD0] =	vst v57;
	v62 =	vperm.xlane v2, v63;
	v63 =	vand.u32 $0xF, v26;
	v57 =	vmul.f32 v7, v61  }
0xd0: {  	v6 =	vld [tilespmem:$0xDE0];
	[tilespmem:$0x15E0] =	vst v10;
	v58 =	vperm.xlane v3, v63;
	v60 =	vperm.xlane v8, v63  }
0xd1: {  	v5 =	vld [tilespmem:$0x5F0];
	[tilespmem:$0x19E0] =	vst v11;
	v61 =	vperm.xlane v1, v63;
	v59 =	vmul.f32 v12, v62  }
0xd2: {  	v7 =	vld [tilespmem:$0xDF0];
	[tilespmem:$0x21D0] =	vst v52;
	v62 =	vperm.xlane v2, v63;
	v52 =	vperm.xlane v1, v39  }
0xd3: {  	v26 =	vld [tilespmem:$0x1200];
	[tilespmem:$0x1DE0] =	vst v57;
	v63 =	vand.u32 $0xF, v33;
	v40 =	vmul.f32 v14, v58;
	v12 =	vmul.f32 v15, v60  }
0xd4: {  	v10 =	vld [tilespmem:$0x200];
	v16 =	vmul.f32 v16, v61;
	v33 =	vperm.xlane v3, v63;
	[tilespmem:$0x21E0] =	vst v59  }
0xd5: {  	v11 =	vld [tilespmem:$0xA00];
	v57 =	vperm.xlane v8, v63;
	v61 =	vperm.xlane v2, v63;
	[tilespmem:$0x15F0] =	vst v40  }
0xd6: {  	v14 =	vld [tilespmem:$0x600];
	v15 =	vmul.f32 v17, v62;
	v59 =	vperm.xlane v1, v63;
	[tilespmem:$0x19F0] =	vst v12  }
0xd7: {  	v17 =	vld [tilespmem:$0x210];
	v63 =	vperm.xlane v3, v39;
	v56 =	vmul.f32 v28, v52;
	[tilespmem:$0x1DF0] =	vst v16  }
0xd8: {  	v28 =	vld [tilespmem:$0xE20];
	v58 =	vmul.f32 v21, v33;
	v60 =	vmul.f32 v24, v57;
	[tilespmem:$0x21F0] =	vst v15  }
0xd9: {  	v12 =	vld [tilespmem:$0xE00];
	v23 =	vmul.f32 v23, v61;
	v40 =	vperm.xlane v8, v39;
	[tilespmem:$0x1E10] =	vst v56  }
0xda: {  	v33 =	vld [tilespmem:$0x1210];
	v57 =	vperm.xlane v3, v55;
	v62 =	vmul.f32 v22, v59;
	[tilespmem:$0x1600] =	vst v58  }
0xdb: {  	v21 =	vld [tilespmem:$0x610];
	v22 =	vmul.f32 v30, v63;
	[tilespmem:$0x1A00] =	vst v60;
	v24 =	vmul.f32 v31, v40  }
0xdc: {  	v16 =	vld [tilespmem:$0xE10];
	v63 =	vand.u32 $0xF, v51;
	[tilespmem:$0x2200] =	vst v23;
	v58 =	vperm.xlane v8, v55;
	v59 =	vmul.f32 v35, v57  }
0xdd: {  	v39 =	vld [tilespmem:$0x1220];
	v60 =	vperm.xlane v1, v55;
	v52 =	vperm.xlane v3, v63;
	[tilespmem:$0x1E00] =	vst v62  }
0xde: {  	v15 =	vld [tilespmem:$0xA10];
	v56 =	vperm.xlane v1, v63;
	[tilespmem:$0x1610] =	vst v22;
	v62 =	vperm.xlane v2, v55  }
0xdf: {  	v30 =	vld [tilespmem:$0x630];
	v55 =	vperm.xlane v8, v63;
	[tilespmem:$0x1A10] =	vst v24;
	v61 =	vmul.f32 v36, v58  }
0xe0: {  	v23 =	vld [tilespmem:$0x220];
	[tilespmem:$0x1620] =	vst v59;
	v51 =	vmul.f32 v34, v60;
	v34 =	vmul.f32 v41, v52  }
0xe1: {  	v45 =	vand.u32 $0xF, v45;
	v31 =	vld [tilespmem:$0xA30];
	v36 =	vperm.xlane v2, v63;
	v40 =	vmul.f32 v43, v56;
	[tilespmem:$0x1A20] =	vst v61  }
0xe2: {  	v35 =	vld [tilespmem:$0x240];
	v58 =	vand.u32 $0xF, v53;
	v63 =	vperm.xlane v3, v45;
	v54 =	vmul.f32 v37, v62;
	[tilespmem:$0x1E20] =	vst v51  }
0xe3: {  	v22 =	vld [tilespmem:$0xA20];
	v57 =	vmul.f32 v42, v55;
	v59 =	vperm.xlane v3, v58;
	[tilespmem:$0x1630] =	vst v34  }
0xe4: {  	v24 =	vld [tilespmem:$0x620];
	v52 =	vand.u32 $0xF, v20;
	v60 =	vperm.xlane v8, v58;
	v37 =	vperm.xlane v2, v58;
	[tilespmem:$0x1E30] =	vst v40  }
0xe5: {  	v43 =	vld [tilespmem:$0x1240];
	v55 =	vperm.xlane v8, v52;
	v36 =	vmul.f32 v44, v36;
	[tilespmem:$0x2220] =	vst v54  }
0xe6: {  	v20 =	vld [tilespmem:$0xA50];
	v61 =	vperm.xlane v1, v58;
	v38 =	vmul.f32 v38, v63;
	[tilespmem:$0x1A30] =	vst v57  }
0xe7: {  	v19 =	vand.u32 $0xF, v19;
	v34 =	vld [tilespmem:$0xE30];
	v58 =	vperm.xlane v2, v52;
	v41 =	vmul.f32 v48, v59;
	[tilespmem:$0x2230] =	vst v36  }
0xe8: {  	v40 =	vld [tilespmem:$0x640];
	v63 =	vperm.xlane v2, v19;
	v42 =	vmul.f32 v50, v60;
	[tilespmem:$0x1650] =	vst v38  }
0xe9: {  	v44 =	vld [tilespmem:$0x1250];
	v48 =	vmul.f32 v46, v37;
	v50 =	vperm.xlane v1, v45;
	[tilespmem:$0x1640] =	vst v41  }
0xea: {  	v37 =	vld [tilespmem:$0xE40];
	v54 =	vperm.xlane v3, v52;
	v18 =	vmul.f32 v18, v55;
	[tilespmem:$0x1A40] =	vst v42  }
0xeb: {  	v57 =	vperm.xlane v1, v52;
	v62 =	vmul.f32 v49, v61;
	v36 =	vld [tilespmem:$0xA40];
	[tilespmem:$0x2240] =	vst v48  }
0xec: {  	v59 =	vperm.xlane v3, v19;
	v6 =	vmul.f32 v6, v58;
	v38 =	vld [tilespmem:$0xA60];
	[tilespmem:$0x1A60] =	vst v18  }
0xed: {  	v26 =	vand.u32 $0xF, v26;
	v60 =	vperm.xlane v8, v19;
	v53 =	vmul.f32 v27, v50;
	v27 =	vld [tilespmem:$0x650];
	[tilespmem:$0x1E40] =	vst v62  }
0xee: {  	v46 =	vperm.xlane v3, v26;
	v56 =	vmul.f32 v13, v54;
	v13 =	vld [tilespmem:$0xE50];
	[tilespmem:$0x2260] =	vst v6  }
0xef: {  	v49 =	vperm.xlane v8, v45;
	v42 =	vld [tilespmem:$0x1260];
	v0 =	vmul.f32 v0, v57;
	[tilespmem:$0x1E50] =	vst v53  }
0xf0: {  	v45 =	vperm.xlane v2, v45;
	v41 =	vld [tilespmem:$0x260];
	v61 =	vmul.f32 v4, v59;
	[tilespmem:$0x1660] =	vst v56  }
0xf1: {  	v5 =	vmul.f32 v5, v60;
	v48 =	vmul.f32 v7, v63;
	v7 =	vld [tilespmem:$0x270];
	[tilespmem:$0x1E60] =	vst v0  }
0xf2: {  	v50 =	vmul.f32 v10, v46;
	v10 =	vld [tilespmem:$0x670];
	[tilespmem:$0x1670] =	vst v61  }
0xf3: {  	v18 =	vld [tilespmem:$0xA70];
	v51 =	vmul.f32 v32, v49;
	v25 =	vmul.f32 v25, v45;
	[tilespmem:$0x1A70] =	vst v5  }
0xf4: {  	v54 =	vand.u32 $0xF, v33;
	v32 =	vld [tilespmem:$0x250];
	v62 =	vperm.xlane v1, v19;
	v49 =	vperm.xlane v8, v26;
	[tilespmem:$0x2270] =	vst v48  }
0xf5: {  	v63 =	vand.u32 $0xF, v39;
	v19 =	vld [tilespmem:$0xE60];
	v58 =	vperm.xlane v8, v54;
	v60 =	vperm.xlane v1, v54;
	[tilespmem:$0x1680] =	vst v50  }
0xf6: {  	v33 =	vperm.xlane v3, v63;
	[tilespmem:$0x2250] =	vst v25;
	v25 =	vld [tilespmem:$0x660];
	v45 =	vmul.f32 v9, v62  }
0xf7: {  	v53 =	vperm.xlane v2, v26;
	[tilespmem:$0x1A50] =	vst v51;
	v9 =	vld [tilespmem:$0x1270];
	v52 =	vmul.f32 v14, v49  }
0xf8: {  	v56 =	vperm.xlane v3, v54;
	v61 =	vmul.f32 v21, v58;
	v21 =	vld [tilespmem:$0x680];
	[tilespmem:$0x1E70] =	vst v45  }
0xf9: {  	v51 =	vperm.xlane v1, v26;
	v26 =	vmul.f32 v15, v60;
	v15 =	vld [tilespmem:$0xA80];
	[tilespmem:$0x1A80] =	vst v52  }
0xfa: {  	v48 =	vperm.xlane v1, v63;
	v46 =	vmul.f32 v23, v33;
	v23 =	vld [tilespmem:$0x1290];
	[tilespmem:$0x1A90] =	vst v61  }
0xfb: {  	v50 =	vperm.xlane v2, v63;
	v33 =	vld [tilespmem:$0xAA0];
	v57 =	vmul.f32 v12, v53;
	[tilespmem:$0x1E90] =	vst v26  }
0xfc: {  	v62 =	vperm.xlane v2, v54;
	v14 =	vld [tilespmem:$0x6C0];
	v59 =	vmul.f32 v17, v56;
	[tilespmem:$0x16A0] =	vst v46  }
0xfd: {  	v12 =	vld [tilespmem:$0x1280];
	v54 =	vmul.f32 v28, v50;
	v55 =	vmul.f32 v11, v51;
	[tilespmem:$0x2280] =	vst v57  }
0xfe: {  	v60 =	vand.u32 $0xF, v43;
	v17 =	vld [tilespmem:$0x280];
	v39 =	vmul.f32 v16, v62;
	v45 =	vperm.xlane v8, v63;
	[tilespmem:$0x1690] =	vst v59  }
0xff: {  	v28 =	vld [tilespmem:$0xE90];
	v51 =	vand.u32 $0xF, v47;
	v52 =	vmul.f32 v22, v48;
	v62 =	vperm.xlane v3, v60;
	[tilespmem:$0x22A0] =	vst v54  }
0x100: {  	v11 =	vld [tilespmem:$0xE70];
	v47 =	vperm.xlane v2, v60;
	v53 =	vperm.xlane v3, v51;
	[tilespmem:$0x1E80] =	vst v55  }
0x101: {  	v16 =	vld [tilespmem:$0xE80];
	v57 =	vperm.xlane v1, v51;
	[tilespmem:$0x2290] =	vst v39;
	v49 =	vmul.f32 v24, v45  }
0x102: {  	v22 =	vld [tilespmem:$0x690];
	v59 =	vperm.xlane v2, v51;
	[tilespmem:$0x1EA0] =	vst v52;
	v43 =	vmul.f32 v35, v62  }
0x103: {  	v26 =	vld [tilespmem:$0xA90];
	v55 =	vperm.xlane v8, v51;
	v51 =	vmul.f32 v37, v47;
	[tilespmem:$0x1AA0] =	vst v49  }
0x104: {  	v48 =	vand.u32 $0xF, v44;
	v24 =	vld [tilespmem:$0x290];
	v56 =	vmul.f32 v29, v53;
	[tilespmem:$0x16C0] =	vst v43  }
0x105: {  	v50 =	vperm.xlane v3, v48;
	v35 =	vld [tilespmem:$0x12B0];
	v61 =	vmul.f32 v31, v57;
	[tilespmem:$0x22C0] =	vst v51  }
0x106: {  	v37 =	vld [tilespmem:$0x2C0];
	v63 =	vmul.f32 v34, v59;
	[tilespmem:$0x16B0] =	vst v56  }
0x107: {  	v39 =	vperm.xlane v8, v60;
	v29 =	vld [tilespmem:$0x12A0];
	v53 =	vmul.f32 v32, v50;
	[tilespmem:$0x1EB0] =	vst v61  }
0x108: {  	v45 =	vperm.xlane v1, v60;
	v31 =	vld [tilespmem:$0x6A0];
	v58 =	vmul.f32 v30, v55;
	[tilespmem:$0x22B0] =	vst v63  }
0x109: {  	v52 =	vperm.xlane v8, v48;
	v34 =	vld [tilespmem:$0xEA0];
	v46 =	vmul.f32 v40, v39;
	[tilespmem:$0x16D0] =	vst v53  }
0x10a: {  	v54 =	vperm.xlane v1, v48;
	v32 =	vld [tilespmem:$0x6B0];
	v57 =	vand.u32 $0xF, v42;
	v49 =	vmul.f32 v36, v45;
	[tilespmem:$0x1AB0] =	vst v58  }
0x10b: {  	v9 =	vand.u32 $0xF, v9;
	v30 =	vld [tilespmem:$0x2A0];
	v55 =	vmul.f32 v27, v52;
	v59 =	vperm.xlane v3, v57;
	[tilespmem:$0x1AC0] =	vst v46  }
0x10c: {  	v36 =	vld [tilespmem:$0x2B0];
	v43 =	vperm.xlane v3, v9;
	[tilespmem:$0x1EC0] =	vst v49;
	v58 =	vmul.f32 v20, v54  }
0x10d: {  	v27 =	vld [tilespmem:$0xAB0];
	v45 =	vperm.xlane v8, v9;
	[tilespmem:$0x1AD0] =	vst v55;
	v62 =	vmul.f32 v41, v59  }
0x10e: {  	v47 =	vperm.xlane v1, v9;
	v50 =	vand.u32 $0xF, v12;
	v12 =	vld [tilespmem:$0x6D0];
	v46 =	vmul.f32 v7, v43;
	[tilespmem:$0x1ED0] =	vst v58  }
0x10f: {  	v56 =	vperm.xlane v2, v48;
	v20 =	vld [tilespmem:$0xEB0];
	v48 =	vmul.f32 v10, v45;
	[tilespmem:$0x16E0] =	vst v62  }
0x110: {  	v61 =	vperm.xlane v8, v57;
	v7 =	vld [tilespmem:$0x12D0];
	v51 =	vmul.f32 v18, v47;
	[tilespmem:$0x16F0] =	vst v46  }
0x111: {  	v63 =	vperm.xlane v1, v57;
	v10 =	vld [tilespmem:$0x2D0];
	v60 =	vmul.f32 v13, v56;
	[tilespmem:$0x1AF0] =	vst v48  }
0x112: {  	v52 =	vperm.xlane v3, v50;
	v18 =	vld [tilespmem:$0x12E0];
	v40 =	vmul.f32 v25, v61;
	[tilespmem:$0x1EF0] =	vst v51  }
0x113: {  	v41 =	vperm.xlane v2, v57;
	v59 =	vand.u32 $0xF, v23;
	v23 =	vld [tilespmem:$0x12F0];
	v42 =	vmul.f32 v38, v63;
	[tilespmem:$0x22D0] =	vst v60  }
0x114: {  	v49 =	vperm.xlane v2, v9;
	v9 =	vld [tilespmem:$0x310];
	v55 =	vmul.f32 v17, v52;
	[tilespmem:$0x1AE0] =	vst v40  }
0x115: {  	v54 =	vperm.xlane v8, v50;
	v13 =	vld [tilespmem:$0x12C0];
	v44 =	vmul.f32 v19, v41;
	[tilespmem:$0x1EE0] =	vst v42  }
0x116: {  	v25 =	vld [tilespmem:$0xAC0];
	v56 =	vperm.xlane v1, v50;
	v53 =	vmul.f32 v11, v49;
	[tilespmem:$0x1700] =	vst v55  }
0x117: {  	v17 =	vld [tilespmem:$0xED0];
	v61 =	vperm.xlane v3, v59;
	v57 =	vmul.f32 v21, v54;
	[tilespmem:$0x22E0] =	vst v44  }
0x118: {  	v63 =	vperm.xlane v8, v59;
	v19 =	vld [tilespmem:$0xEC0];
	v60 =	vmul.f32 v15, v56;
	[tilespmem:$0x22F0] =	vst v53  }
0x119: {  	v39 =	vperm.xlane v1, v59;
	v11 =	vld [tilespmem:$0xAD0];
	v38 =	vmul.f32 v24, v61;
	[tilespmem:$0x1B00] =	vst v57  }
0x11a: {  	v58 =	vperm.xlane v2, v50;
	v21 =	vld [tilespmem:$0xAE0];
	v40 =	vmul.f32 v22, v63;
	[tilespmem:$0x1F00] =	vst v60  }
0x11b: {  	v41 =	vperm.xlane v2, v59;
	v51 =	vand.u32 $0xF, v35;
	v15 =	vld [tilespmem:$0x2E0];
	v43 =	vmul.f32 v26, v39;
	[tilespmem:$0x1710] =	vst v38  }
0x11c: {  	v22 =	vld [tilespmem:$0xEE0];
	v55 =	vperm.xlane v8, v51;
	v62 =	vmul.f32 v16, v58;
	[tilespmem:$0x1B10] =	vst v40  }
0x11d: {  	v42 =	vand.u32 $0xF, v29;
	v24 =	vld [tilespmem:$0x2F0];
	v59 =	vperm.xlane v2, v51;
	v45 =	vmul.f32 v28, v41;
	[tilespmem:$0x1F10] =	vst v43  }
0x11e: {  	v26 =	vld [tilespmem:$0x6F0];
	v44 =	vperm.xlane v3, v42;
	v58 =	vmul.f32 v32, v55;
	[tilespmem:$0x2300] =	vst v62  }
0x11f: {  	v29 =	vld [tilespmem:$0xEF0];
	v46 =	vperm.xlane v8, v42;
	v63 =	vmul.f32 v20, v59;
	[tilespmem:$0x2310] =	vst v45  }
0x120: {  	v16 =	vld [tilespmem:$0x6E0];
	v48 =	vperm.xlane v1, v42;
	v47 =	vmul.f32 v30, v44;
	[tilespmem:$0x1B30] =	vst v58  }
0x121: {  	v50 =	vperm.xlane v2, v42;
	v28 =	vld [tilespmem:$0xAF0];
	v49 =	vmul.f32 v31, v46;
	[tilespmem:$0x2330] =	vst v63  }
0x122: {  	v53 =	vperm.xlane v3, v51;
	v20 =	vld [tilespmem:$0xF00];
	v52 =	vmul.f32 v33, v48;
	[tilespmem:$0x1720] =	vst v47  }
0x123: {  	v57 =	vperm.xlane v1, v51;
	v32 =	vld [tilespmem:$0x1310];
	v7 =	vand.u32 $0xF, v7;
	v54 =	vmul.f32 v34, v50;
	[tilespmem:$0x1B20] =	vst v49  }
0x124: {  	v59 =	vand.u32 $0xF, v23;
	v23 =	vld [tilespmem:$0xB30];
	v56 =	vmul.f32 v36, v53;
	v43 =	vperm.xlane v3, v7;
	[tilespmem:$0x1F20] =	vst v52  }
0x125: {  	v30 =	vld [tilespmem:$0x1300];
	v60 =	vand.u32 $0xF, v13;
	v61 =	vmul.f32 v27, v57;
	v45 =	vperm.xlane v8, v7;
	[tilespmem:$0x2320] =	vst v54  }
0x126: {  	v31 =	vld [tilespmem:$0x300];
	v62 =	vperm.xlane v3, v60;
	[tilespmem:$0x1730] =	vst v56;
	v46 =	vmul.f32 v10, v43  }
0x127: {  	v13 =	vld [tilespmem:$0x700];
	v36 =	vperm.xlane v8, v60;
	[tilespmem:$0x1F30] =	vst v61;
	v48 =	vmul.f32 v12, v45  }
0x128: {  	v27 =	vld [tilespmem:$0xB00];
	v39 =	vperm.xlane v1, v60;
	v38 =	vmul.f32 v37, v62;
	[tilespmem:$0x1750] =	vst v46  }
0x129: {  	v50 =	vand.u32 $0xF, v18;
	v18 =	vld [tilespmem:$0x1330];
	v41 =	vperm.xlane v2, v60;
	v40 =	vmul.f32 v14, v36;
	[tilespmem:$0x1B50] =	vst v48  }
0x12a: {  	v58 =	vperm.xlane v2, v50;
	v10 =	vld [tilespmem:$0xF10];
	v42 =	vmul.f32 v25, v39;
	[tilespmem:$0x1740] =	vst v38  }
0x12b: {  	v63 =	vperm.xlane v8, v59;
	v12 =	vld [tilespmem:$0x1320];
	v44 =	vmul.f32 v19, v41;
	[tilespmem:$0x1B40] =	vst v40  }
0x12c: {  	v47 =	vperm.xlane v1, v7;
	v14 =	vld [tilespmem:$0x710];
	v62 =	vmul.f32 v22, v58;
	[tilespmem:$0x1F40] =	vst v42  }
0x12d: {  	v49 =	vperm.xlane v2, v7;
	v19 =	vld [tilespmem:$0xB10];
	v33 =	vmul.f32 v26, v63;
	[tilespmem:$0x2340] =	vst v44  }
0x12e: {  	v52 =	vperm.xlane v3, v50;
	v22 =	vld [tilespmem:$0x730];
	v51 =	vmul.f32 v11, v47;
	[tilespmem:$0x2360] =	vst v62  }
0x12f: {  	v54 =	vperm.xlane v8, v50;
	v26 =	vld [tilespmem:$0x340];
	v53 =	vmul.f32 v17, v49;
	[tilespmem:$0x1B70] =	vst v33  }
0x130: {  	v56 =	vperm.xlane v1, v50;
	v11 =	vld [tilespmem:$0x320];
	v55 =	vmul.f32 v15, v52;
	[tilespmem:$0x1F50] =	vst v51  }
0x131: {  	v61 =	vperm.xlane v3, v59;
	v17 =	vld [tilespmem:$0x720];
	v57 =	vmul.f32 v16, v54;
	[tilespmem:$0x2350] =	vst v53  }
0x132: {  	v25 =	vperm.xlane v1, v59;
	v15 =	vld [tilespmem:$0xB20];
	v60 =	vmul.f32 v21, v56;
	[tilespmem:$0x1760] =	vst v55  }
0x133: {  	v34 =	vperm.xlane v2, v59;
	v16 =	vld [tilespmem:$0xF20];
	v24 =	vmul.f32 v24, v61;
	v45 =	vand.u32 $0xF, v32;
	[tilespmem:$0x1B60] =	vst v57  }
0x134: {  	v21 =	vld [tilespmem:$0x330];
	v36 =	vmul.f32 v28, v25;
	v47 =	vperm.xlane v3, v45;
	[tilespmem:$0x1F60] =	vst v60  }
0x135: {  	v52 =	vld [tilespmem:$0x1350];
	v35 =	vand.u32 $0xF, v30;
	v38 =	vmul.f32 v29, v34;
	v54 =	vperm.xlane v2, v45;
	[tilespmem:$0x1770] =	vst v24  }
0x136: {  	v32 =	vld [tilespmem:$0x360];
	v37 =	vperm.xlane v3, v35;
	[tilespmem:$0x1F70] =	vst v36;
	v50 =	vmul.f32 v9, v47  }
0x137: {  	v40 =	vld [tilespmem:$0x1340];
	v39 =	vperm.xlane v8, v35;
	[tilespmem:$0x2370] =	vst v38;
	v58 =	vmul.f32 v10, v54  }
0x138: {  	v29 =	vld [tilespmem:$0x1360];
	v42 =	vperm.xlane v1, v35;
	v41 =	vmul.f32 v31, v37;
	[tilespmem:$0x1790] =	vst v50  }
0x139: {  	v28 =	vand.u32 $0xF, v18;
	v18 =	vld [tilespmem:$0xB60];
	v44 =	vperm.xlane v2, v35;
	v43 =	vmul.f32 v13, v39;
	[tilespmem:$0x2390] =	vst v58  }
0x13a: {  	v49 =	vperm.xlane v8, v45;
	v25 =	vld [tilespmem:$0x780];
	v46 =	vmul.f32 v27, v42;
	[tilespmem:$0x1780] =	vst v41  }
0x13b: {  	v24 =	vld [tilespmem:$0xF30];
	v51 =	vperm.xlane v1, v45;
	v48 =	vmul.f32 v20, v44;
	[tilespmem:$0x1B80] =	vst v43  }
0x13c: {  	v34 =	vperm.xlane v8, v28;
	v45 =	vld [tilespmem:$0x370];
	v55 =	vand.u32 $0xF, v12;
	v53 =	vmul.f32 v14, v49;
	[tilespmem:$0x1F80] =	vst v46  }
0x13d: {  	v12 =	vld [tilespmem:$0x350];
	v56 =	vmul.f32 v19, v51;
	v57 =	vperm.xlane v3, v55;
	[tilespmem:$0x2380] =	vst v48  }
0x13e: {  	v10 =	vld [tilespmem:$0xB50];
	v59 =	vperm.xlane v8, v55;
	v37 =	vmul.f32 v22, v34;
	[tilespmem:$0x1B90] =	vst v53  }
0x13f: {  	v13 =	vld [tilespmem:$0x740];
	v61 =	vperm.xlane v1, v55;
	[tilespmem:$0x1F90] =	vst v56;
	v60 =	vmul.f32 v11, v57  }
0x140: {  	v27 =	vld [tilespmem:$0xB40];
	v63 =	vperm.xlane v2, v55;
	v62 =	vmul.f32 v17, v59;
	[tilespmem:$0x1BB0] =	vst v37  }
0x141: {  	v20 =	vld [tilespmem:$0xF40];
	v31 =	vperm.xlane v3, v28;
	v30 =	vmul.f32 v15, v61;
	[tilespmem:$0x17A0] =	vst v60  }
0x142: {  	v36 =	vperm.xlane v1, v28;
	v14 =	vld [tilespmem:$0x750];
	v33 =	vmul.f32 v16, v63;
	[tilespmem:$0x1BA0] =	vst v62  }
0x143: {  	v38 =	vperm.xlane v2, v28;
	v19 =	vld [tilespmem:$0xF60];
	v51 =	vand.u32 $0xF, v52;
	v35 =	vmul.f32 v21, v31;
	[tilespmem:$0x1FA0] =	vst v30  }
0x144: {  	v42 =	vld [tilespmem:$0x1370];
	v39 =	vand.u32 $0xF, v40;
	v40 =	vmul.f32 v23, v36;
	v54 =	vperm.xlane v3, v51;
	[tilespmem:$0x23A0] =	vst v33  }
0x145: {  	v55 =	vld [tilespmem:$0xF70];
	v41 =	vperm.xlane v3, v39;
	v43 =	vmul.f32 v24, v38;
	[tilespmem:$0x17B0] =	vst v35  }
0x146: {  	v28 =	vld [tilespmem:$0xB80];
	v44 =	vperm.xlane v8, v39;
	[tilespmem:$0x1FB0] =	vst v40;
	v59 =	vmul.f32 v12, v54  }
0x147: {  	v34 =	vld [tilespmem:$0x1390];
	v47 =	vperm.xlane v1, v39;
	v46 =	vmul.f32 v26, v41;
	[tilespmem:$0x23B0] =	vst v43  }
0x148: {  	v52 =	vld [tilespmem:$0xB70];
	v50 =	vperm.xlane v2, v39;
	v49 =	vmul.f32 v13, v44;
	[tilespmem:$0x17D0] =	vst v59  }
0x149: {  	v58 =	vld [tilespmem:$0x1380];
	v57 =	vperm.xlane v8, v51;
	v53 =	vmul.f32 v27, v47;
	[tilespmem:$0x17C0] =	vst v46  }
0x14a: {  	v11 =	vld [tilespmem:$0xF50];
	v24 =	vand.u32 $0xF, v29;
	v60 =	vperm.xlane v1, v51;
	v56 =	vmul.f32 v20, v50;
	[tilespmem:$0x1BC0] =	vst v49  }
0x14b: {  	v16 =	vld [tilespmem:$0x760];
	v33 =	vperm.xlane v1, v24;
	v62 =	vmul.f32 v14, v57;
	[tilespmem:$0x1FC0] =	vst v53  }
0x14c: {  	v48 =	vld [tilespmem:$0x770];
	v36 =	vperm.xlane v2, v24;
	v26 =	vmul.f32 v10, v60;
	[tilespmem:$0x23C0] =	vst v56  }
0x14d: {  	v61 =	vld [tilespmem:$0x380];
	v63 =	vperm.xlane v2, v51;
	v39 =	vmul.f32 v18, v33;
	[tilespmem:$0x1BD0] =	vst v62  }
0x14e: {  	v31 =	vld [tilespmem:$0xF80];
	v27 =	vperm.xlane v3, v24;
	v37 =	vand.u32 $0xF, v42;
	v42 =	vmul.f32 v19, v36;
	[tilespmem:$0x1FD0] =	vst v26  }
0x14f: {  	v21 =	vld [tilespmem:$0xFA0];
	v30 =	vperm.xlane v8, v24;
	v29 =	vmul.f32 v11, v63;
	[tilespmem:$0x1FE0] =	vst v39  }
0x150: {  	v38 =	vld [tilespmem:$0x390];
	v40 =	vperm.xlane v3, v37;
	v32 =	vmul.f32 v32, v27;
	[tilespmem:$0x23E0] =	vst v42  }
0x151: {  	v51 =	vld [tilespmem:$0x13A0];
	v43 =	vperm.xlane v8, v37;
	v35 =	vmul.f32 v16, v30;
	[tilespmem:$0x23D0] =	vst v29  }
0x152: {  	v54 =	vld [tilespmem:$0x3A0];
	v46 =	vperm.xlane v1, v37;
	v45 =	vmul.f32 v45, v40;
	[tilespmem:$0x17E0] =	vst v32  }
0x153: {  	v41 =	vld [tilespmem:$0x790];
	v50 =	vand.u32 $0xF, v58;
	v49 =	vperm.xlane v2, v37;
	v48 =	vmul.f32 v48, v43;
	[tilespmem:$0x1BE0] =	vst v35  }
0x154: {  	v44 =	vld [tilespmem:$0xB90];
	v53 =	vperm.xlane v3, v50;
	v52 =	vmul.f32 v52, v46;
	[tilespmem:$0x17F0] =	vst v45  }
0x155: {  	v47 =	vld [tilespmem:$0xF90];
	v56 =	vperm.xlane v8, v50;
	v55 =	vmul.f32 v55, v49;
	[tilespmem:$0x1BF0] =	vst v48  }
0x156: {  	v57 =	vld [tilespmem:$0x7A0];
	v59 =	vperm.xlane v1, v50;
	v58 =	vmul.f32 v61, v53;
	[tilespmem:$0x1FF0] =	vst v52  }
0x157: {  	v24 =	vld [tilespmem:$0x13B0];
	v62 =	vperm.xlane v2, v50;
	v63 =	vand.u32 $0xF, v34;
	v61 =	vmul.f32 v25, v56;
	[tilespmem:$0x23F0] =	vst v55  }
0x158: {  	v60 =	vld [tilespmem:$0xBA0];
	v23 =	vperm.xlane v3, v63;
	v22 =	vmul.f32 v28, v59;
	[tilespmem:$0x1800] =	vst v58  }
0x159: {  	v27 =	vld [tilespmem:$0x3B0];
	v26 =	vperm.xlane v8, v63;
	v25 =	vmul.f32 v31, v62;
	[tilespmem:$0x1C00] =	vst v61  }
0x15a: {  	v30 =	vld [tilespmem:$0x7B0];
	v29 =	vperm.xlane v1, v63;
	v28 =	vmul.f32 v38, v23;
	[tilespmem:$0x2000] =	vst v22  }
0x15b: {  	v34 =	vld [tilespmem:$0xBB0];
	v32 =	vperm.xlane v2, v63;
	v33 =	vand.u32 $0xF, v51;
	v31 =	vmul.f32 v41, v26;
	[tilespmem:$0x2400] =	vst v25  }
0x15c: {  	v37 =	vld [tilespmem:$0xFB0];
	v36 =	vperm.xlane v3, v33;
	v35 =	vmul.f32 v44, v29;
	[tilespmem:$0x1810] =	vst v28  }
0x15d: {  	v50 =	vld [tilespmem:$0xBC0];
	v39 =	vperm.xlane v8, v33;
	v38 =	vmul.f32 v47, v32;
	[tilespmem:$0x1C10] =	vst v31  }
0x15e: {  	v40 =	vld [tilespmem:$0x13C0];
	v42 =	vperm.xlane v1, v33;
	v41 =	vmul.f32 v54, v36;
	[tilespmem:$0x2010] =	vst v35  }
0x15f: {  	v43 =	vld [tilespmem:$0x3C0];
	v45 =	vperm.xlane v2, v33;
	v46 =	vand.u32 $0xF, v24;
	v44 =	vmul.f32 v57, v39;
	[tilespmem:$0x2410] =	vst v38  }
0x160: {  	v53 =	vld [tilespmem:$0xFC0];
	v49 =	vperm.xlane v3, v46;
	v48 =	vmul.f32 v60, v42;
	[tilespmem:$0x1820] =	vst v41  }
0x161: {  	v56 =	vld [tilespmem:$0x13D0];
	v52 =	vperm.xlane v8, v46;
	v51 =	vmul.f32 v21, v45;
	[tilespmem:$0x1C20] =	vst v44  }
0x162: {  	v47 =	vld [tilespmem:$0x7C0];
	v55 =	vperm.xlane v1, v46;
	v54 =	vmul.f32 v27, v49;
	[tilespmem:$0x2020] =	vst v48  }
0x163: {  	v63 =	vld [tilespmem:$0x7D0];
	v58 =	vperm.xlane v2, v46;
	v57 =	vmul.f32 v30, v52;
	v59 =	vand.u32 $0xF, v40;
	[tilespmem:$0x2420] =	vst v51  }
0x164: {  	v22 =	vld [tilespmem:$0xBD0];
	v61 =	vmul.f32 v34, v55;
	v62 =	vperm.xlane v3, v59;
	[tilespmem:$0x1830] =	vst v54  }
0x165: {  	v60 =	vld [tilespmem:$0x3D0];
	v20 =	vmul.f32 v37, v58;
	v21 =	vperm.xlane v8, v59;
	[tilespmem:$0x1C30] =	vst v57  }
0x166: {  	v25 =	vld [tilespmem:$0x13E0];
	v24 =	vperm.xlane v1, v59;
	[tilespmem:$0x2030] =	vst v61;
	v23 =	vmul.f32 v43, v62  }
0x167: {  	v29 =	vld [tilespmem:$0xFD0];
	v27 =	vperm.xlane v2, v59;
	v28 =	vand.u32 $0xF, v56;
	[tilespmem:$0x2430] =	vst v20;
	v26 =	vmul.f32 v47, v21  }
0x168: {  	v32 =	vld [tilespmem:$0x3E0];
	v31 =	vperm.xlane v3, v28;
	v30 =	vmul.f32 v50, v24;
	[tilespmem:$0x1840] =	vst v23  }
0x169: {  	v35 =	vld [tilespmem:$0x7E0];
	v34 =	vperm.xlane v8, v28;
	v33 =	vmul.f32 v53, v27;
	[tilespmem:$0x1C40] =	vst v26  }
0x16a: {  	v38 =	vld [tilespmem:$0x13F0];
	v37 =	vperm.xlane v1, v28;
	v36 =	vmul.f32 v60, v31;
	[tilespmem:$0x2040] =	vst v30  }
0x16b: {  	v42 =	vld [tilespmem:$0xBE0];
	v40 =	vperm.xlane v2, v28;
	v41 =	vand.u32 $0xF, v25;
	v39 =	vmul.f32 v63, v34;
	[tilespmem:$0x2440] =	vst v33  }
0x16c: {  	v45 =	vld [tilespmem:$0xFE0];
	v43 =	vmul.f32 v22, v37;
	v44 =	vperm.xlane v3, v41;
	[tilespmem:$0x1850] =	vst v36  }
0x16d: {  	v48 =	vld [tilespmem:$0x3F0];
	v46 =	vmul.f32 v29, v40;
	v47 =	vperm.xlane v8, v41;
	[tilespmem:$0x1C50] =	vst v39  }
0x16e: {  	v51 =	vld [tilespmem:$0x7F0];
	v50 =	vperm.xlane v1, v41;
	[tilespmem:$0x2050] =	vst v43;
	v49 =	vmul.f32 v32, v44  }
0x16f: {  	v55 =	vld [tilespmem:$0xBF0];
	v53 =	vperm.xlane v2, v41;
	v54 =	vand.u32 $0xF, v38;
	[tilespmem:$0x2450] =	vst v46;
	v52 =	vmul.f32 v35, v47  }
0x170: {  	v57 =	vld [tilespmem:$0xFF0];
	v56 =	vmul.f32 v42, v50;
	v3 =	vperm.xlane v3, v54;
	[tilespmem:$0x1860] =	vst v49  }
0x171: {  	v58 =	vmul.f32 v45, v53;
	v59 =	vperm.xlane v8, v54;
	[tilespmem:$0x1C60] =	vst v52  }
0x172: {  	v1 =	vperm.xlane v1, v54;
	[tilespmem:$0x2060] =	vst v56;
	v60 =	vmul.f32 v48, v3  }
0x173: {  	v2 =	vperm.xlane v2, v54;
	[tilespmem:$0x2460] =	vst v58;
	v61 =	vmul.f32 v51, v59  }
0x174: {  	v62 =	vmul.f32 v55, v1;
	[tilespmem:$0x1870] =	vst v60  }
0x175: {  	v63 =	vmul.f32 v57, v2;
	[tilespmem:$0x1C70] =	vst v61  }
0x176: {  	[tilespmem:$0x2070] =	vst v62  }
0x177: {  	[tilespmem:$0x2470] =	vst v63  }
0x178: {  	[hbm4b:s9+s1] =	stream.linear.scatter [tilespmem:s20], [sflag:$0x1], $0x400, $0x38;
	[tilespmem:$0x2480] =	vst v63  }
0x179: {  	_ =	swait.ge [sflag:s15], $0x400  }
0x17a: {  	[sflag:s15] =	ssyncset.done $0x0  }
0x17b: {  	[sflag:s15] =	ssyncadd.s32 $0xFFFFFC00  }
0x17c: {  	[hbm4b:s10+s1] =	stream.linear.scatter [tilespmem:s21], [sflag:$0x1], $0x400, $0x38;
	[tilespmem:$0x2480] =	vst v63  }
0x17d: {  	_ =	swait.ge [sflag:s15], $0x400  }
0x17e: {  	[sflag:s15] =	ssyncset.done $0x0  }
0x17f: {  	[sflag:s15] =	ssyncadd.s32 $0xFFFFFC00  }
0x180: {  	[hbm4b:s11+s1] =	stream.linear.scatter [tilespmem:s22], [sflag:$0x1], $0x400, $0x38;
	[tilespmem:$0x2480] =	vst v63  }
0x181: {  	_ =	swait.ge [sflag:s15], $0x400  }
0x182: {  	p0 =	sne.s32 s13, $0x1;
	[sflag:s15] =	ssyncset.done $0x0  }
.Ltmp0:
0x183: {  	[sflag:s15] =	ssyncadd.s32 $0xFFFFFC00;
	(pc) =	sbr.rel @p0 .LBB2_1-.Ltmp0, $4  }
0x184: {  	[hbm4b:s12+s1] =	stream.linear.scatter [tilespmem:s23], [sflag:$0x1], $0x400, $0x38;
	[tilespmem:$0x2480] =	vst v63  }
0x185: {  	_ =	swait.ge [sflag:s15], $0x400  }
0x186: {  	[sflag:s15] =	ssyncset.done $0x0  }
0x187: {  	s13 =	sadd.s32 $0xFFFFFFFF, s13;
	[sflag:s15] =	ssyncadd.s32 $0xFFFFFC00  }
0x188: {  	_ =	sfence.sel $0x180000  }
0x189: {  	[bflag:$0x0] =	sbarrier.arrive $0xFFFF  }
0x18a: {  	p0 =	sne.s32 s2, $0x0;
	_ =	strace $0x90000047  }
0x18b: {  	s0 =	sadd.s32 @!p0 $0x100000, s0;
	[bflag:$0x2] =	sbarrier.arrive $0xFFFF  }
0x18c: {  	[sflag:s0] =	ssyncadd.tile.s32 @!p0 $0x1;
	_ =	shalt  }
.Lfunc_end2:
_tile_overlayer_lowered:
.L_overlay_start_2:
0x18d: {  	(tag) =	ssettag $0x2  }
0x18e: {  	s0 =	rddreg [dreg:$0x0];
	s2 =	stileid.u32  }
0x18f: {  	s1 =	rddreg [dreg:$0x1];
	p0 =	sne.s32 s2, $0x0  }
0x190: {  	s3 =	rddreg [dreg:$0x2];
	[bflag:$0x3] =	sbarrier.arrive $0xFFFF;
	s2 =	simm.s32 @!p0 $0x1C01  }
0x191: {  	[timem:s3], [sflag:s2] =	dma.local @!p0 [hbm:s0], s1  }
0x192: {  	s0 =	simm.s32 @!p0 $0x1  }
0x193: {  	_ =	swait.ge @!p0 [sflag:s0], s1  }
0x194: {  	s1 =	ssub.s32 @!p0 $0x0, s1;
	[sflag:s0] =	ssyncset.done @!p0 $0x0  }
0x195: {  	[sflag:s0] =	ssyncadd.s32 @!p0 s1  }
0x196: {  	[bflag:$0x3] =	sbarrier.arrive $0xFFFF  }
0x197: {  	_ =	shalt  }

</sc_bundles>
